<compile_context>
chip_gen: v7x
topology: tpu7x:2x2x1
jax: 0.10.2.dev20260603
libtpu: 0.0.44.dev20260713+nightly
codegen_flags: <defaults>
</compile_context>

<pallas_src>
import math

import jax
import jax.numpy as jnp
from jax import lax
from jax.experimental import pallas as pl
from jax.experimental.pallas import tpu as pltpu
from jax.experimental.pallas import tpu_sc as plsc

NC = 2
NS = 16
L = 16
NW = NC * NS

B = 4
T = 8192
D = 768
SCALE = math.sqrt(float(D))

TPW = T // NW
CH = 16
NTC = TPW // CH
VPR = D // L


def _emb_kernel(ids_hbm, tok_hbm, pos_hbm, out_hbm,
                idx_v, tok0, tok1, tok2, tok3, posbuf, spm,
                gs0, gs1, gs2, gs3, ps, xs0, xs1, os0, os1):
    cid = lax.axis_index("c")
    sid = lax.axis_index("s")
    wid = sid * NC + cid
    t0 = wid * TPW

    for b in range(B):
        pltpu.sync_copy(ids_hbm.at[pl.ds(b * T + t0, TPW)],
                        idx_v.at[pl.ds(b * TPW, TPW)])

    toks = (tok0, tok1, tok2, tok3)
    gsems = (gs0, gs1, gs2, gs3)
    xsems = (xs0, xs1)
    osems = (os0, os1)

    def out_rows(s_tc, s_b):
        return out_hbm.at[pl.ds(s_b * T + t0 + s_tc * CH, CH)]

    def wait_xbar(tok_slot, spm_slot):
        pltpu.make_async_copy(toks[tok_slot], spm.at[sid, spm_slot],
                              xsems[spm_slot]).wait()

    def drain_out(spm_slot):
        pltpu.make_async_copy(spm.at[sid, spm_slot],
                              out_hbm.at[pl.ds(0, CH)],
                              osems[spm_slot]).wait()

    pltpu.async_copy(pos_hbm.at[pl.ds(t0, CH)], posbuf, ps)
    pltpu.async_copy(tok_hbm.at[idx_v.at[pl.ds(0, CH)]], tok0, gs0)
    pltpu.async_copy(tok_hbm.at[idx_v.at[pl.ds(TPW, CH)]], tok1, gs1)

    @pl.loop(0, NTC)
    def _tc(tc):
        for b in range(B):
            u = b
            w = (b + 2) % 4
            p = b % 2
            q = 1 - p

            if b < 2:
                pltpu.async_copy(
                    tok_hbm.at[idx_v.at[pl.ds((b + 2) * TPW + tc * CH,
                                              CH)]],
                    toks[w], gsems[w])
            else:
                @pl.when(tc < NTC - 1)
                def _():
                    pltpu.async_copy(
                        tok_hbm.at[idx_v.at[pl.ds(
                            (b - 2) * TPW + (tc + 1) * CH, CH)]],
                        toks[w], gsems[w])

            pltpu.make_async_copy(
                tok_hbm.at[pl.ds(0, CH)], toks[u], gsems[u]).wait()
            if b == 0:
                pltpu.make_async_copy(
                    pos_hbm.at[pl.ds(0, CH)], posbuf, ps).wait()

            tbuf = toks[u]

            @pl.loop(0, CH)
            def _row(r):
                for k in range(VPR):
                    sl = pl.ds(k * L, L)
                    tbuf[r, sl] = tbuf[r, sl] * SCALE + posbuf[r, sl]

            def ship_prev():
                wait_xbar((b - 1) % 4, q)
                pltpu.async_copy(
                    spm.at[sid, q],
                    out_rows(tc - 1, B - 1) if b == 0
                    else out_rows(tc, b - 1),
                    osems[q])

            if b == 0:
                @pl.when(tc > 0)
                def _():
                    ship_prev()
            else:
                ship_prev()

            if b >= 2:
                drain_out(p)
            else:
                @pl.when(tc > 0)
                def _():
                    drain_out(p)

            pltpu.async_copy(tbuf, spm.at[sid, p], xsems[p])

            if b == B - 1:
                @pl.when(tc < NTC - 1)
                def _():
                    pltpu.async_copy(
                        pos_hbm.at[pl.ds(t0 + (tc + 1) * CH, CH)],
                        posbuf, ps)

    wait_xbar(3, 1)
    drain_out(0)
    pltpu.async_copy(spm.at[sid, 1], out_rows(NTC - 1, 3), osems[1])
    drain_out(1)


@jax.jit
def _emb_call(ids_flat, token_embed, pos_embed):
    mesh = plsc.VectorSubcoreMesh(core_axis_name="c", subcore_axis_name="s")
    fn = pl.kernel(
        _emb_kernel,
        out_type=jax.ShapeDtypeStruct((B * T, D), jnp.float32),
        mesh=mesh,
        scratch_types=[
            pltpu.VMEM((B * TPW,), jnp.int32),
            pltpu.VMEM((CH, D), jnp.float32),
            pltpu.VMEM((CH, D), jnp.float32),
            pltpu.VMEM((CH, D), jnp.float32),
            pltpu.VMEM((CH, D), jnp.float32),
            pltpu.VMEM((CH, D), jnp.float32),
            pltpu.VMEM_SHARED((NS, 2, CH, D), jnp.float32),
            pltpu.SemaphoreType.DMA,
            pltpu.SemaphoreType.DMA,
            pltpu.SemaphoreType.DMA,
            pltpu.SemaphoreType.DMA,
            pltpu.SemaphoreType.DMA,
            pltpu.SemaphoreType.DMA,
            pltpu.SemaphoreType.DMA,
            pltpu.SemaphoreType.DMA,
            pltpu.SemaphoreType.DMA,
        ],
    )
    return fn(ids_flat, token_embed, pos_embed)


def kernel(input_ids, token_embed, pos_embed):
    ids_flat = input_ids.astype(jnp.int32).reshape(B * T)
    out = _emb_call(ids_flat, token_embed, pos_embed)
    return out.reshape(B, T, D)

# --- scband reference (transcript-rebuilt; emitter-appended) ---
"""Pipeline reference for scband-embedding-22686017258189 (READ-ONLY COPY).

The authoritative reference and input builder live on the scoring server;
editing this copy changes nothing except your own understanding.
"""

import jax, jax.numpy as jnp
import numpy as np
import math

VOCAB = 100000
D_MODEL = 768
MAX_SEQ = 8192
B = 4
T = 8192

def setup_inputs(seed: int = 0) -> dict:
    key = jax.random.key(seed)
    k1, k2, k3 = jax.random.split(key, 3)
    input_ids = jax.random.randint(k1, (B, T), 0, VOCAB, dtype=jnp.int64 if jax.config.jax_enable_x64 else jnp.int32)
    token_embed = jax.random.normal(k2, (VOCAB, D_MODEL), dtype=jnp.float32) * 0.02
    pos_embed = jax.random.normal(k3, (MAX_SEQ, D_MODEL), dtype=jnp.float32) * 0.02
    return {"input_ids": input_ids, "token_embed": token_embed, "pos_embed": pos_embed}

def reference(input_ids, token_embed, pos_embed):
    # Faithful translation of Embedding.forward; dropout is identity in eval/deterministic mode.
    Bq, Tq = input_ids.shape
    positions = jnp.arange(0, Tq)[None, :]
    d_model = token_embed.shape[1]
    x = jnp.take(token_embed, input_ids, axis=0) * math.sqrt(d_model) + jnp.take(pos_embed, positions, axis=0)
    return x

if __name__ == "__main__":
    import jax
    _d = setup_inputs()
    print(jax.jit(kernel)(*tuple(_d.values())))

</pallas_src>

<mosaic_0001>
#map = affine_map<(d0, d1) -> (0)>
#map1 = affine_map<(d0, d1) -> (0, 0)>
module attributes {stable_mosaic.version = 14 : i64} {
  func.func @_emb_kernel(%arg0: i32, %arg1: i32, %arg2: memref<32768xi32, #tpu.memory_space<hbm>>, %arg3: memref<100000x768xf32, #tpu.memory_space<hbm>>, %arg4: memref<8192x768xf32, #tpu.memory_space<hbm>>, %arg5: memref<32768x768xf32, #tpu.memory_space<hbm>>, %arg6: memref<1024xi32, #tpu.memory_space<vmem>>, %arg7: memref<16x768xf32, #tpu.memory_space<vmem>>, %arg8: memref<16x768xf32, #tpu.memory_space<vmem>>, %arg9: memref<16x768xf32, #tpu.memory_space<vmem>>, %arg10: memref<16x768xf32, #tpu.memory_space<vmem>>, %arg11: memref<16x768xf32, #tpu.memory_space<vmem>>, %arg12: memref<16x2x16x768xf32, #tpu.memory_space<vmem_shared>>, %arg13: memref<!tpu.dma_semaphore, #tpu.memory_space<semaphore_mem>>, %arg14: memref<!tpu.dma_semaphore, #tpu.memory_space<semaphore_mem>>, %arg15: memref<!tpu.dma_semaphore, #tpu.memory_space<semaphore_mem>>, %arg16: memref<!tpu.dma_semaphore, #tpu.memory_space<semaphore_mem>>, %arg17: memref<!tpu.dma_semaphore, #tpu.memory_space<semaphore_mem>>, %arg18: memref<!tpu.dma_semaphore, #tpu.memory_space<semaphore_mem>>, %arg19: memref<!tpu.dma_semaphore, #tpu.memory_space<semaphore_mem>>, %arg20: memref<!tpu.dma_semaphore, #tpu.memory_space<semaphore_mem>>, %arg21: memref<!tpu.dma_semaphore, #tpu.memory_space<semaphore_mem>>) attributes {dimension_semantics = [#tpu.dimension_semantics<core_parallel>, #tpu.dimension_semantics<subcore_parallel>], iteration_bounds = array<i64: 2, 16>, scalar_prefetch = 0 : i64, scratch_operands = 16 : i64, tpu.core_type = #tpu.core_type<sc_vector_subcore>, window_params = [{transform_indices = #map}, {transform_indices = #map1}, {transform_indices = #map1}, {transform_indices = #map1}]} {
    %mul3A = arith.constant 2 : i32
    %mul3A_0 = arith.muli %arg1, %mul3A : i32
    %add3A = arith.addi %mul3A_0, %arg0 : i32
    %mul3A_1 = arith.constant 256 : i32
    %mul3A_2 = arith.muli %add3A, %mul3A_1 : i32
    %add3A_3 = arith.constant 0 : i32
    %add3A_4 = arith.addi %add3A_3, %mul3A_2 : i32
    "tpu.region"() ({
      %run_scoped3A = tpu.sem_alloc : memref<!tpu.dma_semaphore, #tpu.memory_space<semaphore_mem>>
      %dma_start3A_63 = arith.constant 0 : i32
      %dma_start3A_64 = tpu.memref_slice %arg6[%dma_start3A_63] : memref<1024xi32, #tpu.memory_space<vmem>> -> memref<256xi32, #tpu.memory_space<vmem>>
      %dma_start3A_65 = tpu.memref_slice %arg2[%add3A_4] : memref<32768xi32, #tpu.memory_space<hbm>> -> memref<256xi32, #tpu.memory_space<hbm>>
      %dma_start3A_66 = arith.constant 0 : i32
      %dma_start3A_67 = tpu.memref_slice %arg6[%dma_start3A_66] : memref<1024xi32, #tpu.memory_space<vmem>> -> memref<256xi32, #tpu.memory_space<vmem>>
      %dma_start3A_68 = tpu.memref_slice %arg2[%add3A_4] : memref<32768xi32, #tpu.memory_space<hbm>> -> memref<256xi32, #tpu.memory_space<hbm>>
      tpu.enqueue_dma source(%dma_start3A_68 : memref<256xi32, #tpu.memory_space<hbm>>) target(%dma_start3A_67 : memref<256xi32, #tpu.memory_space<vmem>>) target_semaphore(%run_scoped3A : memref<!tpu.dma_semaphore, #tpu.memory_space<semaphore_mem>>)
      %dma_wait3A_69 = arith.constant 0 : i32
      %dma_wait3A_70 = tpu.memref_slice %arg6[%dma_wait3A_69] : memref<1024xi32, #tpu.memory_space<vmem>> -> memref<256xi32, #tpu.memory_space<vmem>>
      %dma_wait3A_71 = tpu.memref_slice %arg2[%add3A_4] : memref<32768xi32, #tpu.memory_space<hbm>> -> memref<256xi32, #tpu.memory_space<hbm>>
      %dma_wait3A_72 = arith.constant 0 : i32
      %dma_wait3A_73 = tpu.memref_slice %arg6[%dma_wait3A_72] : memref<1024xi32, #tpu.memory_space<vmem>> -> memref<256xi32, #tpu.memory_space<vmem>>
      %dma_wait3A_74 = tpu.memref_slice %arg2[%add3A_4] : memref<32768xi32, #tpu.memory_space<hbm>> -> memref<256xi32, #tpu.memory_space<hbm>>
      tpu.wait_dma2 semaphore(%run_scoped3A : memref<!tpu.dma_semaphore, #tpu.memory_space<semaphore_mem>>) src(%dma_wait3A_74 : memref<256xi32, #tpu.memory_space<hbm>>) dst(%dma_wait3A_73 : memref<256xi32, #tpu.memory_space<vmem>>)
      tpu.yield
    }) : () -> ()
    %add3A_5 = arith.constant 8192 : i32
    %add3A_6 = arith.addi %add3A_5, %mul3A_2 : i32
    "tpu.region"() ({
      %run_scoped3A = tpu.sem_alloc : memref<!tpu.dma_semaphore, #tpu.memory_space<semaphore_mem>>
      %dma_start3A_63 = arith.constant 256 : i32
      %dma_start3A_64 = tpu.memref_slice %arg6[%dma_start3A_63] : memref<1024xi32, #tpu.memory_space<vmem>> -> memref<256xi32, #tpu.memory_space<vmem>>
      %dma_start3A_65 = tpu.memref_slice %arg2[%add3A_6] : memref<32768xi32, #tpu.memory_space<hbm>> -> memref<256xi32, #tpu.memory_space<hbm>>
      %dma_start3A_66 = arith.constant 256 : i32
      %dma_start3A_67 = tpu.memref_slice %arg6[%dma_start3A_66] : memref<1024xi32, #tpu.memory_space<vmem>> -> memref<256xi32, #tpu.memory_space<vmem>>
      %dma_start3A_68 = tpu.memref_slice %arg2[%add3A_6] : memref<32768xi32, #tpu.memory_space<hbm>> -> memref<256xi32, #tpu.memory_space<hbm>>
      tpu.enqueue_dma source(%dma_start3A_68 : memref<256xi32, #tpu.memory_space<hbm>>) target(%dma_start3A_67 : memref<256xi32, #tpu.memory_space<vmem>>) target_semaphore(%run_scoped3A : memref<!tpu.dma_semaphore, #tpu.memory_space<semaphore_mem>>)
      %dma_wait3A_69 = arith.constant 256 : i32
      %dma_wait3A_70 = tpu.memref_slice %arg6[%dma_wait3A_69] : memref<1024xi32, #tpu.memory_space<vmem>> -> memref<256xi32, #tpu.memory_space<vmem>>
      %dma_wait3A_71 = tpu.memref_slice %arg2[%add3A_6] : memref<32768xi32, #tpu.memory_space<hbm>> -> memref<256xi32, #tpu.memory_space<hbm>>
      %dma_wait3A_72 = arith.constant 256 : i32
      %dma_wait3A_73 = tpu.memref_slice %arg6[%dma_wait3A_72] : memref<1024xi32, #tpu.memory_space<vmem>> -> memref<256xi32, #tpu.memory_space<vmem>>
      %dma_wait3A_74 = tpu.memref_slice %arg2[%add3A_6] : memref<32768xi32, #tpu.memory_space<hbm>> -> memref<256xi32, #tpu.memory_space<hbm>>
      tpu.wait_dma2 semaphore(%run_scoped3A : memref<!tpu.dma_semaphore, #tpu.memory_space<semaphore_mem>>) src(%dma_wait3A_74 : memref<256xi32, #tpu.memory_space<hbm>>) dst(%dma_wait3A_73 : memref<256xi32, #tpu.memory_space<vmem>>)
      tpu.yield
    }) : () -> ()
    %add3A_7 = arith.constant 16384 : i32
    %add3A_8 = arith.addi %add3A_7, %mul3A_2 : i32
    "tpu.region"() ({
      %run_scoped3A = tpu.sem_alloc : memref<!tpu.dma_semaphore, #tpu.memory_space<semaphore_mem>>
      %dma_start3A_63 = arith.constant 512 : i32
      %dma_start3A_64 = tpu.memref_slice %arg6[%dma_start3A_63] : memref<1024xi32, #tpu.memory_space<vmem>> -> memref<256xi32, #tpu.memory_space<vmem>>
      %dma_start3A_65 = tpu.memref_slice %arg2[%add3A_8] : memref<32768xi32, #tpu.memory_space<hbm>> -> memref<256xi32, #tpu.memory_space<hbm>>
      %dma_start3A_66 = arith.constant 512 : i32
      %dma_start3A_67 = tpu.memref_slice %arg6[%dma_start3A_66] : memref<1024xi32, #tpu.memory_space<vmem>> -> memref<256xi32, #tpu.memory_space<vmem>>
      %dma_start3A_68 = tpu.memref_slice %arg2[%add3A_8] : memref<32768xi32, #tpu.memory_space<hbm>> -> memref<256xi32, #tpu.memory_space<hbm>>
      tpu.enqueue_dma source(%dma_start3A_68 : memref<256xi32, #tpu.memory_space<hbm>>) target(%dma_start3A_67 : memref<256xi32, #tpu.memory_space<vmem>>) target_semaphore(%run_scoped3A : memref<!tpu.dma_semaphore, #tpu.memory_space<semaphore_mem>>)
      %dma_wait3A_69 = arith.constant 512 : i32
      %dma_wait3A_70 = tpu.memref_slice %arg6[%dma_wait3A_69] : memref<1024xi32, #tpu.memory_space<vmem>> -> memref<256xi32, #tpu.memory_space<vmem>>
      %dma_wait3A_71 = tpu.memref_slice %arg2[%add3A_8] : memref<32768xi32, #tpu.memory_space<hbm>> -> memref<256xi32, #tpu.memory_space<hbm>>
      %dma_wait3A_72 = arith.constant 512 : i32
      %dma_wait3A_73 = tpu.memref_slice %arg6[%dma_wait3A_72] : memref<1024xi32, #tpu.memory_space<vmem>> -> memref<256xi32, #tpu.memory_space<vmem>>
      %dma_wait3A_74 = tpu.memref_slice %arg2[%add3A_8] : memref<32768xi32, #tpu.memory_space<hbm>> -> memref<256xi32, #tpu.memory_space<hbm>>
      tpu.wait_dma2 semaphore(%run_scoped3A : memref<!tpu.dma_semaphore, #tpu.memory_space<semaphore_mem>>) src(%dma_wait3A_74 : memref<256xi32, #tpu.memory_space<hbm>>) dst(%dma_wait3A_73 : memref<256xi32, #tpu.memory_space<vmem>>)
      tpu.yield
    }) : () -> ()
    %add3A_9 = arith.constant 24576 : i32
    %add3A_10 = arith.addi %add3A_9, %mul3A_2 : i32
    "tpu.region"() ({
      %run_scoped3A = tpu.sem_alloc : memref<!tpu.dma_semaphore, #tpu.memory_space<semaphore_mem>>
      %dma_start3A_63 = arith.constant 768 : i32
      %dma_start3A_64 = tpu.memref_slice %arg6[%dma_start3A_63] : memref<1024xi32, #tpu.memory_space<vmem>> -> memref<256xi32, #tpu.memory_space<vmem>>
      %dma_start3A_65 = tpu.memref_slice %arg2[%add3A_10] : memref<32768xi32, #tpu.memory_space<hbm>> -> memref<256xi32, #tpu.memory_space<hbm>>
      %dma_start3A_66 = arith.constant 768 : i32
      %dma_start3A_67 = tpu.memref_slice %arg6[%dma_start3A_66] : memref<1024xi32, #tpu.memory_space<vmem>> -> memref<256xi32, #tpu.memory_space<vmem>>
      %dma_start3A_68 = tpu.memref_slice %arg2[%add3A_10] : memref<32768xi32, #tpu.memory_space<hbm>> -> memref<256xi32, #tpu.memory_space<hbm>>
      tpu.enqueue_dma source(%dma_start3A_68 : memref<256xi32, #tpu.memory_space<hbm>>) target(%dma_start3A_67 : memref<256xi32, #tpu.memory_space<vmem>>) target_semaphore(%run_scoped3A : memref<!tpu.dma_semaphore, #tpu.memory_space<semaphore_mem>>)
      %dma_wait3A_69 = arith.constant 768 : i32
      %dma_wait3A_70 = tpu.memref_slice %arg6[%dma_wait3A_69] : memref<1024xi32, #tpu.memory_space<vmem>> -> memref<256xi32, #tpu.memory_space<vmem>>
      %dma_wait3A_71 = tpu.memref_slice %arg2[%add3A_10] : memref<32768xi32, #tpu.memory_space<hbm>> -> memref<256xi32, #tpu.memory_space<hbm>>
      %dma_wait3A_72 = arith.constant 768 : i32
      %dma_wait3A_73 = tpu.memref_slice %arg6[%dma_wait3A_72] : memref<1024xi32, #tpu.memory_space<vmem>> -> memref<256xi32, #tpu.memory_space<vmem>>
      %dma_wait3A_74 = tpu.memref_slice %arg2[%add3A_10] : memref<32768xi32, #tpu.memory_space<hbm>> -> memref<256xi32, #tpu.memory_space<hbm>>
      tpu.wait_dma2 semaphore(%run_scoped3A : memref<!tpu.dma_semaphore, #tpu.memory_space<semaphore_mem>>) src(%dma_wait3A_74 : memref<256xi32, #tpu.memory_space<hbm>>) dst(%dma_wait3A_73 : memref<256xi32, #tpu.memory_space<vmem>>)
      tpu.yield
    }) : () -> ()
    %dma_start3A = arith.constant 0 : i32
    %dma_start3A_11 = tpu.memref_slice %arg4[%mul3A_2, %dma_start3A] : memref<8192x768xf32, #tpu.memory_space<hbm>> -> memref<16x768xf32, #tpu.memory_space<hbm>>
    %dma_start3A_12 = arith.constant 0 : i32
    %dma_start3A_13 = tpu.memref_slice %arg4[%mul3A_2, %dma_start3A_12] : memref<8192x768xf32, #tpu.memory_space<hbm>> -> memref<16x768xf32, #tpu.memory_space<hbm>>
    tpu.enqueue_dma source(%dma_start3A_13 : memref<16x768xf32, #tpu.memory_space<hbm>>) target(%arg11 : memref<16x768xf32, #tpu.memory_space<vmem>>) target_semaphore(%arg17 : memref<!tpu.dma_semaphore, #tpu.memory_space<semaphore_mem>>)
    %dma_start3A_14 = arith.constant 0 : i32
    %dma_start3A_15 = tpu.memref_slice %arg6[%dma_start3A_14] : memref<1024xi32, #tpu.memory_space<vmem>> -> memref<16xi32, #tpu.memory_space<vmem>>
    %dma_start3A_16 = arith.constant 0 : i32
    %dma_start3A_17 = arith.constant 0 : i32
    %dma_start3A_18 = tpu.memref_slice %arg3[%dma_start3A_16, %dma_start3A_17] : memref<100000x768xf32, #tpu.memory_space<hbm>> -> memref<100000x768xf32, #tpu.memory_space<hbm>>
    tpu.enqueue_indirect_dma source(%dma_start3A_18 : memref<100000x768xf32, #tpu.memory_space<hbm>>) target(%arg7 : memref<16x768xf32, #tpu.memory_space<vmem>>) offsets(%dma_start3A_15 : memref<16xi32, #tpu.memory_space<vmem>>) semaphore(%arg13 : memref<!tpu.dma_semaphore, #tpu.memory_space<semaphore_mem>>)
    %dma_start3A_19 = arith.constant 256 : i32
    %dma_start3A_20 = tpu.memref_slice %arg6[%dma_start3A_19] : memref<1024xi32, #tpu.memory_space<vmem>> -> memref<16xi32, #tpu.memory_space<vmem>>
    %dma_start3A_21 = arith.constant 0 : i32
    %dma_start3A_22 = arith.constant 0 : i32
    %dma_start3A_23 = tpu.memref_slice %arg3[%dma_start3A_21, %dma_start3A_22] : memref<100000x768xf32, #tpu.memory_space<hbm>> -> memref<100000x768xf32, #tpu.memory_space<hbm>>
    tpu.enqueue_indirect_dma source(%dma_start3A_23 : memref<100000x768xf32, #tpu.memory_space<hbm>>) target(%arg8 : memref<16x768xf32, #tpu.memory_space<vmem>>) offsets(%dma_start3A_20 : memref<16xi32, #tpu.memory_space<vmem>>) semaphore(%arg14 : memref<!tpu.dma_semaphore, #tpu.memory_space<semaphore_mem>>)
    %scan3A = arith.constant 0 : i32
    %scan3A_24 = arith.constant 16 : i32
    %scan3A_25 = arith.addi %scan3A, %scan3A_24 : i32
    %scan3A_26 = arith.constant 1 : i32
    scf.for %scan3A_63 = %scan3A to %scan3A_25 step %scan3A_26  : i32 {
      %mul3A_64 = arith.constant 1 : i32
      %mul3A_65 = arith.muli %scan3A_63, %mul3A_64 : i32
      %add3A_66 = arith.constant 0 : i32
      %add3A_67 = arith.addi %add3A_66, %mul3A_65 : i32
      %mul3A_68 = arith.constant 16 : i32
      %mul3A_69 = arith.muli %add3A_67, %mul3A_68 : i32
      %add3A_70 = arith.constant 512 : i32
      %add3A_71 = arith.addi %add3A_70, %mul3A_69 : i32
      %dma_start3A_72 = tpu.memref_slice %arg6[%add3A_71] : memref<1024xi32, #tpu.memory_space<vmem>> -> memref<16xi32, #tpu.memory_space<vmem>>
      %dma_start3A_73 = arith.constant 0 : i32
      %dma_start3A_74 = arith.constant 0 : i32
      %dma_start3A_75 = tpu.memref_slice %arg3[%dma_start3A_73, %dma_start3A_74] : memref<100000x768xf32, #tpu.memory_space<hbm>> -> memref<100000x768xf32, #tpu.memory_space<hbm>>
      tpu.enqueue_indirect_dma source(%dma_start3A_75 : memref<100000x768xf32, #tpu.memory_space<hbm>>) target(%arg9 : memref<16x768xf32, #tpu.memory_space<vmem>>) offsets(%dma_start3A_72 : memref<16xi32, #tpu.memory_space<vmem>>) semaphore(%arg15 : memref<!tpu.dma_semaphore, #tpu.memory_space<semaphore_mem>>)
      %dma_wait3A_76 = arith.constant 0 : i32
      %dma_wait3A_77 = arith.constant 0 : i32
      %dma_wait3A_78 = tpu.memref_slice %arg3[%dma_wait3A_76, %dma_wait3A_77] : memref<100000x768xf32, #tpu.memory_space<hbm>> -> memref<16x768xf32, #tpu.memory_space<hbm>>
      %dma_wait3A_79 = arith.constant 0 : i32
      %dma_wait3A_80 = arith.constant 0 : i32
      %dma_wait3A_81 = tpu.memref_slice %arg3[%dma_wait3A_79, %dma_wait3A_80] : memref<100000x768xf32, #tpu.memory_space<hbm>> -> memref<16x768xf32, #tpu.memory_space<hbm>>
      tpu.wait_dma2 semaphore(%arg13 : memref<!tpu.dma_semaphore, #tpu.memory_space<semaphore_mem>>) src(%dma_wait3A_81 : memref<16x768xf32, #tpu.memory_space<hbm>>) dst(%arg7 : memref<16x768xf32, #tpu.memory_space<vmem>>)
      %dma_wait3A_82 = arith.constant 0 : i32
      %dma_wait3A_83 = arith.constant 0 : i32
      %dma_wait3A_84 = tpu.memref_slice %arg4[%dma_wait3A_82, %dma_wait3A_83] : memref<8192x768xf32, #tpu.memory_space<hbm>> -> memref<16x768xf32, #tpu.memory_space<hbm>>
      %dma_wait3A_85 = arith.constant 0 : i32
      %dma_wait3A_86 = arith.constant 0 : i32
      %dma_wait3A_87 = tpu.memref_slice %arg4[%dma_wait3A_85, %dma_wait3A_86] : memref<8192x768xf32, #tpu.memory_space<hbm>> -> memref<16x768xf32, #tpu.memory_space<hbm>>
      tpu.wait_dma2 semaphore(%arg17 : memref<!tpu.dma_semaphore, #tpu.memory_space<semaphore_mem>>) src(%dma_wait3A_87 : memref<16x768xf32, #tpu.memory_space<hbm>>) dst(%arg11 : memref<16x768xf32, #tpu.memory_space<vmem>>)
      %scan3A_88 = arith.constant 0 : i32
      %scan3A_89 = arith.constant 16 : i32
      %scan3A_90 = arith.addi %scan3A_88, %scan3A_89 : i32
      %scan3A_91 = arith.constant 1 : i32
      scf.for %scan3A_275 = %scan3A_88 to %scan3A_90 step %scan3A_91  : i32 {
        %mul3A_276 = arith.constant 1 : i32
        %mul3A_277 = arith.muli %scan3A_275, %mul3A_276 : i32
        %add3A_278 = arith.constant 0 : i32
        %add3A_279 = arith.addi %add3A_278, %mul3A_277 : i32
        %get3A = arith.index_cast %add3A_279 : i32 to index
        %get3A_280 = arith.constant 0 : index
        %get3A_281 = tpu.vector_load %arg7[%get3A, %get3A_280] {strides = array<i32>} : memref<16x768xf32, #tpu.memory_space<vmem>>, vector<1x16xf32>,
        %get3A_282 = vector.shape_cast %get3A_281 : vector<1x16xf32> to vector<16xf32>
        %mul3A_283 = arith.constant 27.7128124 : f32
        %mul3A_284 = vector.broadcast %mul3A_283 : f32 to vector<16xf32>
        %mul3A_285 = arith.mulf %get3A_282, %mul3A_284 : vector<16xf32>
        %get3A_286 = arith.index_cast %add3A_279 : i32 to index
        %get3A_287 = arith.constant 0 : index
        %get3A_288 = tpu.vector_load %arg11[%get3A_286, %get3A_287] {strides = array<i32>} : memref<16x768xf32, #tpu.memory_space<vmem>>, vector<1x16xf32>,
        %get3A_289 = vector.shape_cast %get3A_288 : vector<1x16xf32> to vector<16xf32>
        %add3A_290 = arith.addf %mul3A_285, %get3A_289 : vector<16xf32>
        %swap3A = arith.index_cast %add3A_279 : i32 to index
        %swap3A_291 = arith.constant 0 : index
        %swap3A_292 = tpu.vector_load %arg7[%swap3A, %swap3A_291] {strides = array<i32>} : memref<16x768xf32, #tpu.memory_space<vmem>>, vector<1x16xf32>,
        %swap3A_293 = vector.shape_cast %swap3A_292 : vector<1x16xf32> to vector<16xf32>
        %swap3A_294 = vector.shape_cast %add3A_290 : vector<16xf32> to vector<1x16xf32>
        tpu.vector_store %arg7[%swap3A, %swap3A_291], %swap3A_294 {strides = array<i32>} : memref<16x768xf32, #tpu.memory_space<vmem>>, vector<1x16xf32>,
        %get3A_295 = arith.index_cast %add3A_279 : i32 to index
        %get3A_296 = arith.constant 16 : index
        %get3A_297 = tpu.vector_load %arg7[%get3A_295, %get3A_296] {strides = array<i32>} : memref<16x768xf32, #tpu.memory_space<vmem>>, vector<1x16xf32>,
        %get3A_298 = vector.shape_cast %get3A_297 : vector<1x16xf32> to vector<16xf32>
        %mul3A_299 = arith.constant 27.7128124 : f32
        %mul3A_300 = vector.broadcast %mul3A_299 : f32 to vector<16xf32>
        %mul3A_301 = arith.mulf %get3A_298, %mul3A_300 : vector<16xf32>
        %get3A_302 = arith.index_cast %add3A_279 : i32 to index
        %get3A_303 = arith.constant 16 : index
        %get3A_304 = tpu.vector_load %arg11[%get3A_302, %get3A_303] {strides = array<i32>} : memref<16x768xf32, #tpu.memory_space<vmem>>, vector<1x16xf32>,
        %get3A_305 = vector.shape_cast %get3A_304 : vector<1x16xf32> to vector<16xf32>
        %add3A_306 = arith.addf %mul3A_301, %get3A_305 : vector<16xf32>
        %swap3A_307 = arith.index_cast %add3A_279 : i32 to index
        %swap3A_308 = arith.constant 16 : index
        %swap3A_309 = tpu.vector_load %arg7[%swap3A_307, %swap3A_308] {strides = array<i32>} : memref<16x768xf32, #tpu.memory_space<vmem>>, vector<1x16xf32>,
        %swap3A_310 = vector.shape_cast %swap3A_309 : vector<1x16xf32> to vector<16xf32>
        %swap3A_311 = vector.shape_cast %add3A_306 : vector<16xf32> to vector<1x16xf32>
        tpu.vector_store %arg7[%swap3A_307, %swap3A_308], %swap3A_311 {strides = array<i32>} : memref<16x768xf32, #tpu.memory_space<vmem>>, vector<1x16xf32>,
        %get3A_312 = arith.index_cast %add3A_279 : i32 to index
        %get3A_313 = arith.constant 32 : index
        %get3A_314 = tpu.vector_load %arg7[%get3A_312, %get3A_313] {strides = array<i32>} : memref<16x768xf32, #tpu.memory_space<vmem>>, vector<1x16xf32>,
        %get3A_315 = vector.shape_cast %get3A_314 : vector<1x16xf32> to vector<16xf32>
        %mul3A_316 = arith.constant 27.7128124 : f32
        %mul3A_317 = vector.broadcast %mul3A_316 : f32 to vector<16xf32>
        %mul3A_318 = arith.mulf %get3A_315, %mul3A_317 : vector<16xf32>
        %get3A_319 = arith.index_cast %add3A_279 : i32 to index
        %get3A_320 = arith.constant 32 : index
        %get3A_321 = tpu.vector_load %arg11[%get3A_319, %get3A_320] {strides = array<i32>} : memref<16x768xf32, #tpu.memory_space<vmem>>, vector<1x16xf32>,
        %get3A_322 = vector.shape_cast %get3A_321 : vector<1x16xf32> to vector<16xf32>
        %add3A_323 = arith.addf %mul3A_318, %get3A_322 : vector<16xf32>
        %swap3A_324 = arith.index_cast %add3A_279 : i32 to index
        %swap3A_325 = arith.constant 32 : index
        %swap3A_326 = tpu.vector_load %arg7[%swap3A_324, %swap3A_325] {strides = array<i32>} : memref<16x768xf32, #tpu.memory_space<vmem>>, vector<1x16xf32>,
        %swap3A_327 = vector.shape_cast %swap3A_326 : vector<1x16xf32> to vector<16xf32>
        %swap3A_328 = vector.shape_cast %add3A_323 : vector<16xf32> to vector<1x16xf32>
        tpu.vector_store %arg7[%swap3A_324, %swap3A_325], %swap3A_328 {strides = array<i32>} : memref<16x768xf32, #tpu.memory_space<vmem>>, vector<1x16xf32>,
        %get3A_329 = arith.index_cast %add3A_279 : i32 to index
        %get3A_330 = arith.constant 48 : index
        %get3A_331 = tpu.vector_load %arg7[%get3A_329, %get3A_330] {strides = array<i32>} : memref<16x768xf32, #tpu.memory_space<vmem>>, vector<1x16xf32>,
        %get3A_332 = vector.shape_cast %get3A_331 : vector<1x16xf32> to vector<16xf32>
        %mul3A_333 = arith.constant 27.7128124 : f32
        %mul3A_334 = vector.broadcast %mul3A_333 : f32 to vector<16xf32>
        %mul3A_335 = arith.mulf %get3A_332, %mul3A_334 : vector<16xf32>
        %get3A_336 = arith.index_cast %add3A_279 : i32 to index
        %get3A_337 = arith.constant 48 : index
        %get3A_338 = tpu.vector_load %arg11[%get3A_336, %get3A_337] {strides = array<i32>} : memref<16x768xf32, #tpu.memory_space<vmem>>, vector<1x16xf32>,
        %get3A_339 = vector.shape_cast %get3A_338 : vector<1x16xf32> to vector<16xf32>
        %add3A_340 = arith.addf %mul3A_335, %get3A_339 : vector<16xf32>
        %swap3A_341 = arith.index_cast %add3A_279 : i32 to index
        %swap3A_342 = arith.constant 48 : index
        %swap3A_343 = tpu.vector_load %arg7[%swap3A_341, %swap3A_342] {strides = array<i32>} : memref<16x768xf32, #tpu.memory_space<vmem>>, vector<1x16xf32>,
        %swap3A_344 = vector.shape_cast %swap3A_343 : vector<1x16xf32> to vector<16xf32>
        %swap3A_345 = vector.shape_cast %add3A_340 : vector<16xf32> to vector<1x16xf32>
        tpu.vector_store %arg7[%swap3A_341, %swap3A_342], %swap3A_345 {strides = array<i32>} : memref<16x768xf32, #tpu.memory_space<vmem>>, vector<1x16xf32>,
        %get3A_346 = arith.index_cast %add3A_279 : i32 to index
        %get3A_347 = arith.constant 64 : index
        %get3A_348 = tpu.vector_load %arg7[%get3A_346, %get3A_347] {strides = array<i32>} : memref<16x768xf32, #tpu.memory_space<vmem>>, vector<1x16xf32>,
        %get3A_349 = vector.shape_cast %get3A_348 : vector<1x16xf32> to vector<16xf32>
        %mul3A_350 = arith.constant 27.7128124 : f32
        %mul3A_351 = vector.broadcast %mul3A_350 : f32 to vector<16xf32>
        %mul3A_352 = arith.mulf %get3A_349, %mul3A_351 : vector<16xf32>
        %get3A_353 = arith.index_cast %add3A_279 : i32 to index
        %get3A_354 = arith.constant 64 : index
        %get3A_355 = tpu.vector_load %arg11[%get3A_353, %get3A_354] {strides = array<i32>} : memref<16x768xf32, #tpu.memory_space<vmem>>, vector<1x16xf32>,
        %get3A_356 = vector.shape_cast %get3A_355 : vector<1x16xf32> to vector<16xf32>
        %add3A_357 = arith.addf %mul3A_352, %get3A_356 : vector<16xf32>
        %swap3A_358 = arith.index_cast %add3A_279 : i32 to index
        %swap3A_359 = arith.constant 64 : index
        %swap3A_360 = tpu.vector_load %arg7[%swap3A_358, %swap3A_359] {strides = array<i32>} : memref<16x768xf32, #tpu.memory_space<vmem>>, vector<1x16xf32>,
        %swap3A_361 = vector.shape_cast %swap3A_360 : vector<1x16xf32> to vector<16xf32>
        %swap3A_362 = vector.shape_cast %add3A_357 : vector<16xf32> to vector<1x16xf32>
        tpu.vector_store %arg7[%swap3A_358, %swap3A_359], %swap3A_362 {strides = array<i32>} : memref<16x768xf32, #tpu.memory_space<vmem>>, vector<1x16xf32>,
        %get3A_363 = arith.index_cast %add3A_279 : i32 to index
        %get3A_364 = arith.constant 80 : index
        %get3A_365 = tpu.vector_load %arg7[%get3A_363, %get3A_364] {strides = array<i32>} : memref<16x768xf32, #tpu.memory_space<vmem>>, vector<1x16xf32>,
        %get3A_366 = vector.shape_cast %get3A_365 : vector<1x16xf32> to vector<16xf32>
        %mul3A_367 = arith.constant 27.7128124 : f32
        %mul3A_368 = vector.broadcast %mul3A_367 : f32 to vector<16xf32>
        %mul3A_369 = arith.mulf %get3A_366, %mul3A_368 : vector<16xf32>
        %get3A_370 = arith.index_cast %add3A_279 : i32 to index
        %get3A_371 = arith.constant 80 : index
        %get3A_372 = tpu.vector_load %arg11[%get3A_370, %get3A_371] {strides = array<i32>} : memref<16x768xf32, #tpu.memory_space<vmem>>, vector<1x16xf32>,
        %get3A_373 = vector.shape_cast %get3A_372 : vector<1x16xf32> to vector<16xf32>
        %add3A_374 = arith.addf %mul3A_369, %get3A_373 : vector<16xf32>
        %swap3A_375 = arith.index_cast %add3A_279 : i32 to index
        %swap3A_376 = arith.constant 80 : index
        %swap3A_377 = tpu.vector_load %arg7[%swap3A_375, %swap3A_376] {strides = array<i32>} : memref<16x768xf32, #tpu.memory_space<vmem>>, vector<1x16xf32>,
        %swap3A_378 = vector.shape_cast %swap3A_377 : vector<1x16xf32> to vector<16xf32>
        %swap3A_379 = vector.shape_cast %add3A_374 : vector<16xf32> to vector<1x16xf32>
        tpu.vector_store %arg7[%swap3A_375, %swap3A_376], %swap3A_379 {strides = array<i32>} : memref<16x768xf32, #tpu.memory_space<vmem>>, vector<1x16xf32>,
        %get3A_380 = arith.index_cast %add3A_279 : i32 to index
        %get3A_381 = arith.constant 96 : index
        %get3A_382 = tpu.vector_load %arg7[%get3A_380, %get3A_381] {strides = array<i32>} : memref<16x768xf32, #tpu.memory_space<vmem>>, vector<1x16xf32>,
        %get3A_383 = vector.shape_cast %get3A_382 : vector<1x16xf32> to vector<16xf32>
        %mul3A_384 = arith.constant 27.7128124 : f32
        %mul3A_385 = vector.broadcast %mul3A_384 : f32 to vector<16xf32>
        %mul3A_386 = arith.mulf %get3A_383, %mul3A_385 : vector<16xf32>
        %get3A_387 = arith.index_cast %add3A_279 : i32 to index
        %get3A_388 = arith.constant 96 : index
        %get3A_389 = tpu.vector_load %arg11[%get3A_387, %get3A_388] {strides = array<i32>} : memref<16x768xf32, #tpu.memory_space<vmem>>, vector<1x16xf32>,
        %get3A_390 = vector.shape_cast %get3A_389 : vector<1x16xf32> to vector<16xf32>
        %add3A_391 = arith.addf %mul3A_386, %get3A_390 : vector<16xf32>
        %swap3A_392 = arith.index_cast %add3A_279 : i32 to index
        %swap3A_393 = arith.constant 96 : index
        %swap3A_394 = tpu.vector_load %arg7[%swap3A_392, %swap3A_393] {strides = array<i32>} : memref<16x768xf32, #tpu.memory_space<vmem>>, vector<1x16xf32>,
        %swap3A_395 = vector.shape_cast %swap3A_394 : vector<1x16xf32> to vector<16xf32>
        %swap3A_396 = vector.shape_cast %add3A_391 : vector<16xf32> to vector<1x16xf32>
        tpu.vector_store %arg7[%swap3A_392, %swap3A_393], %swap3A_396 {strides = array<i32>} : memref<16x768xf32, #tpu.memory_space<vmem>>, vector<1x16xf32>,
        %get3A_397 = arith.index_cast %add3A_279 : i32 to index
        %get3A_398 = arith.constant 112 : index
        %get3A_399 = tpu.vector_load %arg7[%get3A_397, %get3A_398] {strides = array<i32>} : memref<16x768xf32, #tpu.memory_space<vmem>>, vector<1x16xf32>,
        %get3A_400 = vector.shape_cast %get3A_399 : vector<1x16xf32> to vector<16xf32>
        %mul3A_401 = arith.constant 27.7128124 : f32
        %mul3A_402 = vector.broadcast %mul3A_401 : f32 to vector<16xf32>
        %mul3A_403 = arith.mulf %get3A_400, %mul3A_402 : vector<16xf32>
        %get3A_404 = arith.index_cast %add3A_279 : i32 to index
        %get3A_405 = arith.constant 112 : index
        %get3A_406 = tpu.vector_load %arg11[%get3A_404, %get3A_405] {strides = array<i32>} : memref<16x768xf32, #tpu.memory_space<vmem>>, vector<1x16xf32>,
        %get3A_407 = vector.shape_cast %get3A_406 : vector<1x16xf32> to vector<16xf32>
        %add3A_408 = arith.addf %mul3A_403, %get3A_407 : vector<16xf32>
        %swap3A_409 = arith.index_cast %add3A_279 : i32 to index
        %swap3A_410 = arith.constant 112 : index
        %swap3A_411 = tpu.vector_load %arg7[%swap3A_409, %swap3A_410] {strides = array<i32>} : memref<16x768xf32, #tpu.memory_space<vmem>>, vector<1x16xf32>,
        %swap3A_412 = vector.shape_cast %swap3A_411 : vector<1x16xf32> to vector<16xf32>
        %swap3A_413 = vector.shape_cast %add3A_408 : vector<16xf32> to vector<1x16xf32>
        tpu.vector_store %arg7[%swap3A_409, %swap3A_410], %swap3A_413 {strides = array<i32>} : memref<16x768xf32, #tpu.memory_space<vmem>>, vector<1x16xf32>,
        %get3A_414 = arith.index_cast %add3A_279 : i32 to index
        %get3A_415 = arith.constant 128 : index
        %get3A_416 = tpu.vector_load %arg7[%get3A_414, %get3A_415] {strides = array<i32>} : memref<16x768xf32, #tpu.memory_space<vmem>>, vector<1x16xf32>,
        %get3A_417 = vector.shape_cast %get3A_416 : vector<1x16xf32> to vector<16xf32>
        %mul3A_418 = arith.constant 27.7128124 : f32
        %mul3A_419 = vector.broadcast %mul3A_418 : f32 to vector<16xf32>
        %mul3A_420 = arith.mulf %get3A_417, %mul3A_419 : vector<16xf32>
        %get3A_421 = arith.index_cast %add3A_279 : i32 to index
        %get3A_422 = arith.constant 128 : index
        %get3A_423 = tpu.vector_load %arg11[%get3A_421, %get3A_422] {strides = array<i32>} : memref<16x768xf32, #tpu.memory_space<vmem>>, vector<1x16xf32>,
        %get3A_424 = vector.shape_cast %get3A_423 : vector<1x16xf32> to vector<16xf32>
        %add3A_425 = arith.addf %mul3A_420, %get3A_424 : vector<16xf32>
        %swap3A_426 = arith.index_cast %add3A_279 : i32 to index
        %swap3A_427 = arith.constant 128 : index
        %swap3A_428 = tpu.vector_load %arg7[%swap3A_426, %swap3A_427] {strides = array<i32>} : memref<16x768xf32, #tpu.memory_space<vmem>>, vector<1x16xf32>,
        %swap3A_429 = vector.shape_cast %swap3A_428 : vector<1x16xf32> to vector<16xf32>
        %swap3A_430 = vector.shape_cast %add3A_425 : vector<16xf32> to vector<1x16xf32>
        tpu.vector_store %arg7[%swap3A_426, %swap3A_427], %swap3A_430 {strides = array<i32>} : memref<16x768xf32, #tpu.memory_space<vmem>>, vector<1x16xf32>,
        %get3A_431 = arith.index_cast %add3A_279 : i32 to index
        %get3A_432 = arith.constant 144 : index
        %get3A_433 = tpu.vector_load %arg7[%get3A_431, %get3A_432] {strides = array<i32>} : memref<16x768xf32, #tpu.memory_space<vmem>>, vector<1x16xf32>,
        %get3A_434 = vector.shape_cast %get3A_433 : vector<1x16xf32> to vector<16xf32>
        %mul3A_435 = arith.constant 27.7128124 : f32
        %mul3A_436 = vector.broadcast %mul3A_435 : f32 to vector<16xf32>
        %mul3A_437 = arith.mulf %get3A_434, %mul3A_436 : vector<16xf32>
        %get3A_438 = arith.index_cast %add3A_279 : i32 to index
        %get3A_439 = arith.constant 144 : index
        %get3A_440 = tpu.vector_load %arg11[%get3A_438, %get3A_439] {strides = array<i32>} : memref<16x768xf32, #tpu.memory_space<vmem>>, vector<1x16xf32>,
        %get3A_441 = vector.shape_cast %get3A_440 : vector<1x16xf32> to vector<16xf32>
        %add3A_442 = arith.addf %mul3A_437, %get3A_441 : vector<16xf32>
        %swap3A_443 = arith.index_cast %add3A_279 : i32 to index
        %swap3A_444 = arith.constant 144 : index
        %swap3A_445 = tpu.vector_load %arg7[%swap3A_443, %swap3A_444] {strides = array<i32>} : memref<16x768xf32, #tpu.memory_space<vmem>>, vector<1x16xf32>,
        %swap3A_446 = vector.shape_cast %swap3A_445 : vector<1x16xf32> to vector<16xf32>
        %swap3A_447 = vector.shape_cast %add3A_442 : vector<16xf32> to vector<1x16xf32>
        tpu.vector_store %arg7[%swap3A_443, %swap3A_444], %swap3A_447 {strides = array<i32>} : memref<16x768xf32, #tpu.memory_space<vmem>>, vector<1x16xf32>,
        %get3A_448 = arith.index_cast %add3A_279 : i32 to index
        %get3A_449 = arith.constant 160 : index
        %get3A_450 = tpu.vector_load %arg7[%get3A_448, %get3A_449] {strides = array<i32>} : memref<16x768xf32, #tpu.memory_space<vmem>>, vector<1x16xf32>,
        %get3A_451 = vector.shape_cast %get3A_450 : vector<1x16xf32> to vector<16xf32>
        %mul3A_452 = arith.constant 27.7128124 : f32
        %mul3A_453 = vector.broadcast %mul3A_452 : f32 to vector<16xf32>
        %mul3A_454 = arith.mulf %get3A_451, %mul3A_453 : vector<16xf32>
        %get3A_455 = arith.index_cast %add3A_279 : i32 to index
        %get3A_456 = arith.constant 160 : index
        %get3A_457 = tpu.vector_load %arg11[%get3A_455, %get3A_456] {strides = array<i32>} : memref<16x768xf32, #tpu.memory_space<vmem>>, vector<1x16xf32>,
        %get3A_458 = vector.shape_cast %get3A_457 : vector<1x16xf32> to vector<16xf32>
        %add3A_459 = arith.addf %mul3A_454, %get3A_458 : vector<16xf32>
        %swap3A_460 = arith.index_cast %add3A_279 : i32 to index
        %swap3A_461 = arith.constant 160 : index
        %swap3A_462 = tpu.vector_load %arg7[%swap3A_460, %swap3A_461] {strides = array<i32>} : memref<16x768xf32, #tpu.memory_space<vmem>>, vector<1x16xf32>,
        %swap3A_463 = vector.shape_cast %swap3A_462 : vector<1x16xf32> to vector<16xf32>
        %swap3A_464 = vector.shape_cast %add3A_459 : vector<16xf32> to vector<1x16xf32>
        tpu.vector_store %arg7[%swap3A_460, %swap3A_461], %swap3A_464 {strides = array<i32>} : memref<16x768xf32, #tpu.memory_space<vmem>>, vector<1x16xf32>,
        %get3A_465 = arith.index_cast %add3A_279 : i32 to index
        %get3A_466 = arith.constant 176 : index
        %get3A_467 = tpu.vector_load %arg7[%get3A_465, %get3A_466] {strides = array<i32>} : memref<16x768xf32, #tpu.memory_space<vmem>>, vector<1x16xf32>,
        %get3A_468 = vector.shape_cast %get3A_467 : vector<1x16xf32> to vector<16xf32>
        %mul3A_469 = arith.constant 27.7128124 : f32
        %mul3A_470 = vector.broadcast %mul3A_469 : f32 to vector<16xf32>
        %mul3A_471 = arith.mulf %get3A_468, %mul3A_470 : vector<16xf32>
        %get3A_472 = arith.index_cast %add3A_279 : i32 to index
        %get3A_473 = arith.constant 176 : index
        %get3A_474 = tpu.vector_load %arg11[%get3A_472, %get3A_473] {strides = array<i32>} : memref<16x768xf32, #tpu.memory_space<vmem>>, vector<1x16xf32>,
        %get3A_475 = vector.shape_cast %get3A_474 : vector<1x16xf32> to vector<16xf32>
        %add3A_476 = arith.addf %mul3A_471, %get3A_475 : vector<16xf32>
        %swap3A_477 = arith.index_cast %add3A_279 : i32 to index
        %swap3A_478 = arith.constant 176 : index
        %swap3A_479 = tpu.vector_load %arg7[%swap3A_477, %swap3A_478] {strides = array<i32>} : memref<16x768xf32, #tpu.memory_space<vmem>>, vector<1x16xf32>,
        %swap3A_480 = vector.shape_cast %swap3A_479 : vector<1x16xf32> to vector<16xf32>
        %swap3A_481 = vector.shape_cast %add3A_476 : vector<16xf32> to vector<1x16xf32>
        tpu.vector_store %arg7[%swap3A_477, %swap3A_478], %swap3A_481 {strides = array<i32>} : memref<16x768xf32, #tpu.memory_space<vmem>>, vector<1x16xf32>,
        %get3A_482 = arith.index_cast %add3A_279 : i32 to index
        %get3A_483 = arith.constant 192 : index
        %get3A_484 = tpu.vector_load %arg7[%get3A_482, %get3A_483] {strides = array<i32>} : memref<16x768xf32, #tpu.memory_space<vmem>>, vector<1x16xf32>,
        %get3A_485 = vector.shape_cast %get3A_484 : vector<1x16xf32> to vector<16xf32>
        %mul3A_486 = arith.constant 27.7128124 : f32
        %mul3A_487 = vector.broadcast %mul3A_486 : f32 to vector<16xf32>
        %mul3A_488 = arith.mulf %get3A_485, %mul3A_487 : vector<16xf32>
        %get3A_489 = arith.index_cast %add3A_279 : i32 to index
        %get3A_490 = arith.constant 192 : index
        %get3A_491 = tpu.vector_load %arg11[%get3A_489, %get3A_490] {strides = array<i32>} : memref<16x768xf32, #tpu.memory_space<vmem>>, vector<1x16xf32>,
        %get3A_492 = vector.shape_cast %get3A_491 : vector<1x16xf32> to vector<16xf32>
        %add3A_493 = arith.addf %mul3A_488, %get3A_492 : vector<16xf32>
        %swap3A_494 = arith.index_cast %add3A_279 : i32 to index
        %swap3A_495 = arith.constant 192 : index
        %swap3A_496 = tpu.vector_load %arg7[%swap3A_494, %swap3A_495] {strides = array<i32>} : memref<16x768xf32, #tpu.memory_space<vmem>>, vector<1x16xf32>,
        %swap3A_497 = vector.shape_cast %swap3A_496 : vector<1x16xf32> to vector<16xf32>
        %swap3A_498 = vector.shape_cast %add3A_493 : vector<16xf32> to vector<1x16xf32>
        tpu.vector_store %arg7[%swap3A_494, %swap3A_495], %swap3A_498 {strides = array<i32>} : memref<16x768xf32, #tpu.memory_space<vmem>>, vector<1x16xf32>,
        %get3A_499 = arith.index_cast %add3A_279 : i32 to index
        %get3A_500 = arith.constant 208 : index
        %get3A_501 = tpu.vector_load %arg7[%get3A_499, %get3A_500] {strides = array<i32>} : memref<16x768xf32, #tpu.memory_space<vmem>>, vector<1x16xf32>,
        %get3A_502 = vector.shape_cast %get3A_501 : vector<1x16xf32> to vector<16xf32>
        %mul3A_503 = arith.constant 27.7128124 : f32
        %mul3A_504 = vector.broadcast %mul3A_503 : f32 to vector<16xf32>
        %mul3A_505 = arith.mulf %get3A_502, %mul3A_504 : vector<16xf32>
        %get3A_506 = arith.index_cast %add3A_279 : i32 to index
        %get3A_507 = arith.constant 208 : index
        %get3A_508 = tpu.vector_load %arg11[%get3A_506, %get3A_507] {strides = array<i32>} : memref<16x768xf32, #tpu.memory_space<vmem>>, vector<1x16xf32>,
        %get3A_509 = vector.shape_cast %get3A_508 : vector<1x16xf32> to vector<16xf32>
        %add3A_510 = arith.addf %mul3A_505, %get3A_509 : vector<16xf32>
        %swap3A_511 = arith.index_cast %add3A_279 : i32 to index
        %swap3A_512 = arith.constant 208 : index
        %swap3A_513 = tpu.vector_load %arg7[%swap3A_511, %swap3A_512] {strides = array<i32>} : memref<16x768xf32, #tpu.memory_space<vmem>>, vector<1x16xf32>,
        %swap3A_514 = vector.shape_cast %swap3A_513 : vector<1x16xf32> to vector<16xf32>
        %swap3A_515 = vector.shape_cast %add3A_510 : vector<16xf32> to vector<1x16xf32>
        tpu.vector_store %arg7[%swap3A_511, %swap3A_512], %swap3A_515 {strides = array<i32>} : memref<16x768xf32, #tpu.memory_space<vmem>>, vector<1x16xf32>,
        %get3A_516 = arith.index_cast %add3A_279 : i32 to index
        %get3A_517 = arith.constant 224 : index
        %get3A_518 = tpu.vector_load %arg7[%get3A_516, %get3A_517] {strides = array<i32>} : memref<16x768xf32, #tpu.memory_space<vmem>>, vector<1x16xf32>,
        %get3A_519 = vector.shape_cast %get3A_518 : vector<1x16xf32> to vector<16xf32>
        %mul3A_520 = arith.constant 27.7128124 : f32
        %mul3A_521 = vector.broadcast %mul3A_520 : f32 to vector<16xf32>
        %mul3A_522 = arith.mulf %get3A_519, %mul3A_521 : vector<16xf32>
        %get3A_523 = arith.index_cast %add3A_279 : i32 to index
        %get3A_524 = arith.constant 224 : index
        %get3A_525 = tpu.vector_load %arg11[%get3A_523, %get3A_524] {strides = array<i32>} : memref<16x768xf32, #tpu.memory_space<vmem>>, vector<1x16xf32>,
        %get3A_526 = vector.shape_cast %get3A_525 : vector<1x16xf32> to vector<16xf32>
        %add3A_527 = arith.addf %mul3A_522, %get3A_526 : vector<16xf32>
        %swap3A_528 = arith.index_cast %add3A_279 : i32 to index
        %swap3A_529 = arith.constant 224 : index
        %swap3A_530 = tpu.vector_load %arg7[%swap3A_528, %swap3A_529] {strides = array<i32>} : memref<16x768xf32, #tpu.memory_space<vmem>>, vector<1x16xf32>,
        %swap3A_531 = vector.shape_cast %swap3A_530 : vector<1x16xf32> to vector<16xf32>
        %swap3A_532 = vector.shape_cast %add3A_527 : vector<16xf32> to vector<1x16xf32>
        tpu.vector_store %arg7[%swap3A_528, %swap3A_529], %swap3A_532 {strides = array<i32>} : memref<16x768xf32, #tpu.memory_space<vmem>>, vector<1x16xf32>,
        %get3A_533 = arith.index_cast %add3A_279 : i32 to index
        %get3A_534 = arith.constant 240 : index
        %get3A_535 = tpu.vector_load %arg7[%get3A_533, %get3A_534] {strides = array<i32>} : memref<16x768xf32, #tpu.memory_space<vmem>>, vector<1x16xf32>,
        %get3A_536 = vector.shape_cast %get3A_535 : vector<1x16xf32> to vector<16xf32>
        %mul3A_537 = arith.constant 27.7128124 : f32
        %mul3A_538 = vector.broadcast %mul3A_537 : f32 to vector<16xf32>
        %mul3A_539 = arith.mulf %get3A_536, %mul3A_538 : vector<16xf32>
        %get3A_540 = arith.index_cast %add3A_279 : i32 to index
        %get3A_541 = arith.constant 240 : index
        %get3A_542 = tpu.vector_load %arg11[%get3A_540, %get3A_541] {strides = array<i32>} : memref<16x768xf32, #tpu.memory_space<vmem>>, vector<1x16xf32>,
        %get3A_543 = vector.shape_cast %get3A_542 : vector<1x16xf32> to vector<16xf32>
        %add3A_544 = arith.addf %mul3A_539, %get3A_543 : vector<16xf32>
        %swap3A_545 = arith.index_cast %add3A_279 : i32 to index
        %swap3A_546 = arith.constant 240 : index
        %swap3A_547 = tpu.vector_load %arg7[%swap3A_545, %swap3A_546] {strides = array<i32>} : memref<16x768xf32, #tpu.memory_space<vmem>>, vector<1x16xf32>,
        %swap3A_548 = vector.shape_cast %swap3A_547 : vector<1x16xf32> to vector<16xf32>
        %swap3A_549 = vector.shape_cast %add3A_544 : vector<16xf32> to vector<1x16xf32>
        tpu.vector_store %arg7[%swap3A_545, %swap3A_546], %swap3A_549 {strides = array<i32>} : memref<16x768xf32, #tpu.memory_space<vmem>>, vector<1x16xf32>,
        %get3A_550 = arith.index_cast %add3A_279 : i32 to index
        %get3A_551 = arith.constant 256 : index
        %get3A_552 = tpu.vector_load %arg7[%get3A_550, %get3A_551] {strides = array<i32>} : memref<16x768xf32, #tpu.memory_space<vmem>>, vector<1x16xf32>,
        %get3A_553 = vector.shape_cast %get3A_552 : vector<1x16xf32> to vector<16xf32>
        %mul3A_554 = arith.constant 27.7128124 : f32
        %mul3A_555 = vector.broadcast %mul3A_554 : f32 to vector<16xf32>
        %mul3A_556 = arith.mulf %get3A_553, %mul3A_555 : vector<16xf32>
        %get3A_557 = arith.index_cast %add3A_279 : i32 to index
        %get3A_558 = arith.constant 256 : index
        %get3A_559 = tpu.vector_load %arg11[%get3A_557, %get3A_558] {strides = array<i32>} : memref<16x768xf32, #tpu.memory_space<vmem>>, vector<1x16xf32>,
        %get3A_560 = vector.shape_cast %get3A_559 : vector<1x16xf32> to vector<16xf32>
        %add3A_561 = arith.addf %mul3A_556, %get3A_560 : vector<16xf32>
        %swap3A_562 = arith.index_cast %add3A_279 : i32 to index
        %swap3A_563 = arith.constant 256 : index
        %swap3A_564 = tpu.vector_load %arg7[%swap3A_562, %swap3A_563] {strides = array<i32>} : memref<16x768xf32, #tpu.memory_space<vmem>>, vector<1x16xf32>,
        %swap3A_565 = vector.shape_cast %swap3A_564 : vector<1x16xf32> to vector<16xf32>
        %swap3A_566 = vector.shape_cast %add3A_561 : vector<16xf32> to vector<1x16xf32>
        tpu.vector_store %arg7[%swap3A_562, %swap3A_563], %swap3A_566 {strides = array<i32>} : memref<16x768xf32, #tpu.memory_space<vmem>>, vector<1x16xf32>,
        %get3A_567 = arith.index_cast %add3A_279 : i32 to index
        %get3A_568 = arith.constant 272 : index
        %get3A_569 = tpu.vector_load %arg7[%get3A_567, %get3A_568] {strides = array<i32>} : memref<16x768xf32, #tpu.memory_space<vmem>>, vector<1x16xf32>,
        %get3A_570 = vector.shape_cast %get3A_569 : vector<1x16xf32> to vector<16xf32>
        %mul3A_571 = arith.constant 27.7128124 : f32
        %mul3A_572 = vector.broadcast %mul3A_571 : f32 to vector<16xf32>
        %mul3A_573 = arith.mulf %get3A_570, %mul3A_572 : vector<16xf32>
        %get3A_574 = arith.index_cast %add3A_279 : i32 to index
        %get3A_575 = arith.constant 272 : index
        %get3A_576 = tpu.vector_load %arg11[%get3A_574, %get3A_575] {strides = array<i32>} : memref<16x768xf32, #tpu.memory_space<vmem>>, vector<1x16xf32>,
        %get3A_577 = vector.shape_cast %get3A_576 : vector<1x16xf32> to vector<16xf32>
        %add3A_578 = arith.addf %mul3A_573, %get3A_577 : vector<16xf32>
        %swap3A_579 = arith.index_cast %add3A_279 : i32 to index
        %swap3A_580 = arith.constant 272 : index
        %swap3A_581 = tpu.vector_load %arg7[%swap3A_579, %swap3A_580] {strides = array<i32>} : memref<16x768xf32, #tpu.memory_space<vmem>>, vector<1x16xf32>,
        %swap3A_582 = vector.shape_cast %swap3A_581 : vector<1x16xf32> to vector<16xf32>
        %swap3A_583 = vector.shape_cast %add3A_578 : vector<16xf32> to vector<1x16xf32>
        tpu.vector_store %arg7[%swap3A_579, %swap3A_580], %swap3A_583 {strides = array<i32>} : memref<16x768xf32, #tpu.memory_space<vmem>>, vector<1x16xf32>,
        %get3A_584 = arith.index_cast %add3A_279 : i32 to index
        %get3A_585 = arith.constant 288 : index
        %get3A_586 = tpu.vector_load %arg7[%get3A_584, %get3A_585] {strides = array<i32>} : memref<16x768xf32, #tpu.memory_space<vmem>>, vector<1x16xf32>,
        %get3A_587 = vector.shape_cast %get3A_586 : vector<1x16xf32> to vector<16xf32>
        %mul3A_588 = arith.constant 27.7128124 : f32
        %mul3A_589 = vector.broadcast %mul3A_588 : f32 to vector<16xf32>
        %mul3A_590 = arith.mulf %get3A_587, %mul3A_589 : vector<16xf32>
        %get3A_591 = arith.index_cast %add3A_279 : i32 to index
        %get3A_592 = arith.constant 288 : index
        %get3A_593 = tpu.vector_load %arg11[%get3A_591, %get3A_592] {strides = array<i32>} : memref<16x768xf32, #tpu.memory_space<vmem>>, vector<1x16xf32>,
        %get3A_594 = vector.shape_cast %get3A_593 : vector<1x16xf32> to vector<16xf32>
        %add3A_595 = arith.addf %mul3A_590, %get3A_594 : vector<16xf32>
        %swap3A_596 = arith.index_cast %add3A_279 : i32 to index
        %swap3A_597 = arith.constant 288 : index
        %swap3A_598 = tpu.vector_load %arg7[%swap3A_596, %swap3A_597] {strides = array<i32>} : memref<16x768xf32, #tpu.memory_space<vmem>>, vector<1x16xf32>,
        %swap3A_599 = vector.shape_cast %swap3A_598 : vector<1x16xf32> to vector<16xf32>
        %swap3A_600 = vector.shape_cast %add3A_595 : vector<16xf32> to vector<1x16xf32>
        tpu.vector_store %arg7[%swap3A_596, %swap3A_597], %swap3A_600 {strides = array<i32>} : memref<16x768xf32, #tpu.memory_space<vmem>>, vector<1x16xf32>,
        %get3A_601 = arith.index_cast %add3A_279 : i32 to index
        %get3A_602 = arith.constant 304 : index
        %get3A_603 = tpu.vector_load %arg7[%get3A_601, %get3A_602] {strides = array<i32>} : memref<16x768xf32, #tpu.memory_space<vmem>>, vector<1x16xf32>,
        %get3A_604 = vector.shape_cast %get3A_603 : vector<1x16xf32> to vector<16xf32>
        %mul3A_605 = arith.constant 27.7128124 : f32
        %mul3A_606 = vector.broadcast %mul3A_605 : f32 to vector<16xf32>
        %mul3A_607 = arith.mulf %get3A_604, %mul3A_606 : vector<16xf32>
        %get3A_608 = arith.index_cast %add3A_279 : i32 to index
        %get3A_609 = arith.constant 304 : index
        %get3A_610 = tpu.vector_load %arg11[%get3A_608, %get3A_609] {strides = array<i32>} : memref<16x768xf32, #tpu.memory_space<vmem>>, vector<1x16xf32>,
        %get3A_611 = vector.shape_cast %get3A_610 : vector<1x16xf32> to vector<16xf32>
        %add3A_612 = arith.addf %mul3A_607, %get3A_611 : vector<16xf32>
        %swap3A_613 = arith.index_cast %add3A_279 : i32 to index
        %swap3A_614 = arith.constant 304 : index
        %swap3A_615 = tpu.vector_load %arg7[%swap3A_613, %swap3A_614] {strides = array<i32>} : memref<16x768xf32, #tpu.memory_space<vmem>>, vector<1x16xf32>,
        %swap3A_616 = vector.shape_cast %swap3A_615 : vector<1x16xf32> to vector<16xf32>
        %swap3A_617 = vector.shape_cast %add3A_612 : vector<16xf32> to vector<1x16xf32>
        tpu.vector_store %arg7[%swap3A_613, %swap3A_614], %swap3A_617 {strides = array<i32>} : memref<16x768xf32, #tpu.memory_space<vmem>>, vector<1x16xf32>,
        %get3A_618 = arith.index_cast %add3A_279 : i32 to index
        %get3A_619 = arith.constant 320 : index
        %get3A_620 = tpu.vector_load %arg7[%get3A_618, %get3A_619] {strides = array<i32>} : memref<16x768xf32, #tpu.memory_space<vmem>>, vector<1x16xf32>,
        %get3A_621 = vector.shape_cast %get3A_620 : vector<1x16xf32> to vector<16xf32>
        %mul3A_622 = arith.constant 27.7128124 : f32
        %mul3A_623 = vector.broadcast %mul3A_622 : f32 to vector<16xf32>
        %mul3A_624 = arith.mulf %get3A_621, %mul3A_623 : vector<16xf32>
        %get3A_625 = arith.index_cast %add3A_279 : i32 to index
        %get3A_626 = arith.constant 320 : index
        %get3A_627 = tpu.vector_load %arg11[%get3A_625, %get3A_626] {strides = array<i32>} : memref<16x768xf32, #tpu.memory_space<vmem>>, vector<1x16xf32>,
        %get3A_628 = vector.shape_cast %get3A_627 : vector<1x16xf32> to vector<16xf32>
        %add3A_629 = arith.addf %mul3A_624, %get3A_628 : vector<16xf32>
        %swap3A_630 = arith.index_cast %add3A_279 : i32 to index
        %swap3A_631 = arith.constant 320 : index
        %swap3A_632 = tpu.vector_load %arg7[%swap3A_630, %swap3A_631] {strides = array<i32>} : memref<16x768xf32, #tpu.memory_space<vmem>>, vector<1x16xf32>,
        %swap3A_633 = vector.shape_cast %swap3A_632 : vector<1x16xf32> to vector<16xf32>
        %swap3A_634 = vector.shape_cast %add3A_629 : vector<16xf32> to vector<1x16xf32>
        tpu.vector_store %arg7[%swap3A_630, %swap3A_631], %swap3A_634 {strides = array<i32>} : memref<16x768xf32, #tpu.memory_space<vmem>>, vector<1x16xf32>,
        %get3A_635 = arith.index_cast %add3A_279 : i32 to index
        %get3A_636 = arith.constant 336 : index
        %get3A_637 = tpu.vector_load %arg7[%get3A_635, %get3A_636] {strides = array<i32>} : memref<16x768xf32, #tpu.memory_space<vmem>>, vector<1x16xf32>,
        %get3A_638 = vector.shape_cast %get3A_637 : vector<1x16xf32> to vector<16xf32>
        %mul3A_639 = arith.constant 27.7128124 : f32
        %mul3A_640 = vector.broadcast %mul3A_639 : f32 to vector<16xf32>
        %mul3A_641 = arith.mulf %get3A_638, %mul3A_640 : vector<16xf32>
        %get3A_642 = arith.index_cast %add3A_279 : i32 to index
        %get3A_643 = arith.constant 336 : index
        %get3A_644 = tpu.vector_load %arg11[%get3A_642, %get3A_643] {strides = array<i32>} : memref<16x768xf32, #tpu.memory_space<vmem>>, vector<1x16xf32>,
        %get3A_645 = vector.shape_cast %get3A_644 : vector<1x16xf32> to vector<16xf32>
        %add3A_646 = arith.addf %mul3A_641, %get3A_645 : vector<16xf32>
        %swap3A_647 = arith.index_cast %add3A_279 : i32 to index
        %swap3A_648 = arith.constant 336 : index
        %swap3A_649 = tpu.vector_load %arg7[%swap3A_647, %swap3A_648] {strides = array<i32>} : memref<16x768xf32, #tpu.memory_space<vmem>>, vector<1x16xf32>,
        %swap3A_650 = vector.shape_cast %swap3A_649 : vector<1x16xf32> to vector<16xf32>
        %swap3A_651 = vector.shape_cast %add3A_646 : vector<16xf32> to vector<1x16xf32>
        tpu.vector_store %arg7[%swap3A_647, %swap3A_648], %swap3A_651 {strides = array<i32>} : memref<16x768xf32, #tpu.memory_space<vmem>>, vector<1x16xf32>,
        %get3A_652 = arith.index_cast %add3A_279 : i32 to index
        %get3A_653 = arith.constant 352 : index
        %get3A_654 = tpu.vector_load %arg7[%get3A_652, %get3A_653] {strides = array<i32>} : memref<16x768xf32, #tpu.memory_space<vmem>>, vector<1x16xf32>,
        %get3A_655 = vector.shape_cast %get3A_654 : vector<1x16xf32> to vector<16xf32>
        %mul3A_656 = arith.constant 27.7128124 : f32
        %mul3A_657 = vector.broadcast %mul3A_656 : f32 to vector<16xf32>
        %mul3A_658 = arith.mulf %get3A_655, %mul3A_657 : vector<16xf32>
        %get3A_659 = arith.index_cast %add3A_279 : i32 to index
        %get3A_660 = arith.constant 352 : index
        %get3A_661 = tpu.vector_load %arg11[%get3A_659, %get3A_660] {strides = array<i32>} : memref<16x768xf32, #tpu.memory_space<vmem>>, vector<1x16xf32>,
        %get3A_662 = vector.shape_cast %get3A_661 : vector<1x16xf32> to vector<16xf32>
        %add3A_663 = arith.addf %mul3A_658, %get3A_662 : vector<16xf32>
        %swap3A_664 = arith.index_cast %add3A_279 : i32 to index
        %swap3A_665 = arith.constant 352 : index
        %swap3A_666 = tpu.vector_load %arg7[%swap3A_664, %swap3A_665] {strides = array<i32>} : memref<16x768xf32, #tpu.memory_space<vmem>>, vector<1x16xf32>,
        %swap3A_667 = vector.shape_cast %swap3A_666 : vector<1x16xf32> to vector<16xf32>
        %swap3A_668 = vector.shape_cast %add3A_663 : vector<16xf32> to vector<1x16xf32>
        tpu.vector_store %arg7[%swap3A_664, %swap3A_665], %swap3A_668 {strides = array<i32>} : memref<16x768xf32, #tpu.memory_space<vmem>>, vector<1x16xf32>,
        %get3A_669 = arith.index_cast %add3A_279 : i32 to index
        %get3A_670 = arith.constant 368 : index
        %get3A_671 = tpu.vector_load %arg7[%get3A_669, %get3A_670] {strides = array<i32>} : memref<16x768xf32, #tpu.memory_space<vmem>>, vector<1x16xf32>,
        %get3A_672 = vector.shape_cast %get3A_671 : vector<1x16xf32> to vector<16xf32>
        %mul3A_673 = arith.constant 27.7128124 : f32
        %mul3A_674 = vector.broadcast %mul3A_673 : f32 to vector<16xf32>
        %mul3A_675 = arith.mulf %get3A_672, %mul3A_674 : vector<16xf32>
        %get3A_676 = arith.index_cast %add3A_279 : i32 to index
        %get3A_677 = arith.constant 368 : index
        %get3A_678 = tpu.vector_load %arg11[%get3A_676, %get3A_677] {strides = array<i32>} : memref<16x768xf32, #tpu.memory_space<vmem>>, vector<1x16xf32>,
        %get3A_679 = vector.shape_cast %get3A_678 : vector<1x16xf32> to vector<16xf32>
        %add3A_680 = arith.addf %mul3A_675, %get3A_679 : vector<16xf32>
        %swap3A_681 = arith.index_cast %add3A_279 : i32 to index
        %swap3A_682 = arith.constant 368 : index
        %swap3A_683 = tpu.vector_load %arg7[%swap3A_681, %swap3A_682] {strides = array<i32>} : memref<16x768xf32, #tpu.memory_space<vmem>>, vector<1x16xf32>,
        %swap3A_684 = vector.shape_cast %swap3A_683 : vector<1x16xf32> to vector<16xf32>
        %swap3A_685 = vector.shape_cast %add3A_680 : vector<16xf32> to vector<1x16xf32>
        tpu.vector_store %arg7[%swap3A_681, %swap3A_682], %swap3A_685 {strides = array<i32>} : memref<16x768xf32, #tpu.memory_space<vmem>>, vector<1x16xf32>,
        %get3A_686 = arith.index_cast %add3A_279 : i32 to index
        %get3A_687 = arith.constant 384 : index
        %get3A_688 = tpu.vector_load %arg7[%get3A_686, %get3A_687] {strides = array<i32>} : memref<16x768xf32, #tpu.memory_space<vmem>>, vector<1x16xf32>,
        %get3A_689 = vector.shape_cast %get3A_688 : vector<1x16xf32> to vector<16xf32>
        %mul3A_690 = arith.constant 27.7128124 : f32
        %mul3A_691 = vector.broadcast %mul3A_690 : f32 to vector<16xf32>
        %mul3A_692 = arith.mulf %get3A_689, %mul3A_691 : vector<16xf32>
        %get3A_693 = arith.index_cast %add3A_279 : i32 to index
        %get3A_694 = arith.constant 384 : index
        %get3A_695 = tpu.vector_load %arg11[%get3A_693, %get3A_694] {strides = array<i32>} : memref<16x768xf32, #tpu.memory_space<vmem>>, vector<1x16xf32>,
        %get3A_696 = vector.shape_cast %get3A_695 : vector<1x16xf32> to vector<16xf32>
        %add3A_697 = arith.addf %mul3A_692, %get3A_696 : vector<16xf32>
        %swap3A_698 = arith.index_cast %add3A_279 : i32 to index
        %swap3A_699 = arith.constant 384 : index
        %swap3A_700 = tpu.vector_load %arg7[%swap3A_698, %swap3A_699] {strides = array<i32>} : memref<16x768xf32, #tpu.memory_space<vmem>>, vector<1x16xf32>,
        %swap3A_701 = vector.shape_cast %swap3A_700 : vector<1x16xf32> to vector<16xf32>
        %swap3A_702 = vector.shape_cast %add3A_697 : vector<16xf32> to vector<1x16xf32>
        tpu.vector_store %arg7[%swap3A_698, %swap3A_699], %swap3A_702 {strides = array<i32>} : memref<16x768xf32, #tpu.memory_space<vmem>>, vector<1x16xf32>,
        %get3A_703 = arith.index_cast %add3A_279 : i32 to index
        %get3A_704 = arith.constant 400 : index
        %get3A_705 = tpu.vector_load %arg7[%get3A_703, %get3A_704] {strides = array<i32>} : memref<16x768xf32, #tpu.memory_space<vmem>>, vector<1x16xf32>,
        %get3A_706 = vector.shape_cast %get3A_705 : vector<1x16xf32> to vector<16xf32>
        %mul3A_707 = arith.constant 27.7128124 : f32
        %mul3A_708 = vector.broadcast %mul3A_707 : f32 to vector<16xf32>
        %mul3A_709 = arith.mulf %get3A_706, %mul3A_708 : vector<16xf32>
        %get3A_710 = arith.index_cast %add3A_279 : i32 to index
        %get3A_711 = arith.constant 400 : index
        %get3A_712 = tpu.vector_load %arg11[%get3A_710, %get3A_711] {strides = array<i32>} : memref<16x768xf32, #tpu.memory_space<vmem>>, vector<1x16xf32>,
        %get3A_713 = vector.shape_cast %get3A_712 : vector<1x16xf32> to vector<16xf32>
        %add3A_714 = arith.addf %mul3A_709, %get3A_713 : vector<16xf32>
        %swap3A_715 = arith.index_cast %add3A_279 : i32 to index
        %swap3A_716 = arith.constant 400 : index
        %swap3A_717 = tpu.vector_load %arg7[%swap3A_715, %swap3A_716] {strides = array<i32>} : memref<16x768xf32, #tpu.memory_space<vmem>>, vector<1x16xf32>,
        %swap3A_718 = vector.shape_cast %swap3A_717 : vector<1x16xf32> to vector<16xf32>
        %swap3A_719 = vector.shape_cast %add3A_714 : vector<16xf32> to vector<1x16xf32>
        tpu.vector_store %arg7[%swap3A_715, %swap3A_716], %swap3A_719 {strides = array<i32>} : memref<16x768xf32, #tpu.memory_space<vmem>>, vector<1x16xf32>,
        %get3A_720 = arith.index_cast %add3A_279 : i32 to index
        %get3A_721 = arith.constant 416 : index
        %get3A_722 = tpu.vector_load %arg7[%get3A_720, %get3A_721] {strides = array<i32>} : memref<16x768xf32, #tpu.memory_space<vmem>>, vector<1x16xf32>,
        %get3A_723 = vector.shape_cast %get3A_722 : vector<1x16xf32> to vector<16xf32>
        %mul3A_724 = arith.constant 27.7128124 : f32
        %mul3A_725 = vector.broadcast %mul3A_724 : f32 to vector<16xf32>
        %mul3A_726 = arith.mulf %get3A_723, %mul3A_725 : vector<16xf32>
        %get3A_727 = arith.index_cast %add3A_279 : i32 to index
        %get3A_728 = arith.constant 416 : index
        %get3A_729 = tpu.vector_load %arg11[%get3A_727, %get3A_728] {strides = array<i32>} : memref<16x768xf32, #tpu.memory_space<vmem>>, vector<1x16xf32>,
        %get3A_730 = vector.shape_cast %get3A_729 : vector<1x16xf32> to vector<16xf32>
        %add3A_731 = arith.addf %mul3A_726, %get3A_730 : vector<16xf32>
        %swap3A_732 = arith.index_cast %add3A_279 : i32 to index
        %swap3A_733 = arith.constant 416 : index
        %swap3A_734 = tpu.vector_load %arg7[%swap3A_732, %swap3A_733] {strides = array<i32>} : memref<16x768xf32, #tpu.memory_space<vmem>>, vector<1x16xf32>,
        %swap3A_735 = vector.shape_cast %swap3A_734 : vector<1x16xf32> to vector<16xf32>
        %swap3A_736 = vector.shape_cast %add3A_731 : vector<16xf32> to vector<1x16xf32>
        tpu.vector_store %arg7[%swap3A_732, %swap3A_733], %swap3A_736 {strides = array<i32>} : memref<16x768xf32, #tpu.memory_space<vmem>>, vector<1x16xf32>,
        %get3A_737 = arith.index_cast %add3A_279 : i32 to index
        %get3A_738 = arith.constant 432 : index
        %get3A_739 = tpu.vector_load %arg7[%get3A_737, %get3A_738] {strides = array<i32>} : memref<16x768xf32, #tpu.memory_space<vmem>>, vector<1x16xf32>,
        %get3A_740 = vector.shape_cast %get3A_739 : vector<1x16xf32> to vector<16xf32>
        %mul3A_741 = arith.constant 27.7128124 : f32
        %mul3A_742 = vector.broadcast %mul3A_741 : f32 to vector<16xf32>
        %mul3A_743 = arith.mulf %get3A_740, %mul3A_742 : vector<16xf32>
        %get3A_744 = arith.index_cast %add3A_279 : i32 to index
        %get3A_745 = arith.constant 432 : index
        %get3A_746 = tpu.vector_load %arg11[%get3A_744, %get3A_745] {strides = array<i32>} : memref<16x768xf32, #tpu.memory_space<vmem>>, vector<1x16xf32>,
        %get3A_747 = vector.shape_cast %get3A_746 : vector<1x16xf32> to vector<16xf32>
        %add3A_748 = arith.addf %mul3A_743, %get3A_747 : vector<16xf32>
        %swap3A_749 = arith.index_cast %add3A_279 : i32 to index
        %swap3A_750 = arith.constant 432 : index
        %swap3A_751 = tpu.vector_load %arg7[%swap3A_749, %swap3A_750] {strides = array<i32>} : memref<16x768xf32, #tpu.memory_space<vmem>>, vector<1x16xf32>,
        %swap3A_752 = vector.shape_cast %swap3A_751 : vector<1x16xf32> to vector<16xf32>
        %swap3A_753 = vector.shape_cast %add3A_748 : vector<16xf32> to vector<1x16xf32>
        tpu.vector_store %arg7[%swap3A_749, %swap3A_750], %swap3A_753 {strides = array<i32>} : memref<16x768xf32, #tpu.memory_space<vmem>>, vector<1x16xf32>,
        %get3A_754 = arith.index_cast %add3A_279 : i32 to index
        %get3A_755 = arith.constant 448 : index
        %get3A_756 = tpu.vector_load %arg7[%get3A_754, %get3A_755] {strides = array<i32>} : memref<16x768xf32, #tpu.memory_space<vmem>>, vector<1x16xf32>,
        %get3A_757 = vector.shape_cast %get3A_756 : vector<1x16xf32> to vector<16xf32>
        %mul3A_758 = arith.constant 27.7128124 : f32
        %mul3A_759 = vector.broadcast %mul3A_758 : f32 to vector<16xf32>
        %mul3A_760 = arith.mulf %get3A_757, %mul3A_759 : vector<16xf32>
        %get3A_761 = arith.index_cast %add3A_279 : i32 to index
        %get3A_762 = arith.constant 448 : index
        %get3A_763 = tpu.vector_load %arg11[%get3A_761, %get3A_762] {strides = array<i32>} : memref<16x768xf32, #tpu.memory_space<vmem>>, vector<1x16xf32>,
        %get3A_764 = vector.shape_cast %get3A_763 : vector<1x16xf32> to vector<16xf32>
        %add3A_765 = arith.addf %mul3A_760, %get3A_764 : vector<16xf32>
        %swap3A_766 = arith.index_cast %add3A_279 : i32 to index
        %swap3A_767 = arith.constant 448 : index
        %swap3A_768 = tpu.vector_load %arg7[%swap3A_766, %swap3A_767] {strides = array<i32>} : memref<16x768xf32, #tpu.memory_space<vmem>>, vector<1x16xf32>,
        %swap3A_769 = vector.shape_cast %swap3A_768 : vector<1x16xf32> to vector<16xf32>
        %swap3A_770 = vector.shape_cast %add3A_765 : vector<16xf32> to vector<1x16xf32>
        tpu.vector_store %arg7[%swap3A_766, %swap3A_767], %swap3A_770 {strides = array<i32>} : memref<16x768xf32, #tpu.memory_space<vmem>>, vector<1x16xf32>,
        %get3A_771 = arith.index_cast %add3A_279 : i32 to index
        %get3A_772 = arith.constant 464 : index
        %get3A_773 = tpu.vector_load %arg7[%get3A_771, %get3A_772] {strides = array<i32>} : memref<16x768xf32, #tpu.memory_space<vmem>>, vector<1x16xf32>,
        %get3A_774 = vector.shape_cast %get3A_773 : vector<1x16xf32> to vector<16xf32>
        %mul3A_775 = arith.constant 27.7128124 : f32
        %mul3A_776 = vector.broadcast %mul3A_775 : f32 to vector<16xf32>
        %mul3A_777 = arith.mulf %get3A_774, %mul3A_776 : vector<16xf32>
        %get3A_778 = arith.index_cast %add3A_279 : i32 to index
        %get3A_779 = arith.constant 464 : index
        %get3A_780 = tpu.vector_load %arg11[%get3A_778, %get3A_779] {strides = array<i32>} : memref<16x768xf32, #tpu.memory_space<vmem>>, vector<1x16xf32>,
        %get3A_781 = vector.shape_cast %get3A_780 : vector<1x16xf32> to vector<16xf32>
        %add3A_782 = arith.addf %mul3A_777, %get3A_781 : vector<16xf32>
        %swap3A_783 = arith.index_cast %add3A_279 : i32 to index
        %swap3A_784 = arith.constant 464 : index
        %swap3A_785 = tpu.vector_load %arg7[%swap3A_783, %swap3A_784] {strides = array<i32>} : memref<16x768xf32, #tpu.memory_space<vmem>>, vector<1x16xf32>,
        %swap3A_786 = vector.shape_cast %swap3A_785 : vector<1x16xf32> to vector<16xf32>
        %swap3A_787 = vector.shape_cast %add3A_782 : vector<16xf32> to vector<1x16xf32>
        tpu.vector_store %arg7[%swap3A_783, %swap3A_784], %swap3A_787 {strides = array<i32>} : memref<16x768xf32, #tpu.memory_space<vmem>>, vector<1x16xf32>,
        %get3A_788 = arith.index_cast %add3A_279 : i32 to index
        %get3A_789 = arith.constant 480 : index
        %get3A_790 = tpu.vector_load %arg7[%get3A_788, %get3A_789] {strides = array<i32>} : memref<16x768xf32, #tpu.memory_space<vmem>>, vector<1x16xf32>,
        %get3A_791 = vector.shape_cast %get3A_790 : vector<1x16xf32> to vector<16xf32>
        %mul3A_792 = arith.constant 27.7128124 : f32
        %mul3A_793 = vector.broadcast %mul3A_792 : f32 to vector<16xf32>
        %mul3A_794 = arith.mulf %get3A_791, %mul3A_793 : vector<16xf32>
        %get3A_795 = arith.index_cast %add3A_279 : i32 to index
        %get3A_796 = arith.constant 480 : index
        %get3A_797 = tpu.vector_load %arg11[%get3A_795, %get3A_796] {strides = array<i32>} : memref<16x768xf32, #tpu.memory_space<vmem>>, vector<1x16xf32>,
        %get3A_798 = vector.shape_cast %get3A_797 : vector<1x16xf32> to vector<16xf32>
        %add3A_799 = arith.addf %mul3A_794, %get3A_798 : vector<16xf32>
        %swap3A_800 = arith.index_cast %add3A_279 : i32 to index
        %swap3A_801 = arith.constant 480 : index
        %swap3A_802 = tpu.vector_load %arg7[%swap3A_800, %swap3A_801] {strides = array<i32>} : memref<16x768xf32, #tpu.memory_space<vmem>>, vector<1x16xf32>,
        %swap3A_803 = vector.shape_cast %swap3A_802 : vector<1x16xf32> to vector<16xf32>
        %swap3A_804 = vector.shape_cast %add3A_799 : vector<16xf32> to vector<1x16xf32>
        tpu.vector_store %arg7[%swap3A_800, %swap3A_801], %swap3A_804 {strides = array<i32>} : memref<16x768xf32, #tpu.memory_space<vmem>>, vector<1x16xf32>,
        %get3A_805 = arith.index_cast %add3A_279 : i32 to index
        %get3A_806 = arith.constant 496 : index
        %get3A_807 = tpu.vector_load %arg7[%get3A_805, %get3A_806] {strides = array<i32>} : memref<16x768xf32, #tpu.memory_space<vmem>>, vector<1x16xf32>,
        %get3A_808 = vector.shape_cast %get3A_807 : vector<1x16xf32> to vector<16xf32>
        %mul3A_809 = arith.constant 27.7128124 : f32
        %mul3A_810 = vector.broadcast %mul3A_809 : f32 to vector<16xf32>
        %mul3A_811 = arith.mulf %get3A_808, %mul3A_810 : vector<16xf32>
        %get3A_812 = arith.index_cast %add3A_279 : i32 to index
        %get3A_813 = arith.constant 496 : index
        %get3A_814 = tpu.vector_load %arg11[%get3A_812, %get3A_813] {strides = array<i32>} : memref<16x768xf32, #tpu.memory_space<vmem>>, vector<1x16xf32>,
        %get3A_815 = vector.shape_cast %get3A_814 : vector<1x16xf32> to vector<16xf32>
        %add3A_816 = arith.addf %mul3A_811, %get3A_815 : vector<16xf32>
        %swap3A_817 = arith.index_cast %add3A_279 : i32 to index
        %swap3A_818 = arith.constant 496 : index
        %swap3A_819 = tpu.vector_load %arg7[%swap3A_817, %swap3A_818] {strides = array<i32>} : memref<16x768xf32, #tpu.memory_space<vmem>>, vector<1x16xf32>,
        %swap3A_820 = vector.shape_cast %swap3A_819 : vector<1x16xf32> to vector<16xf32>
        %swap3A_821 = vector.shape_cast %add3A_816 : vector<16xf32> to vector<1x16xf32>
        tpu.vector_store %arg7[%swap3A_817, %swap3A_818], %swap3A_821 {strides = array<i32>} : memref<16x768xf32, #tpu.memory_space<vmem>>, vector<1x16xf32>,
        %get3A_822 = arith.index_cast %add3A_279 : i32 to index
        %get3A_823 = arith.constant 512 : index
        %get3A_824 = tpu.vector_load %arg7[%get3A_822, %get3A_823] {strides = array<i32>} : memref<16x768xf32, #tpu.memory_space<vmem>>, vector<1x16xf32>,
        %get3A_825 = vector.shape_cast %get3A_824 : vector<1x16xf32> to vector<16xf32>
        %mul3A_826 = arith.constant 27.7128124 : f32
        %mul3A_827 = vector.broadcast %mul3A_826 : f32 to vector<16xf32>
        %mul3A_828 = arith.mulf %get3A_825, %mul3A_827 : vector<16xf32>
        %get3A_829 = arith.index_cast %add3A_279 : i32 to index
        %get3A_830 = arith.constant 512 : index
        %get3A_831 = tpu.vector_load %arg11[%get3A_829, %get3A_830] {strides = array<i32>} : memref<16x768xf32, #tpu.memory_space<vmem>>, vector<1x16xf32>,
        %get3A_832 = vector.shape_cast %get3A_831 : vector<1x16xf32> to vector<16xf32>
        %add3A_833 = arith.addf %mul3A_828, %get3A_832 : vector<16xf32>
        %swap3A_834 = arith.index_cast %add3A_279 : i32 to index
        %swap3A_835 = arith.constant 512 : index
        %swap3A_836 = tpu.vector_load %arg7[%swap3A_834, %swap3A_835] {strides = array<i32>} : memref<16x768xf32, #tpu.memory_space<vmem>>, vector<1x16xf32>,
        %swap3A_837 = vector.shape_cast %swap3A_836 : vector<1x16xf32> to vector<16xf32>
        %swap3A_838 = vector.shape_cast %add3A_833 : vector<16xf32> to vector<1x16xf32>
        tpu.vector_store %arg7[%swap3A_834, %swap3A_835], %swap3A_838 {strides = array<i32>} : memref<16x768xf32, #tpu.memory_space<vmem>>, vector<1x16xf32>,
        %get3A_839 = arith.index_cast %add3A_279 : i32 to index
        %get3A_840 = arith.constant 528 : index
        %get3A_841 = tpu.vector_load %arg7[%get3A_839, %get3A_840] {strides = array<i32>} : memref<16x768xf32, #tpu.memory_space<vmem>>, vector<1x16xf32>,
        %get3A_842 = vector.shape_cast %get3A_841 : vector<1x16xf32> to vector<16xf32>
        %mul3A_843 = arith.constant 27.7128124 : f32
        %mul3A_844 = vector.broadcast %mul3A_843 : f32 to vector<16xf32>
        %mul3A_845 = arith.mulf %get3A_842, %mul3A_844 : vector<16xf32>
        %get3A_846 = arith.index_cast %add3A_279 : i32 to index
        %get3A_847 = arith.constant 528 : index
        %get3A_848 = tpu.vector_load %arg11[%get3A_846, %get3A_847] {strides = array<i32>} : memref<16x768xf32, #tpu.memory_space<vmem>>, vector<1x16xf32>,
        %get3A_849 = vector.shape_cast %get3A_848 : vector<1x16xf32> to vector<16xf32>
        %add3A_850 = arith.addf %mul3A_845, %get3A_849 : vector<16xf32>
        %swap3A_851 = arith.index_cast %add3A_279 : i32 to index
        %swap3A_852 = arith.constant 528 : index
        %swap3A_853 = tpu.vector_load %arg7[%swap3A_851, %swap3A_852] {strides = array<i32>} : memref<16x768xf32, #tpu.memory_space<vmem>>, vector<1x16xf32>,
        %swap3A_854 = vector.shape_cast %swap3A_853 : vector<1x16xf32> to vector<16xf32>
        %swap3A_855 = vector.shape_cast %add3A_850 : vector<16xf32> to vector<1x16xf32>
        tpu.vector_store %arg7[%swap3A_851, %swap3A_852], %swap3A_855 {strides = array<i32>} : memref<16x768xf32, #tpu.memory_space<vmem>>, vector<1x16xf32>,
        %get3A_856 = arith.index_cast %add3A_279 : i32 to index
        %get3A_857 = arith.constant 544 : index
        %get3A_858 = tpu.vector_load %arg7[%get3A_856, %get3A_857] {strides = array<i32>} : memref<16x768xf32, #tpu.memory_space<vmem>>, vector<1x16xf32>,
        %get3A_859 = vector.shape_cast %get3A_858 : vector<1x16xf32> to vector<16xf32>
        %mul3A_860 = arith.constant 27.7128124 : f32
        %mul3A_861 = vector.broadcast %mul3A_860 : f32 to vector<16xf32>
        %mul3A_862 = arith.mulf %get3A_859, %mul3A_861 : vector<16xf32>
        %get3A_863 = arith.index_cast %add3A_279 : i32 to index
        %get3A_864 = arith.constant 544 : index
        %get3A_865 = tpu.vector_load %arg11[%get3A_863, %get3A_864] {strides = array<i32>} : memref<16x768xf32, #tpu.memory_space<vmem>>, vector<1x16xf32>,
        %get3A_866 = vector.shape_cast %get3A_865 : vector<1x16xf32> to vector<16xf32>
        %add3A_867 = arith.addf %mul3A_862, %get3A_866 : vector<16xf32>
        %swap3A_868 = arith.index_cast %add3A_279 : i32 to index
        %swap3A_869 = arith.constant 544 : index
        %swap3A_870 = tpu.vector_load %arg7[%swap3A_868, %swap3A_869] {strides = array<i32>} : memref<16x768xf32, #tpu.memory_space<vmem>>, vector<1x16xf32>,
        %swap3A_871 = vector.shape_cast %swap3A_870 : vector<1x16xf32> to vector<16xf32>
        %swap3A_872 = vector.shape_cast %add3A_867 : vector<16xf32> to vector<1x16xf32>
        tpu.vector_store %arg7[%swap3A_868, %swap3A_869], %swap3A_872 {strides = array<i32>} : memref<16x768xf32, #tpu.memory_space<vmem>>, vector<1x16xf32>,
        %get3A_873 = arith.index_cast %add3A_279 : i32 to index
        %get3A_874 = arith.constant 560 : index
        %get3A_875 = tpu.vector_load %arg7[%get3A_873, %get3A_874] {strides = array<i32>} : memref<16x768xf32, #tpu.memory_space<vmem>>, vector<1x16xf32>,
        %get3A_876 = vector.shape_cast %get3A_875 : vector<1x16xf32> to vector<16xf32>
        %mul3A_877 = arith.constant 27.7128124 : f32
        %mul3A_878 = vector.broadcast %mul3A_877 : f32 to vector<16xf32>
        %mul3A_879 = arith.mulf %get3A_876, %mul3A_878 : vector<16xf32>
        %get3A_880 = arith.index_cast %add3A_279 : i32 to index
        %get3A_881 = arith.constant 560 : index
        %get3A_882 = tpu.vector_load %arg11[%get3A_880, %get3A_881] {strides = array<i32>} : memref<16x768xf32, #tpu.memory_space<vmem>>, vector<1x16xf32>,
        %get3A_883 = vector.shape_cast %get3A_882 : vector<1x16xf32> to vector<16xf32>
        %add3A_884 = arith.addf %mul3A_879, %get3A_883 : vector<16xf32>
        %swap3A_885 = arith.index_cast %add3A_279 : i32 to index
        %swap3A_886 = arith.constant 560 : index
        %swap3A_887 = tpu.vector_load %arg7[%swap3A_885, %swap3A_886] {strides = array<i32>} : memref<16x768xf32, #tpu.memory_space<vmem>>, vector<1x16xf32>,
        %swap3A_888 = vector.shape_cast %swap3A_887 : vector<1x16xf32> to vector<16xf32>
        %swap3A_889 = vector.shape_cast %add3A_884 : vector<16xf32> to vector<1x16xf32>
        tpu.vector_store %arg7[%swap3A_885, %swap3A_886], %swap3A_889 {strides = array<i32>} : memref<16x768xf32, #tpu.memory_space<vmem>>, vector<1x16xf32>,
        %get3A_890 = arith.index_cast %add3A_279 : i32 to index
        %get3A_891 = arith.constant 576 : index
        %get3A_892 = tpu.vector_load %arg7[%get3A_890, %get3A_891] {strides = array<i32>} : memref<16x768xf32, #tpu.memory_space<vmem>>, vector<1x16xf32>,
        %get3A_893 = vector.shape_cast %get3A_892 : vector<1x16xf32> to vector<16xf32>
        %mul3A_894 = arith.constant 27.7128124 : f32
        %mul3A_895 = vector.broadcast %mul3A_894 : f32 to vector<16xf32>
        %mul3A_896 = arith.mulf %get3A_893, %mul3A_895 : vector<16xf32>
        %get3A_897 = arith.index_cast %add3A_279 : i32 to index
        %get3A_898 = arith.constant 576 : index
        %get3A_899 = tpu.vector_load %arg11[%get3A_897, %get3A_898] {strides = array<i32>} : memref<16x768xf32, #tpu.memory_space<vmem>>, vector<1x16xf32>,
        %get3A_900 = vector.shape_cast %get3A_899 : vector<1x16xf32> to vector<16xf32>
        %add3A_901 = arith.addf %mul3A_896, %get3A_900 : vector<16xf32>
        %swap3A_902 = arith.index_cast %add3A_279 : i32 to index
        %swap3A_903 = arith.constant 576 : index
        %swap3A_904 = tpu.vector_load %arg7[%swap3A_902, %swap3A_903] {strides = array<i32>} : memref<16x768xf32, #tpu.memory_space<vmem>>, vector<1x16xf32>,
        %swap3A_905 = vector.shape_cast %swap3A_904 : vector<1x16xf32> to vector<16xf32>
        %swap3A_906 = vector.shape_cast %add3A_901 : vector<16xf32> to vector<1x16xf32>
        tpu.vector_store %arg7[%swap3A_902, %swap3A_903], %swap3A_906 {strides = array<i32>} : memref<16x768xf32, #tpu.memory_space<vmem>>, vector<1x16xf32>,
        %get3A_907 = arith.index_cast %add3A_279 : i32 to index
        %get3A_908 = arith.constant 592 : index
        %get3A_909 = tpu.vector_load %arg7[%get3A_907, %get3A_908] {strides = array<i32>} : memref<16x768xf32, #tpu.memory_space<vmem>>, vector<1x16xf32>,
        %get3A_910 = vector.shape_cast %get3A_909 : vector<1x16xf32> to vector<16xf32>
        %mul3A_911 = arith.constant 27.7128124 : f32
        %mul3A_912 = vector.broadcast %mul3A_911 : f32 to vector<16xf32>
        %mul3A_913 = arith.mulf %get3A_910, %mul3A_912 : vector<16xf32>
        %get3A_914 = arith.index_cast %add3A_279 : i32 to index
        %get3A_915 = arith.constant 592 : index
        %get3A_916 = tpu.vector_load %arg11[%get3A_914, %get3A_915] {strides = array<i32>} : memref<16x768xf32, #tpu.memory_space<vmem>>, vector<1x16xf32>,
        %get3A_917 = vector.shape_cast %get3A_916 : vector<1x16xf32> to vector<16xf32>
        %add3A_918 = arith.addf %mul3A_913, %get3A_917 : vector<16xf32>
        %swap3A_919 = arith.index_cast %add3A_279 : i32 to index
        %swap3A_920 = arith.constant 592 : index
        %swap3A_921 = tpu.vector_load %arg7[%swap3A_919, %swap3A_920] {strides = array<i32>} : memref<16x768xf32, #tpu.memory_space<vmem>>, vector<1x16xf32>,
        %swap3A_922 = vector.shape_cast %swap3A_921 : vector<1x16xf32> to vector<16xf32>
        %swap3A_923 = vector.shape_cast %add3A_918 : vector<16xf32> to vector<1x16xf32>
        tpu.vector_store %arg7[%swap3A_919, %swap3A_920], %swap3A_923 {strides = array<i32>} : memref<16x768xf32, #tpu.memory_space<vmem>>, vector<1x16xf32>,
        %get3A_924 = arith.index_cast %add3A_279 : i32 to index
        %get3A_925 = arith.constant 608 : index
        %get3A_926 = tpu.vector_load %arg7[%get3A_924, %get3A_925] {strides = array<i32>} : memref<16x768xf32, #tpu.memory_space<vmem>>, vector<1x16xf32>,
        %get3A_927 = vector.shape_cast %get3A_926 : vector<1x16xf32> to vector<16xf32>
        %mul3A_928 = arith.constant 27.7128124 : f32
        %mul3A_929 = vector.broadcast %mul3A_928 : f32 to vector<16xf32>
        %mul3A_930 = arith.mulf %get3A_927, %mul3A_929 : vector<16xf32>
        %get3A_931 = arith.index_cast %add3A_279 : i32 to index
        %get3A_932 = arith.constant 608 : index
        %get3A_933 = tpu.vector_load %arg11[%get3A_931, %get3A_932] {strides = array<i32>} : memref<16x768xf32, #tpu.memory_space<vmem>>, vector<1x16xf32>,
        %get3A_934 = vector.shape_cast %get3A_933 : vector<1x16xf32> to vector<16xf32>
        %add3A_935 = arith.addf %mul3A_930, %get3A_934 : vector<16xf32>
        %swap3A_936 = arith.index_cast %add3A_279 : i32 to index
        %swap3A_937 = arith.constant 608 : index
        %swap3A_938 = tpu.vector_load %arg7[%swap3A_936, %swap3A_937] {strides = array<i32>} : memref<16x768xf32, #tpu.memory_space<vmem>>, vector<1x16xf32>,
        %swap3A_939 = vector.shape_cast %swap3A_938 : vector<1x16xf32> to vector<16xf32>
        %swap3A_940 = vector.shape_cast %add3A_935 : vector<16xf32> to vector<1x16xf32>
        tpu.vector_store %arg7[%swap3A_936, %swap3A_937], %swap3A_940 {strides = array<i32>} : memref<16x768xf32, #tpu.memory_space<vmem>>, vector<1x16xf32>,
        %get3A_941 = arith.index_cast %add3A_279 : i32 to index
        %get3A_942 = arith.constant 624 : index
        %get3A_943 = tpu.vector_load %arg7[%get3A_941, %get3A_942] {strides = array<i32>} : memref<16x768xf32, #tpu.memory_space<vmem>>, vector<1x16xf32>,
        %get3A_944 = vector.shape_cast %get3A_943 : vector<1x16xf32> to vector<16xf32>
        %mul3A_945 = arith.constant 27.7128124 : f32
        %mul3A_946 = vector.broadcast %mul3A_945 : f32 to vector<16xf32>
        %mul3A_947 = arith.mulf %get3A_944, %mul3A_946 : vector<16xf32>
        %get3A_948 = arith.index_cast %add3A_279 : i32 to index
        %get3A_949 = arith.constant 624 : index
        %get3A_950 = tpu.vector_load %arg11[%get3A_948, %get3A_949] {strides = array<i32>} : memref<16x768xf32, #tpu.memory_space<vmem>>, vector<1x16xf32>,
        %get3A_951 = vector.shape_cast %get3A_950 : vector<1x16xf32> to vector<16xf32>
        %add3A_952 = arith.addf %mul3A_947, %get3A_951 : vector<16xf32>
        %swap3A_953 = arith.index_cast %add3A_279 : i32 to index
        %swap3A_954 = arith.constant 624 : index
        %swap3A_955 = tpu.vector_load %arg7[%swap3A_953, %swap3A_954] {strides = array<i32>} : memref<16x768xf32, #tpu.memory_space<vmem>>, vector<1x16xf32>,
        %swap3A_956 = vector.shape_cast %swap3A_955 : vector<1x16xf32> to vector<16xf32>
        %swap3A_957 = vector.shape_cast %add3A_952 : vector<16xf32> to vector<1x16xf32>
        tpu.vector_store %arg7[%swap3A_953, %swap3A_954], %swap3A_957 {strides = array<i32>} : memref<16x768xf32, #tpu.memory_space<vmem>>, vector<1x16xf32>,
        %get3A_958 = arith.index_cast %add3A_279 : i32 to index
        %get3A_959 = arith.constant 640 : index
        %get3A_960 = tpu.vector_load %arg7[%get3A_958, %get3A_959] {strides = array<i32>} : memref<16x768xf32, #tpu.memory_space<vmem>>, vector<1x16xf32>,
        %get3A_961 = vector.shape_cast %get3A_960 : vector<1x16xf32> to vector<16xf32>
        %mul3A_962 = arith.constant 27.7128124 : f32
        %mul3A_963 = vector.broadcast %mul3A_962 : f32 to vector<16xf32>
        %mul3A_964 = arith.mulf %get3A_961, %mul3A_963 : vector<16xf32>
        %get3A_965 = arith.index_cast %add3A_279 : i32 to index
        %get3A_966 = arith.constant 640 : index
        %get3A_967 = tpu.vector_load %arg11[%get3A_965, %get3A_966] {strides = array<i32>} : memref<16x768xf32, #tpu.memory_space<vmem>>, vector<1x16xf32>,
        %get3A_968 = vector.shape_cast %get3A_967 : vector<1x16xf32> to vector<16xf32>
        %add3A_969 = arith.addf %mul3A_964, %get3A_968 : vector<16xf32>
        %swap3A_970 = arith.index_cast %add3A_279 : i32 to index
        %swap3A_971 = arith.constant 640 : index
        %swap3A_972 = tpu.vector_load %arg7[%swap3A_970, %swap3A_971] {strides = array<i32>} : memref<16x768xf32, #tpu.memory_space<vmem>>, vector<1x16xf32>,
        %swap3A_973 = vector.shape_cast %swap3A_972 : vector<1x16xf32> to vector<16xf32>
        %swap3A_974 = vector.shape_cast %add3A_969 : vector<16xf32> to vector<1x16xf32>
        tpu.vector_store %arg7[%swap3A_970, %swap3A_971], %swap3A_974 {strides = array<i32>} : memref<16x768xf32, #tpu.memory_space<vmem>>, vector<1x16xf32>,
        %get3A_975 = arith.index_cast %add3A_279 : i32 to index
        %get3A_976 = arith.constant 656 : index
        %get3A_977 = tpu.vector_load %arg7[%get3A_975, %get3A_976] {strides = array<i32>} : memref<16x768xf32, #tpu.memory_space<vmem>>, vector<1x16xf32>,
        %get3A_978 = vector.shape_cast %get3A_977 : vector<1x16xf32> to vector<16xf32>
        %mul3A_979 = arith.constant 27.7128124 : f32
        %mul3A_980 = vector.broadcast %mul3A_979 : f32 to vector<16xf32>
        %mul3A_981 = arith.mulf %get3A_978, %mul3A_980 : vector<16xf32>
        %get3A_982 = arith.index_cast %add3A_279 : i32 to index
        %get3A_983 = arith.constant 656 : index
        %get3A_984 = tpu.vector_load %arg11[%get3A_982, %get3A_983] {strides = array<i32>} : memref<16x768xf32, #tpu.memory_space<vmem>>, vector<1x16xf32>,
        %get3A_985 = vector.shape_cast %get3A_984 : vector<1x16xf32> to vector<16xf32>
        %add3A_986 = arith.addf %mul3A_981, %get3A_985 : vector<16xf32>
        %swap3A_987 = arith.index_cast %add3A_279 : i32 to index
        %swap3A_988 = arith.constant 656 : index
        %swap3A_989 = tpu.vector_load %arg7[%swap3A_987, %swap3A_988] {strides = array<i32>} : memref<16x768xf32, #tpu.memory_space<vmem>>, vector<1x16xf32>,
        %swap3A_990 = vector.shape_cast %swap3A_989 : vector<1x16xf32> to vector<16xf32>
        %swap3A_991 = vector.shape_cast %add3A_986 : vector<16xf32> to vector<1x16xf32>
        tpu.vector_store %arg7[%swap3A_987, %swap3A_988], %swap3A_991 {strides = array<i32>} : memref<16x768xf32, #tpu.memory_space<vmem>>, vector<1x16xf32>,
        %get3A_992 = arith.index_cast %add3A_279 : i32 to index
        %get3A_993 = arith.constant 672 : index
        %get3A_994 = tpu.vector_load %arg7[%get3A_992, %get3A_993] {strides = array<i32>} : memref<16x768xf32, #tpu.memory_space<vmem>>, vector<1x16xf32>,
        %get3A_995 = vector.shape_cast %get3A_994 : vector<1x16xf32> to vector<16xf32>
        %mul3A_996 = arith.constant 27.7128124 : f32
        %mul3A_997 = vector.broadcast %mul3A_996 : f32 to vector<16xf32>
        %mul3A_998 = arith.mulf %get3A_995, %mul3A_997 : vector<16xf32>
        %get3A_999 = arith.index_cast %add3A_279 : i32 to index
        %get3A_1000 = arith.constant 672 : index
        %get3A_1001 = tpu.vector_load %arg11[%get3A_999, %get3A_1000] {strides = array<i32>} : memref<16x768xf32, #tpu.memory_space<vmem>>, vector<1x16xf32>,
        %get3A_1002 = vector.shape_cast %get3A_1001 : vector<1x16xf32> to vector<16xf32>
        %add3A_1003 = arith.addf %mul3A_998, %get3A_1002 : vector<16xf32>
        %swap3A_1004 = arith.index_cast %add3A_279 : i32 to index
        %swap3A_1005 = arith.constant 672 : index
        %swap3A_1006 = tpu.vector_load %arg7[%swap3A_1004, %swap3A_1005] {strides = array<i32>} : memref<16x768xf32, #tpu.memory_space<vmem>>, vector<1x16xf32>,
        %swap3A_1007 = vector.shape_cast %swap3A_1006 : vector<1x16xf32> to vector<16xf32>
        %swap3A_1008 = vector.shape_cast %add3A_1003 : vector<16xf32> to vector<1x16xf32>
        tpu.vector_store %arg7[%swap3A_1004, %swap3A_1005], %swap3A_1008 {strides = array<i32>} : memref<16x768xf32, #tpu.memory_space<vmem>>, vector<1x16xf32>,
        %get3A_1009 = arith.index_cast %add3A_279 : i32 to index
        %get3A_1010 = arith.constant 688 : index
        %get3A_1011 = tpu.vector_load %arg7[%get3A_1009, %get3A_1010] {strides = array<i32>} : memref<16x768xf32, #tpu.memory_space<vmem>>, vector<1x16xf32>,
        %get3A_1012 = vector.shape_cast %get3A_1011 : vector<1x16xf32> to vector<16xf32>
        %mul3A_1013 = arith.constant 27.7128124 : f32
        %mul3A_1014 = vector.broadcast %mul3A_1013 : f32 to vector<16xf32>
        %mul3A_1015 = arith.mulf %get3A_1012, %mul3A_1014 : vector<16xf32>
        %get3A_1016 = arith.index_cast %add3A_279 : i32 to index
        %get3A_1017 = arith.constant 688 : index
        %get3A_1018 = tpu.vector_load %arg11[%get3A_1016, %get3A_1017] {strides = array<i32>} : memref<16x768xf32, #tpu.memory_space<vmem>>, vector<1x16xf32>,
        %get3A_1019 = vector.shape_cast %get3A_1018 : vector<1x16xf32> to vector<16xf32>
        %add3A_1020 = arith.addf %mul3A_1015, %get3A_1019 : vector<16xf32>
        %swap3A_1021 = arith.index_cast %add3A_279 : i32 to index
        %swap3A_1022 = arith.constant 688 : index
        %swap3A_1023 = tpu.vector_load %arg7[%swap3A_1021, %swap3A_1022] {strides = array<i32>} : memref<16x768xf32, #tpu.memory_space<vmem>>, vector<1x16xf32>,
        %swap3A_1024 = vector.shape_cast %swap3A_1023 : vector<1x16xf32> to vector<16xf32>
        %swap3A_1025 = vector.shape_cast %add3A_1020 : vector<16xf32> to vector<1x16xf32>
        tpu.vector_store %arg7[%swap3A_1021, %swap3A_1022], %swap3A_1025 {strides = array<i32>} : memref<16x768xf32, #tpu.memory_space<vmem>>, vector<1x16xf32>,
        %get3A_1026 = arith.index_cast %add3A_279 : i32 to index
        %get3A_1027 = arith.constant 704 : index
        %get3A_1028 = tpu.vector_load %arg7[%get3A_1026, %get3A_1027] {strides = array<i32>} : memref<16x768xf32, #tpu.memory_space<vmem>>, vector<1x16xf32>,
        %get3A_1029 = vector.shape_cast %get3A_1028 : vector<1x16xf32> to vector<16xf32>
        %mul3A_1030 = arith.constant 27.7128124 : f32
        %mul3A_1031 = vector.broadcast %mul3A_1030 : f32 to vector<16xf32>
        %mul3A_1032 = arith.mulf %get3A_1029, %mul3A_1031 : vector<16xf32>
        %get3A_1033 = arith.index_cast %add3A_279 : i32 to index
        %get3A_1034 = arith.constant 704 : index
        %get3A_1035 = tpu.vector_load %arg11[%get3A_1033, %get3A_1034] {strides = array<i32>} : memref<16x768xf32, #tpu.memory_space<vmem>>, vector<1x16xf32>,
        %get3A_1036 = vector.shape_cast %get3A_1035 : vector<1x16xf32> to vector<16xf32>
        %add3A_1037 = arith.addf %mul3A_1032, %get3A_1036 : vector<16xf32>
        %swap3A_1038 = arith.index_cast %add3A_279 : i32 to index
        %swap3A_1039 = arith.constant 704 : index
        %swap3A_1040 = tpu.vector_load %arg7[%swap3A_1038, %swap3A_1039] {strides = array<i32>} : memref<16x768xf32, #tpu.memory_space<vmem>>, vector<1x16xf32>,
        %swap3A_1041 = vector.shape_cast %swap3A_1040 : vector<1x16xf32> to vector<16xf32>
        %swap3A_1042 = vector.shape_cast %add3A_1037 : vector<16xf32> to vector<1x16xf32>
        tpu.vector_store %arg7[%swap3A_1038, %swap3A_1039], %swap3A_1042 {strides = array<i32>} : memref<16x768xf32, #tpu.memory_space<vmem>>, vector<1x16xf32>,
        %get3A_1043 = arith.index_cast %add3A_279 : i32 to index
        %get3A_1044 = arith.constant 720 : index
        %get3A_1045 = tpu.vector_load %arg7[%get3A_1043, %get3A_1044] {strides = array<i32>} : memref<16x768xf32, #tpu.memory_space<vmem>>, vector<1x16xf32>,
        %get3A_1046 = vector.shape_cast %get3A_1045 : vector<1x16xf32> to vector<16xf32>
        %mul3A_1047 = arith.constant 27.7128124 : f32
        %mul3A_1048 = vector.broadcast %mul3A_1047 : f32 to vector<16xf32>
        %mul3A_1049 = arith.mulf %get3A_1046, %mul3A_1048 : vector<16xf32>
        %get3A_1050 = arith.index_cast %add3A_279 : i32 to index
        %get3A_1051 = arith.constant 720 : index
        %get3A_1052 = tpu.vector_load %arg11[%get3A_1050, %get3A_1051] {strides = array<i32>} : memref<16x768xf32, #tpu.memory_space<vmem>>, vector<1x16xf32>,
        %get3A_1053 = vector.shape_cast %get3A_1052 : vector<1x16xf32> to vector<16xf32>
        %add3A_1054 = arith.addf %mul3A_1049, %get3A_1053 : vector<16xf32>
        %swap3A_1055 = arith.index_cast %add3A_279 : i32 to index
        %swap3A_1056 = arith.constant 720 : index
        %swap3A_1057 = tpu.vector_load %arg7[%swap3A_1055, %swap3A_1056] {strides = array<i32>} : memref<16x768xf32, #tpu.memory_space<vmem>>, vector<1x16xf32>,
        %swap3A_1058 = vector.shape_cast %swap3A_1057 : vector<1x16xf32> to vector<16xf32>
        %swap3A_1059 = vector.shape_cast %add3A_1054 : vector<16xf32> to vector<1x16xf32>
        tpu.vector_store %arg7[%swap3A_1055, %swap3A_1056], %swap3A_1059 {strides = array<i32>} : memref<16x768xf32, #tpu.memory_space<vmem>>, vector<1x16xf32>,
        %get3A_1060 = arith.index_cast %add3A_279 : i32 to index
        %get3A_1061 = arith.constant 736 : index
        %get3A_1062 = tpu.vector_load %arg7[%get3A_1060, %get3A_1061] {strides = array<i32>} : memref<16x768xf32, #tpu.memory_space<vmem>>, vector<1x16xf32>,
        %get3A_1063 = vector.shape_cast %get3A_1062 : vector<1x16xf32> to vector<16xf32>
        %mul3A_1064 = arith.constant 27.7128124 : f32
        %mul3A_1065 = vector.broadcast %mul3A_1064 : f32 to vector<16xf32>
        %mul3A_1066 = arith.mulf %get3A_1063, %mul3A_1065 : vector<16xf32>
        %get3A_1067 = arith.index_cast %add3A_279 : i32 to index
        %get3A_1068 = arith.constant 736 : index
        %get3A_1069 = tpu.vector_load %arg11[%get3A_1067, %get3A_1068] {strides = array<i32>} : memref<16x768xf32, #tpu.memory_space<vmem>>, vector<1x16xf32>,
        %get3A_1070 = vector.shape_cast %get3A_1069 : vector<1x16xf32> to vector<16xf32>
        %add3A_1071 = arith.addf %mul3A_1066, %get3A_1070 : vector<16xf32>
        %swap3A_1072 = arith.index_cast %add3A_279 : i32 to index
        %swap3A_1073 = arith.constant 736 : index
        %swap3A_1074 = tpu.vector_load %arg7[%swap3A_1072, %swap3A_1073] {strides = array<i32>} : memref<16x768xf32, #tpu.memory_space<vmem>>, vector<1x16xf32>,
        %swap3A_1075 = vector.shape_cast %swap3A_1074 : vector<1x16xf32> to vector<16xf32>
        %swap3A_1076 = vector.shape_cast %add3A_1071 : vector<16xf32> to vector<1x16xf32>
        tpu.vector_store %arg7[%swap3A_1072, %swap3A_1073], %swap3A_1076 {strides = array<i32>} : memref<16x768xf32, #tpu.memory_space<vmem>>, vector<1x16xf32>,
        %get3A_1077 = arith.index_cast %add3A_279 : i32 to index
        %get3A_1078 = arith.constant 752 : index
        %get3A_1079 = tpu.vector_load %arg7[%get3A_1077, %get3A_1078] {strides = array<i32>} : memref<16x768xf32, #tpu.memory_space<vmem>>, vector<1x16xf32>,
        %get3A_1080 = vector.shape_cast %get3A_1079 : vector<1x16xf32> to vector<16xf32>
        %mul3A_1081 = arith.constant 27.7128124 : f32
        %mul3A_1082 = vector.broadcast %mul3A_1081 : f32 to vector<16xf32>
        %mul3A_1083 = arith.mulf %get3A_1080, %mul3A_1082 : vector<16xf32>
        %get3A_1084 = arith.index_cast %add3A_279 : i32 to index
        %get3A_1085 = arith.constant 752 : index
        %get3A_1086 = tpu.vector_load %arg11[%get3A_1084, %get3A_1085] {strides = array<i32>} : memref<16x768xf32, #tpu.memory_space<vmem>>, vector<1x16xf32>,
        %get3A_1087 = vector.shape_cast %get3A_1086 : vector<1x16xf32> to vector<16xf32>
        %add3A_1088 = arith.addf %mul3A_1083, %get3A_1087 : vector<16xf32>
        %swap3A_1089 = arith.index_cast %add3A_279 : i32 to index
        %swap3A_1090 = arith.constant 752 : index
        %swap3A_1091 = tpu.vector_load %arg7[%swap3A_1089, %swap3A_1090] {strides = array<i32>} : memref<16x768xf32, #tpu.memory_space<vmem>>, vector<1x16xf32>,
        %swap3A_1092 = vector.shape_cast %swap3A_1091 : vector<1x16xf32> to vector<16xf32>
        %swap3A_1093 = vector.shape_cast %add3A_1088 : vector<16xf32> to vector<1x16xf32>
        tpu.vector_store %arg7[%swap3A_1089, %swap3A_1090], %swap3A_1093 {strides = array<i32>} : memref<16x768xf32, #tpu.memory_space<vmem>>, vector<1x16xf32>,
      }
      %scan3A_92 = arith.constant 16 : i32
      %gt3A = arith.constant 0 : i32
      %gt3A_93 = arith.cmpi sgt, %add3A_67, %gt3A : i32
      %convert_element_type3A = arith.extui %gt3A_93 : i1 to i32
      %cond3A = arith.constant 0 : i32
      %cond3A_94 = arith.cmpi ne, %convert_element_type3A, %cond3A : i32
      scf.if %cond3A_94 {
        %dma_wait3A_275 = arith.constant 1 : i32
        %dma_wait3A_276 = arith.constant 0 : i32
        %dma_wait3A_277 = arith.constant 0 : i32
        %dma_wait3A_278 = tpu.memref_slice %arg12[%arg1, %dma_wait3A_275, %dma_wait3A_276, %dma_wait3A_277] : memref<16x2x16x768xf32, #tpu.memory_space<vmem_shared>> -> memref<1x1x16x768xf32, #tpu.memory_space<vmem_shared>>
        %dma_wait3A_279 = tpu.memref_squeeze %dma_wait3A_278 : memref<1x1x16x768xf32, #tpu.memory_space<vmem_shared>> -> memref<16x768xf32, #tpu.memory_space<vmem_shared>>
        %dma_wait3A_280 = arith.constant 0 : i32
        %dma_wait3A_281 = arith.constant 0 : i32
        %dma_wait3A_282 = tpu.memref_slice %arg12[%arg1, %dma_wait3A_275, %dma_wait3A_280, %dma_wait3A_281] : memref<16x2x16x768xf32, #tpu.memory_space<vmem_shared>> -> memref<1x1x16x768xf32, #tpu.memory_space<vmem_shared>>
        %dma_wait3A_283 = tpu.memref_squeeze %dma_wait3A_282 : memref<1x1x16x768xf32, #tpu.memory_space<vmem_shared>> -> memref<16x768xf32, #tpu.memory_space<vmem_shared>>
        tpu.wait_dma2 semaphore(%arg19 : memref<!tpu.dma_semaphore, #tpu.memory_space<semaphore_mem>>) src(%arg10 : memref<16x768xf32, #tpu.memory_space<vmem>>) dst(%dma_wait3A_283 : memref<16x768xf32, #tpu.memory_space<vmem_shared>>)
        %sub3A = arith.constant 1 : i32
        %sub3A_284 = arith.subi %add3A_67, %sub3A : i32
        %add3A_285 = arith.constant 24576 : i32
        %add3A_286 = arith.addi %add3A_285, %mul3A_2 : i32
        %mul3A_287 = arith.constant 16 : i32
        %mul3A_288 = arith.muli %sub3A_284, %mul3A_287 : i32
        %add3A_289 = arith.addi %add3A_286, %mul3A_288 : i32
        %dma_start3A_290 = arith.constant 1 : i32
        %dma_start3A_291 = arith.constant 0 : i32
        %dma_start3A_292 = tpu.memref_slice %arg5[%add3A_289, %dma_start3A_291] : memref<32768x768xf32, #tpu.memory_space<hbm>> -> memref<16x768xf32, #tpu.memory_space<hbm>>
        %dma_start3A_293 = arith.constant 0 : i32
        %dma_start3A_294 = arith.constant 0 : i32
        %dma_start3A_295 = tpu.memref_slice %arg12[%arg1, %dma_start3A_290, %dma_start3A_293, %dma_start3A_294] : memref<16x2x16x768xf32, #tpu.memory_space<vmem_shared>> -> memref<1x1x16x768xf32, #tpu.memory_space<vmem_shared>>
        %dma_start3A_296 = tpu.memref_squeeze %dma_start3A_295 : memref<1x1x16x768xf32, #tpu.memory_space<vmem_shared>> -> memref<16x768xf32, #tpu.memory_space<vmem_shared>>
        tpu.enqueue_dma source(%dma_start3A_296 : memref<16x768xf32, #tpu.memory_space<vmem_shared>>) target(%dma_start3A_292 : memref<16x768xf32, #tpu.memory_space<hbm>>) target_semaphore(%arg21 : memref<!tpu.dma_semaphore, #tpu.memory_space<semaphore_mem>>)
      } else {
      }
      %gt3A_95 = arith.constant 0 : i32
      %gt3A_96 = arith.cmpi sgt, %add3A_67, %gt3A_95 : i32
      %convert_element_type3A_97 = arith.extui %gt3A_96 : i1 to i32
      %cond3A_98 = arith.constant 0 : i32
      %cond3A_99 = arith.cmpi ne, %convert_element_type3A_97, %cond3A_98 : i32
      scf.if %cond3A_99 {
        %dma_wait3A_275 = arith.constant 0 : i32
        %dma_wait3A_276 = arith.constant 0 : i32
        %dma_wait3A_277 = arith.constant 0 : i32
        %dma_wait3A_278 = tpu.memref_slice %arg5[%dma_wait3A_276, %dma_wait3A_277] : memref<32768x768xf32, #tpu.memory_space<hbm>> -> memref<16x768xf32, #tpu.memory_space<hbm>>
        %dma_wait3A_279 = arith.constant 0 : i32
        %dma_wait3A_280 = arith.constant 0 : i32
        %dma_wait3A_281 = tpu.memref_slice %arg12[%arg1, %dma_wait3A_275, %dma_wait3A_279, %dma_wait3A_280] : memref<16x2x16x768xf32, #tpu.memory_space<vmem_shared>> -> memref<1x1x16x768xf32, #tpu.memory_space<vmem_shared>>
        %dma_wait3A_282 = tpu.memref_squeeze %dma_wait3A_281 : memref<1x1x16x768xf32, #tpu.memory_space<vmem_shared>> -> memref<16x768xf32, #tpu.memory_space<vmem_shared>>
        tpu.wait_dma2 semaphore(%arg20 : memref<!tpu.dma_semaphore, #tpu.memory_space<semaphore_mem>>) src(%dma_wait3A_282 : memref<16x768xf32, #tpu.memory_space<vmem_shared>>) dst(%dma_wait3A_278 : memref<16x768xf32, #tpu.memory_space<hbm>>)
      } else {
      }
      %dma_start3A_100 = arith.constant 0 : i32
      %dma_start3A_101 = arith.constant 0 : i32
      %dma_start3A_102 = arith.constant 0 : i32
      %dma_start3A_103 = tpu.memref_slice %arg12[%arg1, %dma_start3A_100, %dma_start3A_101, %dma_start3A_102] : memref<16x2x16x768xf32, #tpu.memory_space<vmem_shared>> -> memref<1x1x16x768xf32, #tpu.memory_space<vmem_shared>>
      %dma_start3A_104 = tpu.memref_squeeze %dma_start3A_103 : memref<1x1x16x768xf32, #tpu.memory_space<vmem_shared>> -> memref<16x768xf32, #tpu.memory_space<vmem_shared>>
      %dma_start3A_105 = arith.constant 0 : i32
      %dma_start3A_106 = arith.constant 0 : i32
      %dma_start3A_107 = tpu.memref_slice %arg12[%arg1, %dma_start3A_100, %dma_start3A_105, %dma_start3A_106] : memref<16x2x16x768xf32, #tpu.memory_space<vmem_shared>> -> memref<1x1x16x768xf32, #tpu.memory_space<vmem_shared>>
      %dma_start3A_108 = tpu.memref_squeeze %dma_start3A_107 : memref<1x1x16x768xf32, #tpu.memory_space<vmem_shared>> -> memref<16x768xf32, #tpu.memory_space<vmem_shared>>
      tpu.enqueue_dma source(%arg7 : memref<16x768xf32, #tpu.memory_space<vmem>>) target(%dma_start3A_108 : memref<16x768xf32, #tpu.memory_space<vmem_shared>>) target_semaphore(%arg18 : memref<!tpu.dma_semaphore, #tpu.memory_space<semaphore_mem>>)
      %mul3A_109 = arith.constant 16 : i32
      %mul3A_110 = arith.muli %add3A_67, %mul3A_109 : i32
      %add3A_111 = arith.constant 768 : i32
      %add3A_112 = arith.addi %add3A_111, %mul3A_110 : i32
      %dma_start3A_113 = tpu.memref_slice %arg6[%add3A_112] : memref<1024xi32, #tpu.memory_space<vmem>> -> memref<16xi32, #tpu.memory_space<vmem>>
      %dma_start3A_114 = arith.constant 0 : i32
      %dma_start3A_115 = arith.constant 0 : i32
      %dma_start3A_116 = tpu.memref_slice %arg3[%dma_start3A_114, %dma_start3A_115] : memref<100000x768xf32, #tpu.memory_space<hbm>> -> memref<100000x768xf32, #tpu.memory_space<hbm>>
      tpu.enqueue_indirect_dma source(%dma_start3A_116 : memref<100000x768xf32, #tpu.memory_space<hbm>>) target(%arg10 : memref<16x768xf32, #tpu.memory_space<vmem>>) offsets(%dma_start3A_113 : memref<16xi32, #tpu.memory_space<vmem>>) semaphore(%arg16 : memref<!tpu.dma_semaphore, #tpu.memory_space<semaphore_mem>>)
      %dma_wait3A_117 = arith.constant 0 : i32
      %dma_wait3A_118 = arith.constant 0 : i32
      %dma_wait3A_119 = tpu.memref_slice %arg3[%dma_wait3A_117, %dma_wait3A_118] : memref<100000x768xf32, #tpu.memory_space<hbm>> -> memref<16x768xf32, #tpu.memory_space<hbm>>
      %dma_wait3A_120 = arith.constant 0 : i32
      %dma_wait3A_121 = arith.constant 0 : i32
      %dma_wait3A_122 = tpu.memref_slice %arg3[%dma_wait3A_120, %dma_wait3A_121] : memref<100000x768xf32, #tpu.memory_space<hbm>> -> memref<16x768xf32, #tpu.memory_space<hbm>>
      tpu.wait_dma2 semaphore(%arg14 : memref<!tpu.dma_semaphore, #tpu.memory_space<semaphore_mem>>) src(%dma_wait3A_122 : memref<16x768xf32, #tpu.memory_space<hbm>>) dst(%arg8 : memref<16x768xf32, #tpu.memory_space<vmem>>)
      %scan3A_123 = arith.constant 0 : i32
      %scan3A_124 = arith.constant 16 : i32
      %scan3A_125 = arith.addi %scan3A_123, %scan3A_124 : i32
      %scan3A_126 = arith.constant 1 : i32
      scf.for %scan3A_275 = %scan3A_123 to %scan3A_125 step %scan3A_126  : i32 {
        %mul3A_276 = arith.constant 1 : i32
        %mul3A_277 = arith.muli %scan3A_275, %mul3A_276 : i32
        %add3A_278 = arith.constant 0 : i32
        %add3A_279 = arith.addi %add3A_278, %mul3A_277 : i32
        %get3A = arith.index_cast %add3A_279 : i32 to index
        %get3A_280 = arith.constant 0 : index
        %get3A_281 = tpu.vector_load %arg8[%get3A, %get3A_280] {strides = array<i32>} : memref<16x768xf32, #tpu.memory_space<vmem>>, vector<1x16xf32>,
        %get3A_282 = vector.shape_cast %get3A_281 : vector<1x16xf32> to vector<16xf32>
        %mul3A_283 = arith.constant 27.7128124 : f32
        %mul3A_284 = vector.broadcast %mul3A_283 : f32 to vector<16xf32>
        %mul3A_285 = arith.mulf %get3A_282, %mul3A_284 : vector<16xf32>
        %get3A_286 = arith.index_cast %add3A_279 : i32 to index
        %get3A_287 = arith.constant 0 : index
        %get3A_288 = tpu.vector_load %arg11[%get3A_286, %get3A_287] {strides = array<i32>} : memref<16x768xf32, #tpu.memory_space<vmem>>, vector<1x16xf32>,
        %get3A_289 = vector.shape_cast %get3A_288 : vector<1x16xf32> to vector<16xf32>
        %add3A_290 = arith.addf %mul3A_285, %get3A_289 : vector<16xf32>
        %swap3A = arith.index_cast %add3A_279 : i32 to index
        %swap3A_291 = arith.constant 0 : index
        %swap3A_292 = tpu.vector_load %arg8[%swap3A, %swap3A_291] {strides = array<i32>} : memref<16x768xf32, #tpu.memory_space<vmem>>, vector<1x16xf32>,
        %swap3A_293 = vector.shape_cast %swap3A_292 : vector<1x16xf32> to vector<16xf32>
        %swap3A_294 = vector.shape_cast %add3A_290 : vector<16xf32> to vector<1x16xf32>
        tpu.vector_store %arg8[%swap3A, %swap3A_291], %swap3A_294 {strides = array<i32>} : memref<16x768xf32, #tpu.memory_space<vmem>>, vector<1x16xf32>,
        %get3A_295 = arith.index_cast %add3A_279 : i32 to index
        %get3A_296 = arith.constant 16 : index
        %get3A_297 = tpu.vector_load %arg8[%get3A_295, %get3A_296] {strides = array<i32>} : memref<16x768xf32, #tpu.memory_space<vmem>>, vector<1x16xf32>,
        %get3A_298 = vector.shape_cast %get3A_297 : vector<1x16xf32> to vector<16xf32>
        %mul3A_299 = arith.constant 27.7128124 : f32
        %mul3A_300 = vector.broadcast %mul3A_299 : f32 to vector<16xf32>
        %mul3A_301 = arith.mulf %get3A_298, %mul3A_300 : vector<16xf32>
        %get3A_302 = arith.index_cast %add3A_279 : i32 to index
        %get3A_303 = arith.constant 16 : index
        %get3A_304 = tpu.vector_load %arg11[%get3A_302, %get3A_303] {strides = array<i32>} : memref<16x768xf32, #tpu.memory_space<vmem>>, vector<1x16xf32>,
        %get3A_305 = vector.shape_cast %get3A_304 : vector<1x16xf32> to vector<16xf32>
        %add3A_306 = arith.addf %mul3A_301, %get3A_305 : vector<16xf32>
        %swap3A_307 = arith.index_cast %add3A_279 : i32 to index
        %swap3A_308 = arith.constant 16 : index
        %swap3A_309 = tpu.vector_load %arg8[%swap3A_307, %swap3A_308] {strides = array<i32>} : memref<16x768xf32, #tpu.memory_space<vmem>>, vector<1x16xf32>,
        %swap3A_310 = vector.shape_cast %swap3A_309 : vector<1x16xf32> to vector<16xf32>
        %swap3A_311 = vector.shape_cast %add3A_306 : vector<16xf32> to vector<1x16xf32>
        tpu.vector_store %arg8[%swap3A_307, %swap3A_308], %swap3A_311 {strides = array<i32>} : memref<16x768xf32, #tpu.memory_space<vmem>>, vector<1x16xf32>,
        %get3A_312 = arith.index_cast %add3A_279 : i32 to index
        %get3A_313 = arith.constant 32 : index
        %get3A_314 = tpu.vector_load %arg8[%get3A_312, %get3A_313] {strides = array<i32>} : memref<16x768xf32, #tpu.memory_space<vmem>>, vector<1x16xf32>,
        %get3A_315 = vector.shape_cast %get3A_314 : vector<1x16xf32> to vector<16xf32>
        %mul3A_316 = arith.constant 27.7128124 : f32
        %mul3A_317 = vector.broadcast %mul3A_316 : f32 to vector<16xf32>
        %mul3A_318 = arith.mulf %get3A_315, %mul3A_317 : vector<16xf32>
        %get3A_319 = arith.index_cast %add3A_279 : i32 to index
        %get3A_320 = arith.constant 32 : index
        %get3A_321 = tpu.vector_load %arg11[%get3A_319, %get3A_320] {strides = array<i32>} : memref<16x768xf32, #tpu.memory_space<vmem>>, vector<1x16xf32>,
        %get3A_322 = vector.shape_cast %get3A_321 : vector<1x16xf32> to vector<16xf32>
        %add3A_323 = arith.addf %mul3A_318, %get3A_322 : vector<16xf32>
        %swap3A_324 = arith.index_cast %add3A_279 : i32 to index
        %swap3A_325 = arith.constant 32 : index
        %swap3A_326 = tpu.vector_load %arg8[%swap3A_324, %swap3A_325] {strides = array<i32>} : memref<16x768xf32, #tpu.memory_space<vmem>>, vector<1x16xf32>,
        %swap3A_327 = vector.shape_cast %swap3A_326 : vector<1x16xf32> to vector<16xf32>
        %swap3A_328 = vector.shape_cast %add3A_323 : vector<16xf32> to vector<1x16xf32>
        tpu.vector_store %arg8[%swap3A_324, %swap3A_325], %swap3A_328 {strides = array<i32>} : memref<16x768xf32, #tpu.memory_space<vmem>>, vector<1x16xf32>,
        %get3A_329 = arith.index_cast %add3A_279 : i32 to index
        %get3A_330 = arith.constant 48 : index
        %get3A_331 = tpu.vector_load %arg8[%get3A_329, %get3A_330] {strides = array<i32>} : memref<16x768xf32, #tpu.memory_space<vmem>>, vector<1x16xf32>,
        %get3A_332 = vector.shape_cast %get3A_331 : vector<1x16xf32> to vector<16xf32>
        %mul3A_333 = arith.constant 27.7128124 : f32
        %mul3A_334 = vector.broadcast %mul3A_333 : f32 to vector<16xf32>
        %mul3A_335 = arith.mulf %get3A_332, %mul3A_334 : vector<16xf32>
        %get3A_336 = arith.index_cast %add3A_279 : i32 to index
        %get3A_337 = arith.constant 48 : index
        %get3A_338 = tpu.vector_load %arg11[%get3A_336, %get3A_337] {strides = array<i32>} : memref<16x768xf32, #tpu.memory_space<vmem>>, vector<1x16xf32>,
        %get3A_339 = vector.shape_cast %get3A_338 : vector<1x16xf32> to vector<16xf32>
        %add3A_340 = arith.addf %mul3A_335, %get3A_339 : vector<16xf32>
        %swap3A_341 = arith.index_cast %add3A_279 : i32 to index
        %swap3A_342 = arith.constant 48 : index
        %swap3A_343 = tpu.vector_load %arg8[%swap3A_341, %swap3A_342] {strides = array<i32>} : memref<16x768xf32, #tpu.memory_space<vmem>>, vector<1x16xf32>,
        %swap3A_344 = vector.shape_cast %swap3A_343 : vector<1x16xf32> to vector<16xf32>
        %swap3A_345 = vector.shape_cast %add3A_340 : vector<16xf32> to vector<1x16xf32>
        tpu.vector_store %arg8[%swap3A_341, %swap3A_342], %swap3A_345 {strides = array<i32>} : memref<16x768xf32, #tpu.memory_space<vmem>>, vector<1x16xf32>,
        %get3A_346 = arith.index_cast %add3A_279 : i32 to index
        %get3A_347 = arith.constant 64 : index
        %get3A_348 = tpu.vector_load %arg8[%get3A_346, %get3A_347] {strides = array<i32>} : memref<16x768xf32, #tpu.memory_space<vmem>>, vector<1x16xf32>,
        %get3A_349 = vector.shape_cast %get3A_348 : vector<1x16xf32> to vector<16xf32>
        %mul3A_350 = arith.constant 27.7128124 : f32
        %mul3A_351 = vector.broadcast %mul3A_350 : f32 to vector<16xf32>
        %mul3A_352 = arith.mulf %get3A_349, %mul3A_351 : vector<16xf32>
        %get3A_353 = arith.index_cast %add3A_279 : i32 to index
        %get3A_354 = arith.constant 64 : index
        %get3A_355 = tpu.vector_load %arg11[%get3A_353, %get3A_354] {strides = array<i32>} : memref<16x768xf32, #tpu.memory_space<vmem>>, vector<1x16xf32>,
        %get3A_356 = vector.shape_cast %get3A_355 : vector<1x16xf32> to vector<16xf32>
        %add3A_357 = arith.addf %mul3A_352, %get3A_356 : vector<16xf32>
        %swap3A_358 = arith.index_cast %add3A_279 : i32 to index
        %swap3A_359 = arith.constant 64 : index
        %swap3A_360 = tpu.vector_load %arg8[%swap3A_358, %swap3A_359] {strides = array<i32>} : memref<16x768xf32, #tpu.memory_space<vmem>>, vector<1x16xf32>,
        %swap3A_361 = vector.shape_cast %swap3A_360 : vector<1x16xf32> to vector<16xf32>
        %swap3A_362 = vector.shape_cast %add3A_357 : vector<16xf32> to vector<1x16xf32>
        tpu.vector_store %arg8[%swap3A_358, %swap3A_359], %swap3A_362 {strides = array<i32>} : memref<16x768xf32, #tpu.memory_space<vmem>>, vector<1x16xf32>,
        %get3A_363 = arith.index_cast %add3A_279 : i32 to index
        %get3A_364 = arith.constant 80 : index
        %get3A_365 = tpu.vector_load %arg8[%get3A_363, %get3A_364] {strides = array<i32>} : memref<16x768xf32, #tpu.memory_space<vmem>>, vector<1x16xf32>,
        %get3A_366 = vector.shape_cast %get3A_365 : vector<1x16xf32> to vector<16xf32>
        %mul3A_367 = arith.constant 27.7128124 : f32
        %mul3A_368 = vector.broadcast %mul3A_367 : f32 to vector<16xf32>
        %mul3A_369 = arith.mulf %get3A_366, %mul3A_368 : vector<16xf32>
        %get3A_370 = arith.index_cast %add3A_279 : i32 to index
        %get3A_371 = arith.constant 80 : index
        %get3A_372 = tpu.vector_load %arg11[%get3A_370, %get3A_371] {strides = array<i32>} : memref<16x768xf32, #tpu.memory_space<vmem>>, vector<1x16xf32>,
        %get3A_373 = vector.shape_cast %get3A_372 : vector<1x16xf32> to vector<16xf32>
        %add3A_374 = arith.addf %mul3A_369, %get3A_373 : vector<16xf32>
        %swap3A_375 = arith.index_cast %add3A_279 : i32 to index
        %swap3A_376 = arith.constant 80 : index
        %swap3A_377 = tpu.vector_load %arg8[%swap3A_375, %swap3A_376] {strides = array<i32>} : memref<16x768xf32, #tpu.memory_space<vmem>>, vector<1x16xf32>,
        %swap3A_378 = vector.shape_cast %swap3A_377 : vector<1x16xf32> to vector<16xf32>
        %swap3A_379 = vector.shape_cast %add3A_374 : vector<16xf32> to vector<1x16xf32>
        tpu.vector_store %arg8[%swap3A_375, %swap3A_376], %swap3A_379 {strides = array<i32>} : memref<16x768xf32, #tpu.memory_space<vmem>>, vector<1x16xf32>,
        %get3A_380 = arith.index_cast %add3A_279 : i32 to index
        %get3A_381 = arith.constant 96 : index
        %get3A_382 = tpu.vector_load %arg8[%get3A_380, %get3A_381] {strides = array<i32>} : memref<16x768xf32, #tpu.memory_space<vmem>>, vector<1x16xf32>,
        %get3A_383 = vector.shape_cast %get3A_382 : vector<1x16xf32> to vector<16xf32>
        %mul3A_384 = arith.constant 27.7128124 : f32
        %mul3A_385 = vector.broadcast %mul3A_384 : f32 to vector<16xf32>
        %mul3A_386 = arith.mulf %get3A_383, %mul3A_385 : vector<16xf32>
        %get3A_387 = arith.index_cast %add3A_279 : i32 to index
        %get3A_388 = arith.constant 96 : index
        %get3A_389 = tpu.vector_load %arg11[%get3A_387, %get3A_388] {strides = array<i32>} : memref<16x768xf32, #tpu.memory_space<vmem>>, vector<1x16xf32>,
        %get3A_390 = vector.shape_cast %get3A_389 : vector<1x16xf32> to vector<16xf32>
        %add3A_391 = arith.addf %mul3A_386, %get3A_390 : vector<16xf32>
        %swap3A_392 = arith.index_cast %add3A_279 : i32 to index
        %swap3A_393 = arith.constant 96 : index
        %swap3A_394 = tpu.vector_load %arg8[%swap3A_392, %swap3A_393] {strides = array<i32>} : memref<16x768xf32, #tpu.memory_space<vmem>>, vector<1x16xf32>,
        %swap3A_395 = vector.shape_cast %swap3A_394 : vector<1x16xf32> to vector<16xf32>
        %swap3A_396 = vector.shape_cast %add3A_391 : vector<16xf32> to vector<1x16xf32>
        tpu.vector_store %arg8[%swap3A_392, %swap3A_393], %swap3A_396 {strides = array<i32>} : memref<16x768xf32, #tpu.memory_space<vmem>>, vector<1x16xf32>,
        %get3A_397 = arith.index_cast %add3A_279 : i32 to index
        %get3A_398 = arith.constant 112 : index
        %get3A_399 = tpu.vector_load %arg8[%get3A_397, %get3A_398] {strides = array<i32>} : memref<16x768xf32, #tpu.memory_space<vmem>>, vector<1x16xf32>,
        %get3A_400 = vector.shape_cast %get3A_399 : vector<1x16xf32> to vector<16xf32>
        %mul3A_401 = arith.constant 27.7128124 : f32
        %mul3A_402 = vector.broadcast %mul3A_401 : f32 to vector<16xf32>
        %mul3A_403 = arith.mulf %get3A_400, %mul3A_402 : vector<16xf32>
        %get3A_404 = arith.index_cast %add3A_279 : i32 to index
        %get3A_405 = arith.constant 112 : index
        %get3A_406 = tpu.vector_load %arg11[%get3A_404, %get3A_405] {strides = array<i32>} : memref<16x768xf32, #tpu.memory_space<vmem>>, vector<1x16xf32>,
        %get3A_407 = vector.shape_cast %get3A_406 : vector<1x16xf32> to vector<16xf32>
        %add3A_408 = arith.addf %mul3A_403, %get3A_407 : vector<16xf32>
        %swap3A_409 = arith.index_cast %add3A_279 : i32 to index
        %swap3A_410 = arith.constant 112 : index
        %swap3A_411 = tpu.vector_load %arg8[%swap3A_409, %swap3A_410] {strides = array<i32>} : memref<16x768xf32, #tpu.memory_space<vmem>>, vector<1x16xf32>,
        %swap3A_412 = vector.shape_cast %swap3A_411 : vector<1x16xf32> to vector<16xf32>
        %swap3A_413 = vector.shape_cast %add3A_408 : vector<16xf32> to vector<1x16xf32>
        tpu.vector_store %arg8[%swap3A_409, %swap3A_410], %swap3A_413 {strides = array<i32>} : memref<16x768xf32, #tpu.memory_space<vmem>>, vector<1x16xf32>,
        %get3A_414 = arith.index_cast %add3A_279 : i32 to index
        %get3A_415 = arith.constant 128 : index
        %get3A_416 = tpu.vector_load %arg8[%get3A_414, %get3A_415] {strides = array<i32>} : memref<16x768xf32, #tpu.memory_space<vmem>>, vector<1x16xf32>,
        %get3A_417 = vector.shape_cast %get3A_416 : vector<1x16xf32> to vector<16xf32>
        %mul3A_418 = arith.constant 27.7128124 : f32
        %mul3A_419 = vector.broadcast %mul3A_418 : f32 to vector<16xf32>
        %mul3A_420 = arith.mulf %get3A_417, %mul3A_419 : vector<16xf32>
        %get3A_421 = arith.index_cast %add3A_279 : i32 to index
        %get3A_422 = arith.constant 128 : index
        %get3A_423 = tpu.vector_load %arg11[%get3A_421, %get3A_422] {strides = array<i32>} : memref<16x768xf32, #tpu.memory_space<vmem>>, vector<1x16xf32>,
        %get3A_424 = vector.shape_cast %get3A_423 : vector<1x16xf32> to vector<16xf32>
        %add3A_425 = arith.addf %mul3A_420, %get3A_424 : vector<16xf32>
        %swap3A_426 = arith.index_cast %add3A_279 : i32 to index
        %swap3A_427 = arith.constant 128 : index
        %swap3A_428 = tpu.vector_load %arg8[%swap3A_426, %swap3A_427] {strides = array<i32>} : memref<16x768xf32, #tpu.memory_space<vmem>>, vector<1x16xf32>,
        %swap3A_429 = vector.shape_cast %swap3A_428 : vector<1x16xf32> to vector<16xf32>
        %swap3A_430 = vector.shape_cast %add3A_425 : vector<16xf32> to vector<1x16xf32>
        tpu.vector_store %arg8[%swap3A_426, %swap3A_427], %swap3A_430 {strides = array<i32>} : memref<16x768xf32, #tpu.memory_space<vmem>>, vector<1x16xf32>,
        %get3A_431 = arith.index_cast %add3A_279 : i32 to index
        %get3A_432 = arith.constant 144 : index
        %get3A_433 = tpu.vector_load %arg8[%get3A_431, %get3A_432] {strides = array<i32>} : memref<16x768xf32, #tpu.memory_space<vmem>>, vector<1x16xf32>,
        %get3A_434 = vector.shape_cast %get3A_433 : vector<1x16xf32> to vector<16xf32>
        %mul3A_435 = arith.constant 27.7128124 : f32
        %mul3A_436 = vector.broadcast %mul3A_435 : f32 to vector<16xf32>
        %mul3A_437 = arith.mulf %get3A_434, %mul3A_436 : vector<16xf32>
        %get3A_438 = arith.index_cast %add3A_279 : i32 to index
        %get3A_439 = arith.constant 144 : index
        %get3A_440 = tpu.vector_load %arg11[%get3A_438, %get3A_439] {strides = array<i32>} : memref<16x768xf32, #tpu.memory_space<vmem>>, vector<1x16xf32>,
        %get3A_441 = vector.shape_cast %get3A_440 : vector<1x16xf32> to vector<16xf32>
        %add3A_442 = arith.addf %mul3A_437, %get3A_441 : vector<16xf32>
        %swap3A_443 = arith.index_cast %add3A_279 : i32 to index
        %swap3A_444 = arith.constant 144 : index
        %swap3A_445 = tpu.vector_load %arg8[%swap3A_443, %swap3A_444] {strides = array<i32>} : memref<16x768xf32, #tpu.memory_space<vmem>>, vector<1x16xf32>,
        %swap3A_446 = vector.shape_cast %swap3A_445 : vector<1x16xf32> to vector<16xf32>
        %swap3A_447 = vector.shape_cast %add3A_442 : vector<16xf32> to vector<1x16xf32>
        tpu.vector_store %arg8[%swap3A_443, %swap3A_444], %swap3A_447 {strides = array<i32>} : memref<16x768xf32, #tpu.memory_space<vmem>>, vector<1x16xf32>,
        %get3A_448 = arith.index_cast %add3A_279 : i32 to index
        %get3A_449 = arith.constant 160 : index
        %get3A_450 = tpu.vector_load %arg8[%get3A_448, %get3A_449] {strides = array<i32>} : memref<16x768xf32, #tpu.memory_space<vmem>>, vector<1x16xf32>,
        %get3A_451 = vector.shape_cast %get3A_450 : vector<1x16xf32> to vector<16xf32>
        %mul3A_452 = arith.constant 27.7128124 : f32
        %mul3A_453 = vector.broadcast %mul3A_452 : f32 to vector<16xf32>
        %mul3A_454 = arith.mulf %get3A_451, %mul3A_453 : vector<16xf32>
        %get3A_455 = arith.index_cast %add3A_279 : i32 to index
        %get3A_456 = arith.constant 160 : index
        %get3A_457 = tpu.vector_load %arg11[%get3A_455, %get3A_456] {strides = array<i32>} : memref<16x768xf32, #tpu.memory_space<vmem>>, vector<1x16xf32>,
        %get3A_458 = vector.shape_cast %get3A_457 : vector<1x16xf32> to vector<16xf32>
        %add3A_459 = arith.addf %mul3A_454, %get3A_458 : vector<16xf32>
        %swap3A_460 = arith.index_cast %add3A_279 : i32 to index
        %swap3A_461 = arith.constant 160 : index
        %swap3A_462 = tpu.vector_load %arg8[%swap3A_460, %swap3A_461] {strides = array<i32>} : memref<16x768xf32, #tpu.memory_space<vmem>>, vector<1x16xf32>,
        %swap3A_463 = vector.shape_cast %swap3A_462 : vector<1x16xf32> to vector<16xf32>
        %swap3A_464 = vector.shape_cast %add3A_459 : vector<16xf32> to vector<1x16xf32>
        tpu.vector_store %arg8[%swap3A_460, %swap3A_461], %swap3A_464 {strides = array<i32>} : memref<16x768xf32, #tpu.memory_space<vmem>>, vector<1x16xf32>,
        %get3A_465 = arith.index_cast %add3A_279 : i32 to index
        %get3A_466 = arith.constant 176 : index
        %get3A_467 = tpu.vector_load %arg8[%get3A_465, %get3A_466] {strides = array<i32>} : memref<16x768xf32, #tpu.memory_space<vmem>>, vector<1x16xf32>,
        %get3A_468 = vector.shape_cast %get3A_467 : vector<1x16xf32> to vector<16xf32>
        %mul3A_469 = arith.constant 27.7128124 : f32
        %mul3A_470 = vector.broadcast %mul3A_469 : f32 to vector<16xf32>
        %mul3A_471 = arith.mulf %get3A_468, %mul3A_470 : vector<16xf32>
        %get3A_472 = arith.index_cast %add3A_279 : i32 to index
        %get3A_473 = arith.constant 176 : index
        %get3A_474 = tpu.vector_load %arg11[%get3A_472, %get3A_473] {strides = array<i32>} : memref<16x768xf32, #tpu.memory_space<vmem>>, vector<1x16xf32>,
        %get3A_475 = vector.shape_cast %get3A_474 : vector<1x16xf32> to vector<16xf32>
        %add3A_476 = arith.addf %mul3A_471, %get3A_475 : vector<16xf32>
        %swap3A_477 = arith.index_cast %add3A_279 : i32 to index
        %swap3A_478 = arith.constant 176 : index
        %swap3A_479 = tpu.vector_load %arg8[%swap3A_477, %swap3A_478] {strides = array<i32>} : memref<16x768xf32, #tpu.memory_space<vmem>>, vector<1x16xf32>,
        %swap3A_480 = vector.shape_cast %swap3A_479 : vector<1x16xf32> to vector<16xf32>
        %swap3A_481 = vector.shape_cast %add3A_476 : vector<16xf32> to vector<1x16xf32>
        tpu.vector_store %arg8[%swap3A_477, %swap3A_478], %swap3A_481 {strides = array<i32>} : memref<16x768xf32, #tpu.memory_space<vmem>>, vector<1x16xf32>,
        %get3A_482 = arith.index_cast %add3A_279 : i32 to index
        %get3A_483 = arith.constant 192 : index
        %get3A_484 = tpu.vector_load %arg8[%get3A_482, %get3A_483] {strides = array<i32>} : memref<16x768xf32, #tpu.memory_space<vmem>>, vector<1x16xf32>,
        %get3A_485 = vector.shape_cast %get3A_484 : vector<1x16xf32> to vector<16xf32>
        %mul3A_486 = arith.constant 27.7128124 : f32
        %mul3A_487 = vector.broadcast %mul3A_486 : f32 to vector<16xf32>
        %mul3A_488 = arith.mulf %get3A_485, %mul3A_487 : vector<16xf32>
        %get3A_489 = arith.index_cast %add3A_279 : i32 to index
        %get3A_490 = arith.constant 192 : index
        %get3A_491 = tpu.vector_load %arg11[%get3A_489, %get3A_490] {strides = array<i32>} : memref<16x768xf32, #tpu.memory_space<vmem>>, vector<1x16xf32>,
        %get3A_492 = vector.shape_cast %get3A_491 : vector<1x16xf32> to vector<16xf32>
        %add3A_493 = arith.addf %mul3A_488, %get3A_492 : vector<16xf32>
        %swap3A_494 = arith.index_cast %add3A_279 : i32 to index
        %swap3A_495 = arith.constant 192 : index
        %swap3A_496 = tpu.vector_load %arg8[%swap3A_494, %swap3A_495] {strides = array<i32>} : memref<16x768xf32, #tpu.memory_space<vmem>>, vector<1x16xf32>,
        %swap3A_497 = vector.shape_cast %swap3A_496 : vector<1x16xf32> to vector<16xf32>
        %swap3A_498 = vector.shape_cast %add3A_493 : vector<16xf32> to vector<1x16xf32>
        tpu.vector_store %arg8[%swap3A_494, %swap3A_495], %swap3A_498 {strides = array<i32>} : memref<16x768xf32, #tpu.memory_space<vmem>>, vector<1x16xf32>,
        %get3A_499 = arith.index_cast %add3A_279 : i32 to index
        %get3A_500 = arith.constant 208 : index
        %get3A_501 = tpu.vector_load %arg8[%get3A_499, %get3A_500] {strides = array<i32>} : memref<16x768xf32, #tpu.memory_space<vmem>>, vector<1x16xf32>,
        %get3A_502 = vector.shape_cast %get3A_501 : vector<1x16xf32> to vector<16xf32>
        %mul3A_503 = arith.constant 27.7128124 : f32
        %mul3A_504 = vector.broadcast %mul3A_503 : f32 to vector<16xf32>
        %mul3A_505 = arith.mulf %get3A_502, %mul3A_504 : vector<16xf32>
        %get3A_506 = arith.index_cast %add3A_279 : i32 to index
        %get3A_507 = arith.constant 208 : index
        %get3A_508 = tpu.vector_load %arg11[%get3A_506, %get3A_507] {strides = array<i32>} : memref<16x768xf32, #tpu.memory_space<vmem>>, vector<1x16xf32>,
        %get3A_509 = vector.shape_cast %get3A_508 : vector<1x16xf32> to vector<16xf32>
        %add3A_510 = arith.addf %mul3A_505, %get3A_509 : vector<16xf32>
        %swap3A_511 = arith.index_cast %add3A_279 : i32 to index
        %swap3A_512 = arith.constant 208 : index
        %swap3A_513 = tpu.vector_load %arg8[%swap3A_511, %swap3A_512] {strides = array<i32>} : memref<16x768xf32, #tpu.memory_space<vmem>>, vector<1x16xf32>,
        %swap3A_514 = vector.shape_cast %swap3A_513 : vector<1x16xf32> to vector<16xf32>
        %swap3A_515 = vector.shape_cast %add3A_510 : vector<16xf32> to vector<1x16xf32>
        tpu.vector_store %arg8[%swap3A_511, %swap3A_512], %swap3A_515 {strides = array<i32>} : memref<16x768xf32, #tpu.memory_space<vmem>>, vector<1x16xf32>,
        %get3A_516 = arith.index_cast %add3A_279 : i32 to index
        %get3A_517 = arith.constant 224 : index
        %get3A_518 = tpu.vector_load %arg8[%get3A_516, %get3A_517] {strides = array<i32>} : memref<16x768xf32, #tpu.memory_space<vmem>>, vector<1x16xf32>,
        %get3A_519 = vector.shape_cast %get3A_518 : vector<1x16xf32> to vector<16xf32>
        %mul3A_520 = arith.constant 27.7128124 : f32
        %mul3A_521 = vector.broadcast %mul3A_520 : f32 to vector<16xf32>
        %mul3A_522 = arith.mulf %get3A_519, %mul3A_521 : vector<16xf32>
        %get3A_523 = arith.index_cast %add3A_279 : i32 to index
        %get3A_524 = arith.constant 224 : index
        %get3A_525 = tpu.vector_load %arg11[%get3A_523, %get3A_524] {strides = array<i32>} : memref<16x768xf32, #tpu.memory_space<vmem>>, vector<1x16xf32>,
        %get3A_526 = vector.shape_cast %get3A_525 : vector<1x16xf32> to vector<16xf32>
        %add3A_527 = arith.addf %mul3A_522, %get3A_526 : vector<16xf32>
        %swap3A_528 = arith.index_cast %add3A_279 : i32 to index
        %swap3A_529 = arith.constant 224 : index
        %swap3A_530 = tpu.vector_load %arg8[%swap3A_528, %swap3A_529] {strides = array<i32>} : memref<16x768xf32, #tpu.memory_space<vmem>>, vector<1x16xf32>,
        %swap3A_531 = vector.shape_cast %swap3A_530 : vector<1x16xf32> to vector<16xf32>
        %swap3A_532 = vector.shape_cast %add3A_527 : vector<16xf32> to vector<1x16xf32>
        tpu.vector_store %arg8[%swap3A_528, %swap3A_529], %swap3A_532 {strides = array<i32>} : memref<16x768xf32, #tpu.memory_space<vmem>>, vector<1x16xf32>,
        %get3A_533 = arith.index_cast %add3A_279 : i32 to index
        %get3A_534 = arith.constant 240 : index
        %get3A_535 = tpu.vector_load %arg8[%get3A_533, %get3A_534] {strides = array<i32>} : memref<16x768xf32, #tpu.memory_space<vmem>>, vector<1x16xf32>,
        %get3A_536 = vector.shape_cast %get3A_535 : vector<1x16xf32> to vector<16xf32>
        %mul3A_537 = arith.constant 27.7128124 : f32
        %mul3A_538 = vector.broadcast %mul3A_537 : f32 to vector<16xf32>
        %mul3A_539 = arith.mulf %get3A_536, %mul3A_538 : vector<16xf32>
        %get3A_540 = arith.index_cast %add3A_279 : i32 to index
        %get3A_541 = arith.constant 240 : index
        %get3A_542 = tpu.vector_load %arg11[%get3A_540, %get3A_541] {strides = array<i32>} : memref<16x768xf32, #tpu.memory_space<vmem>>, vector<1x16xf32>,
        %get3A_543 = vector.shape_cast %get3A_542 : vector<1x16xf32> to vector<16xf32>
        %add3A_544 = arith.addf %mul3A_539, %get3A_543 : vector<16xf32>
        %swap3A_545 = arith.index_cast %add3A_279 : i32 to index
        %swap3A_546 = arith.constant 240 : index
        %swap3A_547 = tpu.vector_load %arg8[%swap3A_545, %swap3A_546] {strides = array<i32>} : memref<16x768xf32, #tpu.memory_space<vmem>>, vector<1x16xf32>,
        %swap3A_548 = vector.shape_cast %swap3A_547 : vector<1x16xf32> to vector<16xf32>
        %swap3A_549 = vector.shape_cast %add3A_544 : vector<16xf32> to vector<1x16xf32>
        tpu.vector_store %arg8[%swap3A_545, %swap3A_546], %swap3A_549 {strides = array<i32>} : memref<16x768xf32, #tpu.memory_space<vmem>>, vector<1x16xf32>,
        %get3A_550 = arith.index_cast %add3A_279 : i32 to index
        %get3A_551 = arith.constant 256 : index
        %get3A_552 = tpu.vector_load %arg8[%get3A_550, %get3A_551] {strides = array<i32>} : memref<16x768xf32, #tpu.memory_space<vmem>>, vector<1x16xf32>,
        %get3A_553 = vector.shape_cast %get3A_552 : vector<1x16xf32> to vector<16xf32>
        %mul3A_554 = arith.constant 27.7128124 : f32
        %mul3A_555 = vector.broadcast %mul3A_554 : f32 to vector<16xf32>
        %mul3A_556 = arith.mulf %get3A_553, %mul3A_555 : vector<16xf32>
        %get3A_557 = arith.index_cast %add3A_279 : i32 to index
        %get3A_558 = arith.constant 256 : index
        %get3A_559 = tpu.vector_load %arg11[%get3A_557, %get3A_558] {strides = array<i32>} : memref<16x768xf32, #tpu.memory_space<vmem>>, vector<1x16xf32>,
        %get3A_560 = vector.shape_cast %get3A_559 : vector<1x16xf32> to vector<16xf32>
        %add3A_561 = arith.addf %mul3A_556, %get3A_560 : vector<16xf32>
        %swap3A_562 = arith.index_cast %add3A_279 : i32 to index
        %swap3A_563 = arith.constant 256 : index
        %swap3A_564 = tpu.vector_load %arg8[%swap3A_562, %swap3A_563] {strides = array<i32>} : memref<16x768xf32, #tpu.memory_space<vmem>>, vector<1x16xf32>,
        %swap3A_565 = vector.shape_cast %swap3A_564 : vector<1x16xf32> to vector<16xf32>
        %swap3A_566 = vector.shape_cast %add3A_561 : vector<16xf32> to vector<1x16xf32>
        tpu.vector_store %arg8[%swap3A_562, %swap3A_563], %swap3A_566 {strides = array<i32>} : memref<16x768xf32, #tpu.memory_space<vmem>>, vector<1x16xf32>,
        %get3A_567 = arith.index_cast %add3A_279 : i32 to index
        %get3A_568 = arith.constant 272 : index
        %get3A_569 = tpu.vector_load %arg8[%get3A_567, %get3A_568] {strides = array<i32>} : memref<16x768xf32, #tpu.memory_space<vmem>>, vector<1x16xf32>,
        %get3A_570 = vector.shape_cast %get3A_569 : vector<1x16xf32> to vector<16xf32>
        %mul3A_571 = arith.constant 27.7128124 : f32
        %mul3A_572 = vector.broadcast %mul3A_571 : f32 to vector<16xf32>
        %mul3A_573 = arith.mulf %get3A_570, %mul3A_572 : vector<16xf32>
        %get3A_574 = arith.index_cast %add3A_279 : i32 to index
        %get3A_575 = arith.constant 272 : index
        %get3A_576 = tpu.vector_load %arg11[%get3A_574, %get3A_575] {strides = array<i32>} : memref<16x768xf32, #tpu.memory_space<vmem>>, vector<1x16xf32>,
        %get3A_577 = vector.shape_cast %get3A_576 : vector<1x16xf32> to vector<16xf32>
        %add3A_578 = arith.addf %mul3A_573, %get3A_577 : vector<16xf32>
        %swap3A_579 = arith.index_cast %add3A_279 : i32 to index
        %swap3A_580 = arith.constant 272 : index
        %swap3A_581 = tpu.vector_load %arg8[%swap3A_579, %swap3A_580] {strides = array<i32>} : memref<16x768xf32, #tpu.memory_space<vmem>>, vector<1x16xf32>,
        %swap3A_582 = vector.shape_cast %swap3A_581 : vector<1x16xf32> to vector<16xf32>
        %swap3A_583 = vector.shape_cast %add3A_578 : vector<16xf32> to vector<1x16xf32>
        tpu.vector_store %arg8[%swap3A_579, %swap3A_580], %swap3A_583 {strides = array<i32>} : memref<16x768xf32, #tpu.memory_space<vmem>>, vector<1x16xf32>,
        %get3A_584 = arith.index_cast %add3A_279 : i32 to index
        %get3A_585 = arith.constant 288 : index
        %get3A_586 = tpu.vector_load %arg8[%get3A_584, %get3A_585] {strides = array<i32>} : memref<16x768xf32, #tpu.memory_space<vmem>>, vector<1x16xf32>,
        %get3A_587 = vector.shape_cast %get3A_586 : vector<1x16xf32> to vector<16xf32>
        %mul3A_588 = arith.constant 27.7128124 : f32
        %mul3A_589 = vector.broadcast %mul3A_588 : f32 to vector<16xf32>
        %mul3A_590 = arith.mulf %get3A_587, %mul3A_589 : vector<16xf32>
        %get3A_591 = arith.index_cast %add3A_279 : i32 to index
        %get3A_592 = arith.constant 288 : index
        %get3A_593 = tpu.vector_load %arg11[%get3A_591, %get3A_592] {strides = array<i32>} : memref<16x768xf32, #tpu.memory_space<vmem>>, vector<1x16xf32>,
        %get3A_594 = vector.shape_cast %get3A_593 : vector<1x16xf32> to vector<16xf32>
        %add3A_595 = arith.addf %mul3A_590, %get3A_594 : vector<16xf32>
        %swap3A_596 = arith.index_cast %add3A_279 : i32 to index
        %swap3A_597 = arith.constant 288 : index
        %swap3A_598 = tpu.vector_load %arg8[%swap3A_596, %swap3A_597] {strides = array<i32>} : memref<16x768xf32, #tpu.memory_space<vmem>>, vector<1x16xf32>,
        %swap3A_599 = vector.shape_cast %swap3A_598 : vector<1x16xf32> to vector<16xf32>
        %swap3A_600 = vector.shape_cast %add3A_595 : vector<16xf32> to vector<1x16xf32>
        tpu.vector_store %arg8[%swap3A_596, %swap3A_597], %swap3A_600 {strides = array<i32>} : memref<16x768xf32, #tpu.memory_space<vmem>>, vector<1x16xf32>,
        %get3A_601 = arith.index_cast %add3A_279 : i32 to index
        %get3A_602 = arith.constant 304 : index
        %get3A_603 = tpu.vector_load %arg8[%get3A_601, %get3A_602] {strides = array<i32>} : memref<16x768xf32, #tpu.memory_space<vmem>>, vector<1x16xf32>,
        %get3A_604 = vector.shape_cast %get3A_603 : vector<1x16xf32> to vector<16xf32>
        %mul3A_605 = arith.constant 27.7128124 : f32
        %mul3A_606 = vector.broadcast %mul3A_605 : f32 to vector<16xf32>
        %mul3A_607 = arith.mulf %get3A_604, %mul3A_606 : vector<16xf32>
        %get3A_608 = arith.index_cast %add3A_279 : i32 to index
        %get3A_609 = arith.constant 304 : index
        %get3A_610 = tpu.vector_load %arg11[%get3A_608, %get3A_609] {strides = array<i32>} : memref<16x768xf32, #tpu.memory_space<vmem>>, vector<1x16xf32>,
        %get3A_611 = vector.shape_cast %get3A_610 : vector<1x16xf32> to vector<16xf32>
        %add3A_612 = arith.addf %mul3A_607, %get3A_611 : vector<16xf32>
        %swap3A_613 = arith.index_cast %add3A_279 : i32 to index
        %swap3A_614 = arith.constant 304 : index
        %swap3A_615 = tpu.vector_load %arg8[%swap3A_613, %swap3A_614] {strides = array<i32>} : memref<16x768xf32, #tpu.memory_space<vmem>>, vector<1x16xf32>,
        %swap3A_616 = vector.shape_cast %swap3A_615 : vector<1x16xf32> to vector<16xf32>
        %swap3A_617 = vector.shape_cast %add3A_612 : vector<16xf32> to vector<1x16xf32>
        tpu.vector_store %arg8[%swap3A_613, %swap3A_614], %swap3A_617 {strides = array<i32>} : memref<16x768xf32, #tpu.memory_space<vmem>>, vector<1x16xf32>,
        %get3A_618 = arith.index_cast %add3A_279 : i32 to index
        %get3A_619 = arith.constant 320 : index
        %get3A_620 = tpu.vector_load %arg8[%get3A_618, %get3A_619] {strides = array<i32>} : memref<16x768xf32, #tpu.memory_space<vmem>>, vector<1x16xf32>,
        %get3A_621 = vector.shape_cast %get3A_620 : vector<1x16xf32> to vector<16xf32>
        %mul3A_622 = arith.constant 27.7128124 : f32
        %mul3A_623 = vector.broadcast %mul3A_622 : f32 to vector<16xf32>
        %mul3A_624 = arith.mulf %get3A_621, %mul3A_623 : vector<16xf32>
        %get3A_625 = arith.index_cast %add3A_279 : i32 to index
        %get3A_626 = arith.constant 320 : index
        %get3A_627 = tpu.vector_load %arg11[%get3A_625, %get3A_626] {strides = array<i32>} : memref<16x768xf32, #tpu.memory_space<vmem>>, vector<1x16xf32>,
        %get3A_628 = vector.shape_cast %get3A_627 : vector<1x16xf32> to vector<16xf32>
        %add3A_629 = arith.addf %mul3A_624, %get3A_628 : vector<16xf32>
        %swap3A_630 = arith.index_cast %add3A_279 : i32 to index
        %swap3A_631 = arith.constant 320 : index
        %swap3A_632 = tpu.vector_load %arg8[%swap3A_630, %swap3A_631] {strides = array<i32>} : memref<16x768xf32, #tpu.memory_space<vmem>>, vector<1x16xf32>,
        %swap3A_633 = vector.shape_cast %swap3A_632 : vector<1x16xf32> to vector<16xf32>
        %swap3A_634 = vector.shape_cast %add3A_629 : vector<16xf32> to vector<1x16xf32>
        tpu.vector_store %arg8[%swap3A_630, %swap3A_631], %swap3A_634 {strides = array<i32>} : memref<16x768xf32, #tpu.memory_space<vmem>>, vector<1x16xf32>,
        %get3A_635 = arith.index_cast %add3A_279 : i32 to index
        %get3A_636 = arith.constant 336 : index
        %get3A_637 = tpu.vector_load %arg8[%get3A_635, %get3A_636] {strides = array<i32>} : memref<16x768xf32, #tpu.memory_space<vmem>>, vector<1x16xf32>,
        %get3A_638 = vector.shape_cast %get3A_637 : vector<1x16xf32> to vector<16xf32>
        %mul3A_639 = arith.constant 27.7128124 : f32
        %mul3A_640 = vector.broadcast %mul3A_639 : f32 to vector<16xf32>
        %mul3A_641 = arith.mulf %get3A_638, %mul3A_640 : vector<16xf32>
        %get3A_642 = arith.index_cast %add3A_279 : i32 to index
        %get3A_643 = arith.constant 336 : index
        %get3A_644 = tpu.vector_load %arg11[%get3A_642, %get3A_643] {strides = array<i32>} : memref<16x768xf32, #tpu.memory_space<vmem>>, vector<1x16xf32>,
        %get3A_645 = vector.shape_cast %get3A_644 : vector<1x16xf32> to vector<16xf32>
        %add3A_646 = arith.addf %mul3A_641, %get3A_645 : vector<16xf32>
        %swap3A_647 = arith.index_cast %add3A_279 : i32 to index
        %swap3A_648 = arith.constant 336 : index
        %swap3A_649 = tpu.vector_load %arg8[%swap3A_647, %swap3A_648] {strides = array<i32>} : memref<16x768xf32, #tpu.memory_space<vmem>>, vector<1x16xf32>,
        %swap3A_650 = vector.shape_cast %swap3A_649 : vector<1x16xf32> to vector<16xf32>
        %swap3A_651 = vector.shape_cast %add3A_646 : vector<16xf32> to vector<1x16xf32>
        tpu.vector_store %arg8[%swap3A_647, %swap3A_648], %swap3A_651 {strides = array<i32>} : memref<16x768xf32, #tpu.memory_space<vmem>>, vector<1x16xf32>,
        %get3A_652 = arith.index_cast %add3A_279 : i32 to index
        %get3A_653 = arith.constant 352 : index
        %get3A_654 = tpu.vector_load %arg8[%get3A_652, %get3A_653] {strides = array<i32>} : memref<16x768xf32, #tpu.memory_space<vmem>>, vector<1x16xf32>,
        %get3A_655 = vector.shape_cast %get3A_654 : vector<1x16xf32> to vector<16xf32>
        %mul3A_656 = arith.constant 27.7128124 : f32
        %mul3A_657 = vector.broadcast %mul3A_656 : f32 to vector<16xf32>
        %mul3A_658 = arith.mulf %get3A_655, %mul3A_657 : vector<16xf32>
        %get3A_659 = arith.index_cast %add3A_279 : i32 to index
        %get3A_660 = arith.constant 352 : index
        %get3A_661 = tpu.vector_load %arg11[%get3A_659, %get3A_660] {strides = array<i32>} : memref<16x768xf32, #tpu.memory_space<vmem>>, vector<1x16xf32>,
        %get3A_662 = vector.shape_cast %get3A_661 : vector<1x16xf32> to vector<16xf32>
        %add3A_663 = arith.addf %mul3A_658, %get3A_662 : vector<16xf32>
        %swap3A_664 = arith.index_cast %add3A_279 : i32 to index
        %swap3A_665 = arith.constant 352 : index
        %swap3A_666 = tpu.vector_load %arg8[%swap3A_664, %swap3A_665] {strides = array<i32>} : memref<16x768xf32, #tpu.memory_space<vmem>>, vector<1x16xf32>,
        %swap3A_667 = vector.shape_cast %swap3A_666 : vector<1x16xf32> to vector<16xf32>
        %swap3A_668 = vector.shape_cast %add3A_663 : vector<16xf32> to vector<1x16xf32>
        tpu.vector_store %arg8[%swap3A_664, %swap3A_665], %swap3A_668 {strides = array<i32>} : memref<16x768xf32, #tpu.memory_space<vmem>>, vector<1x16xf32>,
        %get3A_669 = arith.index_cast %add3A_279 : i32 to index
        %get3A_670 = arith.constant 368 : index
        %get3A_671 = tpu.vector_load %arg8[%get3A_669, %get3A_670] {strides = array<i32>} : memref<16x768xf32, #tpu.memory_space<vmem>>, vector<1x16xf32>,
        %get3A_672 = vector.shape_cast %get3A_671 : vector<1x16xf32> to vector<16xf32>
        %mul3A_673 = arith.constant 27.7128124 : f32
        %mul3A_674 = vector.broadcast %mul3A_673 : f32 to vector<16xf32>
        %mul3A_675 = arith.mulf %get3A_672, %mul3A_674 : vector<16xf32>
        %get3A_676 = arith.index_cast %add3A_279 : i32 to index
        %get3A_677 = arith.constant 368 : index
        %get3A_678 = tpu.vector_load %arg11[%get3A_676, %get3A_677] {strides = array<i32>} : memref<16x768xf32, #tpu.memory_space<vmem>>, vector<1x16xf32>,
        %get3A_679 = vector.shape_cast %get3A_678 : vector<1x16xf32> to vector<16xf32>
        %add3A_680 = arith.addf %mul3A_675, %get3A_679 : vector<16xf32>
        %swap3A_681 = arith.index_cast %add3A_279 : i32 to index
        %swap3A_682 = arith.constant 368 : index
        %swap3A_683 = tpu.vector_load %arg8[%swap3A_681, %swap3A_682] {strides = array<i32>} : memref<16x768xf32, #tpu.memory_space<vmem>>, vector<1x16xf32>,
        %swap3A_684 = vector.shape_cast %swap3A_683 : vector<1x16xf32> to vector<16xf32>
        %swap3A_685 = vector.shape_cast %add3A_680 : vector<16xf32> to vector<1x16xf32>
        tpu.vector_store %arg8[%swap3A_681, %swap3A_682], %swap3A_685 {strides = array<i32>} : memref<16x768xf32, #tpu.memory_space<vmem>>, vector<1x16xf32>,
        %get3A_686 = arith.index_cast %add3A_279 : i32 to index
        %get3A_687 = arith.constant 384 : index
        %get3A_688 = tpu.vector_load %arg8[%get3A_686, %get3A_687] {strides = array<i32>} : memref<16x768xf32, #tpu.memory_space<vmem>>, vector<1x16xf32>,
        %get3A_689 = vector.shape_cast %get3A_688 : vector<1x16xf32> to vector<16xf32>
        %mul3A_690 = arith.constant 27.7128124 : f32
        %mul3A_691 = vector.broadcast %mul3A_690 : f32 to vector<16xf32>
        %mul3A_692 = arith.mulf %get3A_689, %mul3A_691 : vector<16xf32>
        %get3A_693 = arith.index_cast %add3A_279 : i32 to index
        %get3A_694 = arith.constant 384 : index
        %get3A_695 = tpu.vector_load %arg11[%get3A_693, %get3A_694] {strides = array<i32>} : memref<16x768xf32, #tpu.memory_space<vmem>>, vector<1x16xf32>,
        %get3A_696 = vector.shape_cast %get3A_695 : vector<1x16xf32> to vector<16xf32>
        %add3A_697 = arith.addf %mul3A_692, %get3A_696 : vector<16xf32>
        %swap3A_698 = arith.index_cast %add3A_279 : i32 to index
        %swap3A_699 = arith.constant 384 : index
        %swap3A_700 = tpu.vector_load %arg8[%swap3A_698, %swap3A_699] {strides = array<i32>} : memref<16x768xf32, #tpu.memory_space<vmem>>, vector<1x16xf32>,
        %swap3A_701 = vector.shape_cast %swap3A_700 : vector<1x16xf32> to vector<16xf32>
        %swap3A_702 = vector.shape_cast %add3A_697 : vector<16xf32> to vector<1x16xf32>
        tpu.vector_store %arg8[%swap3A_698, %swap3A_699], %swap3A_702 {strides = array<i32>} : memref<16x768xf32, #tpu.memory_space<vmem>>, vector<1x16xf32>,
        %get3A_703 = arith.index_cast %add3A_279 : i32 to index
        %get3A_704 = arith.constant 400 : index
        %get3A_705 = tpu.vector_load %arg8[%get3A_703, %get3A_704] {strides = array<i32>} : memref<16x768xf32, #tpu.memory_space<vmem>>, vector<1x16xf32>,
        %get3A_706 = vector.shape_cast %get3A_705 : vector<1x16xf32> to vector<16xf32>
        %mul3A_707 = arith.constant 27.7128124 : f32
        %mul3A_708 = vector.broadcast %mul3A_707 : f32 to vector<16xf32>
        %mul3A_709 = arith.mulf %get3A_706, %mul3A_708 : vector<16xf32>
        %get3A_710 = arith.index_cast %add3A_279 : i32 to index
        %get3A_711 = arith.constant 400 : index
        %get3A_712 = tpu.vector_load %arg11[%get3A_710, %get3A_711] {strides = array<i32>} : memref<16x768xf32, #tpu.memory_space<vmem>>, vector<1x16xf32>,
        %get3A_713 = vector.shape_cast %get3A_712 : vector<1x16xf32> to vector<16xf32>
        %add3A_714 = arith.addf %mul3A_709, %get3A_713 : vector<16xf32>
        %swap3A_715 = arith.index_cast %add3A_279 : i32 to index
        %swap3A_716 = arith.constant 400 : index
        %swap3A_717 = tpu.vector_load %arg8[%swap3A_715, %swap3A_716] {strides = array<i32>} : memref<16x768xf32, #tpu.memory_space<vmem>>, vector<1x16xf32>,
        %swap3A_718 = vector.shape_cast %swap3A_717 : vector<1x16xf32> to vector<16xf32>
        %swap3A_719 = vector.shape_cast %add3A_714 : vector<16xf32> to vector<1x16xf32>
        tpu.vector_store %arg8[%swap3A_715, %swap3A_716], %swap3A_719 {strides = array<i32>} : memref<16x768xf32, #tpu.memory_space<vmem>>, vector<1x16xf32>,
        %get3A_720 = arith.index_cast %add3A_279 : i32 to index
        %get3A_721 = arith.constant 416 : index
        %get3A_722 = tpu.vector_load %arg8[%get3A_720, %get3A_721] {strides = array<i32>} : memref<16x768xf32, #tpu.memory_space<vmem>>, vector<1x16xf32>,
        %get3A_723 = vector.shape_cast %get3A_722 : vector<1x16xf32> to vector<16xf32>
        %mul3A_724 = arith.constant 27.7128124 : f32
        %mul3A_725 = vector.broadcast %mul3A_724 : f32 to vector<16xf32>
        %mul3A_726 = arith.mulf %get3A_723, %mul3A_725 : vector<16xf32>
        %get3A_727 = arith.index_cast %add3A_279 : i32 to index
        %get3A_728 = arith.constant 416 : index
        %get3A_729 = tpu.vector_load %arg11[%get3A_727, %get3A_728] {strides = array<i32>} : memref<16x768xf32, #tpu.memory_space<vmem>>, vector<1x16xf32>,
        %get3A_730 = vector.shape_cast %get3A_729 : vector<1x16xf32> to vector<16xf32>
        %add3A_731 = arith.addf %mul3A_726, %get3A_730 : vector<16xf32>
        %swap3A_732 = arith.index_cast %add3A_279 : i32 to index
        %swap3A_733 = arith.constant 416 : index
        %swap3A_734 = tpu.vector_load %arg8[%swap3A_732, %swap3A_733] {strides = array<i32>} : memref<16x768xf32, #tpu.memory_space<vmem>>, vector<1x16xf32>,
        %swap3A_735 = vector.shape_cast %swap3A_734 : vector<1x16xf32> to vector<16xf32>
        %swap3A_736 = vector.shape_cast %add3A_731 : vector<16xf32> to vector<1x16xf32>
        tpu.vector_store %arg8[%swap3A_732, %swap3A_733], %swap3A_736 {strides = array<i32>} : memref<16x768xf32, #tpu.memory_space<vmem>>, vector<1x16xf32>,
        %get3A_737 = arith.index_cast %add3A_279 : i32 to index
        %get3A_738 = arith.constant 432 : index
        %get3A_739 = tpu.vector_load %arg8[%get3A_737, %get3A_738] {strides = array<i32>} : memref<16x768xf32, #tpu.memory_space<vmem>>, vector<1x16xf32>,
        %get3A_740 = vector.shape_cast %get3A_739 : vector<1x16xf32> to vector<16xf32>
        %mul3A_741 = arith.constant 27.7128124 : f32
        %mul3A_742 = vector.broadcast %mul3A_741 : f32 to vector<16xf32>
        %mul3A_743 = arith.mulf %get3A_740, %mul3A_742 : vector<16xf32>
        %get3A_744 = arith.index_cast %add3A_279 : i32 to index
        %get3A_745 = arith.constant 432 : index
        %get3A_746 = tpu.vector_load %arg11[%get3A_744, %get3A_745] {strides = array<i32>} : memref<16x768xf32, #tpu.memory_space<vmem>>, vector<1x16xf32>,
        %get3A_747 = vector.shape_cast %get3A_746 : vector<1x16xf32> to vector<16xf32>
        %add3A_748 = arith.addf %mul3A_743, %get3A_747 : vector<16xf32>
        %swap3A_749 = arith.index_cast %add3A_279 : i32 to index
        %swap3A_750 = arith.constant 432 : index
        %swap3A_751 = tpu.vector_load %arg8[%swap3A_749, %swap3A_750] {strides = array<i32>} : memref<16x768xf32, #tpu.memory_space<vmem>>, vector<1x16xf32>,
        %swap3A_752 = vector.shape_cast %swap3A_751 : vector<1x16xf32> to vector<16xf32>
        %swap3A_753 = vector.shape_cast %add3A_748 : vector<16xf32> to vector<1x16xf32>
        tpu.vector_store %arg8[%swap3A_749, %swap3A_750], %swap3A_753 {strides = array<i32>} : memref<16x768xf32, #tpu.memory_space<vmem>>, vector<1x16xf32>,
        %get3A_754 = arith.index_cast %add3A_279 : i32 to index
        %get3A_755 = arith.constant 448 : index
        %get3A_756 = tpu.vector_load %arg8[%get3A_754, %get3A_755] {strides = array<i32>} : memref<16x768xf32, #tpu.memory_space<vmem>>, vector<1x16xf32>,
        %get3A_757 = vector.shape_cast %get3A_756 : vector<1x16xf32> to vector<16xf32>
        %mul3A_758 = arith.constant 27.7128124 : f32
        %mul3A_759 = vector.broadcast %mul3A_758 : f32 to vector<16xf32>
        %mul3A_760 = arith.mulf %get3A_757, %mul3A_759 : vector<16xf32>
        %get3A_761 = arith.index_cast %add3A_279 : i32 to index
        %get3A_762 = arith.constant 448 : index
        %get3A_763 = tpu.vector_load %arg11[%get3A_761, %get3A_762] {strides = array<i32>} : memref<16x768xf32, #tpu.memory_space<vmem>>, vector<1x16xf32>,
        %get3A_764 = vector.shape_cast %get3A_763 : vector<1x16xf32> to vector<16xf32>
        %add3A_765 = arith.addf %mul3A_760, %get3A_764 : vector<16xf32>
        %swap3A_766 = arith.index_cast %add3A_279 : i32 to index
        %swap3A_767 = arith.constant 448 : index
        %swap3A_768 = tpu.vector_load %arg8[%swap3A_766, %swap3A_767] {strides = array<i32>} : memref<16x768xf32, #tpu.memory_space<vmem>>, vector<1x16xf32>,
        %swap3A_769 = vector.shape_cast %swap3A_768 : vector<1x16xf32> to vector<16xf32>
        %swap3A_770 = vector.shape_cast %add3A_765 : vector<16xf32> to vector<1x16xf32>
        tpu.vector_store %arg8[%swap3A_766, %swap3A_767], %swap3A_770 {strides = array<i32>} : memref<16x768xf32, #tpu.memory_space<vmem>>, vector<1x16xf32>,
        %get3A_771 = arith.index_cast %add3A_279 : i32 to index
        %get3A_772 = arith.constant 464 : index
        %get3A_773 = tpu.vector_load %arg8[%get3A_771, %get3A_772] {strides = array<i32>} : memref<16x768xf32, #tpu.memory_space<vmem>>, vector<1x16xf32>,
        %get3A_774 = vector.shape_cast %get3A_773 : vector<1x16xf32> to vector<16xf32>
        %mul3A_775 = arith.constant 27.7128124 : f32
        %mul3A_776 = vector.broadcast %mul3A_775 : f32 to vector<16xf32>
        %mul3A_777 = arith.mulf %get3A_774, %mul3A_776 : vector<16xf32>
        %get3A_778 = arith.index_cast %add3A_279 : i32 to index
        %get3A_779 = arith.constant 464 : index
        %get3A_780 = tpu.vector_load %arg11[%get3A_778, %get3A_779] {strides = array<i32>} : memref<16x768xf32, #tpu.memory_space<vmem>>, vector<1x16xf32>,
        %get3A_781 = vector.shape_cast %get3A_780 : vector<1x16xf32> to vector<16xf32>
        %add3A_782 = arith.addf %mul3A_777, %get3A_781 : vector<16xf32>
        %swap3A_783 = arith.index_cast %add3A_279 : i32 to index
        %swap3A_784 = arith.constant 464 : index
        %swap3A_785 = tpu.vector_load %arg8[%swap3A_783, %swap3A_784] {strides = array<i32>} : memref<16x768xf32, #tpu.memory_space<vmem>>, vector<1x16xf32>,
        %swap3A_786 = vector.shape_cast %swap3A_785 : vector<1x16xf32> to vector<16xf32>
        %swap3A_787 = vector.shape_cast %add3A_782 : vector<16xf32> to vector<1x16xf32>
        tpu.vector_store %arg8[%swap3A_783, %swap3A_784], %swap3A_787 {strides = array<i32>} : memref<16x768xf32, #tpu.memory_space<vmem>>, vector<1x16xf32>,
        %get3A_788 = arith.index_cast %add3A_279 : i32 to index
        %get3A_789 = arith.constant 480 : index
        %get3A_790 = tpu.vector_load %arg8[%get3A_788, %get3A_789] {strides = array<i32>} : memref<16x768xf32, #tpu.memory_space<vmem>>, vector<1x16xf32>,
        %get3A_791 = vector.shape_cast %get3A_790 : vector<1x16xf32> to vector<16xf32>
        %mul3A_792 = arith.constant 27.7128124 : f32
        %mul3A_793 = vector.broadcast %mul3A_792 : f32 to vector<16xf32>
        %mul3A_794 = arith.mulf %get3A_791, %mul3A_793 : vector<16xf32>
        %get3A_795 = arith.index_cast %add3A_279 : i32 to index
        %get3A_796 = arith.constant 480 : index
        %get3A_797 = tpu.vector_load %arg11[%get3A_795, %get3A_796] {strides = array<i32>} : memref<16x768xf32, #tpu.memory_space<vmem>>, vector<1x16xf32>,
        %get3A_798 = vector.shape_cast %get3A_797 : vector<1x16xf32> to vector<16xf32>
        %add3A_799 = arith.addf %mul3A_794, %get3A_798 : vector<16xf32>
        %swap3A_800 = arith.index_cast %add3A_279 : i32 to index
        %swap3A_801 = arith.constant 480 : index
        %swap3A_802 = tpu.vector_load %arg8[%swap3A_800, %swap3A_801] {strides = array<i32>} : memref<16x768xf32, #tpu.memory_space<vmem>>, vector<1x16xf32>,
        %swap3A_803 = vector.shape_cast %swap3A_802 : vector<1x16xf32> to vector<16xf32>
        %swap3A_804 = vector.shape_cast %add3A_799 : vector<16xf32> to vector<1x16xf32>
        tpu.vector_store %arg8[%swap3A_800, %swap3A_801], %swap3A_804 {strides = array<i32>} : memref<16x768xf32, #tpu.memory_space<vmem>>, vector<1x16xf32>,
        %get3A_805 = arith.index_cast %add3A_279 : i32 to index
        %get3A_806 = arith.constant 496 : index
        %get3A_807 = tpu.vector_load %arg8[%get3A_805, %get3A_806] {strides = array<i32>} : memref<16x768xf32, #tpu.memory_space<vmem>>, vector<1x16xf32>,
        %get3A_808 = vector.shape_cast %get3A_807 : vector<1x16xf32> to vector<16xf32>
        %mul3A_809 = arith.constant 27.7128124 : f32
        %mul3A_810 = vector.broadcast %mul3A_809 : f32 to vector<16xf32>
        %mul3A_811 = arith.mulf %get3A_808, %mul3A_810 : vector<16xf32>
        %get3A_812 = arith.index_cast %add3A_279 : i32 to index
        %get3A_813 = arith.constant 496 : index
        %get3A_814 = tpu.vector_load %arg11[%get3A_812, %get3A_813] {strides = array<i32>} : memref<16x768xf32, #tpu.memory_space<vmem>>, vector<1x16xf32>,
        %get3A_815 = vector.shape_cast %get3A_814 : vector<1x16xf32> to vector<16xf32>
        %add3A_816 = arith.addf %mul3A_811, %get3A_815 : vector<16xf32>
        %swap3A_817 = arith.index_cast %add3A_279 : i32 to index
        %swap3A_818 = arith.constant 496 : index
        %swap3A_819 = tpu.vector_load %arg8[%swap3A_817, %swap3A_818] {strides = array<i32>} : memref<16x768xf32, #tpu.memory_space<vmem>>, vector<1x16xf32>,
        %swap3A_820 = vector.shape_cast %swap3A_819 : vector<1x16xf32> to vector<16xf32>
        %swap3A_821 = vector.shape_cast %add3A_816 : vector<16xf32> to vector<1x16xf32>
        tpu.vector_store %arg8[%swap3A_817, %swap3A_818], %swap3A_821 {strides = array<i32>} : memref<16x768xf32, #tpu.memory_space<vmem>>, vector<1x16xf32>,
        %get3A_822 = arith.index_cast %add3A_279 : i32 to index
        %get3A_823 = arith.constant 512 : index
        %get3A_824 = tpu.vector_load %arg8[%get3A_822, %get3A_823] {strides = array<i32>} : memref<16x768xf32, #tpu.memory_space<vmem>>, vector<1x16xf32>,
        %get3A_825 = vector.shape_cast %get3A_824 : vector<1x16xf32> to vector<16xf32>
        %mul3A_826 = arith.constant 27.7128124 : f32
        %mul3A_827 = vector.broadcast %mul3A_826 : f32 to vector<16xf32>
        %mul3A_828 = arith.mulf %get3A_825, %mul3A_827 : vector<16xf32>
        %get3A_829 = arith.index_cast %add3A_279 : i32 to index
        %get3A_830 = arith.constant 512 : index
        %get3A_831 = tpu.vector_load %arg11[%get3A_829, %get3A_830] {strides = array<i32>} : memref<16x768xf32, #tpu.memory_space<vmem>>, vector<1x16xf32>,
        %get3A_832 = vector.shape_cast %get3A_831 : vector<1x16xf32> to vector<16xf32>
        %add3A_833 = arith.addf %mul3A_828, %get3A_832 : vector<16xf32>
        %swap3A_834 = arith.index_cast %add3A_279 : i32 to index
        %swap3A_835 = arith.constant 512 : index
        %swap3A_836 = tpu.vector_load %arg8[%swap3A_834, %swap3A_835] {strides = array<i32>} : memref<16x768xf32, #tpu.memory_space<vmem>>, vector<1x16xf32>,
        %swap3A_837 = vector.shape_cast %swap3A_836 : vector<1x16xf32> to vector<16xf32>
        %swap3A_838 = vector.shape_cast %add3A_833 : vector<16xf32> to vector<1x16xf32>
        tpu.vector_store %arg8[%swap3A_834, %swap3A_835], %swap3A_838 {strides = array<i32>} : memref<16x768xf32, #tpu.memory_space<vmem>>, vector<1x16xf32>,
        %get3A_839 = arith.index_cast %add3A_279 : i32 to index
        %get3A_840 = arith.constant 528 : index
        %get3A_841 = tpu.vector_load %arg8[%get3A_839, %get3A_840] {strides = array<i32>} : memref<16x768xf32, #tpu.memory_space<vmem>>, vector<1x16xf32>,
        %get3A_842 = vector.shape_cast %get3A_841 : vector<1x16xf32> to vector<16xf32>
        %mul3A_843 = arith.constant 27.7128124 : f32
        %mul3A_844 = vector.broadcast %mul3A_843 : f32 to vector<16xf32>
        %mul3A_845 = arith.mulf %get3A_842, %mul3A_844 : vector<16xf32>
        %get3A_846 = arith.index_cast %add3A_279 : i32 to index
        %get3A_847 = arith.constant 528 : index
        %get3A_848 = tpu.vector_load %arg11[%get3A_846, %get3A_847] {strides = array<i32>} : memref<16x768xf32, #tpu.memory_space<vmem>>, vector<1x16xf32>,
        %get3A_849 = vector.shape_cast %get3A_848 : vector<1x16xf32> to vector<16xf32>
        %add3A_850 = arith.addf %mul3A_845, %get3A_849 : vector<16xf32>
        %swap3A_851 = arith.index_cast %add3A_279 : i32 to index
        %swap3A_852 = arith.constant 528 : index
        %swap3A_853 = tpu.vector_load %arg8[%swap3A_851, %swap3A_852] {strides = array<i32>} : memref<16x768xf32, #tpu.memory_space<vmem>>, vector<1x16xf32>,
        %swap3A_854 = vector.shape_cast %swap3A_853 : vector<1x16xf32> to vector<16xf32>
        %swap3A_855 = vector.shape_cast %add3A_850 : vector<16xf32> to vector<1x16xf32>
        tpu.vector_store %arg8[%swap3A_851, %swap3A_852], %swap3A_855 {strides = array<i32>} : memref<16x768xf32, #tpu.memory_space<vmem>>, vector<1x16xf32>,
        %get3A_856 = arith.index_cast %add3A_279 : i32 to index
        %get3A_857 = arith.constant 544 : index
        %get3A_858 = tpu.vector_load %arg8[%get3A_856, %get3A_857] {strides = array<i32>} : memref<16x768xf32, #tpu.memory_space<vmem>>, vector<1x16xf32>,
        %get3A_859 = vector.shape_cast %get3A_858 : vector<1x16xf32> to vector<16xf32>
        %mul3A_860 = arith.constant 27.7128124 : f32
        %mul3A_861 = vector.broadcast %mul3A_860 : f32 to vector<16xf32>
        %mul3A_862 = arith.mulf %get3A_859, %mul3A_861 : vector<16xf32>
        %get3A_863 = arith.index_cast %add3A_279 : i32 to index
        %get3A_864 = arith.constant 544 : index
        %get3A_865 = tpu.vector_load %arg11[%get3A_863, %get3A_864] {strides = array<i32>} : memref<16x768xf32, #tpu.memory_space<vmem>>, vector<1x16xf32>,
        %get3A_866 = vector.shape_cast %get3A_865 : vector<1x16xf32> to vector<16xf32>
        %add3A_867 = arith.addf %mul3A_862, %get3A_866 : vector<16xf32>
        %swap3A_868 = arith.index_cast %add3A_279 : i32 to index
        %swap3A_869 = arith.constant 544 : index
        %swap3A_870 = tpu.vector_load %arg8[%swap3A_868, %swap3A_869] {strides = array<i32>} : memref<16x768xf32, #tpu.memory_space<vmem>>, vector<1x16xf32>,
        %swap3A_871 = vector.shape_cast %swap3A_870 : vector<1x16xf32> to vector<16xf32>
        %swap3A_872 = vector.shape_cast %add3A_867 : vector<16xf32> to vector<1x16xf32>
        tpu.vector_store %arg8[%swap3A_868, %swap3A_869], %swap3A_872 {strides = array<i32>} : memref<16x768xf32, #tpu.memory_space<vmem>>, vector<1x16xf32>,
        %get3A_873 = arith.index_cast %add3A_279 : i32 to index
        %get3A_874 = arith.constant 560 : index
        %get3A_875 = tpu.vector_load %arg8[%get3A_873, %get3A_874] {strides = array<i32>} : memref<16x768xf32, #tpu.memory_space<vmem>>, vector<1x16xf32>,
        %get3A_876 = vector.shape_cast %get3A_875 : vector<1x16xf32> to vector<16xf32>
        %mul3A_877 = arith.constant 27.7128124 : f32
        %mul3A_878 = vector.broadcast %mul3A_877 : f32 to vector<16xf32>
        %mul3A_879 = arith.mulf %get3A_876, %mul3A_878 : vector<16xf32>
        %get3A_880 = arith.index_cast %add3A_279 : i32 to index
        %get3A_881 = arith.constant 560 : index
        %get3A_882 = tpu.vector_load %arg11[%get3A_880, %get3A_881] {strides = array<i32>} : memref<16x768xf32, #tpu.memory_space<vmem>>, vector<1x16xf32>,
        %get3A_883 = vector.shape_cast %get3A_882 : vector<1x16xf32> to vector<16xf32>
        %add3A_884 = arith.addf %mul3A_879, %get3A_883 : vector<16xf32>
        %swap3A_885 = arith.index_cast %add3A_279 : i32 to index
        %swap3A_886 = arith.constant 560 : index
        %swap3A_887 = tpu.vector_load %arg8[%swap3A_885, %swap3A_886] {strides = array<i32>} : memref<16x768xf32, #tpu.memory_space<vmem>>, vector<1x16xf32>,
        %swap3A_888 = vector.shape_cast %swap3A_887 : vector<1x16xf32> to vector<16xf32>
        %swap3A_889 = vector.shape_cast %add3A_884 : vector<16xf32> to vector<1x16xf32>
        tpu.vector_store %arg8[%swap3A_885, %swap3A_886], %swap3A_889 {strides = array<i32>} : memref<16x768xf32, #tpu.memory_space<vmem>>, vector<1x16xf32>,
        %get3A_890 = arith.index_cast %add3A_279 : i32 to index
        %get3A_891 = arith.constant 576 : index
        %get3A_892 = tpu.vector_load %arg8[%get3A_890, %get3A_891] {strides = array<i32>} : memref<16x768xf32, #tpu.memory_space<vmem>>, vector<1x16xf32>,
        %get3A_893 = vector.shape_cast %get3A_892 : vector<1x16xf32> to vector<16xf32>
        %mul3A_894 = arith.constant 27.7128124 : f32
        %mul3A_895 = vector.broadcast %mul3A_894 : f32 to vector<16xf32>
        %mul3A_896 = arith.mulf %get3A_893, %mul3A_895 : vector<16xf32>
        %get3A_897 = arith.index_cast %add3A_279 : i32 to index
        %get3A_898 = arith.constant 576 : index
        %get3A_899 = tpu.vector_load %arg11[%get3A_897, %get3A_898] {strides = array<i32>} : memref<16x768xf32, #tpu.memory_space<vmem>>, vector<1x16xf32>,
        %get3A_900 = vector.shape_cast %get3A_899 : vector<1x16xf32> to vector<16xf32>
        %add3A_901 = arith.addf %mul3A_896, %get3A_900 : vector<16xf32>
        %swap3A_902 = arith.index_cast %add3A_279 : i32 to index
        %swap3A_903 = arith.constant 576 : index
        %swap3A_904 = tpu.vector_load %arg8[%swap3A_902, %swap3A_903] {strides = array<i32>} : memref<16x768xf32, #tpu.memory_space<vmem>>, vector<1x16xf32>,
        %swap3A_905 = vector.shape_cast %swap3A_904 : vector<1x16xf32> to vector<16xf32>
        %swap3A_906 = vector.shape_cast %add3A_901 : vector<16xf32> to vector<1x16xf32>
        tpu.vector_store %arg8[%swap3A_902, %swap3A_903], %swap3A_906 {strides = array<i32>} : memref<16x768xf32, #tpu.memory_space<vmem>>, vector<1x16xf32>,
        %get3A_907 = arith.index_cast %add3A_279 : i32 to index
        %get3A_908 = arith.constant 592 : index
        %get3A_909 = tpu.vector_load %arg8[%get3A_907, %get3A_908] {strides = array<i32>} : memref<16x768xf32, #tpu.memory_space<vmem>>, vector<1x16xf32>,
        %get3A_910 = vector.shape_cast %get3A_909 : vector<1x16xf32> to vector<16xf32>
        %mul3A_911 = arith.constant 27.7128124 : f32
        %mul3A_912 = vector.broadcast %mul3A_911 : f32 to vector<16xf32>
        %mul3A_913 = arith.mulf %get3A_910, %mul3A_912 : vector<16xf32>
        %get3A_914 = arith.index_cast %add3A_279 : i32 to index
        %get3A_915 = arith.constant 592 : index
        %get3A_916 = tpu.vector_load %arg11[%get3A_914, %get3A_915] {strides = array<i32>} : memref<16x768xf32, #tpu.memory_space<vmem>>, vector<1x16xf32>,
        %get3A_917 = vector.shape_cast %get3A_916 : vector<1x16xf32> to vector<16xf32>
        %add3A_918 = arith.addf %mul3A_913, %get3A_917 : vector<16xf32>
        %swap3A_919 = arith.index_cast %add3A_279 : i32 to index
        %swap3A_920 = arith.constant 592 : index
        %swap3A_921 = tpu.vector_load %arg8[%swap3A_919, %swap3A_920] {strides = array<i32>} : memref<16x768xf32, #tpu.memory_space<vmem>>, vector<1x16xf32>,
        %swap3A_922 = vector.shape_cast %swap3A_921 : vector<1x16xf32> to vector<16xf32>
        %swap3A_923 = vector.shape_cast %add3A_918 : vector<16xf32> to vector<1x16xf32>
        tpu.vector_store %arg8[%swap3A_919, %swap3A_920], %swap3A_923 {strides = array<i32>} : memref<16x768xf32, #tpu.memory_space<vmem>>, vector<1x16xf32>,
        %get3A_924 = arith.index_cast %add3A_279 : i32 to index
        %get3A_925 = arith.constant 608 : index
        %get3A_926 = tpu.vector_load %arg8[%get3A_924, %get3A_925] {strides = array<i32>} : memref<16x768xf32, #tpu.memory_space<vmem>>, vector<1x16xf32>,
        %get3A_927 = vector.shape_cast %get3A_926 : vector<1x16xf32> to vector<16xf32>
        %mul3A_928 = arith.constant 27.7128124 : f32
        %mul3A_929 = vector.broadcast %mul3A_928 : f32 to vector<16xf32>
        %mul3A_930 = arith.mulf %get3A_927, %mul3A_929 : vector<16xf32>
        %get3A_931 = arith.index_cast %add3A_279 : i32 to index
        %get3A_932 = arith.constant 608 : index
        %get3A_933 = tpu.vector_load %arg11[%get3A_931, %get3A_932] {strides = array<i32>} : memref<16x768xf32, #tpu.memory_space<vmem>>, vector<1x16xf32>,
        %get3A_934 = vector.shape_cast %get3A_933 : vector<1x16xf32> to vector<16xf32>
        %add3A_935 = arith.addf %mul3A_930, %get3A_934 : vector<16xf32>
        %swap3A_936 = arith.index_cast %add3A_279 : i32 to index
        %swap3A_937 = arith.constant 608 : index
        %swap3A_938 = tpu.vector_load %arg8[%swap3A_936, %swap3A_937] {strides = array<i32>} : memref<16x768xf32, #tpu.memory_space<vmem>>, vector<1x16xf32>,
        %swap3A_939 = vector.shape_cast %swap3A_938 : vector<1x16xf32> to vector<16xf32>
        %swap3A_940 = vector.shape_cast %add3A_935 : vector<16xf32> to vector<1x16xf32>
        tpu.vector_store %arg8[%swap3A_936, %swap3A_937], %swap3A_940 {strides = array<i32>} : memref<16x768xf32, #tpu.memory_space<vmem>>, vector<1x16xf32>,
        %get3A_941 = arith.index_cast %add3A_279 : i32 to index
        %get3A_942 = arith.constant 624 : index
        %get3A_943 = tpu.vector_load %arg8[%get3A_941, %get3A_942] {strides = array<i32>} : memref<16x768xf32, #tpu.memory_space<vmem>>, vector<1x16xf32>,
        %get3A_944 = vector.shape_cast %get3A_943 : vector<1x16xf32> to vector<16xf32>
        %mul3A_945 = arith.constant 27.7128124 : f32
        %mul3A_946 = vector.broadcast %mul3A_945 : f32 to vector<16xf32>
        %mul3A_947 = arith.mulf %get3A_944, %mul3A_946 : vector<16xf32>
        %get3A_948 = arith.index_cast %add3A_279 : i32 to index
        %get3A_949 = arith.constant 624 : index
        %get3A_950 = tpu.vector_load %arg11[%get3A_948, %get3A_949] {strides = array<i32>} : memref<16x768xf32, #tpu.memory_space<vmem>>, vector<1x16xf32>,
        %get3A_951 = vector.shape_cast %get3A_950 : vector<1x16xf32> to vector<16xf32>
        %add3A_952 = arith.addf %mul3A_947, %get3A_951 : vector<16xf32>
        %swap3A_953 = arith.index_cast %add3A_279 : i32 to index
        %swap3A_954 = arith.constant 624 : index
        %swap3A_955 = tpu.vector_load %arg8[%swap3A_953, %swap3A_954] {strides = array<i32>} : memref<16x768xf32, #tpu.memory_space<vmem>>, vector<1x16xf32>,
        %swap3A_956 = vector.shape_cast %swap3A_955 : vector<1x16xf32> to vector<16xf32>
        %swap3A_957 = vector.shape_cast %add3A_952 : vector<16xf32> to vector<1x16xf32>
        tpu.vector_store %arg8[%swap3A_953, %swap3A_954], %swap3A_957 {strides = array<i32>} : memref<16x768xf32, #tpu.memory_space<vmem>>, vector<1x16xf32>,
        %get3A_958 = arith.index_cast %add3A_279 : i32 to index
        %get3A_959 = arith.constant 640 : index
        %get3A_960 = tpu.vector_load %arg8[%get3A_958, %get3A_959] {strides = array<i32>} : memref<16x768xf32, #tpu.memory_space<vmem>>, vector<1x16xf32>,
        %get3A_961 = vector.shape_cast %get3A_960 : vector<1x16xf32> to vector<16xf32>
        %mul3A_962 = arith.constant 27.7128124 : f32
        %mul3A_963 = vector.broadcast %mul3A_962 : f32 to vector<16xf32>
        %mul3A_964 = arith.mulf %get3A_961, %mul3A_963 : vector<16xf32>
        %get3A_965 = arith.index_cast %add3A_279 : i32 to index
        %get3A_966 = arith.constant 640 : index
        %get3A_967 = tpu.vector_load %arg11[%get3A_965, %get3A_966] {strides = array<i32>} : memref<16x768xf32, #tpu.memory_space<vmem>>, vector<1x16xf32>,
        %get3A_968 = vector.shape_cast %get3A_967 : vector<1x16xf32> to vector<16xf32>
        %add3A_969 = arith.addf %mul3A_964, %get3A_968 : vector<16xf32>
        %swap3A_970 = arith.index_cast %add3A_279 : i32 to index
        %swap3A_971 = arith.constant 640 : index
        %swap3A_972 = tpu.vector_load %arg8[%swap3A_970, %swap3A_971] {strides = array<i32>} : memref<16x768xf32, #tpu.memory_space<vmem>>, vector<1x16xf32>,
        %swap3A_973 = vector.shape_cast %swap3A_972 : vector<1x16xf32> to vector<16xf32>
        %swap3A_974 = vector.shape_cast %add3A_969 : vector<16xf32> to vector<1x16xf32>
        tpu.vector_store %arg8[%swap3A_970, %swap3A_971], %swap3A_974 {strides = array<i32>} : memref<16x768xf32, #tpu.memory_space<vmem>>, vector<1x16xf32>,
        %get3A_975 = arith.index_cast %add3A_279 : i32 to index
        %get3A_976 = arith.constant 656 : index
        %get3A_977 = tpu.vector_load %arg8[%get3A_975, %get3A_976] {strides = array<i32>} : memref<16x768xf32, #tpu.memory_space<vmem>>, vector<1x16xf32>,
        %get3A_978 = vector.shape_cast %get3A_977 : vector<1x16xf32> to vector<16xf32>
        %mul3A_979 = arith.constant 27.7128124 : f32
        %mul3A_980 = vector.broadcast %mul3A_979 : f32 to vector<16xf32>
        %mul3A_981 = arith.mulf %get3A_978, %mul3A_980 : vector<16xf32>
        %get3A_982 = arith.index_cast %add3A_279 : i32 to index
        %get3A_983 = arith.constant 656 : index
        %get3A_984 = tpu.vector_load %arg11[%get3A_982, %get3A_983] {strides = array<i32>} : memref<16x768xf32, #tpu.memory_space<vmem>>, vector<1x16xf32>,
        %get3A_985 = vector.shape_cast %get3A_984 : vector<1x16xf32> to vector<16xf32>
        %add3A_986 = arith.addf %mul3A_981, %get3A_985 : vector<16xf32>
        %swap3A_987 = arith.index_cast %add3A_279 : i32 to index
        %swap3A_988 = arith.constant 656 : index
        %swap3A_989 = tpu.vector_load %arg8[%swap3A_987, %swap3A_988] {strides = array<i32>} : memref<16x768xf32, #tpu.memory_space<vmem>>, vector<1x16xf32>,
        %swap3A_990 = vector.shape_cast %swap3A_989 : vector<1x16xf32> to vector<16xf32>
        %swap3A_991 = vector.shape_cast %add3A_986 : vector<16xf32> to vector<1x16xf32>
        tpu.vector_store %arg8[%swap3A_987, %swap3A_988], %swap3A_991 {strides = array<i32>} : memref<16x768xf32, #tpu.memory_space<vmem>>, vector<1x16xf32>,
        %get3A_992 = arith.index_cast %add3A_279 : i32 to index
        %get3A_993 = arith.constant 672 : index
        %get3A_994 = tpu.vector_load %arg8[%get3A_992, %get3A_993] {strides = array<i32>} : memref<16x768xf32, #tpu.memory_space<vmem>>, vector<1x16xf32>,
        %get3A_995 = vector.shape_cast %get3A_994 : vector<1x16xf32> to vector<16xf32>
        %mul3A_996 = arith.constant 27.7128124 : f32
        %mul3A_997 = vector.broadcast %mul3A_996 : f32 to vector<16xf32>
        %mul3A_998 = arith.mulf %get3A_995, %mul3A_997 : vector<16xf32>
        %get3A_999 = arith.index_cast %add3A_279 : i32 to index
        %get3A_1000 = arith.constant 672 : index
        %get3A_1001 = tpu.vector_load %arg11[%get3A_999, %get3A_1000] {strides = array<i32>} : memref<16x768xf32, #tpu.memory_space<vmem>>, vector<1x16xf32>,
        %get3A_1002 = vector.shape_cast %get3A_1001 : vector<1x16xf32> to vector<16xf32>
        %add3A_1003 = arith.addf %mul3A_998, %get3A_1002 : vector<16xf32>
        %swap3A_1004 = arith.index_cast %add3A_279 : i32 to index
        %swap3A_1005 = arith.constant 672 : index
        %swap3A_1006 = tpu.vector_load %arg8[%swap3A_1004, %swap3A_1005] {strides = array<i32>} : memref<16x768xf32, #tpu.memory_space<vmem>>, vector<1x16xf32>,
        %swap3A_1007 = vector.shape_cast %swap3A_1006 : vector<1x16xf32> to vector<16xf32>
        %swap3A_1008 = vector.shape_cast %add3A_1003 : vector<16xf32> to vector<1x16xf32>
        tpu.vector_store %arg8[%swap3A_1004, %swap3A_1005], %swap3A_1008 {strides = array<i32>} : memref<16x768xf32, #tpu.memory_space<vmem>>, vector<1x16xf32>,
        %get3A_1009 = arith.index_cast %add3A_279 : i32 to index
        %get3A_1010 = arith.constant 688 : index
        %get3A_1011 = tpu.vector_load %arg8[%get3A_1009, %get3A_1010] {strides = array<i32>} : memref<16x768xf32, #tpu.memory_space<vmem>>, vector<1x16xf32>,
        %get3A_1012 = vector.shape_cast %get3A_1011 : vector<1x16xf32> to vector<16xf32>
        %mul3A_1013 = arith.constant 27.7128124 : f32
        %mul3A_1014 = vector.broadcast %mul3A_1013 : f32 to vector<16xf32>
        %mul3A_1015 = arith.mulf %get3A_1012, %mul3A_1014 : vector<16xf32>
        %get3A_1016 = arith.index_cast %add3A_279 : i32 to index
        %get3A_1017 = arith.constant 688 : index
        %get3A_1018 = tpu.vector_load %arg11[%get3A_1016, %get3A_1017] {strides = array<i32>} : memref<16x768xf32, #tpu.memory_space<vmem>>, vector<1x16xf32>,
        %get3A_1019 = vector.shape_cast %get3A_1018 : vector<1x16xf32> to vector<16xf32>
        %add3A_1020 = arith.addf %mul3A_1015, %get3A_1019 : vector<16xf32>
        %swap3A_1021 = arith.index_cast %add3A_279 : i32 to index
        %swap3A_1022 = arith.constant 688 : index
        %swap3A_1023 = tpu.vector_load %arg8[%swap3A_1021, %swap3A_1022] {strides = array<i32>} : memref<16x768xf32, #tpu.memory_space<vmem>>, vector<1x16xf32>,
        %swap3A_1024 = vector.shape_cast %swap3A_1023 : vector<1x16xf32> to vector<16xf32>
        %swap3A_1025 = vector.shape_cast %add3A_1020 : vector<16xf32> to vector<1x16xf32>
        tpu.vector_store %arg8[%swap3A_1021, %swap3A_1022], %swap3A_1025 {strides = array<i32>} : memref<16x768xf32, #tpu.memory_space<vmem>>, vector<1x16xf32>,
        %get3A_1026 = arith.index_cast %add3A_279 : i32 to index
        %get3A_1027 = arith.constant 704 : index
        %get3A_1028 = tpu.vector_load %arg8[%get3A_1026, %get3A_1027] {strides = array<i32>} : memref<16x768xf32, #tpu.memory_space<vmem>>, vector<1x16xf32>,
        %get3A_1029 = vector.shape_cast %get3A_1028 : vector<1x16xf32> to vector<16xf32>
        %mul3A_1030 = arith.constant 27.7128124 : f32
        %mul3A_1031 = vector.broadcast %mul3A_1030 : f32 to vector<16xf32>
        %mul3A_1032 = arith.mulf %get3A_1029, %mul3A_1031 : vector<16xf32>
        %get3A_1033 = arith.index_cast %add3A_279 : i32 to index
        %get3A_1034 = arith.constant 704 : index
        %get3A_1035 = tpu.vector_load %arg11[%get3A_1033, %get3A_1034] {strides = array<i32>} : memref<16x768xf32, #tpu.memory_space<vmem>>, vector<1x16xf32>,
        %get3A_1036 = vector.shape_cast %get3A_1035 : vector<1x16xf32> to vector<16xf32>
        %add3A_1037 = arith.addf %mul3A_1032, %get3A_1036 : vector<16xf32>
        %swap3A_1038 = arith.index_cast %add3A_279 : i32 to index
        %swap3A_1039 = arith.constant 704 : index
        %swap3A_1040 = tpu.vector_load %arg8[%swap3A_1038, %swap3A_1039] {strides = array<i32>} : memref<16x768xf32, #tpu.memory_space<vmem>>, vector<1x16xf32>,
        %swap3A_1041 = vector.shape_cast %swap3A_1040 : vector<1x16xf32> to vector<16xf32>
        %swap3A_1042 = vector.shape_cast %add3A_1037 : vector<16xf32> to vector<1x16xf32>
        tpu.vector_store %arg8[%swap3A_1038, %swap3A_1039], %swap3A_1042 {strides = array<i32>} : memref<16x768xf32, #tpu.memory_space<vmem>>, vector<1x16xf32>,
        %get3A_1043 = arith.index_cast %add3A_279 : i32 to index
        %get3A_1044 = arith.constant 720 : index
        %get3A_1045 = tpu.vector_load %arg8[%get3A_1043, %get3A_1044] {strides = array<i32>} : memref<16x768xf32, #tpu.memory_space<vmem>>, vector<1x16xf32>,
        %get3A_1046 = vector.shape_cast %get3A_1045 : vector<1x16xf32> to vector<16xf32>
        %mul3A_1047 = arith.constant 27.7128124 : f32
        %mul3A_1048 = vector.broadcast %mul3A_1047 : f32 to vector<16xf32>
        %mul3A_1049 = arith.mulf %get3A_1046, %mul3A_1048 : vector<16xf32>
        %get3A_1050 = arith.index_cast %add3A_279 : i32 to index
        %get3A_1051 = arith.constant 720 : index
        %get3A_1052 = tpu.vector_load %arg11[%get3A_1050, %get3A_1051] {strides = array<i32>} : memref<16x768xf32, #tpu.memory_space<vmem>>, vector<1x16xf32>,
        %get3A_1053 = vector.shape_cast %get3A_1052 : vector<1x16xf32> to vector<16xf32>
        %add3A_1054 = arith.addf %mul3A_1049, %get3A_1053 : vector<16xf32>
        %swap3A_1055 = arith.index_cast %add3A_279 : i32 to index
        %swap3A_1056 = arith.constant 720 : index
        %swap3A_1057 = tpu.vector_load %arg8[%swap3A_1055, %swap3A_1056] {strides = array<i32>} : memref<16x768xf32, #tpu.memory_space<vmem>>, vector<1x16xf32>,
        %swap3A_1058 = vector.shape_cast %swap3A_1057 : vector<1x16xf32> to vector<16xf32>
        %swap3A_1059 = vector.shape_cast %add3A_1054 : vector<16xf32> to vector<1x16xf32>
        tpu.vector_store %arg8[%swap3A_1055, %swap3A_1056], %swap3A_1059 {strides = array<i32>} : memref<16x768xf32, #tpu.memory_space<vmem>>, vector<1x16xf32>,
        %get3A_1060 = arith.index_cast %add3A_279 : i32 to index
        %get3A_1061 = arith.constant 736 : index
        %get3A_1062 = tpu.vector_load %arg8[%get3A_1060, %get3A_1061] {strides = array<i32>} : memref<16x768xf32, #tpu.memory_space<vmem>>, vector<1x16xf32>,
        %get3A_1063 = vector.shape_cast %get3A_1062 : vector<1x16xf32> to vector<16xf32>
        %mul3A_1064 = arith.constant 27.7128124 : f32
        %mul3A_1065 = vector.broadcast %mul3A_1064 : f32 to vector<16xf32>
        %mul3A_1066 = arith.mulf %get3A_1063, %mul3A_1065 : vector<16xf32>
        %get3A_1067 = arith.index_cast %add3A_279 : i32 to index
        %get3A_1068 = arith.constant 736 : index
        %get3A_1069 = tpu.vector_load %arg11[%get3A_1067, %get3A_1068] {strides = array<i32>} : memref<16x768xf32, #tpu.memory_space<vmem>>, vector<1x16xf32>,
        %get3A_1070 = vector.shape_cast %get3A_1069 : vector<1x16xf32> to vector<16xf32>
        %add3A_1071 = arith.addf %mul3A_1066, %get3A_1070 : vector<16xf32>
        %swap3A_1072 = arith.index_cast %add3A_279 : i32 to index
        %swap3A_1073 = arith.constant 736 : index
        %swap3A_1074 = tpu.vector_load %arg8[%swap3A_1072, %swap3A_1073] {strides = array<i32>} : memref<16x768xf32, #tpu.memory_space<vmem>>, vector<1x16xf32>,
        %swap3A_1075 = vector.shape_cast %swap3A_1074 : vector<1x16xf32> to vector<16xf32>
        %swap3A_1076 = vector.shape_cast %add3A_1071 : vector<16xf32> to vector<1x16xf32>
        tpu.vector_store %arg8[%swap3A_1072, %swap3A_1073], %swap3A_1076 {strides = array<i32>} : memref<16x768xf32, #tpu.memory_space<vmem>>, vector<1x16xf32>,
        %get3A_1077 = arith.index_cast %add3A_279 : i32 to index
        %get3A_1078 = arith.constant 752 : index
        %get3A_1079 = tpu.vector_load %arg8[%get3A_1077, %get3A_1078] {strides = array<i32>} : memref<16x768xf32, #tpu.memory_space<vmem>>, vector<1x16xf32>,
        %get3A_1080 = vector.shape_cast %get3A_1079 : vector<1x16xf32> to vector<16xf32>
        %mul3A_1081 = arith.constant 27.7128124 : f32
        %mul3A_1082 = vector.broadcast %mul3A_1081 : f32 to vector<16xf32>
        %mul3A_1083 = arith.mulf %get3A_1080, %mul3A_1082 : vector<16xf32>
        %get3A_1084 = arith.index_cast %add3A_279 : i32 to index
        %get3A_1085 = arith.constant 752 : index
        %get3A_1086 = tpu.vector_load %arg11[%get3A_1084, %get3A_1085] {strides = array<i32>} : memref<16x768xf32, #tpu.memory_space<vmem>>, vector<1x16xf32>,
        %get3A_1087 = vector.shape_cast %get3A_1086 : vector<1x16xf32> to vector<16xf32>
        %add3A_1088 = arith.addf %mul3A_1083, %get3A_1087 : vector<16xf32>
        %swap3A_1089 = arith.index_cast %add3A_279 : i32 to index
        %swap3A_1090 = arith.constant 752 : index
        %swap3A_1091 = tpu.vector_load %arg8[%swap3A_1089, %swap3A_1090] {strides = array<i32>} : memref<16x768xf32, #tpu.memory_space<vmem>>, vector<1x16xf32>,
        %swap3A_1092 = vector.shape_cast %swap3A_1091 : vector<1x16xf32> to vector<16xf32>
        %swap3A_1093 = vector.shape_cast %add3A_1088 : vector<16xf32> to vector<1x16xf32>
        tpu.vector_store %arg8[%swap3A_1089, %swap3A_1090], %swap3A_1093 {strides = array<i32>} : memref<16x768xf32, #tpu.memory_space<vmem>>, vector<1x16xf32>,
      }
      %scan3A_127 = arith.constant 16 : i32
      %dma_wait3A_128 = arith.constant 0 : i32
      %dma_wait3A_129 = arith.constant 0 : i32
      %dma_wait3A_130 = arith.constant 0 : i32
      %dma_wait3A_131 = tpu.memref_slice %arg12[%arg1, %dma_wait3A_128, %dma_wait3A_129, %dma_wait3A_130] : memref<16x2x16x768xf32, #tpu.memory_space<vmem_shared>> -> memref<1x1x16x768xf32, #tpu.memory_space<vmem_shared>>
      %dma_wait3A_132 = tpu.memref_squeeze %dma_wait3A_131 : memref<1x1x16x768xf32, #tpu.memory_space<vmem_shared>> -> memref<16x768xf32, #tpu.memory_space<vmem_shared>>
      %dma_wait3A_133 = arith.constant 0 : i32
      %dma_wait3A_134 = arith.constant 0 : i32
      %dma_wait3A_135 = tpu.memref_slice %arg12[%arg1, %dma_wait3A_128, %dma_wait3A_133, %dma_wait3A_134] : memref<16x2x16x768xf32, #tpu.memory_space<vmem_shared>> -> memref<1x1x16x768xf32, #tpu.memory_space<vmem_shared>>
      %dma_wait3A_136 = tpu.memref_squeeze %dma_wait3A_135 : memref<1x1x16x768xf32, #tpu.memory_space<vmem_shared>> -> memref<16x768xf32, #tpu.memory_space<vmem_shared>>
      tpu.wait_dma2 semaphore(%arg18 : memref<!tpu.dma_semaphore, #tpu.memory_space<semaphore_mem>>) src(%arg7 : memref<16x768xf32, #tpu.memory_space<vmem>>) dst(%dma_wait3A_136 : memref<16x768xf32, #tpu.memory_space<vmem_shared>>)
      %add3A_137 = arith.constant 0 : i32
      %add3A_138 = arith.addi %add3A_137, %mul3A_2 : i32
      %mul3A_139 = arith.constant 16 : i32
      %mul3A_140 = arith.muli %add3A_67, %mul3A_139 : i32
      %add3A_141 = arith.addi %add3A_138, %mul3A_140 : i32
      %dma_start3A_142 = arith.constant 0 : i32
      %dma_start3A_143 = arith.constant 0 : i32
      %dma_start3A_144 = tpu.memref_slice %arg5[%add3A_141, %dma_start3A_143] : memref<32768x768xf32, #tpu.memory_space<hbm>> -> memref<16x768xf32, #tpu.memory_space<hbm>>
      %dma_start3A_145 = arith.constant 0 : i32
      %dma_start3A_146 = arith.constant 0 : i32
      %dma_start3A_147 = tpu.memref_slice %arg12[%arg1, %dma_start3A_142, %dma_start3A_145, %dma_start3A_146] : memref<16x2x16x768xf32, #tpu.memory_space<vmem_shared>> -> memref<1x1x16x768xf32, #tpu.memory_space<vmem_shared>>
      %dma_start3A_148 = tpu.memref_squeeze %dma_start3A_147 : memref<1x1x16x768xf32, #tpu.memory_space<vmem_shared>> -> memref<16x768xf32, #tpu.memory_space<vmem_shared>>
      tpu.enqueue_dma source(%dma_start3A_148 : memref<16x768xf32, #tpu.memory_space<vmem_shared>>) target(%dma_start3A_144 : memref<16x768xf32, #tpu.memory_space<hbm>>) target_semaphore(%arg20 : memref<!tpu.dma_semaphore, #tpu.memory_space<semaphore_mem>>)
      %gt3A_149 = arith.constant 0 : i32
      %gt3A_150 = arith.cmpi sgt, %add3A_67, %gt3A_149 : i32
      %convert_element_type3A_151 = arith.extui %gt3A_150 : i1 to i32
      %cond3A_152 = arith.constant 0 : i32
      %cond3A_153 = arith.cmpi ne, %convert_element_type3A_151, %cond3A_152 : i32
      scf.if %cond3A_153 {
        %dma_wait3A_275 = arith.constant 1 : i32
        %dma_wait3A_276 = arith.constant 0 : i32
        %dma_wait3A_277 = arith.constant 0 : i32
        %dma_wait3A_278 = tpu.memref_slice %arg5[%dma_wait3A_276, %dma_wait3A_277] : memref<32768x768xf32, #tpu.memory_space<hbm>> -> memref<16x768xf32, #tpu.memory_space<hbm>>
        %dma_wait3A_279 = arith.constant 0 : i32
        %dma_wait3A_280 = arith.constant 0 : i32
        %dma_wait3A_281 = tpu.memref_slice %arg12[%arg1, %dma_wait3A_275, %dma_wait3A_279, %dma_wait3A_280] : memref<16x2x16x768xf32, #tpu.memory_space<vmem_shared>> -> memref<1x1x16x768xf32, #tpu.memory_space<vmem_shared>>
        %dma_wait3A_282 = tpu.memref_squeeze %dma_wait3A_281 : memref<1x1x16x768xf32, #tpu.memory_space<vmem_shared>> -> memref<16x768xf32, #tpu.memory_space<vmem_shared>>
        tpu.wait_dma2 semaphore(%arg21 : memref<!tpu.dma_semaphore, #tpu.memory_space<semaphore_mem>>) src(%dma_wait3A_282 : memref<16x768xf32, #tpu.memory_space<vmem_shared>>) dst(%dma_wait3A_278 : memref<16x768xf32, #tpu.memory_space<hbm>>)
      } else {
      }
      %dma_start3A_154 = arith.constant 1 : i32
      %dma_start3A_155 = arith.constant 0 : i32
      %dma_start3A_156 = arith.constant 0 : i32
      %dma_start3A_157 = tpu.memref_slice %arg12[%arg1, %dma_start3A_154, %dma_start3A_155, %dma_start3A_156] : memref<16x2x16x768xf32, #tpu.memory_space<vmem_shared>> -> memref<1x1x16x768xf32, #tpu.memory_space<vmem_shared>>
      %dma_start3A_158 = tpu.memref_squeeze %dma_start3A_157 : memref<1x1x16x768xf32, #tpu.memory_space<vmem_shared>> -> memref<16x768xf32, #tpu.memory_space<vmem_shared>>
      %dma_start3A_159 = arith.constant 0 : i32
      %dma_start3A_160 = arith.constant 0 : i32
      %dma_start3A_161 = tpu.memref_slice %arg12[%arg1, %dma_start3A_154, %dma_start3A_159, %dma_start3A_160] : memref<16x2x16x768xf32, #tpu.memory_space<vmem_shared>> -> memref<1x1x16x768xf32, #tpu.memory_space<vmem_shared>>
      %dma_start3A_162 = tpu.memref_squeeze %dma_start3A_161 : memref<1x1x16x768xf32, #tpu.memory_space<vmem_shared>> -> memref<16x768xf32, #tpu.memory_space<vmem_shared>>
      tpu.enqueue_dma source(%arg8 : memref<16x768xf32, #tpu.memory_space<vmem>>) target(%dma_start3A_162 : memref<16x768xf32, #tpu.memory_space<vmem_shared>>) target_semaphore(%arg19 : memref<!tpu.dma_semaphore, #tpu.memory_space<semaphore_mem>>)
      %lt3A = arith.constant 15 : i32
      %lt3A_163 = arith.cmpi slt, %add3A_67, %lt3A : i32
      %convert_element_type3A_164 = arith.extui %lt3A_163 : i1 to i32
      %cond3A_165 = arith.constant 0 : i32
      %cond3A_166 = arith.cmpi ne, %convert_element_type3A_164, %cond3A_165 : i32
      scf.if %cond3A_166 {
        %add3A_275 = arith.constant 1 : i32
        %add3A_276 = arith.addi %add3A_67, %add3A_275 : i32
        %mul3A_277 = arith.constant 16 : i32
        %mul3A_278 = arith.muli %add3A_276, %mul3A_277 : i32
        %add3A_279 = arith.constant 0 : i32
        %add3A_280 = arith.addi %add3A_279, %mul3A_278 : i32
        %dma_start3A_281 = tpu.memref_slice %arg6[%add3A_280] : memref<1024xi32, #tpu.memory_space<vmem>> -> memref<16xi32, #tpu.memory_space<vmem>>
        %dma_start3A_282 = arith.constant 0 : i32
        %dma_start3A_283 = arith.constant 0 : i32
        %dma_start3A_284 = tpu.memref_slice %arg3[%dma_start3A_282, %dma_start3A_283] : memref<100000x768xf32, #tpu.memory_space<hbm>> -> memref<100000x768xf32, #tpu.memory_space<hbm>>
        tpu.enqueue_indirect_dma source(%dma_start3A_284 : memref<100000x768xf32, #tpu.memory_space<hbm>>) target(%arg7 : memref<16x768xf32, #tpu.memory_space<vmem>>) offsets(%dma_start3A_281 : memref<16xi32, #tpu.memory_space<vmem>>) semaphore(%arg13 : memref<!tpu.dma_semaphore, #tpu.memory_space<semaphore_mem>>)
      } else {
      }
      %dma_wait3A_167 = arith.constant 0 : i32
      %dma_wait3A_168 = arith.constant 0 : i32
      %dma_wait3A_169 = tpu.memref_slice %arg3[%dma_wait3A_167, %dma_wait3A_168] : memref<100000x768xf32, #tpu.memory_space<hbm>> -> memref<16x768xf32, #tpu.memory_space<hbm>>
      %dma_wait3A_170 = arith.constant 0 : i32
      %dma_wait3A_171 = arith.constant 0 : i32
      %dma_wait3A_172 = tpu.memref_slice %arg3[%dma_wait3A_170, %dma_wait3A_171] : memref<100000x768xf32, #tpu.memory_space<hbm>> -> memref<16x768xf32, #tpu.memory_space<hbm>>
      tpu.wait_dma2 semaphore(%arg15 : memref<!tpu.dma_semaphore, #tpu.memory_space<semaphore_mem>>) src(%dma_wait3A_172 : memref<16x768xf32, #tpu.memory_space<hbm>>) dst(%arg9 : memref<16x768xf32, #tpu.memory_space<vmem>>)
      %scan3A_173 = arith.constant 0 : i32
      %scan3A_174 = arith.constant 16 : i32
      %scan3A_175 = arith.addi %scan3A_173, %scan3A_174 : i32
      %scan3A_176 = arith.constant 1 : i32
      scf.for %scan3A_275 = %scan3A_173 to %scan3A_175 step %scan3A_176  : i32 {
        %mul3A_276 = arith.constant 1 : i32
        %mul3A_277 = arith.muli %scan3A_275, %mul3A_276 : i32
        %add3A_278 = arith.constant 0 : i32
        %add3A_279 = arith.addi %add3A_278, %mul3A_277 : i32
        %get3A = arith.index_cast %add3A_279 : i32 to index
        %get3A_280 = arith.constant 0 : index
        %get3A_281 = tpu.vector_load %arg9[%get3A, %get3A_280] {strides = array<i32>} : memref<16x768xf32, #tpu.memory_space<vmem>>, vector<1x16xf32>,
        %get3A_282 = vector.shape_cast %get3A_281 : vector<1x16xf32> to vector<16xf32>
        %mul3A_283 = arith.constant 27.7128124 : f32
        %mul3A_284 = vector.broadcast %mul3A_283 : f32 to vector<16xf32>
        %mul3A_285 = arith.mulf %get3A_282, %mul3A_284 : vector<16xf32>
        %get3A_286 = arith.index_cast %add3A_279 : i32 to index
        %get3A_287 = arith.constant 0 : index
        %get3A_288 = tpu.vector_load %arg11[%get3A_286, %get3A_287] {strides = array<i32>} : memref<16x768xf32, #tpu.memory_space<vmem>>, vector<1x16xf32>,
        %get3A_289 = vector.shape_cast %get3A_288 : vector<1x16xf32> to vector<16xf32>
        %add3A_290 = arith.addf %mul3A_285, %get3A_289 : vector<16xf32>
        %swap3A = arith.index_cast %add3A_279 : i32 to index
        %swap3A_291 = arith.constant 0 : index
        %swap3A_292 = tpu.vector_load %arg9[%swap3A, %swap3A_291] {strides = array<i32>} : memref<16x768xf32, #tpu.memory_space<vmem>>, vector<1x16xf32>,
        %swap3A_293 = vector.shape_cast %swap3A_292 : vector<1x16xf32> to vector<16xf32>
        %swap3A_294 = vector.shape_cast %add3A_290 : vector<16xf32> to vector<1x16xf32>
        tpu.vector_store %arg9[%swap3A, %swap3A_291], %swap3A_294 {strides = array<i32>} : memref<16x768xf32, #tpu.memory_space<vmem>>, vector<1x16xf32>,
        %get3A_295 = arith.index_cast %add3A_279 : i32 to index
        %get3A_296 = arith.constant 16 : index
        %get3A_297 = tpu.vector_load %arg9[%get3A_295, %get3A_296] {strides = array<i32>} : memref<16x768xf32, #tpu.memory_space<vmem>>, vector<1x16xf32>,
        %get3A_298 = vector.shape_cast %get3A_297 : vector<1x16xf32> to vector<16xf32>
        %mul3A_299 = arith.constant 27.7128124 : f32
        %mul3A_300 = vector.broadcast %mul3A_299 : f32 to vector<16xf32>
        %mul3A_301 = arith.mulf %get3A_298, %mul3A_300 : vector<16xf32>
        %get3A_302 = arith.index_cast %add3A_279 : i32 to index
        %get3A_303 = arith.constant 16 : index
        %get3A_304 = tpu.vector_load %arg11[%get3A_302, %get3A_303] {strides = array<i32>} : memref<16x768xf32, #tpu.memory_space<vmem>>, vector<1x16xf32>,
        %get3A_305 = vector.shape_cast %get3A_304 : vector<1x16xf32> to vector<16xf32>
        %add3A_306 = arith.addf %mul3A_301, %get3A_305 : vector<16xf32>
        %swap3A_307 = arith.index_cast %add3A_279 : i32 to index
        %swap3A_308 = arith.constant 16 : index
        %swap3A_309 = tpu.vector_load %arg9[%swap3A_307, %swap3A_308] {strides = array<i32>} : memref<16x768xf32, #tpu.memory_space<vmem>>, vector<1x16xf32>,
        %swap3A_310 = vector.shape_cast %swap3A_309 : vector<1x16xf32> to vector<16xf32>
        %swap3A_311 = vector.shape_cast %add3A_306 : vector<16xf32> to vector<1x16xf32>
        tpu.vector_store %arg9[%swap3A_307, %swap3A_308], %swap3A_311 {strides = array<i32>} : memref<16x768xf32, #tpu.memory_space<vmem>>, vector<1x16xf32>,
        %get3A_312 = arith.index_cast %add3A_279 : i32 to index
        %get3A_313 = arith.constant 32 : index
        %get3A_314 = tpu.vector_load %arg9[%get3A_312, %get3A_313] {strides = array<i32>} : memref<16x768xf32, #tpu.memory_space<vmem>>, vector<1x16xf32>,
        %get3A_315 = vector.shape_cast %get3A_314 : vector<1x16xf32> to vector<16xf32>
        %mul3A_316 = arith.constant 27.7128124 : f32
        %mul3A_317 = vector.broadcast %mul3A_316 : f32 to vector<16xf32>
        %mul3A_318 = arith.mulf %get3A_315, %mul3A_317 : vector<16xf32>
        %get3A_319 = arith.index_cast %add3A_279 : i32 to index
        %get3A_320 = arith.constant 32 : index
        %get3A_321 = tpu.vector_load %arg11[%get3A_319, %get3A_320] {strides = array<i32>} : memref<16x768xf32, #tpu.memory_space<vmem>>, vector<1x16xf32>,
        %get3A_322 = vector.shape_cast %get3A_321 : vector<1x16xf32> to vector<16xf32>
        %add3A_323 = arith.addf %mul3A_318, %get3A_322 : vector<16xf32>
        %swap3A_324 = arith.index_cast %add3A_279 : i32 to index
        %swap3A_325 = arith.constant 32 : index
        %swap3A_326 = tpu.vector_load %arg9[%swap3A_324, %swap3A_325] {strides = array<i32>} : memref<16x768xf32, #tpu.memory_space<vmem>>, vector<1x16xf32>,
        %swap3A_327 = vector.shape_cast %swap3A_326 : vector<1x16xf32> to vector<16xf32>
        %swap3A_328 = vector.shape_cast %add3A_323 : vector<16xf32> to vector<1x16xf32>
        tpu.vector_store %arg9[%swap3A_324, %swap3A_325], %swap3A_328 {strides = array<i32>} : memref<16x768xf32, #tpu.memory_space<vmem>>, vector<1x16xf32>,
        %get3A_329 = arith.index_cast %add3A_279 : i32 to index
        %get3A_330 = arith.constant 48 : index
        %get3A_331 = tpu.vector_load %arg9[%get3A_329, %get3A_330] {strides = array<i32>} : memref<16x768xf32, #tpu.memory_space<vmem>>, vector<1x16xf32>,
        %get3A_332 = vector.shape_cast %get3A_331 : vector<1x16xf32> to vector<16xf32>
        %mul3A_333 = arith.constant 27.7128124 : f32
        %mul3A_334 = vector.broadcast %mul3A_333 : f32 to vector<16xf32>
        %mul3A_335 = arith.mulf %get3A_332, %mul3A_334 : vector<16xf32>
        %get3A_336 = arith.index_cast %add3A_279 : i32 to index
        %get3A_337 = arith.constant 48 : index
        %get3A_338 = tpu.vector_load %arg11[%get3A_336, %get3A_337] {strides = array<i32>} : memref<16x768xf32, #tpu.memory_space<vmem>>, vector<1x16xf32>,
        %get3A_339 = vector.shape_cast %get3A_338 : vector<1x16xf32> to vector<16xf32>
        %add3A_340 = arith.addf %mul3A_335, %get3A_339 : vector<16xf32>
        %swap3A_341 = arith.index_cast %add3A_279 : i32 to index
        %swap3A_342 = arith.constant 48 : index
        %swap3A_343 = tpu.vector_load %arg9[%swap3A_341, %swap3A_342] {strides = array<i32>} : memref<16x768xf32, #tpu.memory_space<vmem>>, vector<1x16xf32>,
        %swap3A_344 = vector.shape_cast %swap3A_343 : vector<1x16xf32> to vector<16xf32>
        %swap3A_345 = vector.shape_cast %add3A_340 : vector<16xf32> to vector<1x16xf32>
        tpu.vector_store %arg9[%swap3A_341, %swap3A_342], %swap3A_345 {strides = array<i32>} : memref<16x768xf32, #tpu.memory_space<vmem>>, vector<1x16xf32>,
        %get3A_346 = arith.index_cast %add3A_279 : i32 to index
        %get3A_347 = arith.constant 64 : index
        %get3A_348 = tpu.vector_load %arg9[%get3A_346, %get3A_347] {strides = array<i32>} : memref<16x768xf32, #tpu.memory_space<vmem>>, vector<1x16xf32>,
        %get3A_349 = vector.shape_cast %get3A_348 : vector<1x16xf32> to vector<16xf32>
        %mul3A_350 = arith.constant 27.7128124 : f32
        %mul3A_351 = vector.broadcast %mul3A_350 : f32 to vector<16xf32>
        %mul3A_352 = arith.mulf %get3A_349, %mul3A_351 : vector<16xf32>
        %get3A_353 = arith.index_cast %add3A_279 : i32 to index
        %get3A_354 = arith.constant 64 : index
        %get3A_355 = tpu.vector_load %arg11[%get3A_353, %get3A_354] {strides = array<i32>} : memref<16x768xf32, #tpu.memory_space<vmem>>, vector<1x16xf32>,
        %get3A_356 = vector.shape_cast %get3A_355 : vector<1x16xf32> to vector<16xf32>
        %add3A_357 = arith.addf %mul3A_352, %get3A_356 : vector<16xf32>
        %swap3A_358 = arith.index_cast %add3A_279 : i32 to index
        %swap3A_359 = arith.constant 64 : index
        %swap3A_360 = tpu.vector_load %arg9[%swap3A_358, %swap3A_359] {strides = array<i32>} : memref<16x768xf32, #tpu.memory_space<vmem>>, vector<1x16xf32>,
        %swap3A_361 = vector.shape_cast %swap3A_360 : vector<1x16xf32> to vector<16xf32>
        %swap3A_362 = vector.shape_cast %add3A_357 : vector<16xf32> to vector<1x16xf32>
        tpu.vector_store %arg9[%swap3A_358, %swap3A_359], %swap3A_362 {strides = array<i32>} : memref<16x768xf32, #tpu.memory_space<vmem>>, vector<1x16xf32>,
        %get3A_363 = arith.index_cast %add3A_279 : i32 to index
        %get3A_364 = arith.constant 80 : index
        %get3A_365 = tpu.vector_load %arg9[%get3A_363, %get3A_364] {strides = array<i32>} : memref<16x768xf32, #tpu.memory_space<vmem>>, vector<1x16xf32>,
        %get3A_366 = vector.shape_cast %get3A_365 : vector<1x16xf32> to vector<16xf32>
        %mul3A_367 = arith.constant 27.7128124 : f32
        %mul3A_368 = vector.broadcast %mul3A_367 : f32 to vector<16xf32>
        %mul3A_369 = arith.mulf %get3A_366, %mul3A_368 : vector<16xf32>
        %get3A_370 = arith.index_cast %add3A_279 : i32 to index
        %get3A_371 = arith.constant 80 : index
        %get3A_372 = tpu.vector_load %arg11[%get3A_370, %get3A_371] {strides = array<i32>} : memref<16x768xf32, #tpu.memory_space<vmem>>, vector<1x16xf32>,
        %get3A_373 = vector.shape_cast %get3A_372 : vector<1x16xf32> to vector<16xf32>
        %add3A_374 = arith.addf %mul3A_369, %get3A_373 : vector<16xf32>
        %swap3A_375 = arith.index_cast %add3A_279 : i32 to index
        %swap3A_376 = arith.constant 80 : index
        %swap3A_377 = tpu.vector_load %arg9[%swap3A_375, %swap3A_376] {strides = array<i32>} : memref<16x768xf32, #tpu.memory_space<vmem>>, vector<1x16xf32>,
        %swap3A_378 = vector.shape_cast %swap3A_377 : vector<1x16xf32> to vector<16xf32>
        %swap3A_379 = vector.shape_cast %add3A_374 : vector<16xf32> to vector<1x16xf32>
        tpu.vector_store %arg9[%swap3A_375, %swap3A_376], %swap3A_379 {strides = array<i32>} : memref<16x768xf32, #tpu.memory_space<vmem>>, vector<1x16xf32>,
        %get3A_380 = arith.index_cast %add3A_279 : i32 to index
        %get3A_381 = arith.constant 96 : index
        %get3A_382 = tpu.vector_load %arg9[%get3A_380, %get3A_381] {strides = array<i32>} : memref<16x768xf32, #tpu.memory_space<vmem>>, vector<1x16xf32>,
        %get3A_383 = vector.shape_cast %get3A_382 : vector<1x16xf32> to vector<16xf32>
        %mul3A_384 = arith.constant 27.7128124 : f32
        %mul3A_385 = vector.broadcast %mul3A_384 : f32 to vector<16xf32>
        %mul3A_386 = arith.mulf %get3A_383, %mul3A_385 : vector<16xf32>
        %get3A_387 = arith.index_cast %add3A_279 : i32 to index
        %get3A_388 = arith.constant 96 : index
        %get3A_389 = tpu.vector_load %arg11[%get3A_387, %get3A_388] {strides = array<i32>} : memref<16x768xf32, #tpu.memory_space<vmem>>, vector<1x16xf32>,
        %get3A_390 = vector.shape_cast %get3A_389 : vector<1x16xf32> to vector<16xf32>
        %add3A_391 = arith.addf %mul3A_386, %get3A_390 : vector<16xf32>
        %swap3A_392 = arith.index_cast %add3A_279 : i32 to index
        %swap3A_393 = arith.constant 96 : index
        %swap3A_394 = tpu.vector_load %arg9[%swap3A_392, %swap3A_393] {strides = array<i32>} : memref<16x768xf32, #tpu.memory_space<vmem>>, vector<1x16xf32>,
        %swap3A_395 = vector.shape_cast %swap3A_394 : vector<1x16xf32> to vector<16xf32>
        %swap3A_396 = vector.shape_cast %add3A_391 : vector<16xf32> to vector<1x16xf32>
        tpu.vector_store %arg9[%swap3A_392, %swap3A_393], %swap3A_396 {strides = array<i32>} : memref<16x768xf32, #tpu.memory_space<vmem>>, vector<1x16xf32>,
        %get3A_397 = arith.index_cast %add3A_279 : i32 to index
        %get3A_398 = arith.constant 112 : index
        %get3A_399 = tpu.vector_load %arg9[%get3A_397, %get3A_398] {strides = array<i32>} : memref<16x768xf32, #tpu.memory_space<vmem>>, vector<1x16xf32>,
        %get3A_400 = vector.shape_cast %get3A_399 : vector<1x16xf32> to vector<16xf32>
        %mul3A_401 = arith.constant 27.7128124 : f32
        %mul3A_402 = vector.broadcast %mul3A_401 : f32 to vector<16xf32>
        %mul3A_403 = arith.mulf %get3A_400, %mul3A_402 : vector<16xf32>
        %get3A_404 = arith.index_cast %add3A_279 : i32 to index
        %get3A_405 = arith.constant 112 : index
        %get3A_406 = tpu.vector_load %arg11[%get3A_404, %get3A_405] {strides = array<i32>} : memref<16x768xf32, #tpu.memory_space<vmem>>, vector<1x16xf32>,
        %get3A_407 = vector.shape_cast %get3A_406 : vector<1x16xf32> to vector<16xf32>
        %add3A_408 = arith.addf %mul3A_403, %get3A_407 : vector<16xf32>
        %swap3A_409 = arith.index_cast %add3A_279 : i32 to index
        %swap3A_410 = arith.constant 112 : index
        %swap3A_411 = tpu.vector_load %arg9[%swap3A_409, %swap3A_410] {strides = array<i32>} : memref<16x768xf32, #tpu.memory_space<vmem>>, vector<1x16xf32>,
        %swap3A_412 = vector.shape_cast %swap3A_411 : vector<1x16xf32> to vector<16xf32>
        %swap3A_413 = vector.shape_cast %add3A_408 : vector<16xf32> to vector<1x16xf32>
        tpu.vector_store %arg9[%swap3A_409, %swap3A_410], %swap3A_413 {strides = array<i32>} : memref<16x768xf32, #tpu.memory_space<vmem>>, vector<1x16xf32>,
        %get3A_414 = arith.index_cast %add3A_279 : i32 to index
        %get3A_415 = arith.constant 128 : index
        %get3A_416 = tpu.vector_load %arg9[%get3A_414, %get3A_415] {strides = array<i32>} : memref<16x768xf32, #tpu.memory_space<vmem>>, vector<1x16xf32>,
        %get3A_417 = vector.shape_cast %get3A_416 : vector<1x16xf32> to vector<16xf32>
        %mul3A_418 = arith.constant 27.7128124 : f32
        %mul3A_419 = vector.broadcast %mul3A_418 : f32 to vector<16xf32>
        %mul3A_420 = arith.mulf %get3A_417, %mul3A_419 : vector<16xf32>
        %get3A_421 = arith.index_cast %add3A_279 : i32 to index
        %get3A_422 = arith.constant 128 : index
        %get3A_423 = tpu.vector_load %arg11[%get3A_421, %get3A_422] {strides = array<i32>} : memref<16x768xf32, #tpu.memory_space<vmem>>, vector<1x16xf32>,
        %get3A_424 = vector.shape_cast %get3A_423 : vector<1x16xf32> to vector<16xf32>
        %add3A_425 = arith.addf %mul3A_420, %get3A_424 : vector<16xf32>
        %swap3A_426 = arith.index_cast %add3A_279 : i32 to index
        %swap3A_427 = arith.constant 128 : index
        %swap3A_428 = tpu.vector_load %arg9[%swap3A_426, %swap3A_427] {strides = array<i32>} : memref<16x768xf32, #tpu.memory_space<vmem>>, vector<1x16xf32>,
        %swap3A_429 = vector.shape_cast %swap3A_428 : vector<1x16xf32> to vector<16xf32>
        %swap3A_430 = vector.shape_cast %add3A_425 : vector<16xf32> to vector<1x16xf32>
        tpu.vector_store %arg9[%swap3A_426, %swap3A_427], %swap3A_430 {strides = array<i32>} : memref<16x768xf32, #tpu.memory_space<vmem>>, vector<1x16xf32>,
        %get3A_431 = arith.index_cast %add3A_279 : i32 to index
        %get3A_432 = arith.constant 144 : index
        %get3A_433 = tpu.vector_load %arg9[%get3A_431, %get3A_432] {strides = array<i32>} : memref<16x768xf32, #tpu.memory_space<vmem>>, vector<1x16xf32>,
        %get3A_434 = vector.shape_cast %get3A_433 : vector<1x16xf32> to vector<16xf32>
        %mul3A_435 = arith.constant 27.7128124 : f32
        %mul3A_436 = vector.broadcast %mul3A_435 : f32 to vector<16xf32>
        %mul3A_437 = arith.mulf %get3A_434, %mul3A_436 : vector<16xf32>
        %get3A_438 = arith.index_cast %add3A_279 : i32 to index
        %get3A_439 = arith.constant 144 : index
        %get3A_440 = tpu.vector_load %arg11[%get3A_438, %get3A_439] {strides = array<i32>} : memref<16x768xf32, #tpu.memory_space<vmem>>, vector<1x16xf32>,
        %get3A_441 = vector.shape_cast %get3A_440 : vector<1x16xf32> to vector<16xf32>
        %add3A_442 = arith.addf %mul3A_437, %get3A_441 : vector<16xf32>
        %swap3A_443 = arith.index_cast %add3A_279 : i32 to index
        %swap3A_444 = arith.constant 144 : index
        %swap3A_445 = tpu.vector_load %arg9[%swap3A_443, %swap3A_444] {strides = array<i32>} : memref<16x768xf32, #tpu.memory_space<vmem>>, vector<1x16xf32>,
        %swap3A_446 = vector.shape_cast %swap3A_445 : vector<1x16xf32> to vector<16xf32>
        %swap3A_447 = vector.shape_cast %add3A_442 : vector<16xf32> to vector<1x16xf32>
        tpu.vector_store %arg9[%swap3A_443, %swap3A_444], %swap3A_447 {strides = array<i32>} : memref<16x768xf32, #tpu.memory_space<vmem>>, vector<1x16xf32>,
        %get3A_448 = arith.index_cast %add3A_279 : i32 to index
        %get3A_449 = arith.constant 160 : index
        %get3A_450 = tpu.vector_load %arg9[%get3A_448, %get3A_449] {strides = array<i32>} : memref<16x768xf32, #tpu.memory_space<vmem>>, vector<1x16xf32>,
        %get3A_451 = vector.shape_cast %get3A_450 : vector<1x16xf32> to vector<16xf32>
        %mul3A_452 = arith.constant 27.7128124 : f32
        %mul3A_453 = vector.broadcast %mul3A_452 : f32 to vector<16xf32>
        %mul3A_454 = arith.mulf %get3A_451, %mul3A_453 : vector<16xf32>
        %get3A_455 = arith.index_cast %add3A_279 : i32 to index
        %get3A_456 = arith.constant 160 : index
        %get3A_457 = tpu.vector_load %arg11[%get3A_455, %get3A_456] {strides = array<i32>} : memref<16x768xf32, #tpu.memory_space<vmem>>, vector<1x16xf32>,
        %get3A_458 = vector.shape_cast %get3A_457 : vector<1x16xf32> to vector<16xf32>
        %add3A_459 = arith.addf %mul3A_454, %get3A_458 : vector<16xf32>
        %swap3A_460 = arith.index_cast %add3A_279 : i32 to index
        %swap3A_461 = arith.constant 160 : index
        %swap3A_462 = tpu.vector_load %arg9[%swap3A_460, %swap3A_461] {strides = array<i32>} : memref<16x768xf32, #tpu.memory_space<vmem>>, vector<1x16xf32>,
        %swap3A_463 = vector.shape_cast %swap3A_462 : vector<1x16xf32> to vector<16xf32>
        %swap3A_464 = vector.shape_cast %add3A_459 : vector<16xf32> to vector<1x16xf32>
        tpu.vector_store %arg9[%swap3A_460, %swap3A_461], %swap3A_464 {strides = array<i32>} : memref<16x768xf32, #tpu.memory_space<vmem>>, vector<1x16xf32>,
        %get3A_465 = arith.index_cast %add3A_279 : i32 to index
        %get3A_466 = arith.constant 176 : index
        %get3A_467 = tpu.vector_load %arg9[%get3A_465, %get3A_466] {strides = array<i32>} : memref<16x768xf32, #tpu.memory_space<vmem>>, vector<1x16xf32>,
        %get3A_468 = vector.shape_cast %get3A_467 : vector<1x16xf32> to vector<16xf32>
        %mul3A_469 = arith.constant 27.7128124 : f32
        %mul3A_470 = vector.broadcast %mul3A_469 : f32 to vector<16xf32>
        %mul3A_471 = arith.mulf %get3A_468, %mul3A_470 : vector<16xf32>
        %get3A_472 = arith.index_cast %add3A_279 : i32 to index
        %get3A_473 = arith.constant 176 : index
        %get3A_474 = tpu.vector_load %arg11[%get3A_472, %get3A_473] {strides = array<i32>} : memref<16x768xf32, #tpu.memory_space<vmem>>, vector<1x16xf32>,
        %get3A_475 = vector.shape_cast %get3A_474 : vector<1x16xf32> to vector<16xf32>
        %add3A_476 = arith.addf %mul3A_471, %get3A_475 : vector<16xf32>
        %swap3A_477 = arith.index_cast %add3A_279 : i32 to index
        %swap3A_478 = arith.constant 176 : index
        %swap3A_479 = tpu.vector_load %arg9[%swap3A_477, %swap3A_478] {strides = array<i32>} : memref<16x768xf32, #tpu.memory_space<vmem>>, vector<1x16xf32>,
        %swap3A_480 = vector.shape_cast %swap3A_479 : vector<1x16xf32> to vector<16xf32>
        %swap3A_481 = vector.shape_cast %add3A_476 : vector<16xf32> to vector<1x16xf32>
        tpu.vector_store %arg9[%swap3A_477, %swap3A_478], %swap3A_481 {strides = array<i32>} : memref<16x768xf32, #tpu.memory_space<vmem>>, vector<1x16xf32>,
        %get3A_482 = arith.index_cast %add3A_279 : i32 to index
        %get3A_483 = arith.constant 192 : index
        %get3A_484 = tpu.vector_load %arg9[%get3A_482, %get3A_483] {strides = array<i32>} : memref<16x768xf32, #tpu.memory_space<vmem>>, vector<1x16xf32>,
        %get3A_485 = vector.shape_cast %get3A_484 : vector<1x16xf32> to vector<16xf32>
        %mul3A_486 = arith.constant 27.7128124 : f32
        %mul3A_487 = vector.broadcast %mul3A_486 : f32 to vector<16xf32>
        %mul3A_488 = arith.mulf %get3A_485, %mul3A_487 : vector<16xf32>
        %get3A_489 = arith.index_cast %add3A_279 : i32 to index
        %get3A_490 = arith.constant 192 : index
        %get3A_491 = tpu.vector_load %arg11[%get3A_489, %get3A_490] {strides = array<i32>} : memref<16x768xf32, #tpu.memory_space<vmem>>, vector<1x16xf32>,
        %get3A_492 = vector.shape_cast %get3A_491 : vector<1x16xf32> to vector<16xf32>
        %add3A_493 = arith.addf %mul3A_488, %get3A_492 : vector<16xf32>
        %swap3A_494 = arith.index_cast %add3A_279 : i32 to index
        %swap3A_495 = arith.constant 192 : index
        %swap3A_496 = tpu.vector_load %arg9[%swap3A_494, %swap3A_495] {strides = array<i32>} : memref<16x768xf32, #tpu.memory_space<vmem>>, vector<1x16xf32>,
        %swap3A_497 = vector.shape_cast %swap3A_496 : vector<1x16xf32> to vector<16xf32>
        %swap3A_498 = vector.shape_cast %add3A_493 : vector<16xf32> to vector<1x16xf32>
        tpu.vector_store %arg9[%swap3A_494, %swap3A_495], %swap3A_498 {strides = array<i32>} : memref<16x768xf32, #tpu.memory_space<vmem>>, vector<1x16xf32>,
        %get3A_499 = arith.index_cast %add3A_279 : i32 to index
        %get3A_500 = arith.constant 208 : index
        %get3A_501 = tpu.vector_load %arg9[%get3A_499, %get3A_500] {strides = array<i32>} : memref<16x768xf32, #tpu.memory_space<vmem>>, vector<1x16xf32>,
        %get3A_502 = vector.shape_cast %get3A_501 : vector<1x16xf32> to vector<16xf32>
        %mul3A_503 = arith.constant 27.7128124 : f32
        %mul3A_504 = vector.broadcast %mul3A_503 : f32 to vector<16xf32>
        %mul3A_505 = arith.mulf %get3A_502, %mul3A_504 : vector<16xf32>
        %get3A_506 = arith.index_cast %add3A_279 : i32 to index
        %get3A_507 = arith.constant 208 : index
        %get3A_508 = tpu.vector_load %arg11[%get3A_506, %get3A_507] {strides = array<i32>} : memref<16x768xf32, #tpu.memory_space<vmem>>, vector<1x16xf32>,
        %get3A_509 = vector.shape_cast %get3A_508 : vector<1x16xf32> to vector<16xf32>
        %add3A_510 = arith.addf %mul3A_505, %get3A_509 : vector<16xf32>
        %swap3A_511 = arith.index_cast %add3A_279 : i32 to index
        %swap3A_512 = arith.constant 208 : index
        %swap3A_513 = tpu.vector_load %arg9[%swap3A_511, %swap3A_512] {strides = array<i32>} : memref<16x768xf32, #tpu.memory_space<vmem>>, vector<1x16xf32>,
        %swap3A_514 = vector.shape_cast %swap3A_513 : vector<1x16xf32> to vector<16xf32>
        %swap3A_515 = vector.shape_cast %add3A_510 : vector<16xf32> to vector<1x16xf32>
        tpu.vector_store %arg9[%swap3A_511, %swap3A_512], %swap3A_515 {strides = array<i32>} : memref<16x768xf32, #tpu.memory_space<vmem>>, vector<1x16xf32>,
        %get3A_516 = arith.index_cast %add3A_279 : i32 to index
        %get3A_517 = arith.constant 224 : index
        %get3A_518 = tpu.vector_load %arg9[%get3A_516, %get3A_517] {strides = array<i32>} : memref<16x768xf32, #tpu.memory_space<vmem>>, vector<1x16xf32>,
        %get3A_519 = vector.shape_cast %get3A_518 : vector<1x16xf32> to vector<16xf32>
        %mul3A_520 = arith.constant 27.7128124 : f32
        %mul3A_521 = vector.broadcast %mul3A_520 : f32 to vector<16xf32>
        %mul3A_522 = arith.mulf %get3A_519, %mul3A_521 : vector<16xf32>
        %get3A_523 = arith.index_cast %add3A_279 : i32 to index
        %get3A_524 = arith.constant 224 : index
        %get3A_525 = tpu.vector_load %arg11[%get3A_523, %get3A_524] {strides = array<i32>} : memref<16x768xf32, #tpu.memory_space<vmem>>, vector<1x16xf32>,
        %get3A_526 = vector.shape_cast %get3A_525 : vector<1x16xf32> to vector<16xf32>
        %add3A_527 = arith.addf %mul3A_522, %get3A_526 : vector<16xf32>
        %swap3A_528 = arith.index_cast %add3A_279 : i32 to index
        %swap3A_529 = arith.constant 224 : index
        %swap3A_530 = tpu.vector_load %arg9[%swap3A_528, %swap3A_529] {strides = array<i32>} : memref<16x768xf32, #tpu.memory_space<vmem>>, vector<1x16xf32>,
        %swap3A_531 = vector.shape_cast %swap3A_530 : vector<1x16xf32> to vector<16xf32>
        %swap3A_532 = vector.shape_cast %add3A_527 : vector<16xf32> to vector<1x16xf32>
        tpu.vector_store %arg9[%swap3A_528, %swap3A_529], %swap3A_532 {strides = array<i32>} : memref<16x768xf32, #tpu.memory_space<vmem>>, vector<1x16xf32>,
        %get3A_533 = arith.index_cast %add3A_279 : i32 to index
        %get3A_534 = arith.constant 240 : index
        %get3A_535 = tpu.vector_load %arg9[%get3A_533, %get3A_534] {strides = array<i32>} : memref<16x768xf32, #tpu.memory_space<vmem>>, vector<1x16xf32>,
        %get3A_536 = vector.shape_cast %get3A_535 : vector<1x16xf32> to vector<16xf32>
        %mul3A_537 = arith.constant 27.7128124 : f32
        %mul3A_538 = vector.broadcast %mul3A_537 : f32 to vector<16xf32>
        %mul3A_539 = arith.mulf %get3A_536, %mul3A_538 : vector<16xf32>
        %get3A_540 = arith.index_cast %add3A_279 : i32 to index
        %get3A_541 = arith.constant 240 : index
        %get3A_542 = tpu.vector_load %arg11[%get3A_540, %get3A_541] {strides = array<i32>} : memref<16x768xf32, #tpu.memory_space<vmem>>, vector<1x16xf32>,
        %get3A_543 = vector.shape_cast %get3A_542 : vector<1x16xf32> to vector<16xf32>
        %add3A_544 = arith.addf %mul3A_539, %get3A_543 : vector<16xf32>
        %swap3A_545 = arith.index_cast %add3A_279 : i32 to index
        %swap3A_546 = arith.constant 240 : index
        %swap3A_547 = tpu.vector_load %arg9[%swap3A_545, %swap3A_546] {strides = array<i32>} : memref<16x768xf32, #tpu.memory_space<vmem>>, vector<1x16xf32>,
        %swap3A_548 = vector.shape_cast %swap3A_547 : vector<1x16xf32> to vector<16xf32>
        %swap3A_549 = vector.shape_cast %add3A_544 : vector<16xf32> to vector<1x16xf32>
        tpu.vector_store %arg9[%swap3A_545, %swap3A_546], %swap3A_549 {strides = array<i32>} : memref<16x768xf32, #tpu.memory_space<vmem>>, vector<1x16xf32>,
        %get3A_550 = arith.index_cast %add3A_279 : i32 to index
        %get3A_551 = arith.constant 256 : index
        %get3A_552 = tpu.vector_load %arg9[%get3A_550, %get3A_551] {strides = array<i32>} : memref<16x768xf32, #tpu.memory_space<vmem>>, vector<1x16xf32>,
        %get3A_553 = vector.shape_cast %get3A_552 : vector<1x16xf32> to vector<16xf32>
        %mul3A_554 = arith.constant 27.7128124 : f32
        %mul3A_555 = vector.broadcast %mul3A_554 : f32 to vector<16xf32>
        %mul3A_556 = arith.mulf %get3A_553, %mul3A_555 : vector<16xf32>
        %get3A_557 = arith.index_cast %add3A_279 : i32 to index
        %get3A_558 = arith.constant 256 : index
        %get3A_559 = tpu.vector_load %arg11[%get3A_557, %get3A_558] {strides = array<i32>} : memref<16x768xf32, #tpu.memory_space<vmem>>, vector<1x16xf32>,
        %get3A_560 = vector.shape_cast %get3A_559 : vector<1x16xf32> to vector<16xf32>
        %add3A_561 = arith.addf %mul3A_556, %get3A_560 : vector<16xf32>
        %swap3A_562 = arith.index_cast %add3A_279 : i32 to index
        %swap3A_563 = arith.constant 256 : index
        %swap3A_564 = tpu.vector_load %arg9[%swap3A_562, %swap3A_563] {strides = array<i32>} : memref<16x768xf32, #tpu.memory_space<vmem>>, vector<1x16xf32>,
        %swap3A_565 = vector.shape_cast %swap3A_564 : vector<1x16xf32> to vector<16xf32>
        %swap3A_566 = vector.shape_cast %add3A_561 : vector<16xf32> to vector<1x16xf32>
        tpu.vector_store %arg9[%swap3A_562, %swap3A_563], %swap3A_566 {strides = array<i32>} : memref<16x768xf32, #tpu.memory_space<vmem>>, vector<1x16xf32>,
        %get3A_567 = arith.index_cast %add3A_279 : i32 to index
        %get3A_568 = arith.constant 272 : index
        %get3A_569 = tpu.vector_load %arg9[%get3A_567, %get3A_568] {strides = array<i32>} : memref<16x768xf32, #tpu.memory_space<vmem>>, vector<1x16xf32>,
        %get3A_570 = vector.shape_cast %get3A_569 : vector<1x16xf32> to vector<16xf32>
        %mul3A_571 = arith.constant 27.7128124 : f32
        %mul3A_572 = vector.broadcast %mul3A_571 : f32 to vector<16xf32>
        %mul3A_573 = arith.mulf %get3A_570, %mul3A_572 : vector<16xf32>
        %get3A_574 = arith.index_cast %add3A_279 : i32 to index
        %get3A_575 = arith.constant 272 : index
        %get3A_576 = tpu.vector_load %arg11[%get3A_574, %get3A_575] {strides = array<i32>} : memref<16x768xf32, #tpu.memory_space<vmem>>, vector<1x16xf32>,
        %get3A_577 = vector.shape_cast %get3A_576 : vector<1x16xf32> to vector<16xf32>
        %add3A_578 = arith.addf %mul3A_573, %get3A_577 : vector<16xf32>
        %swap3A_579 = arith.index_cast %add3A_279 : i32 to index
        %swap3A_580 = arith.constant 272 : index
        %swap3A_581 = tpu.vector_load %arg9[%swap3A_579, %swap3A_580] {strides = array<i32>} : memref<16x768xf32, #tpu.memory_space<vmem>>, vector<1x16xf32>,
        %swap3A_582 = vector.shape_cast %swap3A_581 : vector<1x16xf32> to vector<16xf32>
        %swap3A_583 = vector.shape_cast %add3A_578 : vector<16xf32> to vector<1x16xf32>
        tpu.vector_store %arg9[%swap3A_579, %swap3A_580], %swap3A_583 {strides = array<i32>} : memref<16x768xf32, #tpu.memory_space<vmem>>, vector<1x16xf32>,
        %get3A_584 = arith.index_cast %add3A_279 : i32 to index
        %get3A_585 = arith.constant 288 : index
        %get3A_586 = tpu.vector_load %arg9[%get3A_584, %get3A_585] {strides = array<i32>} : memref<16x768xf32, #tpu.memory_space<vmem>>, vector<1x16xf32>,
        %get3A_587 = vector.shape_cast %get3A_586 : vector<1x16xf32> to vector<16xf32>
        %mul3A_588 = arith.constant 27.7128124 : f32
        %mul3A_589 = vector.broadcast %mul3A_588 : f32 to vector<16xf32>
        %mul3A_590 = arith.mulf %get3A_587, %mul3A_589 : vector<16xf32>
        %get3A_591 = arith.index_cast %add3A_279 : i32 to index
        %get3A_592 = arith.constant 288 : index
        %get3A_593 = tpu.vector_load %arg11[%get3A_591, %get3A_592] {strides = array<i32>} : memref<16x768xf32, #tpu.memory_space<vmem>>, vector<1x16xf32>,
        %get3A_594 = vector.shape_cast %get3A_593 : vector<1x16xf32> to vector<16xf32>
        %add3A_595 = arith.addf %mul3A_590, %get3A_594 : vector<16xf32>
        %swap3A_596 = arith.index_cast %add3A_279 : i32 to index
        %swap3A_597 = arith.constant 288 : index
        %swap3A_598 = tpu.vector_load %arg9[%swap3A_596, %swap3A_597] {strides = array<i32>} : memref<16x768xf32, #tpu.memory_space<vmem>>, vector<1x16xf32>,
        %swap3A_599 = vector.shape_cast %swap3A_598 : vector<1x16xf32> to vector<16xf32>
        %swap3A_600 = vector.shape_cast %add3A_595 : vector<16xf32> to vector<1x16xf32>
        tpu.vector_store %arg9[%swap3A_596, %swap3A_597], %swap3A_600 {strides = array<i32>} : memref<16x768xf32, #tpu.memory_space<vmem>>, vector<1x16xf32>,
        %get3A_601 = arith.index_cast %add3A_279 : i32 to index
        %get3A_602 = arith.constant 304 : index
        %get3A_603 = tpu.vector_load %arg9[%get3A_601, %get3A_602] {strides = array<i32>} : memref<16x768xf32, #tpu.memory_space<vmem>>, vector<1x16xf32>,
        %get3A_604 = vector.shape_cast %get3A_603 : vector<1x16xf32> to vector<16xf32>
        %mul3A_605 = arith.constant 27.7128124 : f32
        %mul3A_606 = vector.broadcast %mul3A_605 : f32 to vector<16xf32>
        %mul3A_607 = arith.mulf %get3A_604, %mul3A_606 : vector<16xf32>
        %get3A_608 = arith.index_cast %add3A_279 : i32 to index
        %get3A_609 = arith.constant 304 : index
        %get3A_610 = tpu.vector_load %arg11[%get3A_608, %get3A_609] {strides = array<i32>} : memref<16x768xf32, #tpu.memory_space<vmem>>, vector<1x16xf32>,
        %get3A_611 = vector.shape_cast %get3A_610 : vector<1x16xf32> to vector<16xf32>
        %add3A_612 = arith.addf %mul3A_607, %get3A_611 : vector<16xf32>
        %swap3A_613 = arith.index_cast %add3A_279 : i32 to index
        %swap3A_614 = arith.constant 304 : index
        %swap3A_615 = tpu.vector_load %arg9[%swap3A_613, %swap3A_614] {strides = array<i32>} : memref<16x768xf32, #tpu.memory_space<vmem>>, vector<1x16xf32>,
        %swap3A_616 = vector.shape_cast %swap3A_615 : vector<1x16xf32> to vector<16xf32>
        %swap3A_617 = vector.shape_cast %add3A_612 : vector<16xf32> to vector<1x16xf32>
        tpu.vector_store %arg9[%swap3A_613, %swap3A_614], %swap3A_617 {strides = array<i32>} : memref<16x768xf32, #tpu.memory_space<vmem>>, vector<1x16xf32>,
        %get3A_618 = arith.index_cast %add3A_279 : i32 to index
        %get3A_619 = arith.constant 320 : index
        %get3A_620 = tpu.vector_load %arg9[%get3A_618, %get3A_619] {strides = array<i32>} : memref<16x768xf32, #tpu.memory_space<vmem>>, vector<1x16xf32>,
        %get3A_621 = vector.shape_cast %get3A_620 : vector<1x16xf32> to vector<16xf32>
        %mul3A_622 = arith.constant 27.7128124 : f32
        %mul3A_623 = vector.broadcast %mul3A_622 : f32 to vector<16xf32>
        %mul3A_624 = arith.mulf %get3A_621, %mul3A_623 : vector<16xf32>
        %get3A_625 = arith.index_cast %add3A_279 : i32 to index
        %get3A_626 = arith.constant 320 : index
        %get3A_627 = tpu.vector_load %arg11[%get3A_625, %get3A_626] {strides = array<i32>} : memref<16x768xf32, #tpu.memory_space<vmem>>, vector<1x16xf32>,
        %get3A_628 = vector.shape_cast %get3A_627 : vector<1x16xf32> to vector<16xf32>
        %add3A_629 = arith.addf %mul3A_624, %get3A_628 : vector<16xf32>
        %swap3A_630 = arith.index_cast %add3A_279 : i32 to index
        %swap3A_631 = arith.constant 320 : index
        %swap3A_632 = tpu.vector_load %arg9[%swap3A_630, %swap3A_631] {strides = array<i32>} : memref<16x768xf32, #tpu.memory_space<vmem>>, vector<1x16xf32>,
        %swap3A_633 = vector.shape_cast %swap3A_632 : vector<1x16xf32> to vector<16xf32>
        %swap3A_634 = vector.shape_cast %add3A_629 : vector<16xf32> to vector<1x16xf32>
        tpu.vector_store %arg9[%swap3A_630, %swap3A_631], %swap3A_634 {strides = array<i32>} : memref<16x768xf32, #tpu.memory_space<vmem>>, vector<1x16xf32>,
        %get3A_635 = arith.index_cast %add3A_279 : i32 to index
        %get3A_636 = arith.constant 336 : index
        %get3A_637 = tpu.vector_load %arg9[%get3A_635, %get3A_636] {strides = array<i32>} : memref<16x768xf32, #tpu.memory_space<vmem>>, vector<1x16xf32>,
        %get3A_638 = vector.shape_cast %get3A_637 : vector<1x16xf32> to vector<16xf32>
        %mul3A_639 = arith.constant 27.7128124 : f32
        %mul3A_640 = vector.broadcast %mul3A_639 : f32 to vector<16xf32>
        %mul3A_641 = arith.mulf %get3A_638, %mul3A_640 : vector<16xf32>
        %get3A_642 = arith.index_cast %add3A_279 : i32 to index
        %get3A_643 = arith.constant 336 : index
        %get3A_644 = tpu.vector_load %arg11[%get3A_642, %get3A_643] {strides = array<i32>} : memref<16x768xf32, #tpu.memory_space<vmem>>, vector<1x16xf32>,
        %get3A_645 = vector.shape_cast %get3A_644 : vector<1x16xf32> to vector<16xf32>
        %add3A_646 = arith.addf %mul3A_641, %get3A_645 : vector<16xf32>
        %swap3A_647 = arith.index_cast %add3A_279 : i32 to index
        %swap3A_648 = arith.constant 336 : index
        %swap3A_649 = tpu.vector_load %arg9[%swap3A_647, %swap3A_648] {strides = array<i32>} : memref<16x768xf32, #tpu.memory_space<vmem>>, vector<1x16xf32>,
        %swap3A_650 = vector.shape_cast %swap3A_649 : vector<1x16xf32> to vector<16xf32>
        %swap3A_651 = vector.shape_cast %add3A_646 : vector<16xf32> to vector<1x16xf32>
        tpu.vector_store %arg9[%swap3A_647, %swap3A_648], %swap3A_651 {strides = array<i32>} : memref<16x768xf32, #tpu.memory_space<vmem>>, vector<1x16xf32>,
        %get3A_652 = arith.index_cast %add3A_279 : i32 to index
        %get3A_653 = arith.constant 352 : index
        %get3A_654 = tpu.vector_load %arg9[%get3A_652, %get3A_653] {strides = array<i32>} : memref<16x768xf32, #tpu.memory_space<vmem>>, vector<1x16xf32>,
        %get3A_655 = vector.shape_cast %get3A_654 : vector<1x16xf32> to vector<16xf32>
        %mul3A_656 = arith.constant 27.7128124 : f32
        %mul3A_657 = vector.broadcast %mul3A_656 : f32 to vector<16xf32>
        %mul3A_658 = arith.mulf %get3A_655, %mul3A_657 : vector<16xf32>
        %get3A_659 = arith.index_cast %add3A_279 : i32 to index
        %get3A_660 = arith.constant 352 : index
        %get3A_661 = tpu.vector_load %arg11[%get3A_659, %get3A_660] {strides = array<i32>} : memref<16x768xf32, #tpu.memory_space<vmem>>, vector<1x16xf32>,
        %get3A_662 = vector.shape_cast %get3A_661 : vector<1x16xf32> to vector<16xf32>
        %add3A_663 = arith.addf %mul3A_658, %get3A_662 : vector<16xf32>
        %swap3A_664 = arith.index_cast %add3A_279 : i32 to index
        %swap3A_665 = arith.constant 352 : index
        %swap3A_666 = tpu.vector_load %arg9[%swap3A_664, %swap3A_665] {strides = array<i32>} : memref<16x768xf32, #tpu.memory_space<vmem>>, vector<1x16xf32>,
        %swap3A_667 = vector.shape_cast %swap3A_666 : vector<1x16xf32> to vector<16xf32>
        %swap3A_668 = vector.shape_cast %add3A_663 : vector<16xf32> to vector<1x16xf32>
        tpu.vector_store %arg9[%swap3A_664, %swap3A_665], %swap3A_668 {strides = array<i32>} : memref<16x768xf32, #tpu.memory_space<vmem>>, vector<1x16xf32>,
        %get3A_669 = arith.index_cast %add3A_279 : i32 to index
        %get3A_670 = arith.constant 368 : index
        %get3A_671 = tpu.vector_load %arg9[%get3A_669, %get3A_670] {strides = array<i32>} : memref<16x768xf32, #tpu.memory_space<vmem>>, vector<1x16xf32>,
        %get3A_672 = vector.shape_cast %get3A_671 : vector<1x16xf32> to vector<16xf32>
        %mul3A_673 = arith.constant 27.7128124 : f32
        %mul3A_674 = vector.broadcast %mul3A_673 : f32 to vector<16xf32>
        %mul3A_675 = arith.mulf %get3A_672, %mul3A_674 : vector<16xf32>
        %get3A_676 = arith.index_cast %add3A_279 : i32 to index
        %get3A_677 = arith.constant 368 : index
        %get3A_678 = tpu.vector_load %arg11[%get3A_676, %get3A_677] {strides = array<i32>} : memref<16x768xf32, #tpu.memory_space<vmem>>, vector<1x16xf32>,
        %get3A_679 = vector.shape_cast %get3A_678 : vector<1x16xf32> to vector<16xf32>
        %add3A_680 = arith.addf %mul3A_675, %get3A_679 : vector<16xf32>
        %swap3A_681 = arith.index_cast %add3A_279 : i32 to index
        %swap3A_682 = arith.constant 368 : index
        %swap3A_683 = tpu.vector_load %arg9[%swap3A_681, %swap3A_682] {strides = array<i32>} : memref<16x768xf32, #tpu.memory_space<vmem>>, vector<1x16xf32>,
        %swap3A_684 = vector.shape_cast %swap3A_683 : vector<1x16xf32> to vector<16xf32>
        %swap3A_685 = vector.shape_cast %add3A_680 : vector<16xf32> to vector<1x16xf32>
        tpu.vector_store %arg9[%swap3A_681, %swap3A_682], %swap3A_685 {strides = array<i32>} : memref<16x768xf32, #tpu.memory_space<vmem>>, vector<1x16xf32>,
        %get3A_686 = arith.index_cast %add3A_279 : i32 to index
        %get3A_687 = arith.constant 384 : index
        %get3A_688 = tpu.vector_load %arg9[%get3A_686, %get3A_687] {strides = array<i32>} : memref<16x768xf32, #tpu.memory_space<vmem>>, vector<1x16xf32>,
        %get3A_689 = vector.shape_cast %get3A_688 : vector<1x16xf32> to vector<16xf32>
        %mul3A_690 = arith.constant 27.7128124 : f32
        %mul3A_691 = vector.broadcast %mul3A_690 : f32 to vector<16xf32>
        %mul3A_692 = arith.mulf %get3A_689, %mul3A_691 : vector<16xf32>
        %get3A_693 = arith.index_cast %add3A_279 : i32 to index
        %get3A_694 = arith.constant 384 : index
        %get3A_695 = tpu.vector_load %arg11[%get3A_693, %get3A_694] {strides = array<i32>} : memref<16x768xf32, #tpu.memory_space<vmem>>, vector<1x16xf32>,
        %get3A_696 = vector.shape_cast %get3A_695 : vector<1x16xf32> to vector<16xf32>
        %add3A_697 = arith.addf %mul3A_692, %get3A_696 : vector<16xf32>
        %swap3A_698 = arith.index_cast %add3A_279 : i32 to index
        %swap3A_699 = arith.constant 384 : index
        %swap3A_700 = tpu.vector_load %arg9[%swap3A_698, %swap3A_699] {strides = array<i32>} : memref<16x768xf32, #tpu.memory_space<vmem>>, vector<1x16xf32>,
        %swap3A_701 = vector.shape_cast %swap3A_700 : vector<1x16xf32> to vector<16xf32>
        %swap3A_702 = vector.shape_cast %add3A_697 : vector<16xf32> to vector<1x16xf32>
        tpu.vector_store %arg9[%swap3A_698, %swap3A_699], %swap3A_702 {strides = array<i32>} : memref<16x768xf32, #tpu.memory_space<vmem>>, vector<1x16xf32>,
        %get3A_703 = arith.index_cast %add3A_279 : i32 to index
        %get3A_704 = arith.constant 400 : index
        %get3A_705 = tpu.vector_load %arg9[%get3A_703, %get3A_704] {strides = array<i32>} : memref<16x768xf32, #tpu.memory_space<vmem>>, vector<1x16xf32>,
        %get3A_706 = vector.shape_cast %get3A_705 : vector<1x16xf32> to vector<16xf32>
        %mul3A_707 = arith.constant 27.7128124 : f32
        %mul3A_708 = vector.broadcast %mul3A_707 : f32 to vector<16xf32>
        %mul3A_709 = arith.mulf %get3A_706, %mul3A_708 : vector<16xf32>
        %get3A_710 = arith.index_cast %add3A_279 : i32 to index
        %get3A_711 = arith.constant 400 : index
        %get3A_712 = tpu.vector_load %arg11[%get3A_710, %get3A_711] {strides = array<i32>} : memref<16x768xf32, #tpu.memory_space<vmem>>, vector<1x16xf32>,
        %get3A_713 = vector.shape_cast %get3A_712 : vector<1x16xf32> to vector<16xf32>
        %add3A_714 = arith.addf %mul3A_709, %get3A_713 : vector<16xf32>
        %swap3A_715 = arith.index_cast %add3A_279 : i32 to index
        %swap3A_716 = arith.constant 400 : index
        %swap3A_717 = tpu.vector_load %arg9[%swap3A_715, %swap3A_716] {strides = array<i32>} : memref<16x768xf32, #tpu.memory_space<vmem>>, vector<1x16xf32>,
        %swap3A_718 = vector.shape_cast %swap3A_717 : vector<1x16xf32> to vector<16xf32>
        %swap3A_719 = vector.shape_cast %add3A_714 : vector<16xf32> to vector<1x16xf32>
        tpu.vector_store %arg9[%swap3A_715, %swap3A_716], %swap3A_719 {strides = array<i32>} : memref<16x768xf32, #tpu.memory_space<vmem>>, vector<1x16xf32>,
        %get3A_720 = arith.index_cast %add3A_279 : i32 to index
        %get3A_721 = arith.constant 416 : index
        %get3A_722 = tpu.vector_load %arg9[%get3A_720, %get3A_721] {strides = array<i32>} : memref<16x768xf32, #tpu.memory_space<vmem>>, vector<1x16xf32>,
        %get3A_723 = vector.shape_cast %get3A_722 : vector<1x16xf32> to vector<16xf32>
        %mul3A_724 = arith.constant 27.7128124 : f32
        %mul3A_725 = vector.broadcast %mul3A_724 : f32 to vector<16xf32>
        %mul3A_726 = arith.mulf %get3A_723, %mul3A_725 : vector<16xf32>
        %get3A_727 = arith.index_cast %add3A_279 : i32 to index
        %get3A_728 = arith.constant 416 : index
        %get3A_729 = tpu.vector_load %arg11[%get3A_727, %get3A_728] {strides = array<i32>} : memref<16x768xf32, #tpu.memory_space<vmem>>, vector<1x16xf32>,
        %get3A_730 = vector.shape_cast %get3A_729 : vector<1x16xf32> to vector<16xf32>
        %add3A_731 = arith.addf %mul3A_726, %get3A_730 : vector<16xf32>
        %swap3A_732 = arith.index_cast %add3A_279 : i32 to index
        %swap3A_733 = arith.constant 416 : index
        %swap3A_734 = tpu.vector_load %arg9[%swap3A_732, %swap3A_733] {strides = array<i32>} : memref<16x768xf32, #tpu.memory_space<vmem>>, vector<1x16xf32>,
        %swap3A_735 = vector.shape_cast %swap3A_734 : vector<1x16xf32> to vector<16xf32>
        %swap3A_736 = vector.shape_cast %add3A_731 : vector<16xf32> to vector<1x16xf32>
        tpu.vector_store %arg9[%swap3A_732, %swap3A_733], %swap3A_736 {strides = array<i32>} : memref<16x768xf32, #tpu.memory_space<vmem>>, vector<1x16xf32>,
        %get3A_737 = arith.index_cast %add3A_279 : i32 to index
        %get3A_738 = arith.constant 432 : index
        %get3A_739 = tpu.vector_load %arg9[%get3A_737, %get3A_738] {strides = array<i32>} : memref<16x768xf32, #tpu.memory_space<vmem>>, vector<1x16xf32>,
        %get3A_740 = vector.shape_cast %get3A_739 : vector<1x16xf32> to vector<16xf32>
        %mul3A_741 = arith.constant 27.7128124 : f32
        %mul3A_742 = vector.broadcast %mul3A_741 : f32 to vector<16xf32>
        %mul3A_743 = arith.mulf %get3A_740, %mul3A_742 : vector<16xf32>
        %get3A_744 = arith.index_cast %add3A_279 : i32 to index
        %get3A_745 = arith.constant 432 : index
        %get3A_746 = tpu.vector_load %arg11[%get3A_744, %get3A_745] {strides = array<i32>} : memref<16x768xf32, #tpu.memory_space<vmem>>, vector<1x16xf32>,
        %get3A_747 = vector.shape_cast %get3A_746 : vector<1x16xf32> to vector<16xf32>
        %add3A_748 = arith.addf %mul3A_743, %get3A_747 : vector<16xf32>
        %swap3A_749 = arith.index_cast %add3A_279 : i32 to index
        %swap3A_750 = arith.constant 432 : index
        %swap3A_751 = tpu.vector_load %arg9[%swap3A_749, %swap3A_750] {strides = array<i32>} : memref<16x768xf32, #tpu.memory_space<vmem>>, vector<1x16xf32>,
        %swap3A_752 = vector.shape_cast %swap3A_751 : vector<1x16xf32> to vector<16xf32>
        %swap3A_753 = vector.shape_cast %add3A_748 : vector<16xf32> to vector<1x16xf32>
        tpu.vector_store %arg9[%swap3A_749, %swap3A_750], %swap3A_753 {strides = array<i32>} : memref<16x768xf32, #tpu.memory_space<vmem>>, vector<1x16xf32>,
        %get3A_754 = arith.index_cast %add3A_279 : i32 to index
        %get3A_755 = arith.constant 448 : index
        %get3A_756 = tpu.vector_load %arg9[%get3A_754, %get3A_755] {strides = array<i32>} : memref<16x768xf32, #tpu.memory_space<vmem>>, vector<1x16xf32>,
        %get3A_757 = vector.shape_cast %get3A_756 : vector<1x16xf32> to vector<16xf32>
        %mul3A_758 = arith.constant 27.7128124 : f32
        %mul3A_759 = vector.broadcast %mul3A_758 : f32 to vector<16xf32>
        %mul3A_760 = arith.mulf %get3A_757, %mul3A_759 : vector<16xf32>
        %get3A_761 = arith.index_cast %add3A_279 : i32 to index
        %get3A_762 = arith.constant 448 : index
        %get3A_763 = tpu.vector_load %arg11[%get3A_761, %get3A_762] {strides = array<i32>} : memref<16x768xf32, #tpu.memory_space<vmem>>, vector<1x16xf32>,
        %get3A_764 = vector.shape_cast %get3A_763 : vector<1x16xf32> to vector<16xf32>
        %add3A_765 = arith.addf %mul3A_760, %get3A_764 : vector<16xf32>
        %swap3A_766 = arith.index_cast %add3A_279 : i32 to index
        %swap3A_767 = arith.constant 448 : index
        %swap3A_768 = tpu.vector_load %arg9[%swap3A_766, %swap3A_767] {strides = array<i32>} : memref<16x768xf32, #tpu.memory_space<vmem>>, vector<1x16xf32>,
        %swap3A_769 = vector.shape_cast %swap3A_768 : vector<1x16xf32> to vector<16xf32>
        %swap3A_770 = vector.shape_cast %add3A_765 : vector<16xf32> to vector<1x16xf32>
        tpu.vector_store %arg9[%swap3A_766, %swap3A_767], %swap3A_770 {strides = array<i32>} : memref<16x768xf32, #tpu.memory_space<vmem>>, vector<1x16xf32>,
        %get3A_771 = arith.index_cast %add3A_279 : i32 to index
        %get3A_772 = arith.constant 464 : index
        %get3A_773 = tpu.vector_load %arg9[%get3A_771, %get3A_772] {strides = array<i32>} : memref<16x768xf32, #tpu.memory_space<vmem>>, vector<1x16xf32>,
        %get3A_774 = vector.shape_cast %get3A_773 : vector<1x16xf32> to vector<16xf32>
        %mul3A_775 = arith.constant 27.7128124 : f32
        %mul3A_776 = vector.broadcast %mul3A_775 : f32 to vector<16xf32>
        %mul3A_777 = arith.mulf %get3A_774, %mul3A_776 : vector<16xf32>
        %get3A_778 = arith.index_cast %add3A_279 : i32 to index
        %get3A_779 = arith.constant 464 : index
        %get3A_780 = tpu.vector_load %arg11[%get3A_778, %get3A_779] {strides = array<i32>} : memref<16x768xf32, #tpu.memory_space<vmem>>, vector<1x16xf32>,
        %get3A_781 = vector.shape_cast %get3A_780 : vector<1x16xf32> to vector<16xf32>
        %add3A_782 = arith.addf %mul3A_777, %get3A_781 : vector<16xf32>
        %swap3A_783 = arith.index_cast %add3A_279 : i32 to index
        %swap3A_784 = arith.constant 464 : index
        %swap3A_785 = tpu.vector_load %arg9[%swap3A_783, %swap3A_784] {strides = array<i32>} : memref<16x768xf32, #tpu.memory_space<vmem>>, vector<1x16xf32>,
        %swap3A_786 = vector.shape_cast %swap3A_785 : vector<1x16xf32> to vector<16xf32>
        %swap3A_787 = vector.shape_cast %add3A_782 : vector<16xf32> to vector<1x16xf32>
        tpu.vector_store %arg9[%swap3A_783, %swap3A_784], %swap3A_787 {strides = array<i32>} : memref<16x768xf32, #tpu.memory_space<vmem>>, vector<1x16xf32>,
        %get3A_788 = arith.index_cast %add3A_279 : i32 to index
        %get3A_789 = arith.constant 480 : index
        %get3A_790 = tpu.vector_load %arg9[%get3A_788, %get3A_789] {strides = array<i32>} : memref<16x768xf32, #tpu.memory_space<vmem>>, vector<1x16xf32>,
        %get3A_791 = vector.shape_cast %get3A_790 : vector<1x16xf32> to vector<16xf32>
        %mul3A_792 = arith.constant 27.7128124 : f32
        %mul3A_793 = vector.broadcast %mul3A_792 : f32 to vector<16xf32>
        %mul3A_794 = arith.mulf %get3A_791, %mul3A_793 : vector<16xf32>
        %get3A_795 = arith.index_cast %add3A_279 : i32 to index
        %get3A_796 = arith.constant 480 : index
        %get3A_797 = tpu.vector_load %arg11[%get3A_795, %get3A_796] {strides = array<i32>} : memref<16x768xf32, #tpu.memory_space<vmem>>, vector<1x16xf32>,
        %get3A_798 = vector.shape_cast %get3A_797 : vector<1x16xf32> to vector<16xf32>
        %add3A_799 = arith.addf %mul3A_794, %get3A_798 : vector<16xf32>
        %swap3A_800 = arith.index_cast %add3A_279 : i32 to index
        %swap3A_801 = arith.constant 480 : index
        %swap3A_802 = tpu.vector_load %arg9[%swap3A_800, %swap3A_801] {strides = array<i32>} : memref<16x768xf32, #tpu.memory_space<vmem>>, vector<1x16xf32>,
        %swap3A_803 = vector.shape_cast %swap3A_802 : vector<1x16xf32> to vector<16xf32>
        %swap3A_804 = vector.shape_cast %add3A_799 : vector<16xf32> to vector<1x16xf32>
        tpu.vector_store %arg9[%swap3A_800, %swap3A_801], %swap3A_804 {strides = array<i32>} : memref<16x768xf32, #tpu.memory_space<vmem>>, vector<1x16xf32>,
        %get3A_805 = arith.index_cast %add3A_279 : i32 to index
        %get3A_806 = arith.constant 496 : index
        %get3A_807 = tpu.vector_load %arg9[%get3A_805, %get3A_806] {strides = array<i32>} : memref<16x768xf32, #tpu.memory_space<vmem>>, vector<1x16xf32>,
        %get3A_808 = vector.shape_cast %get3A_807 : vector<1x16xf32> to vector<16xf32>
        %mul3A_809 = arith.constant 27.7128124 : f32
        %mul3A_810 = vector.broadcast %mul3A_809 : f32 to vector<16xf32>
        %mul3A_811 = arith.mulf %get3A_808, %mul3A_810 : vector<16xf32>
        %get3A_812 = arith.index_cast %add3A_279 : i32 to index
        %get3A_813 = arith.constant 496 : index
        %get3A_814 = tpu.vector_load %arg11[%get3A_812, %get3A_813] {strides = array<i32>} : memref<16x768xf32, #tpu.memory_space<vmem>>, vector<1x16xf32>,
        %get3A_815 = vector.shape_cast %get3A_814 : vector<1x16xf32> to vector<16xf32>
        %add3A_816 = arith.addf %mul3A_811, %get3A_815 : vector<16xf32>
        %swap3A_817 = arith.index_cast %add3A_279 : i32 to index
        %swap3A_818 = arith.constant 496 : index
        %swap3A_819 = tpu.vector_load %arg9[%swap3A_817, %swap3A_818] {strides = array<i32>} : memref<16x768xf32, #tpu.memory_space<vmem>>, vector<1x16xf32>,
        %swap3A_820 = vector.shape_cast %swap3A_819 : vector<1x16xf32> to vector<16xf32>
        %swap3A_821 = vector.shape_cast %add3A_816 : vector<16xf32> to vector<1x16xf32>
        tpu.vector_store %arg9[%swap3A_817, %swap3A_818], %swap3A_821 {strides = array<i32>} : memref<16x768xf32, #tpu.memory_space<vmem>>, vector<1x16xf32>,
        %get3A_822 = arith.index_cast %add3A_279 : i32 to index
        %get3A_823 = arith.constant 512 : index
        %get3A_824 = tpu.vector_load %arg9[%get3A_822, %get3A_823] {strides = array<i32>} : memref<16x768xf32, #tpu.memory_space<vmem>>, vector<1x16xf32>,
        %get3A_825 = vector.shape_cast %get3A_824 : vector<1x16xf32> to vector<16xf32>
        %mul3A_826 = arith.constant 27.7128124 : f32
        %mul3A_827 = vector.broadcast %mul3A_826 : f32 to vector<16xf32>
        %mul3A_828 = arith.mulf %get3A_825, %mul3A_827 : vector<16xf32>
        %get3A_829 = arith.index_cast %add3A_279 : i32 to index
        %get3A_830 = arith.constant 512 : index
        %get3A_831 = tpu.vector_load %arg11[%get3A_829, %get3A_830] {strides = array<i32>} : memref<16x768xf32, #tpu.memory_space<vmem>>, vector<1x16xf32>,
        %get3A_832 = vector.shape_cast %get3A_831 : vector<1x16xf32> to vector<16xf32>
        %add3A_833 = arith.addf %mul3A_828, %get3A_832 : vector<16xf32>
        %swap3A_834 = arith.index_cast %add3A_279 : i32 to index
        %swap3A_835 = arith.constant 512 : index
        %swap3A_836 = tpu.vector_load %arg9[%swap3A_834, %swap3A_835] {strides = array<i32>} : memref<16x768xf32, #tpu.memory_space<vmem>>, vector<1x16xf32>,
        %swap3A_837 = vector.shape_cast %swap3A_836 : vector<1x16xf32> to vector<16xf32>
        %swap3A_838 = vector.shape_cast %add3A_833 : vector<16xf32> to vector<1x16xf32>
        tpu.vector_store %arg9[%swap3A_834, %swap3A_835], %swap3A_838 {strides = array<i32>} : memref<16x768xf32, #tpu.memory_space<vmem>>, vector<1x16xf32>,
        %get3A_839 = arith.index_cast %add3A_279 : i32 to index
        %get3A_840 = arith.constant 528 : index
        %get3A_841 = tpu.vector_load %arg9[%get3A_839, %get3A_840] {strides = array<i32>} : memref<16x768xf32, #tpu.memory_space<vmem>>, vector<1x16xf32>,
        %get3A_842 = vector.shape_cast %get3A_841 : vector<1x16xf32> to vector<16xf32>
        %mul3A_843 = arith.constant 27.7128124 : f32
        %mul3A_844 = vector.broadcast %mul3A_843 : f32 to vector<16xf32>
        %mul3A_845 = arith.mulf %get3A_842, %mul3A_844 : vector<16xf32>
        %get3A_846 = arith.index_cast %add3A_279 : i32 to index
        %get3A_847 = arith.constant 528 : index
        %get3A_848 = tpu.vector_load %arg11[%get3A_846, %get3A_847] {strides = array<i32>} : memref<16x768xf32, #tpu.memory_space<vmem>>, vector<1x16xf32>,
        %get3A_849 = vector.shape_cast %get3A_848 : vector<1x16xf32> to vector<16xf32>
        %add3A_850 = arith.addf %mul3A_845, %get3A_849 : vector<16xf32>
        %swap3A_851 = arith.index_cast %add3A_279 : i32 to index
        %swap3A_852 = arith.constant 528 : index
        %swap3A_853 = tpu.vector_load %arg9[%swap3A_851, %swap3A_852] {strides = array<i32>} : memref<16x768xf32, #tpu.memory_space<vmem>>, vector<1x16xf32>,
        %swap3A_854 = vector.shape_cast %swap3A_853 : vector<1x16xf32> to vector<16xf32>
        %swap3A_855 = vector.shape_cast %add3A_850 : vector<16xf32> to vector<1x16xf32>
        tpu.vector_store %arg9[%swap3A_851, %swap3A_852], %swap3A_855 {strides = array<i32>} : memref<16x768xf32, #tpu.memory_space<vmem>>, vector<1x16xf32>,
        %get3A_856 = arith.index_cast %add3A_279 : i32 to index
        %get3A_857 = arith.constant 544 : index
        %get3A_858 = tpu.vector_load %arg9[%get3A_856, %get3A_857] {strides = array<i32>} : memref<16x768xf32, #tpu.memory_space<vmem>>, vector<1x16xf32>,
        %get3A_859 = vector.shape_cast %get3A_858 : vector<1x16xf32> to vector<16xf32>
        %mul3A_860 = arith.constant 27.7128124 : f32
        %mul3A_861 = vector.broadcast %mul3A_860 : f32 to vector<16xf32>
        %mul3A_862 = arith.mulf %get3A_859, %mul3A_861 : vector<16xf32>
        %get3A_863 = arith.index_cast %add3A_279 : i32 to index
        %get3A_864 = arith.constant 544 : index
        %get3A_865 = tpu.vector_load %arg11[%get3A_863, %get3A_864] {strides = array<i32>} : memref<16x768xf32, #tpu.memory_space<vmem>>, vector<1x16xf32>,
        %get3A_866 = vector.shape_cast %get3A_865 : vector<1x16xf32> to vector<16xf32>
        %add3A_867 = arith.addf %mul3A_862, %get3A_866 : vector<16xf32>
        %swap3A_868 = arith.index_cast %add3A_279 : i32 to index
        %swap3A_869 = arith.constant 544 : index
        %swap3A_870 = tpu.vector_load %arg9[%swap3A_868, %swap3A_869] {strides = array<i32>} : memref<16x768xf32, #tpu.memory_space<vmem>>, vector<1x16xf32>,
        %swap3A_871 = vector.shape_cast %swap3A_870 : vector<1x16xf32> to vector<16xf32>
        %swap3A_872 = vector.shape_cast %add3A_867 : vector<16xf32> to vector<1x16xf32>
        tpu.vector_store %arg9[%swap3A_868, %swap3A_869], %swap3A_872 {strides = array<i32>} : memref<16x768xf32, #tpu.memory_space<vmem>>, vector<1x16xf32>,
        %get3A_873 = arith.index_cast %add3A_279 : i32 to index
        %get3A_874 = arith.constant 560 : index
        %get3A_875 = tpu.vector_load %arg9[%get3A_873, %get3A_874] {strides = array<i32>} : memref<16x768xf32, #tpu.memory_space<vmem>>, vector<1x16xf32>,
        %get3A_876 = vector.shape_cast %get3A_875 : vector<1x16xf32> to vector<16xf32>
        %mul3A_877 = arith.constant 27.7128124 : f32
        %mul3A_878 = vector.broadcast %mul3A_877 : f32 to vector<16xf32>
        %mul3A_879 = arith.mulf %get3A_876, %mul3A_878 : vector<16xf32>
        %get3A_880 = arith.index_cast %add3A_279 : i32 to index
        %get3A_881 = arith.constant 560 : index
        %get3A_882 = tpu.vector_load %arg11[%get3A_880, %get3A_881] {strides = array<i32>} : memref<16x768xf32, #tpu.memory_space<vmem>>, vector<1x16xf32>,
        %get3A_883 = vector.shape_cast %get3A_882 : vector<1x16xf32> to vector<16xf32>
        %add3A_884 = arith.addf %mul3A_879, %get3A_883 : vector<16xf32>
        %swap3A_885 = arith.index_cast %add3A_279 : i32 to index
        %swap3A_886 = arith.constant 560 : index
        %swap3A_887 = tpu.vector_load %arg9[%swap3A_885, %swap3A_886] {strides = array<i32>} : memref<16x768xf32, #tpu.memory_space<vmem>>, vector<1x16xf32>,
        %swap3A_888 = vector.shape_cast %swap3A_887 : vector<1x16xf32> to vector<16xf32>
        %swap3A_889 = vector.shape_cast %add3A_884 : vector<16xf32> to vector<1x16xf32>
        tpu.vector_store %arg9[%swap3A_885, %swap3A_886], %swap3A_889 {strides = array<i32>} : memref<16x768xf32, #tpu.memory_space<vmem>>, vector<1x16xf32>,
        %get3A_890 = arith.index_cast %add3A_279 : i32 to index
        %get3A_891 = arith.constant 576 : index
        %get3A_892 = tpu.vector_load %arg9[%get3A_890, %get3A_891] {strides = array<i32>} : memref<16x768xf32, #tpu.memory_space<vmem>>, vector<1x16xf32>,
        %get3A_893 = vector.shape_cast %get3A_892 : vector<1x16xf32> to vector<16xf32>
        %mul3A_894 = arith.constant 27.7128124 : f32
        %mul3A_895 = vector.broadcast %mul3A_894 : f32 to vector<16xf32>
        %mul3A_896 = arith.mulf %get3A_893, %mul3A_895 : vector<16xf32>
        %get3A_897 = arith.index_cast %add3A_279 : i32 to index
        %get3A_898 = arith.constant 576 : index
        %get3A_899 = tpu.vector_load %arg11[%get3A_897, %get3A_898] {strides = array<i32>} : memref<16x768xf32, #tpu.memory_space<vmem>>, vector<1x16xf32>,
        %get3A_900 = vector.shape_cast %get3A_899 : vector<1x16xf32> to vector<16xf32>
        %add3A_901 = arith.addf %mul3A_896, %get3A_900 : vector<16xf32>
        %swap3A_902 = arith.index_cast %add3A_279 : i32 to index
        %swap3A_903 = arith.constant 576 : index
        %swap3A_904 = tpu.vector_load %arg9[%swap3A_902, %swap3A_903] {strides = array<i32>} : memref<16x768xf32, #tpu.memory_space<vmem>>, vector<1x16xf32>,
        %swap3A_905 = vector.shape_cast %swap3A_904 : vector<1x16xf32> to vector<16xf32>
        %swap3A_906 = vector.shape_cast %add3A_901 : vector<16xf32> to vector<1x16xf32>
        tpu.vector_store %arg9[%swap3A_902, %swap3A_903], %swap3A_906 {strides = array<i32>} : memref<16x768xf32, #tpu.memory_space<vmem>>, vector<1x16xf32>,
        %get3A_907 = arith.index_cast %add3A_279 : i32 to index
        %get3A_908 = arith.constant 592 : index
        %get3A_909 = tpu.vector_load %arg9[%get3A_907, %get3A_908] {strides = array<i32>} : memref<16x768xf32, #tpu.memory_space<vmem>>, vector<1x16xf32>,
        %get3A_910 = vector.shape_cast %get3A_909 : vector<1x16xf32> to vector<16xf32>
        %mul3A_911 = arith.constant 27.7128124 : f32
        %mul3A_912 = vector.broadcast %mul3A_911 : f32 to vector<16xf32>
        %mul3A_913 = arith.mulf %get3A_910, %mul3A_912 : vector<16xf32>
        %get3A_914 = arith.index_cast %add3A_279 : i32 to index
        %get3A_915 = arith.constant 592 : index
        %get3A_916 = tpu.vector_load %arg11[%get3A_914, %get3A_915] {strides = array<i32>} : memref<16x768xf32, #tpu.memory_space<vmem>>, vector<1x16xf32>,
        %get3A_917 = vector.shape_cast %get3A_916 : vector<1x16xf32> to vector<16xf32>
        %add3A_918 = arith.addf %mul3A_913, %get3A_917 : vector<16xf32>
        %swap3A_919 = arith.index_cast %add3A_279 : i32 to index
        %swap3A_920 = arith.constant 592 : index
        %swap3A_921 = tpu.vector_load %arg9[%swap3A_919, %swap3A_920] {strides = array<i32>} : memref<16x768xf32, #tpu.memory_space<vmem>>, vector<1x16xf32>,
        %swap3A_922 = vector.shape_cast %swap3A_921 : vector<1x16xf32> to vector<16xf32>
        %swap3A_923 = vector.shape_cast %add3A_918 : vector<16xf32> to vector<1x16xf32>
        tpu.vector_store %arg9[%swap3A_919, %swap3A_920], %swap3A_923 {strides = array<i32>} : memref<16x768xf32, #tpu.memory_space<vmem>>, vector<1x16xf32>,
        %get3A_924 = arith.index_cast %add3A_279 : i32 to index
        %get3A_925 = arith.constant 608 : index
        %get3A_926 = tpu.vector_load %arg9[%get3A_924, %get3A_925] {strides = array<i32>} : memref<16x768xf32, #tpu.memory_space<vmem>>, vector<1x16xf32>,
        %get3A_927 = vector.shape_cast %get3A_926 : vector<1x16xf32> to vector<16xf32>
        %mul3A_928 = arith.constant 27.7128124 : f32
        %mul3A_929 = vector.broadcast %mul3A_928 : f32 to vector<16xf32>
        %mul3A_930 = arith.mulf %get3A_927, %mul3A_929 : vector<16xf32>
        %get3A_931 = arith.index_cast %add3A_279 : i32 to index
        %get3A_932 = arith.constant 608 : index
        %get3A_933 = tpu.vector_load %arg11[%get3A_931, %get3A_932] {strides = array<i32>} : memref<16x768xf32, #tpu.memory_space<vmem>>, vector<1x16xf32>,
        %get3A_934 = vector.shape_cast %get3A_933 : vector<1x16xf32> to vector<16xf32>
        %add3A_935 = arith.addf %mul3A_930, %get3A_934 : vector<16xf32>
        %swap3A_936 = arith.index_cast %add3A_279 : i32 to index
        %swap3A_937 = arith.constant 608 : index
        %swap3A_938 = tpu.vector_load %arg9[%swap3A_936, %swap3A_937] {strides = array<i32>} : memref<16x768xf32, #tpu.memory_space<vmem>>, vector<1x16xf32>,
        %swap3A_939 = vector.shape_cast %swap3A_938 : vector<1x16xf32> to vector<16xf32>
        %swap3A_940 = vector.shape_cast %add3A_935 : vector<16xf32> to vector<1x16xf32>
        tpu.vector_store %arg9[%swap3A_936, %swap3A_937], %swap3A_940 {strides = array<i32>} : memref<16x768xf32, #tpu.memory_space<vmem>>, vector<1x16xf32>,
        %get3A_941 = arith.index_cast %add3A_279 : i32 to index
        %get3A_942 = arith.constant 624 : index
        %get3A_943 = tpu.vector_load %arg9[%get3A_941, %get3A_942] {strides = array<i32>} : memref<16x768xf32, #tpu.memory_space<vmem>>, vector<1x16xf32>,
        %get3A_944 = vector.shape_cast %get3A_943 : vector<1x16xf32> to vector<16xf32>
        %mul3A_945 = arith.constant 27.7128124 : f32
        %mul3A_946 = vector.broadcast %mul3A_945 : f32 to vector<16xf32>
        %mul3A_947 = arith.mulf %get3A_944, %mul3A_946 : vector<16xf32>
        %get3A_948 = arith.index_cast %add3A_279 : i32 to index
        %get3A_949 = arith.constant 624 : index
        %get3A_950 = tpu.vector_load %arg11[%get3A_948, %get3A_949] {strides = array<i32>} : memref<16x768xf32, #tpu.memory_space<vmem>>, vector<1x16xf32>,
        %get3A_951 = vector.shape_cast %get3A_950 : vector<1x16xf32> to vector<16xf32>
        %add3A_952 = arith.addf %mul3A_947, %get3A_951 : vector<16xf32>
        %swap3A_953 = arith.index_cast %add3A_279 : i32 to index
        %swap3A_954 = arith.constant 624 : index
        %swap3A_955 = tpu.vector_load %arg9[%swap3A_953, %swap3A_954] {strides = array<i32>} : memref<16x768xf32, #tpu.memory_space<vmem>>, vector<1x16xf32>,
        %swap3A_956 = vector.shape_cast %swap3A_955 : vector<1x16xf32> to vector<16xf32>
        %swap3A_957 = vector.shape_cast %add3A_952 : vector<16xf32> to vector<1x16xf32>
        tpu.vector_store %arg9[%swap3A_953, %swap3A_954], %swap3A_957 {strides = array<i32>} : memref<16x768xf32, #tpu.memory_space<vmem>>, vector<1x16xf32>,
        %get3A_958 = arith.index_cast %add3A_279 : i32 to index
        %get3A_959 = arith.constant 640 : index
        %get3A_960 = tpu.vector_load %arg9[%get3A_958, %get3A_959] {strides = array<i32>} : memref<16x768xf32, #tpu.memory_space<vmem>>, vector<1x16xf32>,
        %get3A_961 = vector.shape_cast %get3A_960 : vector<1x16xf32> to vector<16xf32>
        %mul3A_962 = arith.constant 27.7128124 : f32
        %mul3A_963 = vector.broadcast %mul3A_962 : f32 to vector<16xf32>
        %mul3A_964 = arith.mulf %get3A_961, %mul3A_963 : vector<16xf32>
        %get3A_965 = arith.index_cast %add3A_279 : i32 to index
        %get3A_966 = arith.constant 640 : index
        %get3A_967 = tpu.vector_load %arg11[%get3A_965, %get3A_966] {strides = array<i32>} : memref<16x768xf32, #tpu.memory_space<vmem>>, vector<1x16xf32>,
        %get3A_968 = vector.shape_cast %get3A_967 : vector<1x16xf32> to vector<16xf32>
        %add3A_969 = arith.addf %mul3A_964, %get3A_968 : vector<16xf32>
        %swap3A_970 = arith.index_cast %add3A_279 : i32 to index
        %swap3A_971 = arith.constant 640 : index
        %swap3A_972 = tpu.vector_load %arg9[%swap3A_970, %swap3A_971] {strides = array<i32>} : memref<16x768xf32, #tpu.memory_space<vmem>>, vector<1x16xf32>,
        %swap3A_973 = vector.shape_cast %swap3A_972 : vector<1x16xf32> to vector<16xf32>
        %swap3A_974 = vector.shape_cast %add3A_969 : vector<16xf32> to vector<1x16xf32>
        tpu.vector_store %arg9[%swap3A_970, %swap3A_971], %swap3A_974 {strides = array<i32>} : memref<16x768xf32, #tpu.memory_space<vmem>>, vector<1x16xf32>,
        %get3A_975 = arith.index_cast %add3A_279 : i32 to index
        %get3A_976 = arith.constant 656 : index
        %get3A_977 = tpu.vector_load %arg9[%get3A_975, %get3A_976] {strides = array<i32>} : memref<16x768xf32, #tpu.memory_space<vmem>>, vector<1x16xf32>,
        %get3A_978 = vector.shape_cast %get3A_977 : vector<1x16xf32> to vector<16xf32>
        %mul3A_979 = arith.constant 27.7128124 : f32
        %mul3A_980 = vector.broadcast %mul3A_979 : f32 to vector<16xf32>
        %mul3A_981 = arith.mulf %get3A_978, %mul3A_980 : vector<16xf32>
        %get3A_982 = arith.index_cast %add3A_279 : i32 to index
        %get3A_983 = arith.constant 656 : index
        %get3A_984 = tpu.vector_load %arg11[%get3A_982, %get3A_983] {strides = array<i32>} : memref<16x768xf32, #tpu.memory_space<vmem>>, vector<1x16xf32>,
        %get3A_985 = vector.shape_cast %get3A_984 : vector<1x16xf32> to vector<16xf32>
        %add3A_986 = arith.addf %mul3A_981, %get3A_985 : vector<16xf32>
        %swap3A_987 = arith.index_cast %add3A_279 : i32 to index
        %swap3A_988 = arith.constant 656 : index
        %swap3A_989 = tpu.vector_load %arg9[%swap3A_987, %swap3A_988] {strides = array<i32>} : memref<16x768xf32, #tpu.memory_space<vmem>>, vector<1x16xf32>,
        %swap3A_990 = vector.shape_cast %swap3A_989 : vector<1x16xf32> to vector<16xf32>
        %swap3A_991 = vector.shape_cast %add3A_986 : vector<16xf32> to vector<1x16xf32>
        tpu.vector_store %arg9[%swap3A_987, %swap3A_988], %swap3A_991 {strides = array<i32>} : memref<16x768xf32, #tpu.memory_space<vmem>>, vector<1x16xf32>,
        %get3A_992 = arith.index_cast %add3A_279 : i32 to index
        %get3A_993 = arith.constant 672 : index
        %get3A_994 = tpu.vector_load %arg9[%get3A_992, %get3A_993] {strides = array<i32>} : memref<16x768xf32, #tpu.memory_space<vmem>>, vector<1x16xf32>,
        %get3A_995 = vector.shape_cast %get3A_994 : vector<1x16xf32> to vector<16xf32>
        %mul3A_996 = arith.constant 27.7128124 : f32
        %mul3A_997 = vector.broadcast %mul3A_996 : f32 to vector<16xf32>
        %mul3A_998 = arith.mulf %get3A_995, %mul3A_997 : vector<16xf32>
        %get3A_999 = arith.index_cast %add3A_279 : i32 to index
        %get3A_1000 = arith.constant 672 : index
        %get3A_1001 = tpu.vector_load %arg11[%get3A_999, %get3A_1000] {strides = array<i32>} : memref<16x768xf32, #tpu.memory_space<vmem>>, vector<1x16xf32>,
        %get3A_1002 = vector.shape_cast %get3A_1001 : vector<1x16xf32> to vector<16xf32>
        %add3A_1003 = arith.addf %mul3A_998, %get3A_1002 : vector<16xf32>
        %swap3A_1004 = arith.index_cast %add3A_279 : i32 to index
        %swap3A_1005 = arith.constant 672 : index
        %swap3A_1006 = tpu.vector_load %arg9[%swap3A_1004, %swap3A_1005] {strides = array<i32>} : memref<16x768xf32, #tpu.memory_space<vmem>>, vector<1x16xf32>,
        %swap3A_1007 = vector.shape_cast %swap3A_1006 : vector<1x16xf32> to vector<16xf32>
        %swap3A_1008 = vector.shape_cast %add3A_1003 : vector<16xf32> to vector<1x16xf32>
        tpu.vector_store %arg9[%swap3A_1004, %swap3A_1005], %swap3A_1008 {strides = array<i32>} : memref<16x768xf32, #tpu.memory_space<vmem>>, vector<1x16xf32>,
        %get3A_1009 = arith.index_cast %add3A_279 : i32 to index
        %get3A_1010 = arith.constant 688 : index
        %get3A_1011 = tpu.vector_load %arg9[%get3A_1009, %get3A_1010] {strides = array<i32>} : memref<16x768xf32, #tpu.memory_space<vmem>>, vector<1x16xf32>,
        %get3A_1012 = vector.shape_cast %get3A_1011 : vector<1x16xf32> to vector<16xf32>
        %mul3A_1013 = arith.constant 27.7128124 : f32
        %mul3A_1014 = vector.broadcast %mul3A_1013 : f32 to vector<16xf32>
        %mul3A_1015 = arith.mulf %get3A_1012, %mul3A_1014 : vector<16xf32>
        %get3A_1016 = arith.index_cast %add3A_279 : i32 to index
        %get3A_1017 = arith.constant 688 : index
        %get3A_1018 = tpu.vector_load %arg11[%get3A_1016, %get3A_1017] {strides = array<i32>} : memref<16x768xf32, #tpu.memory_space<vmem>>, vector<1x16xf32>,
        %get3A_1019 = vector.shape_cast %get3A_1018 : vector<1x16xf32> to vector<16xf32>
        %add3A_1020 = arith.addf %mul3A_1015, %get3A_1019 : vector<16xf32>
        %swap3A_1021 = arith.index_cast %add3A_279 : i32 to index
        %swap3A_1022 = arith.constant 688 : index
        %swap3A_1023 = tpu.vector_load %arg9[%swap3A_1021, %swap3A_1022] {strides = array<i32>} : memref<16x768xf32, #tpu.memory_space<vmem>>, vector<1x16xf32>,
        %swap3A_1024 = vector.shape_cast %swap3A_1023 : vector<1x16xf32> to vector<16xf32>
        %swap3A_1025 = vector.shape_cast %add3A_1020 : vector<16xf32> to vector<1x16xf32>
        tpu.vector_store %arg9[%swap3A_1021, %swap3A_1022], %swap3A_1025 {strides = array<i32>} : memref<16x768xf32, #tpu.memory_space<vmem>>, vector<1x16xf32>,
        %get3A_1026 = arith.index_cast %add3A_279 : i32 to index
        %get3A_1027 = arith.constant 704 : index
        %get3A_1028 = tpu.vector_load %arg9[%get3A_1026, %get3A_1027] {strides = array<i32>} : memref<16x768xf32, #tpu.memory_space<vmem>>, vector<1x16xf32>,
        %get3A_1029 = vector.shape_cast %get3A_1028 : vector<1x16xf32> to vector<16xf32>
        %mul3A_1030 = arith.constant 27.7128124 : f32
        %mul3A_1031 = vector.broadcast %mul3A_1030 : f32 to vector<16xf32>
        %mul3A_1032 = arith.mulf %get3A_1029, %mul3A_1031 : vector<16xf32>
        %get3A_1033 = arith.index_cast %add3A_279 : i32 to index
        %get3A_1034 = arith.constant 704 : index
        %get3A_1035 = tpu.vector_load %arg11[%get3A_1033, %get3A_1034] {strides = array<i32>} : memref<16x768xf32, #tpu.memory_space<vmem>>, vector<1x16xf32>,
        %get3A_1036 = vector.shape_cast %get3A_1035 : vector<1x16xf32> to vector<16xf32>
        %add3A_1037 = arith.addf %mul3A_1032, %get3A_1036 : vector<16xf32>
        %swap3A_1038 = arith.index_cast %add3A_279 : i32 to index
        %swap3A_1039 = arith.constant 704 : index
        %swap3A_1040 = tpu.vector_load %arg9[%swap3A_1038, %swap3A_1039] {strides = array<i32>} : memref<16x768xf32, #tpu.memory_space<vmem>>, vector<1x16xf32>,
        %swap3A_1041 = vector.shape_cast %swap3A_1040 : vector<1x16xf32> to vector<16xf32>
        %swap3A_1042 = vector.shape_cast %add3A_1037 : vector<16xf32> to vector<1x16xf32>
        tpu.vector_store %arg9[%swap3A_1038, %swap3A_1039], %swap3A_1042 {strides = array<i32>} : memref<16x768xf32, #tpu.memory_space<vmem>>, vector<1x16xf32>,
        %get3A_1043 = arith.index_cast %add3A_279 : i32 to index
        %get3A_1044 = arith.constant 720 : index
        %get3A_1045 = tpu.vector_load %arg9[%get3A_1043, %get3A_1044] {strides = array<i32>} : memref<16x768xf32, #tpu.memory_space<vmem>>, vector<1x16xf32>,
        %get3A_1046 = vector.shape_cast %get3A_1045 : vector<1x16xf32> to vector<16xf32>
        %mul3A_1047 = arith.constant 27.7128124 : f32
        %mul3A_1048 = vector.broadcast %mul3A_1047 : f32 to vector<16xf32>
        %mul3A_1049 = arith.mulf %get3A_1046, %mul3A_1048 : vector<16xf32>
        %get3A_1050 = arith.index_cast %add3A_279 : i32 to index
        %get3A_1051 = arith.constant 720 : index
        %get3A_1052 = tpu.vector_load %arg11[%get3A_1050, %get3A_1051] {strides = array<i32>} : memref<16x768xf32, #tpu.memory_space<vmem>>, vector<1x16xf32>,
        %get3A_1053 = vector.shape_cast %get3A_1052 : vector<1x16xf32> to vector<16xf32>
        %add3A_1054 = arith.addf %mul3A_1049, %get3A_1053 : vector<16xf32>
        %swap3A_1055 = arith.index_cast %add3A_279 : i32 to index
        %swap3A_1056 = arith.constant 720 : index
        %swap3A_1057 = tpu.vector_load %arg9[%swap3A_1055, %swap3A_1056] {strides = array<i32>} : memref<16x768xf32, #tpu.memory_space<vmem>>, vector<1x16xf32>,
        %swap3A_1058 = vector.shape_cast %swap3A_1057 : vector<1x16xf32> to vector<16xf32>
        %swap3A_1059 = vector.shape_cast %add3A_1054 : vector<16xf32> to vector<1x16xf32>
        tpu.vector_store %arg9[%swap3A_1055, %swap3A_1056], %swap3A_1059 {strides = array<i32>} : memref<16x768xf32, #tpu.memory_space<vmem>>, vector<1x16xf32>,
        %get3A_1060 = arith.index_cast %add3A_279 : i32 to index
        %get3A_1061 = arith.constant 736 : index
        %get3A_1062 = tpu.vector_load %arg9[%get3A_1060, %get3A_1061] {strides = array<i32>} : memref<16x768xf32, #tpu.memory_space<vmem>>, vector<1x16xf32>,
        %get3A_1063 = vector.shape_cast %get3A_1062 : vector<1x16xf32> to vector<16xf32>
        %mul3A_1064 = arith.constant 27.7128124 : f32
        %mul3A_1065 = vector.broadcast %mul3A_1064 : f32 to vector<16xf32>
        %mul3A_1066 = arith.mulf %get3A_1063, %mul3A_1065 : vector<16xf32>
        %get3A_1067 = arith.index_cast %add3A_279 : i32 to index
        %get3A_1068 = arith.constant 736 : index
        %get3A_1069 = tpu.vector_load %arg11[%get3A_1067, %get3A_1068] {strides = array<i32>} : memref<16x768xf32, #tpu.memory_space<vmem>>, vector<1x16xf32>,
        %get3A_1070 = vector.shape_cast %get3A_1069 : vector<1x16xf32> to vector<16xf32>
        %add3A_1071 = arith.addf %mul3A_1066, %get3A_1070 : vector<16xf32>
        %swap3A_1072 = arith.index_cast %add3A_279 : i32 to index
        %swap3A_1073 = arith.constant 736 : index
        %swap3A_1074 = tpu.vector_load %arg9[%swap3A_1072, %swap3A_1073] {strides = array<i32>} : memref<16x768xf32, #tpu.memory_space<vmem>>, vector<1x16xf32>,
        %swap3A_1075 = vector.shape_cast %swap3A_1074 : vector<1x16xf32> to vector<16xf32>
        %swap3A_1076 = vector.shape_cast %add3A_1071 : vector<16xf32> to vector<1x16xf32>
        tpu.vector_store %arg9[%swap3A_1072, %swap3A_1073], %swap3A_1076 {strides = array<i32>} : memref<16x768xf32, #tpu.memory_space<vmem>>, vector<1x16xf32>,
        %get3A_1077 = arith.index_cast %add3A_279 : i32 to index
        %get3A_1078 = arith.constant 752 : index
        %get3A_1079 = tpu.vector_load %arg9[%get3A_1077, %get3A_1078] {strides = array<i32>} : memref<16x768xf32, #tpu.memory_space<vmem>>, vector<1x16xf32>,
        %get3A_1080 = vector.shape_cast %get3A_1079 : vector<1x16xf32> to vector<16xf32>
        %mul3A_1081 = arith.constant 27.7128124 : f32
        %mul3A_1082 = vector.broadcast %mul3A_1081 : f32 to vector<16xf32>
        %mul3A_1083 = arith.mulf %get3A_1080, %mul3A_1082 : vector<16xf32>
        %get3A_1084 = arith.index_cast %add3A_279 : i32 to index
        %get3A_1085 = arith.constant 752 : index
        %get3A_1086 = tpu.vector_load %arg11[%get3A_1084, %get3A_1085] {strides = array<i32>} : memref<16x768xf32, #tpu.memory_space<vmem>>, vector<1x16xf32>,
        %get3A_1087 = vector.shape_cast %get3A_1086 : vector<1x16xf32> to vector<16xf32>
        %add3A_1088 = arith.addf %mul3A_1083, %get3A_1087 : vector<16xf32>
        %swap3A_1089 = arith.index_cast %add3A_279 : i32 to index
        %swap3A_1090 = arith.constant 752 : index
        %swap3A_1091 = tpu.vector_load %arg9[%swap3A_1089, %swap3A_1090] {strides = array<i32>} : memref<16x768xf32, #tpu.memory_space<vmem>>, vector<1x16xf32>,
        %swap3A_1092 = vector.shape_cast %swap3A_1091 : vector<1x16xf32> to vector<16xf32>
        %swap3A_1093 = vector.shape_cast %add3A_1088 : vector<16xf32> to vector<1x16xf32>
        tpu.vector_store %arg9[%swap3A_1089, %swap3A_1090], %swap3A_1093 {strides = array<i32>} : memref<16x768xf32, #tpu.memory_space<vmem>>, vector<1x16xf32>,
      }
      %scan3A_177 = arith.constant 16 : i32
      %dma_wait3A_178 = arith.constant 1 : i32
      %dma_wait3A_179 = arith.constant 0 : i32
      %dma_wait3A_180 = arith.constant 0 : i32
      %dma_wait3A_181 = tpu.memref_slice %arg12[%arg1, %dma_wait3A_178, %dma_wait3A_179, %dma_wait3A_180] : memref<16x2x16x768xf32, #tpu.memory_space<vmem_shared>> -> memref<1x1x16x768xf32, #tpu.memory_space<vmem_shared>>
      %dma_wait3A_182 = tpu.memref_squeeze %dma_wait3A_181 : memref<1x1x16x768xf32, #tpu.memory_space<vmem_shared>> -> memref<16x768xf32, #tpu.memory_space<vmem_shared>>
      %dma_wait3A_183 = arith.constant 0 : i32
      %dma_wait3A_184 = arith.constant 0 : i32
      %dma_wait3A_185 = tpu.memref_slice %arg12[%arg1, %dma_wait3A_178, %dma_wait3A_183, %dma_wait3A_184] : memref<16x2x16x768xf32, #tpu.memory_space<vmem_shared>> -> memref<1x1x16x768xf32, #tpu.memory_space<vmem_shared>>
      %dma_wait3A_186 = tpu.memref_squeeze %dma_wait3A_185 : memref<1x1x16x768xf32, #tpu.memory_space<vmem_shared>> -> memref<16x768xf32, #tpu.memory_space<vmem_shared>>
      tpu.wait_dma2 semaphore(%arg19 : memref<!tpu.dma_semaphore, #tpu.memory_space<semaphore_mem>>) src(%arg8 : memref<16x768xf32, #tpu.memory_space<vmem>>) dst(%dma_wait3A_186 : memref<16x768xf32, #tpu.memory_space<vmem_shared>>)
      %add3A_187 = arith.constant 8192 : i32
      %add3A_188 = arith.addi %add3A_187, %mul3A_2 : i32
      %mul3A_189 = arith.constant 16 : i32
      %mul3A_190 = arith.muli %add3A_67, %mul3A_189 : i32
      %add3A_191 = arith.addi %add3A_188, %mul3A_190 : i32
      %dma_start3A_192 = arith.constant 1 : i32
      %dma_start3A_193 = arith.constant 0 : i32
      %dma_start3A_194 = tpu.memref_slice %arg5[%add3A_191, %dma_start3A_193] : memref<32768x768xf32, #tpu.memory_space<hbm>> -> memref<16x768xf32, #tpu.memory_space<hbm>>
      %dma_start3A_195 = arith.constant 0 : i32
      %dma_start3A_196 = arith.constant 0 : i32
      %dma_start3A_197 = tpu.memref_slice %arg12[%arg1, %dma_start3A_192, %dma_start3A_195, %dma_start3A_196] : memref<16x2x16x768xf32, #tpu.memory_space<vmem_shared>> -> memref<1x1x16x768xf32, #tpu.memory_space<vmem_shared>>
      %dma_start3A_198 = tpu.memref_squeeze %dma_start3A_197 : memref<1x1x16x768xf32, #tpu.memory_space<vmem_shared>> -> memref<16x768xf32, #tpu.memory_space<vmem_shared>>
      tpu.enqueue_dma source(%dma_start3A_198 : memref<16x768xf32, #tpu.memory_space<vmem_shared>>) target(%dma_start3A_194 : memref<16x768xf32, #tpu.memory_space<hbm>>) target_semaphore(%arg21 : memref<!tpu.dma_semaphore, #tpu.memory_space<semaphore_mem>>)
      %dma_wait3A_199 = arith.constant 0 : i32
      %dma_wait3A_200 = arith.constant 0 : i32
      %dma_wait3A_201 = arith.constant 0 : i32
      %dma_wait3A_202 = tpu.memref_slice %arg5[%dma_wait3A_200, %dma_wait3A_201] : memref<32768x768xf32, #tpu.memory_space<hbm>> -> memref<16x768xf32, #tpu.memory_space<hbm>>
      %dma_wait3A_203 = arith.constant 0 : i32
      %dma_wait3A_204 = arith.constant 0 : i32
      %dma_wait3A_205 = tpu.memref_slice %arg12[%arg1, %dma_wait3A_199, %dma_wait3A_203, %dma_wait3A_204] : memref<16x2x16x768xf32, #tpu.memory_space<vmem_shared>> -> memref<1x1x16x768xf32, #tpu.memory_space<vmem_shared>>
      %dma_wait3A_206 = tpu.memref_squeeze %dma_wait3A_205 : memref<1x1x16x768xf32, #tpu.memory_space<vmem_shared>> -> memref<16x768xf32, #tpu.memory_space<vmem_shared>>
      tpu.wait_dma2 semaphore(%arg20 : memref<!tpu.dma_semaphore, #tpu.memory_space<semaphore_mem>>) src(%dma_wait3A_206 : memref<16x768xf32, #tpu.memory_space<vmem_shared>>) dst(%dma_wait3A_202 : memref<16x768xf32, #tpu.memory_space<hbm>>)
      %dma_start3A_207 = arith.constant 0 : i32
      %dma_start3A_208 = arith.constant 0 : i32
      %dma_start3A_209 = arith.constant 0 : i32
      %dma_start3A_210 = tpu.memref_slice %arg12[%arg1, %dma_start3A_207, %dma_start3A_208, %dma_start3A_209] : memref<16x2x16x768xf32, #tpu.memory_space<vmem_shared>> -> memref<1x1x16x768xf32, #tpu.memory_space<vmem_shared>>
      %dma_start3A_211 = tpu.memref_squeeze %dma_start3A_210 : memref<1x1x16x768xf32, #tpu.memory_space<vmem_shared>> -> memref<16x768xf32, #tpu.memory_space<vmem_shared>>
      %dma_start3A_212 = arith.constant 0 : i32
      %dma_start3A_213 = arith.constant 0 : i32
      %dma_start3A_214 = tpu.memref_slice %arg12[%arg1, %dma_start3A_207, %dma_start3A_212, %dma_start3A_213] : memref<16x2x16x768xf32, #tpu.memory_space<vmem_shared>> -> memref<1x1x16x768xf32, #tpu.memory_space<vmem_shared>>
      %dma_start3A_215 = tpu.memref_squeeze %dma_start3A_214 : memref<1x1x16x768xf32, #tpu.memory_space<vmem_shared>> -> memref<16x768xf32, #tpu.memory_space<vmem_shared>>
      tpu.enqueue_dma source(%arg9 : memref<16x768xf32, #tpu.memory_space<vmem>>) target(%dma_start3A_215 : memref<16x768xf32, #tpu.memory_space<vmem_shared>>) target_semaphore(%arg18 : memref<!tpu.dma_semaphore, #tpu.memory_space<semaphore_mem>>)
      %lt3A_216 = arith.constant 15 : i32
      %lt3A_217 = arith.cmpi slt, %add3A_67, %lt3A_216 : i32
      %convert_element_type3A_218 = arith.extui %lt3A_217 : i1 to i32
      %cond3A_219 = arith.constant 0 : i32
      %cond3A_220 = arith.cmpi ne, %convert_element_type3A_218, %cond3A_219 : i32
      scf.if %cond3A_220 {
        %add3A_275 = arith.constant 1 : i32
        %add3A_276 = arith.addi %add3A_67, %add3A_275 : i32
        %mul3A_277 = arith.constant 16 : i32
        %mul3A_278 = arith.muli %add3A_276, %mul3A_277 : i32
        %add3A_279 = arith.constant 256 : i32
        %add3A_280 = arith.addi %add3A_279, %mul3A_278 : i32
        %dma_start3A_281 = tpu.memref_slice %arg6[%add3A_280] : memref<1024xi32, #tpu.memory_space<vmem>> -> memref<16xi32, #tpu.memory_space<vmem>>
        %dma_start3A_282 = arith.constant 0 : i32
        %dma_start3A_283 = arith.constant 0 : i32
        %dma_start3A_284 = tpu.memref_slice %arg3[%dma_start3A_282, %dma_start3A_283] : memref<100000x768xf32, #tpu.memory_space<hbm>> -> memref<100000x768xf32, #tpu.memory_space<hbm>>
        tpu.enqueue_indirect_dma source(%dma_start3A_284 : memref<100000x768xf32, #tpu.memory_space<hbm>>) target(%arg8 : memref<16x768xf32, #tpu.memory_space<vmem>>) offsets(%dma_start3A_281 : memref<16xi32, #tpu.memory_space<vmem>>) semaphore(%arg14 : memref<!tpu.dma_semaphore, #tpu.memory_space<semaphore_mem>>)
      } else {
      }
      %dma_wait3A_221 = arith.constant 0 : i32
      %dma_wait3A_222 = arith.constant 0 : i32
      %dma_wait3A_223 = tpu.memref_slice %arg3[%dma_wait3A_221, %dma_wait3A_222] : memref<100000x768xf32, #tpu.memory_space<hbm>> -> memref<16x768xf32, #tpu.memory_space<hbm>>
      %dma_wait3A_224 = arith.constant 0 : i32
      %dma_wait3A_225 = arith.constant 0 : i32
      %dma_wait3A_226 = tpu.memref_slice %arg3[%dma_wait3A_224, %dma_wait3A_225] : memref<100000x768xf32, #tpu.memory_space<hbm>> -> memref<16x768xf32, #tpu.memory_space<hbm>>
      tpu.wait_dma2 semaphore(%arg16 : memref<!tpu.dma_semaphore, #tpu.memory_space<semaphore_mem>>) src(%dma_wait3A_226 : memref<16x768xf32, #tpu.memory_space<hbm>>) dst(%arg10 : memref<16x768xf32, #tpu.memory_space<vmem>>)
      %scan3A_227 = arith.constant 0 : i32
      %scan3A_228 = arith.constant 16 : i32
      %scan3A_229 = arith.addi %scan3A_227, %scan3A_228 : i32
      %scan3A_230 = arith.constant 1 : i32
      scf.for %scan3A_275 = %scan3A_227 to %scan3A_229 step %scan3A_230  : i32 {
        %mul3A_276 = arith.constant 1 : i32
        %mul3A_277 = arith.muli %scan3A_275, %mul3A_276 : i32
        %add3A_278 = arith.constant 0 : i32
        %add3A_279 = arith.addi %add3A_278, %mul3A_277 : i32
        %get3A = arith.index_cast %add3A_279 : i32 to index
        %get3A_280 = arith.constant 0 : index
        %get3A_281 = tpu.vector_load %arg10[%get3A, %get3A_280] {strides = array<i32>} : memref<16x768xf32, #tpu.memory_space<vmem>>, vector<1x16xf32>,
        %get3A_282 = vector.shape_cast %get3A_281 : vector<1x16xf32> to vector<16xf32>
        %mul3A_283 = arith.constant 27.7128124 : f32
        %mul3A_284 = vector.broadcast %mul3A_283 : f32 to vector<16xf32>
        %mul3A_285 = arith.mulf %get3A_282, %mul3A_284 : vector<16xf32>
        %get3A_286 = arith.index_cast %add3A_279 : i32 to index
        %get3A_287 = arith.constant 0 : index
        %get3A_288 = tpu.vector_load %arg11[%get3A_286, %get3A_287] {strides = array<i32>} : memref<16x768xf32, #tpu.memory_space<vmem>>, vector<1x16xf32>,
        %get3A_289 = vector.shape_cast %get3A_288 : vector<1x16xf32> to vector<16xf32>
        %add3A_290 = arith.addf %mul3A_285, %get3A_289 : vector<16xf32>
        %swap3A = arith.index_cast %add3A_279 : i32 to index
        %swap3A_291 = arith.constant 0 : index
        %swap3A_292 = tpu.vector_load %arg10[%swap3A, %swap3A_291] {strides = array<i32>} : memref<16x768xf32, #tpu.memory_space<vmem>>, vector<1x16xf32>,
        %swap3A_293 = vector.shape_cast %swap3A_292 : vector<1x16xf32> to vector<16xf32>
        %swap3A_294 = vector.shape_cast %add3A_290 : vector<16xf32> to vector<1x16xf32>
        tpu.vector_store %arg10[%swap3A, %swap3A_291], %swap3A_294 {strides = array<i32>} : memref<16x768xf32, #tpu.memory_space<vmem>>, vector<1x16xf32>,
        %get3A_295 = arith.index_cast %add3A_279 : i32 to index
        %get3A_296 = arith.constant 16 : index
        %get3A_297 = tpu.vector_load %arg10[%get3A_295, %get3A_296] {strides = array<i32>} : memref<16x768xf32, #tpu.memory_space<vmem>>, vector<1x16xf32>,
        %get3A_298 = vector.shape_cast %get3A_297 : vector<1x16xf32> to vector<16xf32>
        %mul3A_299 = arith.constant 27.7128124 : f32
        %mul3A_300 = vector.broadcast %mul3A_299 : f32 to vector<16xf32>
        %mul3A_301 = arith.mulf %get3A_298, %mul3A_300 : vector<16xf32>
        %get3A_302 = arith.index_cast %add3A_279 : i32 to index
        %get3A_303 = arith.constant 16 : index
        %get3A_304 = tpu.vector_load %arg11[%get3A_302, %get3A_303] {strides = array<i32>} : memref<16x768xf32, #tpu.memory_space<vmem>>, vector<1x16xf32>,
        %get3A_305 = vector.shape_cast %get3A_304 : vector<1x16xf32> to vector<16xf32>
        %add3A_306 = arith.addf %mul3A_301, %get3A_305 : vector<16xf32>
        %swap3A_307 = arith.index_cast %add3A_279 : i32 to index
        %swap3A_308 = arith.constant 16 : index
        %swap3A_309 = tpu.vector_load %arg10[%swap3A_307, %swap3A_308] {strides = array<i32>} : memref<16x768xf32, #tpu.memory_space<vmem>>, vector<1x16xf32>,
        %swap3A_310 = vector.shape_cast %swap3A_309 : vector<1x16xf32> to vector<16xf32>
        %swap3A_311 = vector.shape_cast %add3A_306 : vector<16xf32> to vector<1x16xf32>
        tpu.vector_store %arg10[%swap3A_307, %swap3A_308], %swap3A_311 {strides = array<i32>} : memref<16x768xf32, #tpu.memory_space<vmem>>, vector<1x16xf32>,
        %get3A_312 = arith.index_cast %add3A_279 : i32 to index
        %get3A_313 = arith.constant 32 : index
        %get3A_314 = tpu.vector_load %arg10[%get3A_312, %get3A_313] {strides = array<i32>} : memref<16x768xf32, #tpu.memory_space<vmem>>, vector<1x16xf32>,
        %get3A_315 = vector.shape_cast %get3A_314 : vector<1x16xf32> to vector<16xf32>
        %mul3A_316 = arith.constant 27.7128124 : f32
        %mul3A_317 = vector.broadcast %mul3A_316 : f32 to vector<16xf32>
        %mul3A_318 = arith.mulf %get3A_315, %mul3A_317 : vector<16xf32>
        %get3A_319 = arith.index_cast %add3A_279 : i32 to index
        %get3A_320 = arith.constant 32 : index
        %get3A_321 = tpu.vector_load %arg11[%get3A_319, %get3A_320] {strides = array<i32>} : memref<16x768xf32, #tpu.memory_space<vmem>>, vector<1x16xf32>,
        %get3A_322 = vector.shape_cast %get3A_321 : vector<1x16xf32> to vector<16xf32>
        %add3A_323 = arith.addf %mul3A_318, %get3A_322 : vector<16xf32>
        %swap3A_324 = arith.index_cast %add3A_279 : i32 to index
        %swap3A_325 = arith.constant 32 : index
        %swap3A_326 = tpu.vector_load %arg10[%swap3A_324, %swap3A_325] {strides = array<i32>} : memref<16x768xf32, #tpu.memory_space<vmem>>, vector<1x16xf32>,
        %swap3A_327 = vector.shape_cast %swap3A_326 : vector<1x16xf32> to vector<16xf32>
        %swap3A_328 = vector.shape_cast %add3A_323 : vector<16xf32> to vector<1x16xf32>
        tpu.vector_store %arg10[%swap3A_324, %swap3A_325], %swap3A_328 {strides = array<i32>} : memref<16x768xf32, #tpu.memory_space<vmem>>, vector<1x16xf32>,
        %get3A_329 = arith.index_cast %add3A_279 : i32 to index
        %get3A_330 = arith.constant 48 : index
        %get3A_331 = tpu.vector_load %arg10[%get3A_329, %get3A_330] {strides = array<i32>} : memref<16x768xf32, #tpu.memory_space<vmem>>, vector<1x16xf32>,
        %get3A_332 = vector.shape_cast %get3A_331 : vector<1x16xf32> to vector<16xf32>
        %mul3A_333 = arith.constant 27.7128124 : f32
        %mul3A_334 = vector.broadcast %mul3A_333 : f32 to vector<16xf32>
        %mul3A_335 = arith.mulf %get3A_332, %mul3A_334 : vector<16xf32>
        %get3A_336 = arith.index_cast %add3A_279 : i32 to index
        %get3A_337 = arith.constant 48 : index
        %get3A_338 = tpu.vector_load %arg11[%get3A_336, %get3A_337] {strides = array<i32>} : memref<16x768xf32, #tpu.memory_space<vmem>>, vector<1x16xf32>,
        %get3A_339 = vector.shape_cast %get3A_338 : vector<1x16xf32> to vector<16xf32>
        %add3A_340 = arith.addf %mul3A_335, %get3A_339 : vector<16xf32>
        %swap3A_341 = arith.index_cast %add3A_279 : i32 to index
        %swap3A_342 = arith.constant 48 : index
        %swap3A_343 = tpu.vector_load %arg10[%swap3A_341, %swap3A_342] {strides = array<i32>} : memref<16x768xf32, #tpu.memory_space<vmem>>, vector<1x16xf32>,
        %swap3A_344 = vector.shape_cast %swap3A_343 : vector<1x16xf32> to vector<16xf32>
        %swap3A_345 = vector.shape_cast %add3A_340 : vector<16xf32> to vector<1x16xf32>
        tpu.vector_store %arg10[%swap3A_341, %swap3A_342], %swap3A_345 {strides = array<i32>} : memref<16x768xf32, #tpu.memory_space<vmem>>, vector<1x16xf32>,
        %get3A_346 = arith.index_cast %add3A_279 : i32 to index
        %get3A_347 = arith.constant 64 : index
        %get3A_348 = tpu.vector_load %arg10[%get3A_346, %get3A_347] {strides = array<i32>} : memref<16x768xf32, #tpu.memory_space<vmem>>, vector<1x16xf32>,
        %get3A_349 = vector.shape_cast %get3A_348 : vector<1x16xf32> to vector<16xf32>
        %mul3A_350 = arith.constant 27.7128124 : f32
        %mul3A_351 = vector.broadcast %mul3A_350 : f32 to vector<16xf32>
        %mul3A_352 = arith.mulf %get3A_349, %mul3A_351 : vector<16xf32>
        %get3A_353 = arith.index_cast %add3A_279 : i32 to index
        %get3A_354 = arith.constant 64 : index
        %get3A_355 = tpu.vector_load %arg11[%get3A_353, %get3A_354] {strides = array<i32>} : memref<16x768xf32, #tpu.memory_space<vmem>>, vector<1x16xf32>,
        %get3A_356 = vector.shape_cast %get3A_355 : vector<1x16xf32> to vector<16xf32>
        %add3A_357 = arith.addf %mul3A_352, %get3A_356 : vector<16xf32>
        %swap3A_358 = arith.index_cast %add3A_279 : i32 to index
        %swap3A_359 = arith.constant 64 : index
        %swap3A_360 = tpu.vector_load %arg10[%swap3A_358, %swap3A_359] {strides = array<i32>} : memref<16x768xf32, #tpu.memory_space<vmem>>, vector<1x16xf32>,
        %swap3A_361 = vector.shape_cast %swap3A_360 : vector<1x16xf32> to vector<16xf32>
        %swap3A_362 = vector.shape_cast %add3A_357 : vector<16xf32> to vector<1x16xf32>
        tpu.vector_store %arg10[%swap3A_358, %swap3A_359], %swap3A_362 {strides = array<i32>} : memref<16x768xf32, #tpu.memory_space<vmem>>, vector<1x16xf32>,
        %get3A_363 = arith.index_cast %add3A_279 : i32 to index
        %get3A_364 = arith.constant 80 : index
        %get3A_365 = tpu.vector_load %arg10[%get3A_363, %get3A_364] {strides = array<i32>} : memref<16x768xf32, #tpu.memory_space<vmem>>, vector<1x16xf32>,
        %get3A_366 = vector.shape_cast %get3A_365 : vector<1x16xf32> to vector<16xf32>
        %mul3A_367 = arith.constant 27.7128124 : f32
        %mul3A_368 = vector.broadcast %mul3A_367 : f32 to vector<16xf32>
        %mul3A_369 = arith.mulf %get3A_366, %mul3A_368 : vector<16xf32>
        %get3A_370 = arith.index_cast %add3A_279 : i32 to index
        %get3A_371 = arith.constant 80 : index
        %get3A_372 = tpu.vector_load %arg11[%get3A_370, %get3A_371] {strides = array<i32>} : memref<16x768xf32, #tpu.memory_space<vmem>>, vector<1x16xf32>,
        %get3A_373 = vector.shape_cast %get3A_372 : vector<1x16xf32> to vector<16xf32>
        %add3A_374 = arith.addf %mul3A_369, %get3A_373 : vector<16xf32>
        %swap3A_375 = arith.index_cast %add3A_279 : i32 to index
        %swap3A_376 = arith.constant 80 : index
        %swap3A_377 = tpu.vector_load %arg10[%swap3A_375, %swap3A_376] {strides = array<i32>} : memref<16x768xf32, #tpu.memory_space<vmem>>, vector<1x16xf32>,
        %swap3A_378 = vector.shape_cast %swap3A_377 : vector<1x16xf32> to vector<16xf32>
        %swap3A_379 = vector.shape_cast %add3A_374 : vector<16xf32> to vector<1x16xf32>
        tpu.vector_store %arg10[%swap3A_375, %swap3A_376], %swap3A_379 {strides = array<i32>} : memref<16x768xf32, #tpu.memory_space<vmem>>, vector<1x16xf32>,
        %get3A_380 = arith.index_cast %add3A_279 : i32 to index
        %get3A_381 = arith.constant 96 : index
        %get3A_382 = tpu.vector_load %arg10[%get3A_380, %get3A_381] {strides = array<i32>} : memref<16x768xf32, #tpu.memory_space<vmem>>, vector<1x16xf32>,
        %get3A_383 = vector.shape_cast %get3A_382 : vector<1x16xf32> to vector<16xf32>
        %mul3A_384 = arith.constant 27.7128124 : f32
        %mul3A_385 = vector.broadcast %mul3A_384 : f32 to vector<16xf32>
        %mul3A_386 = arith.mulf %get3A_383, %mul3A_385 : vector<16xf32>
        %get3A_387 = arith.index_cast %add3A_279 : i32 to index
        %get3A_388 = arith.constant 96 : index
        %get3A_389 = tpu.vector_load %arg11[%get3A_387, %get3A_388] {strides = array<i32>} : memref<16x768xf32, #tpu.memory_space<vmem>>, vector<1x16xf32>,
        %get3A_390 = vector.shape_cast %get3A_389 : vector<1x16xf32> to vector<16xf32>
        %add3A_391 = arith.addf %mul3A_386, %get3A_390 : vector<16xf32>
        %swap3A_392 = arith.index_cast %add3A_279 : i32 to index
        %swap3A_393 = arith.constant 96 : index
        %swap3A_394 = tpu.vector_load %arg10[%swap3A_392, %swap3A_393] {strides = array<i32>} : memref<16x768xf32, #tpu.memory_space<vmem>>, vector<1x16xf32>,
        %swap3A_395 = vector.shape_cast %swap3A_394 : vector<1x16xf32> to vector<16xf32>
        %swap3A_396 = vector.shape_cast %add3A_391 : vector<16xf32> to vector<1x16xf32>
        tpu.vector_store %arg10[%swap3A_392, %swap3A_393], %swap3A_396 {strides = array<i32>} : memref<16x768xf32, #tpu.memory_space<vmem>>, vector<1x16xf32>,
        %get3A_397 = arith.index_cast %add3A_279 : i32 to index
        %get3A_398 = arith.constant 112 : index
        %get3A_399 = tpu.vector_load %arg10[%get3A_397, %get3A_398] {strides = array<i32>} : memref<16x768xf32, #tpu.memory_space<vmem>>, vector<1x16xf32>,
        %get3A_400 = vector.shape_cast %get3A_399 : vector<1x16xf32> to vector<16xf32>
        %mul3A_401 = arith.constant 27.7128124 : f32
        %mul3A_402 = vector.broadcast %mul3A_401 : f32 to vector<16xf32>
        %mul3A_403 = arith.mulf %get3A_400, %mul3A_402 : vector<16xf32>
        %get3A_404 = arith.index_cast %add3A_279 : i32 to index
        %get3A_405 = arith.constant 112 : index
        %get3A_406 = tpu.vector_load %arg11[%get3A_404, %get3A_405] {strides = array<i32>} : memref<16x768xf32, #tpu.memory_space<vmem>>, vector<1x16xf32>,
        %get3A_407 = vector.shape_cast %get3A_406 : vector<1x16xf32> to vector<16xf32>
        %add3A_408 = arith.addf %mul3A_403, %get3A_407 : vector<16xf32>
        %swap3A_409 = arith.index_cast %add3A_279 : i32 to index
        %swap3A_410 = arith.constant 112 : index
        %swap3A_411 = tpu.vector_load %arg10[%swap3A_409, %swap3A_410] {strides = array<i32>} : memref<16x768xf32, #tpu.memory_space<vmem>>, vector<1x16xf32>,
        %swap3A_412 = vector.shape_cast %swap3A_411 : vector<1x16xf32> to vector<16xf32>
        %swap3A_413 = vector.shape_cast %add3A_408 : vector<16xf32> to vector<1x16xf32>
        tpu.vector_store %arg10[%swap3A_409, %swap3A_410], %swap3A_413 {strides = array<i32>} : memref<16x768xf32, #tpu.memory_space<vmem>>, vector<1x16xf32>,
        %get3A_414 = arith.index_cast %add3A_279 : i32 to index
        %get3A_415 = arith.constant 128 : index
        %get3A_416 = tpu.vector_load %arg10[%get3A_414, %get3A_415] {strides = array<i32>} : memref<16x768xf32, #tpu.memory_space<vmem>>, vector<1x16xf32>,
        %get3A_417 = vector.shape_cast %get3A_416 : vector<1x16xf32> to vector<16xf32>
        %mul3A_418 = arith.constant 27.7128124 : f32
        %mul3A_419 = vector.broadcast %mul3A_418 : f32 to vector<16xf32>
        %mul3A_420 = arith.mulf %get3A_417, %mul3A_419 : vector<16xf32>
        %get3A_421 = arith.index_cast %add3A_279 : i32 to index
        %get3A_422 = arith.constant 128 : index
        %get3A_423 = tpu.vector_load %arg11[%get3A_421, %get3A_422] {strides = array<i32>} : memref<16x768xf32, #tpu.memory_space<vmem>>, vector<1x16xf32>,
        %get3A_424 = vector.shape_cast %get3A_423 : vector<1x16xf32> to vector<16xf32>
        %add3A_425 = arith.addf %mul3A_420, %get3A_424 : vector<16xf32>
        %swap3A_426 = arith.index_cast %add3A_279 : i32 to index
        %swap3A_427 = arith.constant 128 : index
        %swap3A_428 = tpu.vector_load %arg10[%swap3A_426, %swap3A_427] {strides = array<i32>} : memref<16x768xf32, #tpu.memory_space<vmem>>, vector<1x16xf32>,
        %swap3A_429 = vector.shape_cast %swap3A_428 : vector<1x16xf32> to vector<16xf32>
        %swap3A_430 = vector.shape_cast %add3A_425 : vector<16xf32> to vector<1x16xf32>
        tpu.vector_store %arg10[%swap3A_426, %swap3A_427], %swap3A_430 {strides = array<i32>} : memref<16x768xf32, #tpu.memory_space<vmem>>, vector<1x16xf32>,
        %get3A_431 = arith.index_cast %add3A_279 : i32 to index
        %get3A_432 = arith.constant 144 : index
        %get3A_433 = tpu.vector_load %arg10[%get3A_431, %get3A_432] {strides = array<i32>} : memref<16x768xf32, #tpu.memory_space<vmem>>, vector<1x16xf32>,
        %get3A_434 = vector.shape_cast %get3A_433 : vector<1x16xf32> to vector<16xf32>
        %mul3A_435 = arith.constant 27.7128124 : f32
        %mul3A_436 = vector.broadcast %mul3A_435 : f32 to vector<16xf32>
        %mul3A_437 = arith.mulf %get3A_434, %mul3A_436 : vector<16xf32>
        %get3A_438 = arith.index_cast %add3A_279 : i32 to index
        %get3A_439 = arith.constant 144 : index
        %get3A_440 = tpu.vector_load %arg11[%get3A_438, %get3A_439] {strides = array<i32>} : memref<16x768xf32, #tpu.memory_space<vmem>>, vector<1x16xf32>,
        %get3A_441 = vector.shape_cast %get3A_440 : vector<1x16xf32> to vector<16xf32>
        %add3A_442 = arith.addf %mul3A_437, %get3A_441 : vector<16xf32>
        %swap3A_443 = arith.index_cast %add3A_279 : i32 to index
        %swap3A_444 = arith.constant 144 : index
        %swap3A_445 = tpu.vector_load %arg10[%swap3A_443, %swap3A_444] {strides = array<i32>} : memref<16x768xf32, #tpu.memory_space<vmem>>, vector<1x16xf32>,
        %swap3A_446 = vector.shape_cast %swap3A_445 : vector<1x16xf32> to vector<16xf32>
        %swap3A_447 = vector.shape_cast %add3A_442 : vector<16xf32> to vector<1x16xf32>
        tpu.vector_store %arg10[%swap3A_443, %swap3A_444], %swap3A_447 {strides = array<i32>} : memref<16x768xf32, #tpu.memory_space<vmem>>, vector<1x16xf32>,
        %get3A_448 = arith.index_cast %add3A_279 : i32 to index
        %get3A_449 = arith.constant 160 : index
        %get3A_450 = tpu.vector_load %arg10[%get3A_448, %get3A_449] {strides = array<i32>} : memref<16x768xf32, #tpu.memory_space<vmem>>, vector<1x16xf32>,
        %get3A_451 = vector.shape_cast %get3A_450 : vector<1x16xf32> to vector<16xf32>
        %mul3A_452 = arith.constant 27.7128124 : f32
        %mul3A_453 = vector.broadcast %mul3A_452 : f32 to vector<16xf32>
        %mul3A_454 = arith.mulf %get3A_451, %mul3A_453 : vector<16xf32>
        %get3A_455 = arith.index_cast %add3A_279 : i32 to index
        %get3A_456 = arith.constant 160 : index
        %get3A_457 = tpu.vector_load %arg11[%get3A_455, %get3A_456] {strides = array<i32>} : memref<16x768xf32, #tpu.memory_space<vmem>>, vector<1x16xf32>,
        %get3A_458 = vector.shape_cast %get3A_457 : vector<1x16xf32> to vector<16xf32>
        %add3A_459 = arith.addf %mul3A_454, %get3A_458 : vector<16xf32>
        %swap3A_460 = arith.index_cast %add3A_279 : i32 to index
        %swap3A_461 = arith.constant 160 : index
        %swap3A_462 = tpu.vector_load %arg10[%swap3A_460, %swap3A_461] {strides = array<i32>} : memref<16x768xf32, #tpu.memory_space<vmem>>, vector<1x16xf32>,
        %swap3A_463 = vector.shape_cast %swap3A_462 : vector<1x16xf32> to vector<16xf32>
        %swap3A_464 = vector.shape_cast %add3A_459 : vector<16xf32> to vector<1x16xf32>
        tpu.vector_store %arg10[%swap3A_460, %swap3A_461], %swap3A_464 {strides = array<i32>} : memref<16x768xf32, #tpu.memory_space<vmem>>, vector<1x16xf32>,
        %get3A_465 = arith.index_cast %add3A_279 : i32 to index
        %get3A_466 = arith.constant 176 : index
        %get3A_467 = tpu.vector_load %arg10[%get3A_465, %get3A_466] {strides = array<i32>} : memref<16x768xf32, #tpu.memory_space<vmem>>, vector<1x16xf32>,
        %get3A_468 = vector.shape_cast %get3A_467 : vector<1x16xf32> to vector<16xf32>
        %mul3A_469 = arith.constant 27.7128124 : f32
        %mul3A_470 = vector.broadcast %mul3A_469 : f32 to vector<16xf32>
        %mul3A_471 = arith.mulf %get3A_468, %mul3A_470 : vector<16xf32>
        %get3A_472 = arith.index_cast %add3A_279 : i32 to index
        %get3A_473 = arith.constant 176 : index
        %get3A_474 = tpu.vector_load %arg11[%get3A_472, %get3A_473] {strides = array<i32>} : memref<16x768xf32, #tpu.memory_space<vmem>>, vector<1x16xf32>,
        %get3A_475 = vector.shape_cast %get3A_474 : vector<1x16xf32> to vector<16xf32>
        %add3A_476 = arith.addf %mul3A_471, %get3A_475 : vector<16xf32>
        %swap3A_477 = arith.index_cast %add3A_279 : i32 to index
        %swap3A_478 = arith.constant 176 : index
        %swap3A_479 = tpu.vector_load %arg10[%swap3A_477, %swap3A_478] {strides = array<i32>} : memref<16x768xf32, #tpu.memory_space<vmem>>, vector<1x16xf32>,
        %swap3A_480 = vector.shape_cast %swap3A_479 : vector<1x16xf32> to vector<16xf32>
        %swap3A_481 = vector.shape_cast %add3A_476 : vector<16xf32> to vector<1x16xf32>
        tpu.vector_store %arg10[%swap3A_477, %swap3A_478], %swap3A_481 {strides = array<i32>} : memref<16x768xf32, #tpu.memory_space<vmem>>, vector<1x16xf32>,
        %get3A_482 = arith.index_cast %add3A_279 : i32 to index
        %get3A_483 = arith.constant 192 : index
        %get3A_484 = tpu.vector_load %arg10[%get3A_482, %get3A_483] {strides = array<i32>} : memref<16x768xf32, #tpu.memory_space<vmem>>, vector<1x16xf32>,
        %get3A_485 = vector.shape_cast %get3A_484 : vector<1x16xf32> to vector<16xf32>
        %mul3A_486 = arith.constant 27.7128124 : f32
        %mul3A_487 = vector.broadcast %mul3A_486 : f32 to vector<16xf32>
        %mul3A_488 = arith.mulf %get3A_485, %mul3A_487 : vector<16xf32>
        %get3A_489 = arith.index_cast %add3A_279 : i32 to index
        %get3A_490 = arith.constant 192 : index
        %get3A_491 = tpu.vector_load %arg11[%get3A_489, %get3A_490] {strides = array<i32>} : memref<16x768xf32, #tpu.memory_space<vmem>>, vector<1x16xf32>,
        %get3A_492 = vector.shape_cast %get3A_491 : vector<1x16xf32> to vector<16xf32>
        %add3A_493 = arith.addf %mul3A_488, %get3A_492 : vector<16xf32>
        %swap3A_494 = arith.index_cast %add3A_279 : i32 to index
        %swap3A_495 = arith.constant 192 : index
        %swap3A_496 = tpu.vector_load %arg10[%swap3A_494, %swap3A_495] {strides = array<i32>} : memref<16x768xf32, #tpu.memory_space<vmem>>, vector<1x16xf32>,
        %swap3A_497 = vector.shape_cast %swap3A_496 : vector<1x16xf32> to vector<16xf32>
        %swap3A_498 = vector.shape_cast %add3A_493 : vector<16xf32> to vector<1x16xf32>
        tpu.vector_store %arg10[%swap3A_494, %swap3A_495], %swap3A_498 {strides = array<i32>} : memref<16x768xf32, #tpu.memory_space<vmem>>, vector<1x16xf32>,
        %get3A_499 = arith.index_cast %add3A_279 : i32 to index
        %get3A_500 = arith.constant 208 : index
        %get3A_501 = tpu.vector_load %arg10[%get3A_499, %get3A_500] {strides = array<i32>} : memref<16x768xf32, #tpu.memory_space<vmem>>, vector<1x16xf32>,
        %get3A_502 = vector.shape_cast %get3A_501 : vector<1x16xf32> to vector<16xf32>
        %mul3A_503 = arith.constant 27.7128124 : f32
        %mul3A_504 = vector.broadcast %mul3A_503 : f32 to vector<16xf32>
        %mul3A_505 = arith.mulf %get3A_502, %mul3A_504 : vector<16xf32>
        %get3A_506 = arith.index_cast %add3A_279 : i32 to index
        %get3A_507 = arith.constant 208 : index
        %get3A_508 = tpu.vector_load %arg11[%get3A_506, %get3A_507] {strides = array<i32>} : memref<16x768xf32, #tpu.memory_space<vmem>>, vector<1x16xf32>,
        %get3A_509 = vector.shape_cast %get3A_508 : vector<1x16xf32> to vector<16xf32>
        %add3A_510 = arith.addf %mul3A_505, %get3A_509 : vector<16xf32>
        %swap3A_511 = arith.index_cast %add3A_279 : i32 to index
        %swap3A_512 = arith.constant 208 : index
        %swap3A_513 = tpu.vector_load %arg10[%swap3A_511, %swap3A_512] {strides = array<i32>} : memref<16x768xf32, #tpu.memory_space<vmem>>, vector<1x16xf32>,
        %swap3A_514 = vector.shape_cast %swap3A_513 : vector<1x16xf32> to vector<16xf32>
        %swap3A_515 = vector.shape_cast %add3A_510 : vector<16xf32> to vector<1x16xf32>
        tpu.vector_store %arg10[%swap3A_511, %swap3A_512], %swap3A_515 {strides = array<i32>} : memref<16x768xf32, #tpu.memory_space<vmem>>, vector<1x16xf32>,
        %get3A_516 = arith.index_cast %add3A_279 : i32 to index
        %get3A_517 = arith.constant 224 : index
        %get3A_518 = tpu.vector_load %arg10[%get3A_516, %get3A_517] {strides = array<i32>} : memref<16x768xf32, #tpu.memory_space<vmem>>, vector<1x16xf32>,
        %get3A_519 = vector.shape_cast %get3A_518 : vector<1x16xf32> to vector<16xf32>
        %mul3A_520 = arith.constant 27.7128124 : f32
        %mul3A_521 = vector.broadcast %mul3A_520 : f32 to vector<16xf32>
        %mul3A_522 = arith.mulf %get3A_519, %mul3A_521 : vector<16xf32>
        %get3A_523 = arith.index_cast %add3A_279 : i32 to index
        %get3A_524 = arith.constant 224 : index
        %get3A_525 = tpu.vector_load %arg11[%get3A_523, %get3A_524] {strides = array<i32>} : memref<16x768xf32, #tpu.memory_space<vmem>>, vector<1x16xf32>,
        %get3A_526 = vector.shape_cast %get3A_525 : vector<1x16xf32> to vector<16xf32>
        %add3A_527 = arith.addf %mul3A_522, %get3A_526 : vector<16xf32>
        %swap3A_528 = arith.index_cast %add3A_279 : i32 to index
        %swap3A_529 = arith.constant 224 : index
        %swap3A_530 = tpu.vector_load %arg10[%swap3A_528, %swap3A_529] {strides = array<i32>} : memref<16x768xf32, #tpu.memory_space<vmem>>, vector<1x16xf32>,
        %swap3A_531 = vector.shape_cast %swap3A_530 : vector<1x16xf32> to vector<16xf32>
        %swap3A_532 = vector.shape_cast %add3A_527 : vector<16xf32> to vector<1x16xf32>
        tpu.vector_store %arg10[%swap3A_528, %swap3A_529], %swap3A_532 {strides = array<i32>} : memref<16x768xf32, #tpu.memory_space<vmem>>, vector<1x16xf32>,
        %get3A_533 = arith.index_cast %add3A_279 : i32 to index
        %get3A_534 = arith.constant 240 : index
        %get3A_535 = tpu.vector_load %arg10[%get3A_533, %get3A_534] {strides = array<i32>} : memref<16x768xf32, #tpu.memory_space<vmem>>, vector<1x16xf32>,
        %get3A_536 = vector.shape_cast %get3A_535 : vector<1x16xf32> to vector<16xf32>
        %mul3A_537 = arith.constant 27.7128124 : f32
        %mul3A_538 = vector.broadcast %mul3A_537 : f32 to vector<16xf32>
        %mul3A_539 = arith.mulf %get3A_536, %mul3A_538 : vector<16xf32>
        %get3A_540 = arith.index_cast %add3A_279 : i32 to index
        %get3A_541 = arith.constant 240 : index
        %get3A_542 = tpu.vector_load %arg11[%get3A_540, %get3A_541] {strides = array<i32>} : memref<16x768xf32, #tpu.memory_space<vmem>>, vector<1x16xf32>,
        %get3A_543 = vector.shape_cast %get3A_542 : vector<1x16xf32> to vector<16xf32>
        %add3A_544 = arith.addf %mul3A_539, %get3A_543 : vector<16xf32>
        %swap3A_545 = arith.index_cast %add3A_279 : i32 to index
        %swap3A_546 = arith.constant 240 : index
        %swap3A_547 = tpu.vector_load %arg10[%swap3A_545, %swap3A_546] {strides = array<i32>} : memref<16x768xf32, #tpu.memory_space<vmem>>, vector<1x16xf32>,
        %swap3A_548 = vector.shape_cast %swap3A_547 : vector<1x16xf32> to vector<16xf32>
        %swap3A_549 = vector.shape_cast %add3A_544 : vector<16xf32> to vector<1x16xf32>
        tpu.vector_store %arg10[%swap3A_545, %swap3A_546], %swap3A_549 {strides = array<i32>} : memref<16x768xf32, #tpu.memory_space<vmem>>, vector<1x16xf32>,
        %get3A_550 = arith.index_cast %add3A_279 : i32 to index
        %get3A_551 = arith.constant 256 : index
        %get3A_552 = tpu.vector_load %arg10[%get3A_550, %get3A_551] {strides = array<i32>} : memref<16x768xf32, #tpu.memory_space<vmem>>, vector<1x16xf32>,
        %get3A_553 = vector.shape_cast %get3A_552 : vector<1x16xf32> to vector<16xf32>
        %mul3A_554 = arith.constant 27.7128124 : f32
        %mul3A_555 = vector.broadcast %mul3A_554 : f32 to vector<16xf32>
        %mul3A_556 = arith.mulf %get3A_553, %mul3A_555 : vector<16xf32>
        %get3A_557 = arith.index_cast %add3A_279 : i32 to index
        %get3A_558 = arith.constant 256 : index
        %get3A_559 = tpu.vector_load %arg11[%get3A_557, %get3A_558] {strides = array<i32>} : memref<16x768xf32, #tpu.memory_space<vmem>>, vector<1x16xf32>,
        %get3A_560 = vector.shape_cast %get3A_559 : vector<1x16xf32> to vector<16xf32>
        %add3A_561 = arith.addf %mul3A_556, %get3A_560 : vector<16xf32>
        %swap3A_562 = arith.index_cast %add3A_279 : i32 to index
        %swap3A_563 = arith.constant 256 : index
        %swap3A_564 = tpu.vector_load %arg10[%swap3A_562, %swap3A_563] {strides = array<i32>} : memref<16x768xf32, #tpu.memory_space<vmem>>, vector<1x16xf32>,
        %swap3A_565 = vector.shape_cast %swap3A_564 : vector<1x16xf32> to vector<16xf32>
        %swap3A_566 = vector.shape_cast %add3A_561 : vector<16xf32> to vector<1x16xf32>
        tpu.vector_store %arg10[%swap3A_562, %swap3A_563], %swap3A_566 {strides = array<i32>} : memref<16x768xf32, #tpu.memory_space<vmem>>, vector<1x16xf32>,
        %get3A_567 = arith.index_cast %add3A_279 : i32 to index
        %get3A_568 = arith.constant 272 : index
        %get3A_569 = tpu.vector_load %arg10[%get3A_567, %get3A_568] {strides = array<i32>} : memref<16x768xf32, #tpu.memory_space<vmem>>, vector<1x16xf32>,
        %get3A_570 = vector.shape_cast %get3A_569 : vector<1x16xf32> to vector<16xf32>
        %mul3A_571 = arith.constant 27.7128124 : f32
        %mul3A_572 = vector.broadcast %mul3A_571 : f32 to vector<16xf32>
        %mul3A_573 = arith.mulf %get3A_570, %mul3A_572 : vector<16xf32>
        %get3A_574 = arith.index_cast %add3A_279 : i32 to index
        %get3A_575 = arith.constant 272 : index
        %get3A_576 = tpu.vector_load %arg11[%get3A_574, %get3A_575] {strides = array<i32>} : memref<16x768xf32, #tpu.memory_space<vmem>>, vector<1x16xf32>,
        %get3A_577 = vector.shape_cast %get3A_576 : vector<1x16xf32> to vector<16xf32>
        %add3A_578 = arith.addf %mul3A_573, %get3A_577 : vector<16xf32>
        %swap3A_579 = arith.index_cast %add3A_279 : i32 to index
        %swap3A_580 = arith.constant 272 : index
        %swap3A_581 = tpu.vector_load %arg10[%swap3A_579, %swap3A_580] {strides = array<i32>} : memref<16x768xf32, #tpu.memory_space<vmem>>, vector<1x16xf32>,
        %swap3A_582 = vector.shape_cast %swap3A_581 : vector<1x16xf32> to vector<16xf32>
        %swap3A_583 = vector.shape_cast %add3A_578 : vector<16xf32> to vector<1x16xf32>
        tpu.vector_store %arg10[%swap3A_579, %swap3A_580], %swap3A_583 {strides = array<i32>} : memref<16x768xf32, #tpu.memory_space<vmem>>, vector<1x16xf32>,
        %get3A_584 = arith.index_cast %add3A_279 : i32 to index
        %get3A_585 = arith.constant 288 : index
        %get3A_586 = tpu.vector_load %arg10[%get3A_584, %get3A_585] {strides = array<i32>} : memref<16x768xf32, #tpu.memory_space<vmem>>, vector<1x16xf32>,
        %get3A_587 = vector.shape_cast %get3A_586 : vector<1x16xf32> to vector<16xf32>
        %mul3A_588 = arith.constant 27.7128124 : f32
        %mul3A_589 = vector.broadcast %mul3A_588 : f32 to vector<16xf32>
        %mul3A_590 = arith.mulf %get3A_587, %mul3A_589 : vector<16xf32>
        %get3A_591 = arith.index_cast %add3A_279 : i32 to index
        %get3A_592 = arith.constant 288 : index
        %get3A_593 = tpu.vector_load %arg11[%get3A_591, %get3A_592] {strides = array<i32>} : memref<16x768xf32, #tpu.memory_space<vmem>>, vector<1x16xf32>,
        %get3A_594 = vector.shape_cast %get3A_593 : vector<1x16xf32> to vector<16xf32>
        %add3A_595 = arith.addf %mul3A_590, %get3A_594 : vector<16xf32>
        %swap3A_596 = arith.index_cast %add3A_279 : i32 to index
        %swap3A_597 = arith.constant 288 : index
        %swap3A_598 = tpu.vector_load %arg10[%swap3A_596, %swap3A_597] {strides = array<i32>} : memref<16x768xf32, #tpu.memory_space<vmem>>, vector<1x16xf32>,
        %swap3A_599 = vector.shape_cast %swap3A_598 : vector<1x16xf32> to vector<16xf32>
        %swap3A_600 = vector.shape_cast %add3A_595 : vector<16xf32> to vector<1x16xf32>
        tpu.vector_store %arg10[%swap3A_596, %swap3A_597], %swap3A_600 {strides = array<i32>} : memref<16x768xf32, #tpu.memory_space<vmem>>, vector<1x16xf32>,
        %get3A_601 = arith.index_cast %add3A_279 : i32 to index
        %get3A_602 = arith.constant 304 : index
        %get3A_603 = tpu.vector_load %arg10[%get3A_601, %get3A_602] {strides = array<i32>} : memref<16x768xf32, #tpu.memory_space<vmem>>, vector<1x16xf32>,
        %get3A_604 = vector.shape_cast %get3A_603 : vector<1x16xf32> to vector<16xf32>
        %mul3A_605 = arith.constant 27.7128124 : f32
        %mul3A_606 = vector.broadcast %mul3A_605 : f32 to vector<16xf32>
        %mul3A_607 = arith.mulf %get3A_604, %mul3A_606 : vector<16xf32>
        %get3A_608 = arith.index_cast %add3A_279 : i32 to index
        %get3A_609 = arith.constant 304 : index
        %get3A_610 = tpu.vector_load %arg11[%get3A_608, %get3A_609] {strides = array<i32>} : memref<16x768xf32, #tpu.memory_space<vmem>>, vector<1x16xf32>,
        %get3A_611 = vector.shape_cast %get3A_610 : vector<1x16xf32> to vector<16xf32>
        %add3A_612 = arith.addf %mul3A_607, %get3A_611 : vector<16xf32>
        %swap3A_613 = arith.index_cast %add3A_279 : i32 to index
        %swap3A_614 = arith.constant 304 : index
        %swap3A_615 = tpu.vector_load %arg10[%swap3A_613, %swap3A_614] {strides = array<i32>} : memref<16x768xf32, #tpu.memory_space<vmem>>, vector<1x16xf32>,
        %swap3A_616 = vector.shape_cast %swap3A_615 : vector<1x16xf32> to vector<16xf32>
        %swap3A_617 = vector.shape_cast %add3A_612 : vector<16xf32> to vector<1x16xf32>
        tpu.vector_store %arg10[%swap3A_613, %swap3A_614], %swap3A_617 {strides = array<i32>} : memref<16x768xf32, #tpu.memory_space<vmem>>, vector<1x16xf32>,
        %get3A_618 = arith.index_cast %add3A_279 : i32 to index
        %get3A_619 = arith.constant 320 : index
        %get3A_620 = tpu.vector_load %arg10[%get3A_618, %get3A_619] {strides = array<i32>} : memref<16x768xf32, #tpu.memory_space<vmem>>, vector<1x16xf32>,
        %get3A_621 = vector.shape_cast %get3A_620 : vector<1x16xf32> to vector<16xf32>
        %mul3A_622 = arith.constant 27.7128124 : f32
        %mul3A_623 = vector.broadcast %mul3A_622 : f32 to vector<16xf32>
        %mul3A_624 = arith.mulf %get3A_621, %mul3A_623 : vector<16xf32>
        %get3A_625 = arith.index_cast %add3A_279 : i32 to index
        %get3A_626 = arith.constant 320 : index
        %get3A_627 = tpu.vector_load %arg11[%get3A_625, %get3A_626] {strides = array<i32>} : memref<16x768xf32, #tpu.memory_space<vmem>>, vector<1x16xf32>,
        %get3A_628 = vector.shape_cast %get3A_627 : vector<1x16xf32> to vector<16xf32>
        %add3A_629 = arith.addf %mul3A_624, %get3A_628 : vector<16xf32>
        %swap3A_630 = arith.index_cast %add3A_279 : i32 to index
        %swap3A_631 = arith.constant 320 : index
        %swap3A_632 = tpu.vector_load %arg10[%swap3A_630, %swap3A_631] {strides = array<i32>} : memref<16x768xf32, #tpu.memory_space<vmem>>, vector<1x16xf32>,
        %swap3A_633 = vector.shape_cast %swap3A_632 : vector<1x16xf32> to vector<16xf32>
        %swap3A_634 = vector.shape_cast %add3A_629 : vector<16xf32> to vector<1x16xf32>
        tpu.vector_store %arg10[%swap3A_630, %swap3A_631], %swap3A_634 {strides = array<i32>} : memref<16x768xf32, #tpu.memory_space<vmem>>, vector<1x16xf32>,
        %get3A_635 = arith.index_cast %add3A_279 : i32 to index
        %get3A_636 = arith.constant 336 : index
        %get3A_637 = tpu.vector_load %arg10[%get3A_635, %get3A_636] {strides = array<i32>} : memref<16x768xf32, #tpu.memory_space<vmem>>, vector<1x16xf32>,
        %get3A_638 = vector.shape_cast %get3A_637 : vector<1x16xf32> to vector<16xf32>
        %mul3A_639 = arith.constant 27.7128124 : f32
        %mul3A_640 = vector.broadcast %mul3A_639 : f32 to vector<16xf32>
        %mul3A_641 = arith.mulf %get3A_638, %mul3A_640 : vector<16xf32>
        %get3A_642 = arith.index_cast %add3A_279 : i32 to index
        %get3A_643 = arith.constant 336 : index
        %get3A_644 = tpu.vector_load %arg11[%get3A_642, %get3A_643] {strides = array<i32>} : memref<16x768xf32, #tpu.memory_space<vmem>>, vector<1x16xf32>,
        %get3A_645 = vector.shape_cast %get3A_644 : vector<1x16xf32> to vector<16xf32>
        %add3A_646 = arith.addf %mul3A_641, %get3A_645 : vector<16xf32>
        %swap3A_647 = arith.index_cast %add3A_279 : i32 to index
        %swap3A_648 = arith.constant 336 : index
        %swap3A_649 = tpu.vector_load %arg10[%swap3A_647, %swap3A_648] {strides = array<i32>} : memref<16x768xf32, #tpu.memory_space<vmem>>, vector<1x16xf32>,
        %swap3A_650 = vector.shape_cast %swap3A_649 : vector<1x16xf32> to vector<16xf32>
        %swap3A_651 = vector.shape_cast %add3A_646 : vector<16xf32> to vector<1x16xf32>
        tpu.vector_store %arg10[%swap3A_647, %swap3A_648], %swap3A_651 {strides = array<i32>} : memref<16x768xf32, #tpu.memory_space<vmem>>, vector<1x16xf32>,
        %get3A_652 = arith.index_cast %add3A_279 : i32 to index
        %get3A_653 = arith.constant 352 : index
        %get3A_654 = tpu.vector_load %arg10[%get3A_652, %get3A_653] {strides = array<i32>} : memref<16x768xf32, #tpu.memory_space<vmem>>, vector<1x16xf32>,
        %get3A_655 = vector.shape_cast %get3A_654 : vector<1x16xf32> to vector<16xf32>
        %mul3A_656 = arith.constant 27.7128124 : f32
        %mul3A_657 = vector.broadcast %mul3A_656 : f32 to vector<16xf32>
        %mul3A_658 = arith.mulf %get3A_655, %mul3A_657 : vector<16xf32>
        %get3A_659 = arith.index_cast %add3A_279 : i32 to index
        %get3A_660 = arith.constant 352 : index
        %get3A_661 = tpu.vector_load %arg11[%get3A_659, %get3A_660] {strides = array<i32>} : memref<16x768xf32, #tpu.memory_space<vmem>>, vector<1x16xf32>,
        %get3A_662 = vector.shape_cast %get3A_661 : vector<1x16xf32> to vector<16xf32>
        %add3A_663 = arith.addf %mul3A_658, %get3A_662 : vector<16xf32>
        %swap3A_664 = arith.index_cast %add3A_279 : i32 to index
        %swap3A_665 = arith.constant 352 : index
        %swap3A_666 = tpu.vector_load %arg10[%swap3A_664, %swap3A_665] {strides = array<i32>} : memref<16x768xf32, #tpu.memory_space<vmem>>, vector<1x16xf32>,
        %swap3A_667 = vector.shape_cast %swap3A_666 : vector<1x16xf32> to vector<16xf32>
        %swap3A_668 = vector.shape_cast %add3A_663 : vector<16xf32> to vector<1x16xf32>
        tpu.vector_store %arg10[%swap3A_664, %swap3A_665], %swap3A_668 {strides = array<i32>} : memref<16x768xf32, #tpu.memory_space<vmem>>, vector<1x16xf32>,
        %get3A_669 = arith.index_cast %add3A_279 : i32 to index
        %get3A_670 = arith.constant 368 : index
        %get3A_671 = tpu.vector_load %arg10[%get3A_669, %get3A_670] {strides = array<i32>} : memref<16x768xf32, #tpu.memory_space<vmem>>, vector<1x16xf32>,
        %get3A_672 = vector.shape_cast %get3A_671 : vector<1x16xf32> to vector<16xf32>
        %mul3A_673 = arith.constant 27.7128124 : f32
        %mul3A_674 = vector.broadcast %mul3A_673 : f32 to vector<16xf32>
        %mul3A_675 = arith.mulf %get3A_672, %mul3A_674 : vector<16xf32>
        %get3A_676 = arith.index_cast %add3A_279 : i32 to index
        %get3A_677 = arith.constant 368 : index
        %get3A_678 = tpu.vector_load %arg11[%get3A_676, %get3A_677] {strides = array<i32>} : memref<16x768xf32, #tpu.memory_space<vmem>>, vector<1x16xf32>,
        %get3A_679 = vector.shape_cast %get3A_678 : vector<1x16xf32> to vector<16xf32>
        %add3A_680 = arith.addf %mul3A_675, %get3A_679 : vector<16xf32>
        %swap3A_681 = arith.index_cast %add3A_279 : i32 to index
        %swap3A_682 = arith.constant 368 : index
        %swap3A_683 = tpu.vector_load %arg10[%swap3A_681, %swap3A_682] {strides = array<i32>} : memref<16x768xf32, #tpu.memory_space<vmem>>, vector<1x16xf32>,
        %swap3A_684 = vector.shape_cast %swap3A_683 : vector<1x16xf32> to vector<16xf32>
        %swap3A_685 = vector.shape_cast %add3A_680 : vector<16xf32> to vector<1x16xf32>
        tpu.vector_store %arg10[%swap3A_681, %swap3A_682], %swap3A_685 {strides = array<i32>} : memref<16x768xf32, #tpu.memory_space<vmem>>, vector<1x16xf32>,
        %get3A_686 = arith.index_cast %add3A_279 : i32 to index
        %get3A_687 = arith.constant 384 : index
        %get3A_688 = tpu.vector_load %arg10[%get3A_686, %get3A_687] {strides = array<i32>} : memref<16x768xf32, #tpu.memory_space<vmem>>, vector<1x16xf32>,
        %get3A_689 = vector.shape_cast %get3A_688 : vector<1x16xf32> to vector<16xf32>
        %mul3A_690 = arith.constant 27.7128124 : f32
        %mul3A_691 = vector.broadcast %mul3A_690 : f32 to vector<16xf32>
        %mul3A_692 = arith.mulf %get3A_689, %mul3A_691 : vector<16xf32>
        %get3A_693 = arith.index_cast %add3A_279 : i32 to index
        %get3A_694 = arith.constant 384 : index
        %get3A_695 = tpu.vector_load %arg11[%get3A_693, %get3A_694] {strides = array<i32>} : memref<16x768xf32, #tpu.memory_space<vmem>>, vector<1x16xf32>,
        %get3A_696 = vector.shape_cast %get3A_695 : vector<1x16xf32> to vector<16xf32>
        %add3A_697 = arith.addf %mul3A_692, %get3A_696 : vector<16xf32>
        %swap3A_698 = arith.index_cast %add3A_279 : i32 to index
        %swap3A_699 = arith.constant 384 : index
        %swap3A_700 = tpu.vector_load %arg10[%swap3A_698, %swap3A_699] {strides = array<i32>} : memref<16x768xf32, #tpu.memory_space<vmem>>, vector<1x16xf32>,
        %swap3A_701 = vector.shape_cast %swap3A_700 : vector<1x16xf32> to vector<16xf32>
        %swap3A_702 = vector.shape_cast %add3A_697 : vector<16xf32> to vector<1x16xf32>
        tpu.vector_store %arg10[%swap3A_698, %swap3A_699], %swap3A_702 {strides = array<i32>} : memref<16x768xf32, #tpu.memory_space<vmem>>, vector<1x16xf32>,
        %get3A_703 = arith.index_cast %add3A_279 : i32 to index
        %get3A_704 = arith.constant 400 : index
        %get3A_705 = tpu.vector_load %arg10[%get3A_703, %get3A_704] {strides = array<i32>} : memref<16x768xf32, #tpu.memory_space<vmem>>, vector<1x16xf32>,
        %get3A_706 = vector.shape_cast %get3A_705 : vector<1x16xf32> to vector<16xf32>
        %mul3A_707 = arith.constant 27.7128124 : f32
        %mul3A_708 = vector.broadcast %mul3A_707 : f32 to vector<16xf32>
        %mul3A_709 = arith.mulf %get3A_706, %mul3A_708 : vector<16xf32>
        %get3A_710 = arith.index_cast %add3A_279 : i32 to index
        %get3A_711 = arith.constant 400 : index
        %get3A_712 = tpu.vector_load %arg11[%get3A_710, %get3A_711] {strides = array<i32>} : memref<16x768xf32, #tpu.memory_space<vmem>>, vector<1x16xf32>,
        %get3A_713 = vector.shape_cast %get3A_712 : vector<1x16xf32> to vector<16xf32>
        %add3A_714 = arith.addf %mul3A_709, %get3A_713 : vector<16xf32>
        %swap3A_715 = arith.index_cast %add3A_279 : i32 to index
        %swap3A_716 = arith.constant 400 : index
        %swap3A_717 = tpu.vector_load %arg10[%swap3A_715, %swap3A_716] {strides = array<i32>} : memref<16x768xf32, #tpu.memory_space<vmem>>, vector<1x16xf32>,
        %swap3A_718 = vector.shape_cast %swap3A_717 : vector<1x16xf32> to vector<16xf32>
        %swap3A_719 = vector.shape_cast %add3A_714 : vector<16xf32> to vector<1x16xf32>
        tpu.vector_store %arg10[%swap3A_715, %swap3A_716], %swap3A_719 {strides = array<i32>} : memref<16x768xf32, #tpu.memory_space<vmem>>, vector<1x16xf32>,
        %get3A_720 = arith.index_cast %add3A_279 : i32 to index
        %get3A_721 = arith.constant 416 : index
        %get3A_722 = tpu.vector_load %arg10[%get3A_720, %get3A_721] {strides = array<i32>} : memref<16x768xf32, #tpu.memory_space<vmem>>, vector<1x16xf32>,
        %get3A_723 = vector.shape_cast %get3A_722 : vector<1x16xf32> to vector<16xf32>
        %mul3A_724 = arith.constant 27.7128124 : f32
        %mul3A_725 = vector.broadcast %mul3A_724 : f32 to vector<16xf32>
        %mul3A_726 = arith.mulf %get3A_723, %mul3A_725 : vector<16xf32>
        %get3A_727 = arith.index_cast %add3A_279 : i32 to index
        %get3A_728 = arith.constant 416 : index
        %get3A_729 = tpu.vector_load %arg11[%get3A_727, %get3A_728] {strides = array<i32>} : memref<16x768xf32, #tpu.memory_space<vmem>>, vector<1x16xf32>,
        %get3A_730 = vector.shape_cast %get3A_729 : vector<1x16xf32> to vector<16xf32>
        %add3A_731 = arith.addf %mul3A_726, %get3A_730 : vector<16xf32>
        %swap3A_732 = arith.index_cast %add3A_279 : i32 to index
        %swap3A_733 = arith.constant 416 : index
        %swap3A_734 = tpu.vector_load %arg10[%swap3A_732, %swap3A_733] {strides = array<i32>} : memref<16x768xf32, #tpu.memory_space<vmem>>, vector<1x16xf32>,
        %swap3A_735 = vector.shape_cast %swap3A_734 : vector<1x16xf32> to vector<16xf32>
        %swap3A_736 = vector.shape_cast %add3A_731 : vector<16xf32> to vector<1x16xf32>
        tpu.vector_store %arg10[%swap3A_732, %swap3A_733], %swap3A_736 {strides = array<i32>} : memref<16x768xf32, #tpu.memory_space<vmem>>, vector<1x16xf32>,
        %get3A_737 = arith.index_cast %add3A_279 : i32 to index
        %get3A_738 = arith.constant 432 : index
        %get3A_739 = tpu.vector_load %arg10[%get3A_737, %get3A_738] {strides = array<i32>} : memref<16x768xf32, #tpu.memory_space<vmem>>, vector<1x16xf32>,
        %get3A_740 = vector.shape_cast %get3A_739 : vector<1x16xf32> to vector<16xf32>
        %mul3A_741 = arith.constant 27.7128124 : f32
        %mul3A_742 = vector.broadcast %mul3A_741 : f32 to vector<16xf32>
        %mul3A_743 = arith.mulf %get3A_740, %mul3A_742 : vector<16xf32>
        %get3A_744 = arith.index_cast %add3A_279 : i32 to index
        %get3A_745 = arith.constant 432 : index
        %get3A_746 = tpu.vector_load %arg11[%get3A_744, %get3A_745] {strides = array<i32>} : memref<16x768xf32, #tpu.memory_space<vmem>>, vector<1x16xf32>,
        %get3A_747 = vector.shape_cast %get3A_746 : vector<1x16xf32> to vector<16xf32>
        %add3A_748 = arith.addf %mul3A_743, %get3A_747 : vector<16xf32>
        %swap3A_749 = arith.index_cast %add3A_279 : i32 to index
        %swap3A_750 = arith.constant 432 : index
        %swap3A_751 = tpu.vector_load %arg10[%swap3A_749, %swap3A_750] {strides = array<i32>} : memref<16x768xf32, #tpu.memory_space<vmem>>, vector<1x16xf32>,
        %swap3A_752 = vector.shape_cast %swap3A_751 : vector<1x16xf32> to vector<16xf32>
        %swap3A_753 = vector.shape_cast %add3A_748 : vector<16xf32> to vector<1x16xf32>
        tpu.vector_store %arg10[%swap3A_749, %swap3A_750], %swap3A_753 {strides = array<i32>} : memref<16x768xf32, #tpu.memory_space<vmem>>, vector<1x16xf32>,
        %get3A_754 = arith.index_cast %add3A_279 : i32 to index
        %get3A_755 = arith.constant 448 : index
        %get3A_756 = tpu.vector_load %arg10[%get3A_754, %get3A_755] {strides = array<i32>} : memref<16x768xf32, #tpu.memory_space<vmem>>, vector<1x16xf32>,
        %get3A_757 = vector.shape_cast %get3A_756 : vector<1x16xf32> to vector<16xf32>
        %mul3A_758 = arith.constant 27.7128124 : f32
        %mul3A_759 = vector.broadcast %mul3A_758 : f32 to vector<16xf32>
        %mul3A_760 = arith.mulf %get3A_757, %mul3A_759 : vector<16xf32>
        %get3A_761 = arith.index_cast %add3A_279 : i32 to index
        %get3A_762 = arith.constant 448 : index
        %get3A_763 = tpu.vector_load %arg11[%get3A_761, %get3A_762] {strides = array<i32>} : memref<16x768xf32, #tpu.memory_space<vmem>>, vector<1x16xf32>,
        %get3A_764 = vector.shape_cast %get3A_763 : vector<1x16xf32> to vector<16xf32>
        %add3A_765 = arith.addf %mul3A_760, %get3A_764 : vector<16xf32>
        %swap3A_766 = arith.index_cast %add3A_279 : i32 to index
        %swap3A_767 = arith.constant 448 : index
        %swap3A_768 = tpu.vector_load %arg10[%swap3A_766, %swap3A_767] {strides = array<i32>} : memref<16x768xf32, #tpu.memory_space<vmem>>, vector<1x16xf32>,
        %swap3A_769 = vector.shape_cast %swap3A_768 : vector<1x16xf32> to vector<16xf32>
        %swap3A_770 = vector.shape_cast %add3A_765 : vector<16xf32> to vector<1x16xf32>
        tpu.vector_store %arg10[%swap3A_766, %swap3A_767], %swap3A_770 {strides = array<i32>} : memref<16x768xf32, #tpu.memory_space<vmem>>, vector<1x16xf32>,
        %get3A_771 = arith.index_cast %add3A_279 : i32 to index
        %get3A_772 = arith.constant 464 : index
        %get3A_773 = tpu.vector_load %arg10[%get3A_771, %get3A_772] {strides = array<i32>} : memref<16x768xf32, #tpu.memory_space<vmem>>, vector<1x16xf32>,
        %get3A_774 = vector.shape_cast %get3A_773 : vector<1x16xf32> to vector<16xf32>
        %mul3A_775 = arith.constant 27.7128124 : f32
        %mul3A_776 = vector.broadcast %mul3A_775 : f32 to vector<16xf32>
        %mul3A_777 = arith.mulf %get3A_774, %mul3A_776 : vector<16xf32>
        %get3A_778 = arith.index_cast %add3A_279 : i32 to index
        %get3A_779 = arith.constant 464 : index
        %get3A_780 = tpu.vector_load %arg11[%get3A_778, %get3A_779] {strides = array<i32>} : memref<16x768xf32, #tpu.memory_space<vmem>>, vector<1x16xf32>,
        %get3A_781 = vector.shape_cast %get3A_780 : vector<1x16xf32> to vector<16xf32>
        %add3A_782 = arith.addf %mul3A_777, %get3A_781 : vector<16xf32>
        %swap3A_783 = arith.index_cast %add3A_279 : i32 to index
        %swap3A_784 = arith.constant 464 : index
        %swap3A_785 = tpu.vector_load %arg10[%swap3A_783, %swap3A_784] {strides = array<i32>} : memref<16x768xf32, #tpu.memory_space<vmem>>, vector<1x16xf32>,
        %swap3A_786 = vector.shape_cast %swap3A_785 : vector<1x16xf32> to vector<16xf32>
        %swap3A_787 = vector.shape_cast %add3A_782 : vector<16xf32> to vector<1x16xf32>
        tpu.vector_store %arg10[%swap3A_783, %swap3A_784], %swap3A_787 {strides = array<i32>} : memref<16x768xf32, #tpu.memory_space<vmem>>, vector<1x16xf32>,
        %get3A_788 = arith.index_cast %add3A_279 : i32 to index
        %get3A_789 = arith.constant 480 : index
        %get3A_790 = tpu.vector_load %arg10[%get3A_788, %get3A_789] {strides = array<i32>} : memref<16x768xf32, #tpu.memory_space<vmem>>, vector<1x16xf32>,
        %get3A_791 = vector.shape_cast %get3A_790 : vector<1x16xf32> to vector<16xf32>
        %mul3A_792 = arith.constant 27.7128124 : f32
        %mul3A_793 = vector.broadcast %mul3A_792 : f32 to vector<16xf32>
        %mul3A_794 = arith.mulf %get3A_791, %mul3A_793 : vector<16xf32>
        %get3A_795 = arith.index_cast %add3A_279 : i32 to index
        %get3A_796 = arith.constant 480 : index
        %get3A_797 = tpu.vector_load %arg11[%get3A_795, %get3A_796] {strides = array<i32>} : memref<16x768xf32, #tpu.memory_space<vmem>>, vector<1x16xf32>,
        %get3A_798 = vector.shape_cast %get3A_797 : vector<1x16xf32> to vector<16xf32>
        %add3A_799 = arith.addf %mul3A_794, %get3A_798 : vector<16xf32>
        %swap3A_800 = arith.index_cast %add3A_279 : i32 to index
        %swap3A_801 = arith.constant 480 : index
        %swap3A_802 = tpu.vector_load %arg10[%swap3A_800, %swap3A_801] {strides = array<i32>} : memref<16x768xf32, #tpu.memory_space<vmem>>, vector<1x16xf32>,
        %swap3A_803 = vector.shape_cast %swap3A_802 : vector<1x16xf32> to vector<16xf32>
        %swap3A_804 = vector.shape_cast %add3A_799 : vector<16xf32> to vector<1x16xf32>
        tpu.vector_store %arg10[%swap3A_800, %swap3A_801], %swap3A_804 {strides = array<i32>} : memref<16x768xf32, #tpu.memory_space<vmem>>, vector<1x16xf32>,
        %get3A_805 = arith.index_cast %add3A_279 : i32 to index
        %get3A_806 = arith.constant 496 : index
        %get3A_807 = tpu.vector_load %arg10[%get3A_805, %get3A_806] {strides = array<i32>} : memref<16x768xf32, #tpu.memory_space<vmem>>, vector<1x16xf32>,
        %get3A_808 = vector.shape_cast %get3A_807 : vector<1x16xf32> to vector<16xf32>
        %mul3A_809 = arith.constant 27.7128124 : f32
        %mul3A_810 = vector.broadcast %mul3A_809 : f32 to vector<16xf32>
        %mul3A_811 = arith.mulf %get3A_808, %mul3A_810 : vector<16xf32>
        %get3A_812 = arith.index_cast %add3A_279 : i32 to index
        %get3A_813 = arith.constant 496 : index
        %get3A_814 = tpu.vector_load %arg11[%get3A_812, %get3A_813] {strides = array<i32>} : memref<16x768xf32, #tpu.memory_space<vmem>>, vector<1x16xf32>,
        %get3A_815 = vector.shape_cast %get3A_814 : vector<1x16xf32> to vector<16xf32>
        %add3A_816 = arith.addf %mul3A_811, %get3A_815 : vector<16xf32>
        %swap3A_817 = arith.index_cast %add3A_279 : i32 to index
        %swap3A_818 = arith.constant 496 : index
        %swap3A_819 = tpu.vector_load %arg10[%swap3A_817, %swap3A_818] {strides = array<i32>} : memref<16x768xf32, #tpu.memory_space<vmem>>, vector<1x16xf32>,
        %swap3A_820 = vector.shape_cast %swap3A_819 : vector<1x16xf32> to vector<16xf32>
        %swap3A_821 = vector.shape_cast %add3A_816 : vector<16xf32> to vector<1x16xf32>
        tpu.vector_store %arg10[%swap3A_817, %swap3A_818], %swap3A_821 {strides = array<i32>} : memref<16x768xf32, #tpu.memory_space<vmem>>, vector<1x16xf32>,
        %get3A_822 = arith.index_cast %add3A_279 : i32 to index
        %get3A_823 = arith.constant 512 : index
        %get3A_824 = tpu.vector_load %arg10[%get3A_822, %get3A_823] {strides = array<i32>} : memref<16x768xf32, #tpu.memory_space<vmem>>, vector<1x16xf32>,
        %get3A_825 = vector.shape_cast %get3A_824 : vector<1x16xf32> to vector<16xf32>
        %mul3A_826 = arith.constant 27.7128124 : f32
        %mul3A_827 = vector.broadcast %mul3A_826 : f32 to vector<16xf32>
        %mul3A_828 = arith.mulf %get3A_825, %mul3A_827 : vector<16xf32>
        %get3A_829 = arith.index_cast %add3A_279 : i32 to index
        %get3A_830 = arith.constant 512 : index
        %get3A_831 = tpu.vector_load %arg11[%get3A_829, %get3A_830] {strides = array<i32>} : memref<16x768xf32, #tpu.memory_space<vmem>>, vector<1x16xf32>,
        %get3A_832 = vector.shape_cast %get3A_831 : vector<1x16xf32> to vector<16xf32>
        %add3A_833 = arith.addf %mul3A_828, %get3A_832 : vector<16xf32>
        %swap3A_834 = arith.index_cast %add3A_279 : i32 to index
        %swap3A_835 = arith.constant 512 : index
        %swap3A_836 = tpu.vector_load %arg10[%swap3A_834, %swap3A_835] {strides = array<i32>} : memref<16x768xf32, #tpu.memory_space<vmem>>, vector<1x16xf32>,
        %swap3A_837 = vector.shape_cast %swap3A_836 : vector<1x16xf32> to vector<16xf32>
        %swap3A_838 = vector.shape_cast %add3A_833 : vector<16xf32> to vector<1x16xf32>
        tpu.vector_store %arg10[%swap3A_834, %swap3A_835], %swap3A_838 {strides = array<i32>} : memref<16x768xf32, #tpu.memory_space<vmem>>, vector<1x16xf32>,
        %get3A_839 = arith.index_cast %add3A_279 : i32 to index
        %get3A_840 = arith.constant 528 : index
        %get3A_841 = tpu.vector_load %arg10[%get3A_839, %get3A_840] {strides = array<i32>} : memref<16x768xf32, #tpu.memory_space<vmem>>, vector<1x16xf32>,
        %get3A_842 = vector.shape_cast %get3A_841 : vector<1x16xf32> to vector<16xf32>
        %mul3A_843 = arith.constant 27.7128124 : f32
        %mul3A_844 = vector.broadcast %mul3A_843 : f32 to vector<16xf32>
        %mul3A_845 = arith.mulf %get3A_842, %mul3A_844 : vector<16xf32>
        %get3A_846 = arith.index_cast %add3A_279 : i32 to index
        %get3A_847 = arith.constant 528 : index
        %get3A_848 = tpu.vector_load %arg11[%get3A_846, %get3A_847] {strides = array<i32>} : memref<16x768xf32, #tpu.memory_space<vmem>>, vector<1x16xf32>,
        %get3A_849 = vector.shape_cast %get3A_848 : vector<1x16xf32> to vector<16xf32>
        %add3A_850 = arith.addf %mul3A_845, %get3A_849 : vector<16xf32>
        %swap3A_851 = arith.index_cast %add3A_279 : i32 to index
        %swap3A_852 = arith.constant 528 : index
        %swap3A_853 = tpu.vector_load %arg10[%swap3A_851, %swap3A_852] {strides = array<i32>} : memref<16x768xf32, #tpu.memory_space<vmem>>, vector<1x16xf32>,
        %swap3A_854 = vector.shape_cast %swap3A_853 : vector<1x16xf32> to vector<16xf32>
        %swap3A_855 = vector.shape_cast %add3A_850 : vector<16xf32> to vector<1x16xf32>
        tpu.vector_store %arg10[%swap3A_851, %swap3A_852], %swap3A_855 {strides = array<i32>} : memref<16x768xf32, #tpu.memory_space<vmem>>, vector<1x16xf32>,
        %get3A_856 = arith.index_cast %add3A_279 : i32 to index
        %get3A_857 = arith.constant 544 : index
        %get3A_858 = tpu.vector_load %arg10[%get3A_856, %get3A_857] {strides = array<i32>} : memref<16x768xf32, #tpu.memory_space<vmem>>, vector<1x16xf32>,
        %get3A_859 = vector.shape_cast %get3A_858 : vector<1x16xf32> to vector<16xf32>
        %mul3A_860 = arith.constant 27.7128124 : f32
        %mul3A_861 = vector.broadcast %mul3A_860 : f32 to vector<16xf32>
        %mul3A_862 = arith.mulf %get3A_859, %mul3A_861 : vector<16xf32>
        %get3A_863 = arith.index_cast %add3A_279 : i32 to index
        %get3A_864 = arith.constant 544 : index
        %get3A_865 = tpu.vector_load %arg11[%get3A_863, %get3A_864] {strides = array<i32>} : memref<16x768xf32, #tpu.memory_space<vmem>>, vector<1x16xf32>,
        %get3A_866 = vector.shape_cast %get3A_865 : vector<1x16xf32> to vector<16xf32>
        %add3A_867 = arith.addf %mul3A_862, %get3A_866 : vector<16xf32>
        %swap3A_868 = arith.index_cast %add3A_279 : i32 to index
        %swap3A_869 = arith.constant 544 : index
        %swap3A_870 = tpu.vector_load %arg10[%swap3A_868, %swap3A_869] {strides = array<i32>} : memref<16x768xf32, #tpu.memory_space<vmem>>, vector<1x16xf32>,
        %swap3A_871 = vector.shape_cast %swap3A_870 : vector<1x16xf32> to vector<16xf32>
        %swap3A_872 = vector.shape_cast %add3A_867 : vector<16xf32> to vector<1x16xf32>
        tpu.vector_store %arg10[%swap3A_868, %swap3A_869], %swap3A_872 {strides = array<i32>} : memref<16x768xf32, #tpu.memory_space<vmem>>, vector<1x16xf32>,
        %get3A_873 = arith.index_cast %add3A_279 : i32 to index
        %get3A_874 = arith.constant 560 : index
        %get3A_875 = tpu.vector_load %arg10[%get3A_873, %get3A_874] {strides = array<i32>} : memref<16x768xf32, #tpu.memory_space<vmem>>, vector<1x16xf32>,
        %get3A_876 = vector.shape_cast %get3A_875 : vector<1x16xf32> to vector<16xf32>
        %mul3A_877 = arith.constant 27.7128124 : f32
        %mul3A_878 = vector.broadcast %mul3A_877 : f32 to vector<16xf32>
        %mul3A_879 = arith.mulf %get3A_876, %mul3A_878 : vector<16xf32>
        %get3A_880 = arith.index_cast %add3A_279 : i32 to index
        %get3A_881 = arith.constant 560 : index
        %get3A_882 = tpu.vector_load %arg11[%get3A_880, %get3A_881] {strides = array<i32>} : memref<16x768xf32, #tpu.memory_space<vmem>>, vector<1x16xf32>,
        %get3A_883 = vector.shape_cast %get3A_882 : vector<1x16xf32> to vector<16xf32>
        %add3A_884 = arith.addf %mul3A_879, %get3A_883 : vector<16xf32>
        %swap3A_885 = arith.index_cast %add3A_279 : i32 to index
        %swap3A_886 = arith.constant 560 : index
        %swap3A_887 = tpu.vector_load %arg10[%swap3A_885, %swap3A_886] {strides = array<i32>} : memref<16x768xf32, #tpu.memory_space<vmem>>, vector<1x16xf32>,
        %swap3A_888 = vector.shape_cast %swap3A_887 : vector<1x16xf32> to vector<16xf32>
        %swap3A_889 = vector.shape_cast %add3A_884 : vector<16xf32> to vector<1x16xf32>
        tpu.vector_store %arg10[%swap3A_885, %swap3A_886], %swap3A_889 {strides = array<i32>} : memref<16x768xf32, #tpu.memory_space<vmem>>, vector<1x16xf32>,
        %get3A_890 = arith.index_cast %add3A_279 : i32 to index
        %get3A_891 = arith.constant 576 : index
        %get3A_892 = tpu.vector_load %arg10[%get3A_890, %get3A_891] {strides = array<i32>} : memref<16x768xf32, #tpu.memory_space<vmem>>, vector<1x16xf32>,
        %get3A_893 = vector.shape_cast %get3A_892 : vector<1x16xf32> to vector<16xf32>
        %mul3A_894 = arith.constant 27.7128124 : f32
        %mul3A_895 = vector.broadcast %mul3A_894 : f32 to vector<16xf32>
        %mul3A_896 = arith.mulf %get3A_893, %mul3A_895 : vector<16xf32>
        %get3A_897 = arith.index_cast %add3A_279 : i32 to index
        %get3A_898 = arith.constant 576 : index
        %get3A_899 = tpu.vector_load %arg11[%get3A_897, %get3A_898] {strides = array<i32>} : memref<16x768xf32, #tpu.memory_space<vmem>>, vector<1x16xf32>,
        %get3A_900 = vector.shape_cast %get3A_899 : vector<1x16xf32> to vector<16xf32>
        %add3A_901 = arith.addf %mul3A_896, %get3A_900 : vector<16xf32>
        %swap3A_902 = arith.index_cast %add3A_279 : i32 to index
        %swap3A_903 = arith.constant 576 : index
        %swap3A_904 = tpu.vector_load %arg10[%swap3A_902, %swap3A_903] {strides = array<i32>} : memref<16x768xf32, #tpu.memory_space<vmem>>, vector<1x16xf32>,
        %swap3A_905 = vector.shape_cast %swap3A_904 : vector<1x16xf32> to vector<16xf32>
        %swap3A_906 = vector.shape_cast %add3A_901 : vector<16xf32> to vector<1x16xf32>
        tpu.vector_store %arg10[%swap3A_902, %swap3A_903], %swap3A_906 {strides = array<i32>} : memref<16x768xf32, #tpu.memory_space<vmem>>, vector<1x16xf32>,
        %get3A_907 = arith.index_cast %add3A_279 : i32 to index
        %get3A_908 = arith.constant 592 : index
        %get3A_909 = tpu.vector_load %arg10[%get3A_907, %get3A_908] {strides = array<i32>} : memref<16x768xf32, #tpu.memory_space<vmem>>, vector<1x16xf32>,
        %get3A_910 = vector.shape_cast %get3A_909 : vector<1x16xf32> to vector<16xf32>
        %mul3A_911 = arith.constant 27.7128124 : f32
        %mul3A_912 = vector.broadcast %mul3A_911 : f32 to vector<16xf32>
        %mul3A_913 = arith.mulf %get3A_910, %mul3A_912 : vector<16xf32>
        %get3A_914 = arith.index_cast %add3A_279 : i32 to index
        %get3A_915 = arith.constant 592 : index
        %get3A_916 = tpu.vector_load %arg11[%get3A_914, %get3A_915] {strides = array<i32>} : memref<16x768xf32, #tpu.memory_space<vmem>>, vector<1x16xf32>,
        %get3A_917 = vector.shape_cast %get3A_916 : vector<1x16xf32> to vector<16xf32>
        %add3A_918 = arith.addf %mul3A_913, %get3A_917 : vector<16xf32>
        %swap3A_919 = arith.index_cast %add3A_279 : i32 to index
        %swap3A_920 = arith.constant 592 : index
        %swap3A_921 = tpu.vector_load %arg10[%swap3A_919, %swap3A_920] {strides = array<i32>} : memref<16x768xf32, #tpu.memory_space<vmem>>, vector<1x16xf32>,
        %swap3A_922 = vector.shape_cast %swap3A_921 : vector<1x16xf32> to vector<16xf32>
        %swap3A_923 = vector.shape_cast %add3A_918 : vector<16xf32> to vector<1x16xf32>
        tpu.vector_store %arg10[%swap3A_919, %swap3A_920], %swap3A_923 {strides = array<i32>} : memref<16x768xf32, #tpu.memory_space<vmem>>, vector<1x16xf32>,
        %get3A_924 = arith.index_cast %add3A_279 : i32 to index
        %get3A_925 = arith.constant 608 : index
        %get3A_926 = tpu.vector_load %arg10[%get3A_924, %get3A_925] {strides = array<i32>} : memref<16x768xf32, #tpu.memory_space<vmem>>, vector<1x16xf32>,
        %get3A_927 = vector.shape_cast %get3A_926 : vector<1x16xf32> to vector<16xf32>
        %mul3A_928 = arith.constant 27.7128124 : f32
        %mul3A_929 = vector.broadcast %mul3A_928 : f32 to vector<16xf32>
        %mul3A_930 = arith.mulf %get3A_927, %mul3A_929 : vector<16xf32>
        %get3A_931 = arith.index_cast %add3A_279 : i32 to index
        %get3A_932 = arith.constant 608 : index
        %get3A_933 = tpu.vector_load %arg11[%get3A_931, %get3A_932] {strides = array<i32>} : memref<16x768xf32, #tpu.memory_space<vmem>>, vector<1x16xf32>,
        %get3A_934 = vector.shape_cast %get3A_933 : vector<1x16xf32> to vector<16xf32>
        %add3A_935 = arith.addf %mul3A_930, %get3A_934 : vector<16xf32>
        %swap3A_936 = arith.index_cast %add3A_279 : i32 to index
        %swap3A_937 = arith.constant 608 : index
        %swap3A_938 = tpu.vector_load %arg10[%swap3A_936, %swap3A_937] {strides = array<i32>} : memref<16x768xf32, #tpu.memory_space<vmem>>, vector<1x16xf32>,
        %swap3A_939 = vector.shape_cast %swap3A_938 : vector<1x16xf32> to vector<16xf32>
        %swap3A_940 = vector.shape_cast %add3A_935 : vector<16xf32> to vector<1x16xf32>
        tpu.vector_store %arg10[%swap3A_936, %swap3A_937], %swap3A_940 {strides = array<i32>} : memref<16x768xf32, #tpu.memory_space<vmem>>, vector<1x16xf32>,
        %get3A_941 = arith.index_cast %add3A_279 : i32 to index
        %get3A_942 = arith.constant 624 : index
        %get3A_943 = tpu.vector_load %arg10[%get3A_941, %get3A_942] {strides = array<i32>} : memref<16x768xf32, #tpu.memory_space<vmem>>, vector<1x16xf32>,
        %get3A_944 = vector.shape_cast %get3A_943 : vector<1x16xf32> to vector<16xf32>
        %mul3A_945 = arith.constant 27.7128124 : f32
        %mul3A_946 = vector.broadcast %mul3A_945 : f32 to vector<16xf32>
        %mul3A_947 = arith.mulf %get3A_944, %mul3A_946 : vector<16xf32>
        %get3A_948 = arith.index_cast %add3A_279 : i32 to index
        %get3A_949 = arith.constant 624 : index
        %get3A_950 = tpu.vector_load %arg11[%get3A_948, %get3A_949] {strides = array<i32>} : memref<16x768xf32, #tpu.memory_space<vmem>>, vector<1x16xf32>,
        %get3A_951 = vector.shape_cast %get3A_950 : vector<1x16xf32> to vector<16xf32>
        %add3A_952 = arith.addf %mul3A_947, %get3A_951 : vector<16xf32>
        %swap3A_953 = arith.index_cast %add3A_279 : i32 to index
        %swap3A_954 = arith.constant 624 : index
        %swap3A_955 = tpu.vector_load %arg10[%swap3A_953, %swap3A_954] {strides = array<i32>} : memref<16x768xf32, #tpu.memory_space<vmem>>, vector<1x16xf32>,
        %swap3A_956 = vector.shape_cast %swap3A_955 : vector<1x16xf32> to vector<16xf32>
        %swap3A_957 = vector.shape_cast %add3A_952 : vector<16xf32> to vector<1x16xf32>
        tpu.vector_store %arg10[%swap3A_953, %swap3A_954], %swap3A_957 {strides = array<i32>} : memref<16x768xf32, #tpu.memory_space<vmem>>, vector<1x16xf32>,
        %get3A_958 = arith.index_cast %add3A_279 : i32 to index
        %get3A_959 = arith.constant 640 : index
        %get3A_960 = tpu.vector_load %arg10[%get3A_958, %get3A_959] {strides = array<i32>} : memref<16x768xf32, #tpu.memory_space<vmem>>, vector<1x16xf32>,
        %get3A_961 = vector.shape_cast %get3A_960 : vector<1x16xf32> to vector<16xf32>
        %mul3A_962 = arith.constant 27.7128124 : f32
        %mul3A_963 = vector.broadcast %mul3A_962 : f32 to vector<16xf32>
        %mul3A_964 = arith.mulf %get3A_961, %mul3A_963 : vector<16xf32>
        %get3A_965 = arith.index_cast %add3A_279 : i32 to index
        %get3A_966 = arith.constant 640 : index
        %get3A_967 = tpu.vector_load %arg11[%get3A_965, %get3A_966] {strides = array<i32>} : memref<16x768xf32, #tpu.memory_space<vmem>>, vector<1x16xf32>,
        %get3A_968 = vector.shape_cast %get3A_967 : vector<1x16xf32> to vector<16xf32>
        %add3A_969 = arith.addf %mul3A_964, %get3A_968 : vector<16xf32>
        %swap3A_970 = arith.index_cast %add3A_279 : i32 to index
        %swap3A_971 = arith.constant 640 : index
        %swap3A_972 = tpu.vector_load %arg10[%swap3A_970, %swap3A_971] {strides = array<i32>} : memref<16x768xf32, #tpu.memory_space<vmem>>, vector<1x16xf32>,
        %swap3A_973 = vector.shape_cast %swap3A_972 : vector<1x16xf32> to vector<16xf32>
        %swap3A_974 = vector.shape_cast %add3A_969 : vector<16xf32> to vector<1x16xf32>
        tpu.vector_store %arg10[%swap3A_970, %swap3A_971], %swap3A_974 {strides = array<i32>} : memref<16x768xf32, #tpu.memory_space<vmem>>, vector<1x16xf32>,
        %get3A_975 = arith.index_cast %add3A_279 : i32 to index
        %get3A_976 = arith.constant 656 : index
        %get3A_977 = tpu.vector_load %arg10[%get3A_975, %get3A_976] {strides = array<i32>} : memref<16x768xf32, #tpu.memory_space<vmem>>, vector<1x16xf32>,
        %get3A_978 = vector.shape_cast %get3A_977 : vector<1x16xf32> to vector<16xf32>
        %mul3A_979 = arith.constant 27.7128124 : f32
        %mul3A_980 = vector.broadcast %mul3A_979 : f32 to vector<16xf32>
        %mul3A_981 = arith.mulf %get3A_978, %mul3A_980 : vector<16xf32>
        %get3A_982 = arith.index_cast %add3A_279 : i32 to index
        %get3A_983 = arith.constant 656 : index
        %get3A_984 = tpu.vector_load %arg11[%get3A_982, %get3A_983] {strides = array<i32>} : memref<16x768xf32, #tpu.memory_space<vmem>>, vector<1x16xf32>,
        %get3A_985 = vector.shape_cast %get3A_984 : vector<1x16xf32> to vector<16xf32>
        %add3A_986 = arith.addf %mul3A_981, %get3A_985 : vector<16xf32>
        %swap3A_987 = arith.index_cast %add3A_279 : i32 to index
        %swap3A_988 = arith.constant 656 : index
        %swap3A_989 = tpu.vector_load %arg10[%swap3A_987, %swap3A_988] {strides = array<i32>} : memref<16x768xf32, #tpu.memory_space<vmem>>, vector<1x16xf32>,
        %swap3A_990 = vector.shape_cast %swap3A_989 : vector<1x16xf32> to vector<16xf32>
        %swap3A_991 = vector.shape_cast %add3A_986 : vector<16xf32> to vector<1x16xf32>
        tpu.vector_store %arg10[%swap3A_987, %swap3A_988], %swap3A_991 {strides = array<i32>} : memref<16x768xf32, #tpu.memory_space<vmem>>, vector<1x16xf32>,
        %get3A_992 = arith.index_cast %add3A_279 : i32 to index
        %get3A_993 = arith.constant 672 : index
        %get3A_994 = tpu.vector_load %arg10[%get3A_992, %get3A_993] {strides = array<i32>} : memref<16x768xf32, #tpu.memory_space<vmem>>, vector<1x16xf32>,
        %get3A_995 = vector.shape_cast %get3A_994 : vector<1x16xf32> to vector<16xf32>
        %mul3A_996 = arith.constant 27.7128124 : f32
        %mul3A_997 = vector.broadcast %mul3A_996 : f32 to vector<16xf32>
        %mul3A_998 = arith.mulf %get3A_995, %mul3A_997 : vector<16xf32>
        %get3A_999 = arith.index_cast %add3A_279 : i32 to index
        %get3A_1000 = arith.constant 672 : index
        %get3A_1001 = tpu.vector_load %arg11[%get3A_999, %get3A_1000] {strides = array<i32>} : memref<16x768xf32, #tpu.memory_space<vmem>>, vector<1x16xf32>,
        %get3A_1002 = vector.shape_cast %get3A_1001 : vector<1x16xf32> to vector<16xf32>
        %add3A_1003 = arith.addf %mul3A_998, %get3A_1002 : vector<16xf32>
        %swap3A_1004 = arith.index_cast %add3A_279 : i32 to index
        %swap3A_1005 = arith.constant 672 : index
        %swap3A_1006 = tpu.vector_load %arg10[%swap3A_1004, %swap3A_1005] {strides = array<i32>} : memref<16x768xf32, #tpu.memory_space<vmem>>, vector<1x16xf32>,
        %swap3A_1007 = vector.shape_cast %swap3A_1006 : vector<1x16xf32> to vector<16xf32>
        %swap3A_1008 = vector.shape_cast %add3A_1003 : vector<16xf32> to vector<1x16xf32>
        tpu.vector_store %arg10[%swap3A_1004, %swap3A_1005], %swap3A_1008 {strides = array<i32>} : memref<16x768xf32, #tpu.memory_space<vmem>>, vector<1x16xf32>,
        %get3A_1009 = arith.index_cast %add3A_279 : i32 to index
        %get3A_1010 = arith.constant 688 : index
        %get3A_1011 = tpu.vector_load %arg10[%get3A_1009, %get3A_1010] {strides = array<i32>} : memref<16x768xf32, #tpu.memory_space<vmem>>, vector<1x16xf32>,
        %get3A_1012 = vector.shape_cast %get3A_1011 : vector<1x16xf32> to vector<16xf32>
        %mul3A_1013 = arith.constant 27.7128124 : f32
        %mul3A_1014 = vector.broadcast %mul3A_1013 : f32 to vector<16xf32>
        %mul3A_1015 = arith.mulf %get3A_1012, %mul3A_1014 : vector<16xf32>
        %get3A_1016 = arith.index_cast %add3A_279 : i32 to index
        %get3A_1017 = arith.constant 688 : index
        %get3A_1018 = tpu.vector_load %arg11[%get3A_1016, %get3A_1017] {strides = array<i32>} : memref<16x768xf32, #tpu.memory_space<vmem>>, vector<1x16xf32>,
        %get3A_1019 = vector.shape_cast %get3A_1018 : vector<1x16xf32> to vector<16xf32>
        %add3A_1020 = arith.addf %mul3A_1015, %get3A_1019 : vector<16xf32>
        %swap3A_1021 = arith.index_cast %add3A_279 : i32 to index
        %swap3A_1022 = arith.constant 688 : index
        %swap3A_1023 = tpu.vector_load %arg10[%swap3A_1021, %swap3A_1022] {strides = array<i32>} : memref<16x768xf32, #tpu.memory_space<vmem>>, vector<1x16xf32>,
        %swap3A_1024 = vector.shape_cast %swap3A_1023 : vector<1x16xf32> to vector<16xf32>
        %swap3A_1025 = vector.shape_cast %add3A_1020 : vector<16xf32> to vector<1x16xf32>
        tpu.vector_store %arg10[%swap3A_1021, %swap3A_1022], %swap3A_1025 {strides = array<i32>} : memref<16x768xf32, #tpu.memory_space<vmem>>, vector<1x16xf32>,
        %get3A_1026 = arith.index_cast %add3A_279 : i32 to index
        %get3A_1027 = arith.constant 704 : index
        %get3A_1028 = tpu.vector_load %arg10[%get3A_1026, %get3A_1027] {strides = array<i32>} : memref<16x768xf32, #tpu.memory_space<vmem>>, vector<1x16xf32>,
        %get3A_1029 = vector.shape_cast %get3A_1028 : vector<1x16xf32> to vector<16xf32>
        %mul3A_1030 = arith.constant 27.7128124 : f32
        %mul3A_1031 = vector.broadcast %mul3A_1030 : f32 to vector<16xf32>
        %mul3A_1032 = arith.mulf %get3A_1029, %mul3A_1031 : vector<16xf32>
        %get3A_1033 = arith.index_cast %add3A_279 : i32 to index
        %get3A_1034 = arith.constant 704 : index
        %get3A_1035 = tpu.vector_load %arg11[%get3A_1033, %get3A_1034] {strides = array<i32>} : memref<16x768xf32, #tpu.memory_space<vmem>>, vector<1x16xf32>,
        %get3A_1036 = vector.shape_cast %get3A_1035 : vector<1x16xf32> to vector<16xf32>
        %add3A_1037 = arith.addf %mul3A_1032, %get3A_1036 : vector<16xf32>
        %swap3A_1038 = arith.index_cast %add3A_279 : i32 to index
        %swap3A_1039 = arith.constant 704 : index
        %swap3A_1040 = tpu.vector_load %arg10[%swap3A_1038, %swap3A_1039] {strides = array<i32>} : memref<16x768xf32, #tpu.memory_space<vmem>>, vector<1x16xf32>,
        %swap3A_1041 = vector.shape_cast %swap3A_1040 : vector<1x16xf32> to vector<16xf32>
        %swap3A_1042 = vector.shape_cast %add3A_1037 : vector<16xf32> to vector<1x16xf32>
        tpu.vector_store %arg10[%swap3A_1038, %swap3A_1039], %swap3A_1042 {strides = array<i32>} : memref<16x768xf32, #tpu.memory_space<vmem>>, vector<1x16xf32>,
        %get3A_1043 = arith.index_cast %add3A_279 : i32 to index
        %get3A_1044 = arith.constant 720 : index
        %get3A_1045 = tpu.vector_load %arg10[%get3A_1043, %get3A_1044] {strides = array<i32>} : memref<16x768xf32, #tpu.memory_space<vmem>>, vector<1x16xf32>,
        %get3A_1046 = vector.shape_cast %get3A_1045 : vector<1x16xf32> to vector<16xf32>
        %mul3A_1047 = arith.constant 27.7128124 : f32
        %mul3A_1048 = vector.broadcast %mul3A_1047 : f32 to vector<16xf32>
        %mul3A_1049 = arith.mulf %get3A_1046, %mul3A_1048 : vector<16xf32>
        %get3A_1050 = arith.index_cast %add3A_279 : i32 to index
        %get3A_1051 = arith.constant 720 : index
        %get3A_1052 = tpu.vector_load %arg11[%get3A_1050, %get3A_1051] {strides = array<i32>} : memref<16x768xf32, #tpu.memory_space<vmem>>, vector<1x16xf32>,
        %get3A_1053 = vector.shape_cast %get3A_1052 : vector<1x16xf32> to vector<16xf32>
        %add3A_1054 = arith.addf %mul3A_1049, %get3A_1053 : vector<16xf32>
        %swap3A_1055 = arith.index_cast %add3A_279 : i32 to index
        %swap3A_1056 = arith.constant 720 : index
        %swap3A_1057 = tpu.vector_load %arg10[%swap3A_1055, %swap3A_1056] {strides = array<i32>} : memref<16x768xf32, #tpu.memory_space<vmem>>, vector<1x16xf32>,
        %swap3A_1058 = vector.shape_cast %swap3A_1057 : vector<1x16xf32> to vector<16xf32>
        %swap3A_1059 = vector.shape_cast %add3A_1054 : vector<16xf32> to vector<1x16xf32>
        tpu.vector_store %arg10[%swap3A_1055, %swap3A_1056], %swap3A_1059 {strides = array<i32>} : memref<16x768xf32, #tpu.memory_space<vmem>>, vector<1x16xf32>,
        %get3A_1060 = arith.index_cast %add3A_279 : i32 to index
        %get3A_1061 = arith.constant 736 : index
        %get3A_1062 = tpu.vector_load %arg10[%get3A_1060, %get3A_1061] {strides = array<i32>} : memref<16x768xf32, #tpu.memory_space<vmem>>, vector<1x16xf32>,
        %get3A_1063 = vector.shape_cast %get3A_1062 : vector<1x16xf32> to vector<16xf32>
        %mul3A_1064 = arith.constant 27.7128124 : f32
        %mul3A_1065 = vector.broadcast %mul3A_1064 : f32 to vector<16xf32>
        %mul3A_1066 = arith.mulf %get3A_1063, %mul3A_1065 : vector<16xf32>
        %get3A_1067 = arith.index_cast %add3A_279 : i32 to index
        %get3A_1068 = arith.constant 736 : index
        %get3A_1069 = tpu.vector_load %arg11[%get3A_1067, %get3A_1068] {strides = array<i32>} : memref<16x768xf32, #tpu.memory_space<vmem>>, vector<1x16xf32>,
        %get3A_1070 = vector.shape_cast %get3A_1069 : vector<1x16xf32> to vector<16xf32>
        %add3A_1071 = arith.addf %mul3A_1066, %get3A_1070 : vector<16xf32>
        %swap3A_1072 = arith.index_cast %add3A_279 : i32 to index
        %swap3A_1073 = arith.constant 736 : index
        %swap3A_1074 = tpu.vector_load %arg10[%swap3A_1072, %swap3A_1073] {strides = array<i32>} : memref<16x768xf32, #tpu.memory_space<vmem>>, vector<1x16xf32>,
        %swap3A_1075 = vector.shape_cast %swap3A_1074 : vector<1x16xf32> to vector<16xf32>
        %swap3A_1076 = vector.shape_cast %add3A_1071 : vector<16xf32> to vector<1x16xf32>
        tpu.vector_store %arg10[%swap3A_1072, %swap3A_1073], %swap3A_1076 {strides = array<i32>} : memref<16x768xf32, #tpu.memory_space<vmem>>, vector<1x16xf32>,
        %get3A_1077 = arith.index_cast %add3A_279 : i32 to index
        %get3A_1078 = arith.constant 752 : index
        %get3A_1079 = tpu.vector_load %arg10[%get3A_1077, %get3A_1078] {strides = array<i32>} : memref<16x768xf32, #tpu.memory_space<vmem>>, vector<1x16xf32>,
        %get3A_1080 = vector.shape_cast %get3A_1079 : vector<1x16xf32> to vector<16xf32>
        %mul3A_1081 = arith.constant 27.7128124 : f32
        %mul3A_1082 = vector.broadcast %mul3A_1081 : f32 to vector<16xf32>
        %mul3A_1083 = arith.mulf %get3A_1080, %mul3A_1082 : vector<16xf32>
        %get3A_1084 = arith.index_cast %add3A_279 : i32 to index
        %get3A_1085 = arith.constant 752 : index
        %get3A_1086 = tpu.vector_load %arg11[%get3A_1084, %get3A_1085] {strides = array<i32>} : memref<16x768xf32, #tpu.memory_space<vmem>>, vector<1x16xf32>,
        %get3A_1087 = vector.shape_cast %get3A_1086 : vector<1x16xf32> to vector<16xf32>
        %add3A_1088 = arith.addf %mul3A_1083, %get3A_1087 : vector<16xf32>
        %swap3A_1089 = arith.index_cast %add3A_279 : i32 to index
        %swap3A_1090 = arith.constant 752 : index
        %swap3A_1091 = tpu.vector_load %arg10[%swap3A_1089, %swap3A_1090] {strides = array<i32>} : memref<16x768xf32, #tpu.memory_space<vmem>>, vector<1x16xf32>,
        %swap3A_1092 = vector.shape_cast %swap3A_1091 : vector<1x16xf32> to vector<16xf32>
        %swap3A_1093 = vector.shape_cast %add3A_1088 : vector<16xf32> to vector<1x16xf32>
        tpu.vector_store %arg10[%swap3A_1089, %swap3A_1090], %swap3A_1093 {strides = array<i32>} : memref<16x768xf32, #tpu.memory_space<vmem>>, vector<1x16xf32>,
      }
      %scan3A_231 = arith.constant 16 : i32
      %dma_wait3A_232 = arith.constant 0 : i32
      %dma_wait3A_233 = arith.constant 0 : i32
      %dma_wait3A_234 = arith.constant 0 : i32
      %dma_wait3A_235 = tpu.memref_slice %arg12[%arg1, %dma_wait3A_232, %dma_wait3A_233, %dma_wait3A_234] : memref<16x2x16x768xf32, #tpu.memory_space<vmem_shared>> -> memref<1x1x16x768xf32, #tpu.memory_space<vmem_shared>>
      %dma_wait3A_236 = tpu.memref_squeeze %dma_wait3A_235 : memref<1x1x16x768xf32, #tpu.memory_space<vmem_shared>> -> memref<16x768xf32, #tpu.memory_space<vmem_shared>>
      %dma_wait3A_237 = arith.constant 0 : i32
      %dma_wait3A_238 = arith.constant 0 : i32
      %dma_wait3A_239 = tpu.memref_slice %arg12[%arg1, %dma_wait3A_232, %dma_wait3A_237, %dma_wait3A_238] : memref<16x2x16x768xf32, #tpu.memory_space<vmem_shared>> -> memref<1x1x16x768xf32, #tpu.memory_space<vmem_shared>>
      %dma_wait3A_240 = tpu.memref_squeeze %dma_wait3A_239 : memref<1x1x16x768xf32, #tpu.memory_space<vmem_shared>> -> memref<16x768xf32, #tpu.memory_space<vmem_shared>>
      tpu.wait_dma2 semaphore(%arg18 : memref<!tpu.dma_semaphore, #tpu.memory_space<semaphore_mem>>) src(%arg9 : memref<16x768xf32, #tpu.memory_space<vmem>>) dst(%dma_wait3A_240 : memref<16x768xf32, #tpu.memory_space<vmem_shared>>)
      %add3A_241 = arith.constant 16384 : i32
      %add3A_242 = arith.addi %add3A_241, %mul3A_2 : i32
      %mul3A_243 = arith.constant 16 : i32
      %mul3A_244 = arith.muli %add3A_67, %mul3A_243 : i32
      %add3A_245 = arith.addi %add3A_242, %mul3A_244 : i32
      %dma_start3A_246 = arith.constant 0 : i32
      %dma_start3A_247 = arith.constant 0 : i32
      %dma_start3A_248 = tpu.memref_slice %arg5[%add3A_245, %dma_start3A_247] : memref<32768x768xf32, #tpu.memory_space<hbm>> -> memref<16x768xf32, #tpu.memory_space<hbm>>
      %dma_start3A_249 = arith.constant 0 : i32
      %dma_start3A_250 = arith.constant 0 : i32
      %dma_start3A_251 = tpu.memref_slice %arg12[%arg1, %dma_start3A_246, %dma_start3A_249, %dma_start3A_250] : memref<16x2x16x768xf32, #tpu.memory_space<vmem_shared>> -> memref<1x1x16x768xf32, #tpu.memory_space<vmem_shared>>
      %dma_start3A_252 = tpu.memref_squeeze %dma_start3A_251 : memref<1x1x16x768xf32, #tpu.memory_space<vmem_shared>> -> memref<16x768xf32, #tpu.memory_space<vmem_shared>>
      tpu.enqueue_dma source(%dma_start3A_252 : memref<16x768xf32, #tpu.memory_space<vmem_shared>>) target(%dma_start3A_248 : memref<16x768xf32, #tpu.memory_space<hbm>>) target_semaphore(%arg20 : memref<!tpu.dma_semaphore, #tpu.memory_space<semaphore_mem>>)
      %dma_wait3A_253 = arith.constant 1 : i32
      %dma_wait3A_254 = arith.constant 0 : i32
      %dma_wait3A_255 = arith.constant 0 : i32
      %dma_wait3A_256 = tpu.memref_slice %arg5[%dma_wait3A_254, %dma_wait3A_255] : memref<32768x768xf32, #tpu.memory_space<hbm>> -> memref<16x768xf32, #tpu.memory_space<hbm>>
      %dma_wait3A_257 = arith.constant 0 : i32
      %dma_wait3A_258 = arith.constant 0 : i32
      %dma_wait3A_259 = tpu.memref_slice %arg12[%arg1, %dma_wait3A_253, %dma_wait3A_257, %dma_wait3A_258] : memref<16x2x16x768xf32, #tpu.memory_space<vmem_shared>> -> memref<1x1x16x768xf32, #tpu.memory_space<vmem_shared>>
      %dma_wait3A_260 = tpu.memref_squeeze %dma_wait3A_259 : memref<1x1x16x768xf32, #tpu.memory_space<vmem_shared>> -> memref<16x768xf32, #tpu.memory_space<vmem_shared>>
      tpu.wait_dma2 semaphore(%arg21 : memref<!tpu.dma_semaphore, #tpu.memory_space<semaphore_mem>>) src(%dma_wait3A_260 : memref<16x768xf32, #tpu.memory_space<vmem_shared>>) dst(%dma_wait3A_256 : memref<16x768xf32, #tpu.memory_space<hbm>>)
      %dma_start3A_261 = arith.constant 1 : i32
      %dma_start3A_262 = arith.constant 0 : i32
      %dma_start3A_263 = arith.constant 0 : i32
      %dma_start3A_264 = tpu.memref_slice %arg12[%arg1, %dma_start3A_261, %dma_start3A_262, %dma_start3A_263] : memref<16x2x16x768xf32, #tpu.memory_space<vmem_shared>> -> memref<1x1x16x768xf32, #tpu.memory_space<vmem_shared>>
      %dma_start3A_265 = tpu.memref_squeeze %dma_start3A_264 : memref<1x1x16x768xf32, #tpu.memory_space<vmem_shared>> -> memref<16x768xf32, #tpu.memory_space<vmem_shared>>
      %dma_start3A_266 = arith.constant 0 : i32
      %dma_start3A_267 = arith.constant 0 : i32
      %dma_start3A_268 = tpu.memref_slice %arg12[%arg1, %dma_start3A_261, %dma_start3A_266, %dma_start3A_267] : memref<16x2x16x768xf32, #tpu.memory_space<vmem_shared>> -> memref<1x1x16x768xf32, #tpu.memory_space<vmem_shared>>
      %dma_start3A_269 = tpu.memref_squeeze %dma_start3A_268 : memref<1x1x16x768xf32, #tpu.memory_space<vmem_shared>> -> memref<16x768xf32, #tpu.memory_space<vmem_shared>>
      tpu.enqueue_dma source(%arg10 : memref<16x768xf32, #tpu.memory_space<vmem>>) target(%dma_start3A_269 : memref<16x768xf32, #tpu.memory_space<vmem_shared>>) target_semaphore(%arg19 : memref<!tpu.dma_semaphore, #tpu.memory_space<semaphore_mem>>)
      %lt3A_270 = arith.constant 15 : i32
      %lt3A_271 = arith.cmpi slt, %add3A_67, %lt3A_270 : i32
      %convert_element_type3A_272 = arith.extui %lt3A_271 : i1 to i32
      %cond3A_273 = arith.constant 0 : i32
      %cond3A_274 = arith.cmpi ne, %convert_element_type3A_272, %cond3A_273 : i32
      scf.if %cond3A_274 {
        %add3A_275 = arith.constant 1 : i32
        %add3A_276 = arith.addi %add3A_67, %add3A_275 : i32
        %mul3A_277 = arith.constant 16 : i32
        %mul3A_278 = arith.muli %add3A_276, %mul3A_277 : i32
        %add3A_279 = arith.addi %mul3A_2, %mul3A_278 : i32
        %dma_start3A_280 = arith.constant 0 : i32
        %dma_start3A_281 = tpu.memref_slice %arg4[%add3A_279, %dma_start3A_280] : memref<8192x768xf32, #tpu.memory_space<hbm>> -> memref<16x768xf32, #tpu.memory_space<hbm>>
        %dma_start3A_282 = arith.constant 0 : i32
        %dma_start3A_283 = tpu.memref_slice %arg4[%add3A_279, %dma_start3A_282] : memref<8192x768xf32, #tpu.memory_space<hbm>> -> memref<16x768xf32, #tpu.memory_space<hbm>>
        tpu.enqueue_dma source(%dma_start3A_283 : memref<16x768xf32, #tpu.memory_space<hbm>>) target(%arg11 : memref<16x768xf32, #tpu.memory_space<vmem>>) target_semaphore(%arg17 : memref<!tpu.dma_semaphore, #tpu.memory_space<semaphore_mem>>)
      } else {
      }
    }
    %scan3A_27 = arith.constant 16 : i32
    %dma_wait3A = arith.constant 1 : i32
    %dma_wait3A_28 = arith.constant 0 : i32
    %dma_wait3A_29 = arith.constant 0 : i32
    %dma_wait3A_30 = tpu.memref_slice %arg12[%arg1, %dma_wait3A, %dma_wait3A_28, %dma_wait3A_29] : memref<16x2x16x768xf32, #tpu.memory_space<vmem_shared>> -> memref<1x1x16x768xf32, #tpu.memory_space<vmem_shared>>
    %dma_wait3A_31 = tpu.memref_squeeze %dma_wait3A_30 : memref<1x1x16x768xf32, #tpu.memory_space<vmem_shared>> -> memref<16x768xf32, #tpu.memory_space<vmem_shared>>
    %dma_wait3A_32 = arith.constant 0 : i32
    %dma_wait3A_33 = arith.constant 0 : i32
    %dma_wait3A_34 = tpu.memref_slice %arg12[%arg1, %dma_wait3A, %dma_wait3A_32, %dma_wait3A_33] : memref<16x2x16x768xf32, #tpu.memory_space<vmem_shared>> -> memref<1x1x16x768xf32, #tpu.memory_space<vmem_shared>>
    %dma_wait3A_35 = tpu.memref_squeeze %dma_wait3A_34 : memref<1x1x16x768xf32, #tpu.memory_space<vmem_shared>> -> memref<16x768xf32, #tpu.memory_space<vmem_shared>>
    tpu.wait_dma2 semaphore(%arg19 : memref<!tpu.dma_semaphore, #tpu.memory_space<semaphore_mem>>) src(%arg10 : memref<16x768xf32, #tpu.memory_space<vmem>>) dst(%dma_wait3A_35 : memref<16x768xf32, #tpu.memory_space<vmem_shared>>)
    %dma_wait3A_36 = arith.constant 0 : i32
    %dma_wait3A_37 = arith.constant 0 : i32
    %dma_wait3A_38 = arith.constant 0 : i32
    %dma_wait3A_39 = tpu.memref_slice %arg5[%dma_wait3A_37, %dma_wait3A_38] : memref<32768x768xf32, #tpu.memory_space<hbm>> -> memref<16x768xf32, #tpu.memory_space<hbm>>
    %dma_wait3A_40 = arith.constant 0 : i32
    %dma_wait3A_41 = arith.constant 0 : i32
    %dma_wait3A_42 = tpu.memref_slice %arg12[%arg1, %dma_wait3A_36, %dma_wait3A_40, %dma_wait3A_41] : memref<16x2x16x768xf32, #tpu.memory_space<vmem_shared>> -> memref<1x1x16x768xf32, #tpu.memory_space<vmem_shared>>
    %dma_wait3A_43 = tpu.memref_squeeze %dma_wait3A_42 : memref<1x1x16x768xf32, #tpu.memory_space<vmem_shared>> -> memref<16x768xf32, #tpu.memory_space<vmem_shared>>
    tpu.wait_dma2 semaphore(%arg20 : memref<!tpu.dma_semaphore, #tpu.memory_space<semaphore_mem>>) src(%dma_wait3A_43 : memref<16x768xf32, #tpu.memory_space<vmem_shared>>) dst(%dma_wait3A_39 : memref<16x768xf32, #tpu.memory_space<hbm>>)
    %add3A_44 = arith.constant 24576 : i32
    %add3A_45 = arith.addi %add3A_44, %mul3A_2 : i32
    %add3A_46 = arith.constant 240 : i32
    %add3A_47 = arith.addi %add3A_45, %add3A_46 : i32
    %dma_start3A_48 = arith.constant 1 : i32
    %dma_start3A_49 = arith.constant 0 : i32
    %dma_start3A_50 = tpu.memref_slice %arg5[%add3A_47, %dma_start3A_49] : memref<32768x768xf32, #tpu.memory_space<hbm>> -> memref<16x768xf32, #tpu.memory_space<hbm>>
    %dma_start3A_51 = arith.constant 0 : i32
    %dma_start3A_52 = arith.constant 0 : i32
    %dma_start3A_53 = tpu.memref_slice %arg12[%arg1, %dma_start3A_48, %dma_start3A_51, %dma_start3A_52] : memref<16x2x16x768xf32, #tpu.memory_space<vmem_shared>> -> memref<1x1x16x768xf32, #tpu.memory_space<vmem_shared>>
    %dma_start3A_54 = tpu.memref_squeeze %dma_start3A_53 : memref<1x1x16x768xf32, #tpu.memory_space<vmem_shared>> -> memref<16x768xf32, #tpu.memory_space<vmem_shared>>
    tpu.enqueue_dma source(%dma_start3A_54 : memref<16x768xf32, #tpu.memory_space<vmem_shared>>) target(%dma_start3A_50 : memref<16x768xf32, #tpu.memory_space<hbm>>) target_semaphore(%arg21 : memref<!tpu.dma_semaphore, #tpu.memory_space<semaphore_mem>>)
    %dma_wait3A_55 = arith.constant 1 : i32
    %dma_wait3A_56 = arith.constant 0 : i32
    %dma_wait3A_57 = arith.constant 0 : i32
    %dma_wait3A_58 = tpu.memref_slice %arg5[%dma_wait3A_56, %dma_wait3A_57] : memref<32768x768xf32, #tpu.memory_space<hbm>> -> memref<16x768xf32, #tpu.memory_space<hbm>>
    %dma_wait3A_59 = arith.constant 0 : i32
    %dma_wait3A_60 = arith.constant 0 : i32
    %dma_wait3A_61 = tpu.memref_slice %arg12[%arg1, %dma_wait3A_55, %dma_wait3A_59, %dma_wait3A_60] : memref<16x2x16x768xf32, #tpu.memory_space<vmem_shared>> -> memref<1x1x16x768xf32, #tpu.memory_space<vmem_shared>>
    %dma_wait3A_62 = tpu.memref_squeeze %dma_wait3A_61 : memref<1x1x16x768xf32, #tpu.memory_space<vmem_shared>> -> memref<16x768xf32, #tpu.memory_space<vmem_shared>>
    tpu.wait_dma2 semaphore(%arg21 : memref<!tpu.dma_semaphore, #tpu.memory_space<semaphore_mem>>) src(%dma_wait3A_62 : memref<16x768xf32, #tpu.memory_space<vmem_shared>>) dst(%dma_wait3A_58 : memref<16x768xf32, #tpu.memory_space<hbm>>)
    return
  }
}

</mosaic_0001>

<sc_bundles>
// kernel: _emb_call.3.cloned.1.call-start
scs
__scs_entry_jumppad:
0x0: {  	(pc) =	sbr.rel $0x88, $3  }
0x1: {  	(tag) =	ssettag $0x0;
	lr =	simm.s32 $0x1  }
0x2: {  	[smem:$0x3F9E] =	sst lr;
	_ =	strace $0xD0000000  }
0x3: {  	_ = 	snop  }
0x4: {  	_ = 	snop  }
0x5: {  	_ = 	snop  }
0x6: {  	_ = 	snop  }
0x7: {  	_ = 	snop  }
__scs_overlays_trampoline_lowered:
0x8: {  	[smem:$0x3FAD] =	sst s0  }
0x9: {  	[smem:$0x3FAE] =	sst s1  }
0xa: {  	[smem:$0x3FAF] =	sst s2  }
0xb: {  	[smem:$0x3FB0] =	sst s3  }
0xc: {  	[smem:$0x3FB1] =	sst s4  }
0xd: {  	[smem:$0x3FB2] =	sst s5  }
0xe: {  	[smem:$0x3FB3] =	sst s6  }
0xf: {  	[smem:$0x3FB4] =	sst s7  }
0x10: {  	[smem:$0x3FB5] =	sst s8  }
0x11: {  	[smem:$0x3FB6] =	sst s9;
	s0 =	simm.s32 @!p0 $0x0  }
0x12: {  	s1 =	sld [smem:$0x3F9C];
	s0 =	simm.s32 @p0 $0x1  }
0x13: {  	[smem:$0x3FB7] =	sst s0;
	s0 =	simm.s32 @!p1 $0x0  }
0x14: {  	s2 =	sld [smem:$0x3F9B];
	s0 =	simm.s32 @p1 $0x1  }
0x15: {  	[smem:$0x3FB8] =	sst s0;
	s0 =	simm.s32 @!p2 $0x0  }
0x16: {  	s3 =	sld [smem:$0x3FDB];
	s0 =	simm.s32 @p2 $0x1  }
0x17: {  	s4 =	simm.s32 $0x1BF5;
	[smem:$0x3FBA] =	sst s0  }
0x18: {  	s0 =	sld [smem:$0x3F9D];
	_ =	swait.ge [sflag:s4], $0x0  }
0x19: {  	s7 =	sld [smem:$0x3F9E]  }
0x1a: {  	s8 =	sadd.s32 $0xFFFFE003, lr  }
0x1b: {  	s9 =	sadd.s32 $0xFFFFFEF7, lr;
	s5 =	simm.s32 $0xFFFFFFFF;
	p2 =	slt.u32 s8, $0xFFFFF086  }
0x1c: {  	p1 =	slt.u32 s9, $0xF7A;
	s5 =	simm.s32 @!p2 $0x0  }
0x1d: {  	s5 =	simm.s32 @p1 $0x1;
	p0 =	seq.s32 s7, s2  }
0x1e: {  	s7 =	smul.u32 @!p0 $0xF7A, s2;
	p2 =	seq.s32 @!p0 s5, $0x0  }
0x1f: {  	s9 =	smul.u32 $0xF7A, s1;
	s8 =	simm.s32 @!p0 $0x1BF5;
	p2 =	por !p2, p0  }
0x20: {  	[sflag:s8] =	ssyncset.s32 @!p0 $0xFFFFF086;
	s6 =	sadd.s32 @!p0 s3, s7;
	s7 =	simm.s32 @!p0 $0x108  }
0x21: {  	s3 =	sadd.s32 s3, s9;
	s6 =	sadd.s32 @!p0 $0x88, s6;
	s7 =	simm.s32 @p2 $0x1082  }
0x22: {  	[simem:s7], [sflag:s8] =	dma.local @!p0 [hbm:s6], $0xF7A  }
0x23: {  	s9 =	sor.u32 $0xD0000000, s2;
	s6 =	simm.s32 $0x108;
	_ =	swait.ge @!p0 [sflag:s8], $0x0  }
0x24: {  	s3 =	sadd.s32 $0x88, s3;
	s6 =	simm.s32 @!p1 $0x1082;
	[sflag:s4] =	ssyncset.s32 $0xFFFFF086  }
0x25: {  	[simem:s6], [sflag:s4] =	dma.local [hbm:s3], $0xF7A  }
0x26: {  	[smem:$0x3F9E] =	sst s1;
	(tag) =	ssettag s2;
	_ =	strace s9  }
0x27: {  	s1 =	sld [smem:$0x3FAE]  }
0x28: {  	s2 =	sld [smem:$0x3FAF]  }
0x29: {  	s4 =	sld [smem:$0x3FB1]  }
0x2a: {  	p0 =	seq.s32 s5, $0x0;
	s5 =	sld [smem:$0x3FB2]  }
0x2b: {  	s6 =	sld [smem:$0x3FB3]  }
0x2c: {  	s7 =	sld [smem:$0x3FB4]  }
0x2d: {  	s3 =	simm.s32 $0x108;
	s8 =	sld [smem:$0x3FB5]  }
0x2e: {  	s3 =	simm.s32 @!p0 $0x1082;
	s9 =	sld [smem:$0x3FB6]  }
0x2f: {  	lr =	sadd.s32 s0, s3;
	s0 =	sld [smem:$0x3FAD]  }
0x30: {  	s3 =	sld [smem:$0x3FB0]  }
0x31: {  	[smem:$0x3FB9] =	sst s10  }
0x32: {  	s10 =	sld [smem:$0x3FB7];
	_ =	sdelay $0x3  }
0x33: {  	p0 =	seq.s32 s10, $0x1;
	s10 =	sld [smem:$0x3FB9];
	_ =	sdelay $0x3  }
0x34: {  	[smem:$0x3FB9] =	sst s10  }
0x35: {  	s10 =	sld [smem:$0x3FB8];
	_ =	sdelay $0x3  }
0x36: {  	p1 =	seq.s32 s10, $0x1;
	s10 =	sld [smem:$0x3FB9];
	_ =	sdelay $0x3  }
0x37: {  	[smem:$0x3FB9] =	sst s10  }
0x38: {  	s10 =	sld [smem:$0x3FBA]  }
0x39: {  	_ = 	snop;
	(pc) =	sbr.ind lr, $3  }
0x3a: {  	_ = 	snop  }
0x3b: {  	_ = 	snop  }
0x3c: {  	p2 =	seq.s32 s10, $0x1;
	s10 =	sld [smem:$0x3FB9]  }
0x3d: {  	_ =	shalt  }
0x3e: {  	_ =	shalt  }
0x3f: {  	_ =	shalt  }
0x40: {  	_ =	shalt  }
0x41: {  	_ =	shalt  }
0x42: {  	_ =	shalt  }
0x43: {  	_ =	shalt  }
0x44: {  	_ =	shalt  }
0x45: {  	_ =	shalt  }
0x46: {  	_ =	shalt  }
0x47: {  	_ =	shalt  }
0x48: {  	_ =	shalt  }
0x49: {  	_ =	shalt  }
0x4a: {  	_ =	shalt  }
0x4b: {  	_ =	shalt  }
0x4c: {  	_ =	shalt  }
0x4d: {  	_ =	shalt  }
0x4e: {  	_ =	shalt  }
0x4f: {  	_ =	shalt  }
0x50: {  	_ =	shalt  }
0x51: {  	_ =	shalt  }
0x52: {  	_ =	shalt  }
0x53: {  	_ =	shalt  }
0x54: {  	_ =	shalt  }
0x55: {  	_ =	shalt  }
0x56: {  	_ =	shalt  }
0x57: {  	_ =	shalt  }
0x58: {  	_ =	shalt  }
0x59: {  	_ =	shalt  }
0x5a: {  	_ =	shalt  }
0x5b: {  	_ =	shalt  }
0x5c: {  	_ =	shalt  }
0x5d: {  	_ =	shalt  }
0x5e: {  	_ =	shalt  }
0x5f: {  	_ =	shalt  }
0x60: {  	_ =	shalt  }
0x61: {  	_ =	shalt  }
0x62: {  	_ =	shalt  }
0x63: {  	_ =	shalt  }
0x64: {  	_ =	shalt  }
0x65: {  	_ =	shalt  }
0x66: {  	_ =	shalt  }
0x67: {  	_ =	shalt  }
0x68: {  	_ =	shalt  }
0x69: {  	_ =	shalt  }
0x6a: {  	_ =	shalt  }
0x6b: {  	_ =	shalt  }
0x6c: {  	_ =	shalt  }
0x6d: {  	_ =	shalt  }
0x6e: {  	_ =	shalt  }
0x6f: {  	_ =	shalt  }
0x70: {  	_ =	shalt  }
0x71: {  	_ =	shalt  }
0x72: {  	_ =	shalt  }
0x73: {  	_ =	shalt  }
0x74: {  	_ =	shalt  }
0x75: {  	_ =	shalt  }
0x76: {  	_ =	shalt  }
0x77: {  	_ =	shalt  }
0x78: {  	_ =	shalt  }
0x79: {  	_ =	shalt  }
0x7a: {  	_ =	shalt  }
0x7b: {  	_ =	shalt  }
0x7c: {  	_ =	shalt  }
0x7d: {  	_ =	shalt  }
0x7e: {  	_ =	shalt  }
0x7f: {  	_ =	shalt  }
0x80: {  	_ =	shalt  }
0x81: {  	_ =	shalt  }
0x82: {  	_ =	shalt  }
0x83: {  	_ =	shalt  }
0x84: {  	_ =	shalt  }
0x85: {  	_ =	shalt  }
0x86: {  	_ =	shalt  }
0x87: {  	_ =	shalt  }
.Lfunc_end0:
.L_simem_size_0:
called_computation_lowered:
.L_overlay_start_0:
0x88: {  	s2 =	sld [smem:$0x3FD9]  }
0x89: {  	s3 =	sld [smem:$0x3FFE];
	_ =	sdelay $0x1  }
0x8a: {  	s1 =	srdreg.scid  }
0x8b: {  	s0 =	sand.u32 $0x1, s1  }
0x8c: {  	s18 =	sshll.u32 s0, $0xA;
	s2 =	sadd.s32 s3, s2  }
0x8d: {  	s2 =	sadd.s32 s2, s18  }
0x8e: {  	[smem:$0x3FC5] =	sst s2  }
0x8f: {  	_ = 	snop  }
0x90: {  	s2 =	sld [smem:$0x3FC9]  }
0x91: {  	s19 =	sld [smem:$0x3FC8]  }
0x92: {  	s4 =	sld [smem:$0x3FC7]  }
0x93: {  	s5 =	sld [smem:$0x3FD0];
	(tm) =	ssettm $0x1  }
0x94: {  	s6 =	sld [smem:$0x3FFB];
	_ =	sdelay $0x3  }
0x95: {  	_ =	strace s6  }
0x96: {  	s6 =	sld [smem:$0x3FFC];
	_ =	sdelay $0x3  }
0x97: {  	_ =	strace s6  }
0x98: {  	s6 =	sld [smem:$0x3FFD];
	_ =	sdelay $0x3  }
0x99: {  	_ =	strace s6  }
0x9a: {  	_ =	strace $0x8FFFFFFF  }
0x9b: {  	s20 =	sld [smem:$0x3FDB];
	_ =	sdelay $0x1  }
0x9c: {  	s7 =	simm.s32 $_scs_section_size  }
0x9d: {  	s8 =	simm.s32 $_size__tile_overlayer_lowered;
	s9 =	simm.s32 $_tile_overlayer_lowered  }
0x9e: {  	s23 =	simm.s32 $0x1BFF;
	s22 =	sshll.u32 s9, $0x1;
	s6 =	sadd.s32 s7, s20  }
0x9f: {  	s10 =	simm.s32 $0x0;
	s21 =	sshll.u32 s8, $0x1;
	s8 =	sadd.s32 s22, s6  }
0xa0: {  	[timem:s10], [sflag:s23] =	dma.local [hbm:s8], s21  }
0xa1: {  	_ =	swait.ge [sflag:s23], s21  }
0xa2: {  	s7 =	ssub.s32 $0x0, s21;
	[sflag:s23] =	ssyncset.done $0x0  }
0xa3: {  	[sflag:s23] =	ssyncadd.s32 s7;
	_ =	sdelay $0x1  }
0xa4: {  	s24 =	simm.s32 $0x1B8B  }
0xa5: {  	_ =	swait.ge [sflag:s24], $0x1  }
0xa6: {  	[sflag:s24] =	ssyncset.done $0x0  }
0xa7: {  	s25 =	simm.s32 $0x1B8E;
	[sflag:s24] =	ssyncadd.s32 $0xFFFFFFFF  }
0xa8: {  	s26 =	simm.s32 $execute0_lowered;
	[smem:$0x3FD2] =	sst s25  }
0xa9: {  	s7 =	sshll.u32 s26, $0x1;
	_ =	strace $0x80000046;
	[dreg:$0x1] =	wrdreg $0xFFFFFFFF  }
0xaa: {  	s28 =	simm.s32 $_size_execute0_lowered;
	s6 =	sadd.s32 s6, s7;
	[dreg:$0x0] =	wrdreg $0x0  }
0xab: {  	s7 =	sshll.u32 s28, $0x1;
	[dreg:$0x2] =	wrdreg s6  }
0xac: {  	[dreg:$0x3] =	wrdreg s7  }
0xad: {  	[dreg:$0x4] =	wrdreg $0xC0  }
0xae: {  	_ =	task [dreg:s10], $0x5FFFF  }
0xaf: {  	[dreg:$0x1] =	wrdreg $0xFFFFFFFF  }
0xb0: {  	[dreg:$0x0] =	wrdreg $0x60  }
0xb1: {  	[dreg:$0x2] =	wrdreg s2  }
0xb2: {  	[dreg:$0x3] =	wrdreg s19  }
0xb3: {  	[dreg:$0x4] =	wrdreg s4  }
0xb4: {  	[dreg:$0x5] =	wrdreg s5  }
0xb5: {  	[dreg:$0x6] =	wrdreg $0xF4000  }
0xb6: {  	[dreg:$0x7] =	wrdreg $0x9  }
0xb7: {  	_ =	task.clear_ibuf [dreg:s10], $0x8FFFF;
	_ =	strace $0x90000046  }
0xb8: {  	s29 =	simm.s32 $0x9;
	_ =	strace $0x80000048  }
0xb9: {  	_ =	swait.ge [sflag:s29], $0x1  }
0xba: {  	[sflag:s29] =	ssyncadd.s32 $0xFFFFFFFF  }
0xbb: {  	_ =	strace $0x90000048  }
0xbc: {  	_ =	sfence  }
0xbd: {  	s30 =	sld [smem:$0x0];
	_ =	sdelay $0x2  }
0xbe: {  	s31 =	sshll.u32 s1, $0xD;
	s1 =	sshrl.u32 s1, $0x2  }
0xbf: {  	s3 =	sand.u32 $0x4000, s31;
	s1 =	sadd.s32 s1, s30  }
0xc0: {  	s0 =	sor.u32 s3, s0;
	s1 =	sshll.u32 s1, $0x11  }
0xc1: {  	s0 =	sor.u32 s1, s0  }
0xc2: {  	s0 =	sadd.s32 $0x8F2B, s0  }
0xc3: {  	[sflag:s0] =	ssyncadd.remote.s32 $0x1  }
0xc4: {  	_ =	sfence.sel $0xFFFF  }
0xc5: {  	[dreg:$0x0] =	wrdreg $0xFFFFFFFF;
	(pc) =	sbr.abs _section_cstart, $3  }
0xc6: {  	[dreg:$0x1] =	wrdreg $0xFFFFFFFF  }
0xc7: {  	_ =	task.clear_ibuf [dreg:s10], $0x2FFFF;
	_ =	strace $0x9FFFFFFF  }
0xc8: {  	(tm) =	ssettm $0x7FFFFFFF  }
0xc9: {  	_ =	shalt  }
tec
execute0_lowered:
.L_overlay_start_1:
0x0: {  	(tag) =	ssettag $0x1  }
0x1: {  	s0 =	rddreg [dreg:$0x0]  }
0x2: {  	s1 =	rddreg [dreg:$0x1]  }
0x3: {  	s13 =	rddreg [dreg:$0x2]  }
0x4: {  	s3 =	rddreg [dreg:$0x3]  }
0x5: {  	s2 =	rddreg [dreg:$0x4];
	s4 =	srdreg.scid  }
0x6: {  	s5 =	simm.s32 $0x0;
	s30 =	stileid.u32;
	s4 =	sand.u32 $0x1, s4  }
0x7: {  	s6 =	sshll.u32 s30, $0x9;
	[smem:$0x7FF] =	sst s5;
	s12 =	smul.u32 $0x18000, s30  }
0x8: {  	s14 =	sadd.s32 $0x100, s1;
	s15 =	sadd.s32 $0x200, s1;
	s7 =	ssub.s32 $0x2, s4  }
0x9: {  	s4 =	sshll.u32 s4, $0x8;
	_ =	strace $0x80000047;
	s8 =	sshrl.u32 s7, $0x1  }
0xa: {  	s6 =	sor.u32 s4, s6;
	s25 =	sshrl.u32 s12, $0x2;
	s12 =	simm.s32 $0x4  }
0xb: {  	s4 =	simm.s32 $0x0;
	s20 =	ssub.s32 s7, s8;
	s21 =	sshrl.u32 s6, $0x3  }
0xc: {  	s22 =	sor.u32 $0x2000, s6;
	s11 =	sor.u32 $0x4000, s6;
	s16 =	sadd.s32 s25, s2  }
0xd: {  	s26 =	sadd.s32 $0x5FF0, s6;
	s17 =	smov.u32 s6;
	s29 =	sor.u32 $0x10, s6  }
0xe: {  	s2 =	simm.s32 $0x6;
	s25 =	simm.s32 $0x3;
	s9 =	smul.u32 $0x300, s21  }
0xf: {  	[dreg:$0x6] =	wrdreg s22;
	s10 =	sshrl.u32 s22, $0x3;
	s19 =	smov.u32 s11  }
0x10: {  	s11 =	sshrl.u32 s11, $0x3;
	s7 =	sadd.s32 s0, s21;
	[dreg:$0xc] =	wrdreg s26  }
0x11: {  	s18 =	sadd.s32 $0x3000, s16;
	[dreg:$0xd] =	wrdreg s29;
	s31 =	smax.u32 s20, $0x1  }
0x12: {  	s26 =	simm.s32 $0x6400;
	s20 =	simm.s32 $0x1;
	[dreg:$0x7] =	wrdreg s7  }
0x13: {  	s21 =	simm.s32 $0x5;
	s8 =	sadd.s32 s0, s10;
	[dreg:$0xf] =	wrdreg s31  }
0x14: {  	s0 =	sadd.s32 s0, s11;
	s23 =	sadd.s32 $0xC00, s7;
	[dreg:$0x8] =	wrdreg s8  }
0x15: {  	s10 =	simm.s32 $0x7;
	s11 =	simm.s32 $0x8;
	[dreg:$0x9] =	wrdreg s0  }
0x16: {  	v2 =	vlaneseq.u32;
	[dreg:$0xa] =	wrdreg s23;
	s24 =	sadd.s32 s13, s9;
	s28 =	sadd.s32 s9, s3  }
0x17: {  	vm0 =	vmmov $0xffff;
	v1 =	vshrl.u32 v2, $0x3;
	s9 =	simm.s32 $0x9400;
	[dreg:$0xb] =	wrdreg s24;
	s0 =	sadd.s32 $0x245A00, s28  }
0x18: {  	v0 =	vand.u32 $0x7, v2;
	v2 =	vor.u32 $0x8, v2;
	v1 =	vmul.u32 $0x8, v1;
	s23 =	simm.s32 $0x2;
	s13 =	simm.s32 $0x9;
	[dreg:$0xe] =	wrdreg s0  }
.LBB2_1:
0x19: {  	[dreg:$0x10] =	wrdreg s4  }
0x1a: {  	s0 =	rddreg [dreg:$0x7];
	s24 =	simm.s32 $0xA  }
0x1b: {  	[tilespmem:s5], [sflag:$0xA] =	stream.linear.gather [hbm4b:s0+s5], $0x100, $0x38;
	[tilespmem:$0x15400] =	vst v63  }
0x1c: {  	_ =	swait.ge [sflag:s24], $0x100  }
0x1d: {  	[sflag:s24] =	ssyncset.done $0x0  }
0x1e: {  	s6 =	simm.s32 $0x100;
	s28 =	rddreg [dreg:$0x8];
	[sflag:s24] =	ssyncadd.s32 $0xFFFFFF00  }
0x1f: {  	[tilespmem:s6], [sflag:$0xA] =	stream.linear.gather [hbm4b:s28+s5], $0x100, $0x38;
	[tilespmem:$0x15400] =	vst v63  }
0x20: {  	_ =	swait.ge [sflag:s24], $0x100  }
0x21: {  	[sflag:s24] =	ssyncset.done $0x0  }
0x22: {  	s31 =	simm.s32 $0x200;
	s29 =	rddreg [dreg:$0x9];
	[sflag:s24] =	ssyncadd.s32 $0xFFFFFF00  }
0x23: {  	[tilespmem:s31], [sflag:$0xA] =	stream.linear.gather [hbm4b:s29+s5], $0x100, $0x38;
	[tilespmem:$0x15400] =	vst v63  }
0x24: {  	_ =	swait.ge [sflag:s24], $0x100  }
0x25: {  	[sflag:s24] =	ssyncset.done $0x0  }
0x26: {  	s8 =	simm.s32 $0x300;
	s7 =	rddreg [dreg:$0xa];
	[sflag:s24] =	ssyncadd.s32 $0xFFFFFF00  }
0x27: {  	[tilespmem:s8], [sflag:$0xA] =	stream.linear.gather [hbm4b:s7+s5], $0x100, $0x38;
	[tilespmem:$0x15400] =	vst v63  }
0x28: {  	_ =	swait.ge [sflag:s24], $0x100  }
0x29: {  	[sflag:s24] =	ssyncset.done $0x0  }
0x2a: {  	s22 =	rddreg [dreg:$0xb];
	[sflag:s24] =	ssyncadd.s32 $0xFFFFFF00;
	s24 =	simm.s32 $0xC400  }
0x2b: {  	[tilespmem:s24], [sflag:$0x5] =	stream.linear.gather [hbm4b:s22+s5], $0x3000, $0x38;
	[tilespmem:$0x15400] =	vst v63  }
0x2c: {  	v3 =	vld [tilespmem:$0x0];
	_ =	sdelay $0x4  }
0x2d: {  	v4 =	vshrl.u32 v3, $0x3  }
0x2e: {  	v4 =	vmul.u32 $0x30, v4  }
0x2f: {  	v3 =	vand.u32 $0x7, v3  }
0x30: {  	v3 =	vor.u32 v3, v4  }
0x31: {  	v4 =	vperm.xlane v3, v0;
	_ =	sdelay $0x1  }
0x32: {  	v4 =	vadd.s32 v1, v4;
	_ =	sdelay $0x3  }
0x33: {  	s28 =	simm.s32 $0x400;
	v3 =	vperm.xlane v3, v2  }
0x34: {  	[tilespmem:s28], [sflag:$0x1] =	stream.indirect_vreg.gather [hbm4b:s1+s5], $0x80, v4, vm0, $0xb8;
	[tilespmem:$0x15400] =	vst v63  }
0x35: {  	s29 =	simm.s32 $0xC00;
	v3 =	vadd.s32 v1, v3  }
0x36: {  	[tilespmem:s29], [sflag:$0x1] =	stream.indirect_vreg.gather [hbm4b:s14+s5], $0x80, v4, vm0, $0xb8;
	[tilespmem:$0x15400] =	vst v63  }
0x37: {  	s31 =	simm.s32 $0x1400  }
0x38: {  	[tilespmem:s31], [sflag:$0x1] =	stream.indirect_vreg.gather [hbm4b:s15+s5], $0x80, v4, vm0, $0xb8;
	[tilespmem:$0x15400] =	vst v63  }
0x39: {  	s4 =	simm.s32 $0x1C00  }
0x3a: {  	[tilespmem:s4], [sflag:$0x1] =	stream.indirect_vreg.gather [hbm4b:s1+s5], $0x80, v3, vm0, $0xb8;
	[tilespmem:$0x15400] =	vst v63  }
0x3b: {  	s6 =	simm.s32 $0x2400  }
0x3c: {  	[tilespmem:s6], [sflag:$0x1] =	stream.indirect_vreg.gather [hbm4b:s14+s5], $0x80, v3, vm0, $0xb8;
	[tilespmem:$0x15400] =	vst v63  }
0x3d: {  	s7 =	simm.s32 $0x2C00  }
0x3e: {  	[tilespmem:s7], [sflag:$0x1] =	stream.indirect_vreg.gather [hbm4b:s15+s5], $0x80, v3, vm0, $0xb8;
	[tilespmem:$0x15400] =	vst v63  }
0x3f: {  	v3 =	vld [tilespmem:$0x100];
	_ =	sdelay $0x4  }
0x40: {  	v63 =	vshrl.u32 v3, $0x3  }
0x41: {  	v4 =	vmul.u32 $0x30, v63  }
0x42: {  	v3 =	vand.u32 $0x7, v3  }
0x43: {  	v3 =	vor.u32 v3, v4  }
0x44: {  	v4 =	vperm.xlane v3, v0;
	_ =	sdelay $0x1  }
0x45: {  	v4 =	vadd.s32 v1, v4;
	_ =	sdelay $0x3  }
0x46: {  	s8 =	simm.s32 $0x3400;
	v3 =	vperm.xlane v3, v2  }
0x47: {  	[tilespmem:s8], [sflag:$0x2] =	stream.indirect_vreg.gather [hbm4b:s1+s5], $0x80, v4, vm0, $0xb8;
	[tilespmem:$0x15400] =	vst v63  }
0x48: {  	s22 =	simm.s32 $0x3C00;
	v3 =	vadd.s32 v1, v3  }
0x49: {  	[tilespmem:s22], [sflag:$0x2] =	stream.indirect_vreg.gather [hbm4b:s14+s5], $0x80, v4, vm0, $0xb8;
	[tilespmem:$0x15400] =	vst v63  }
0x4a: {  	s24 =	simm.s32 $0x4400  }
0x4b: {  	[tilespmem:s24], [sflag:$0x2] =	stream.indirect_vreg.gather [hbm4b:s15+s5], $0x80, v4, vm0, $0xb8;
	[tilespmem:$0x15400] =	vst v63  }
0x4c: {  	s28 =	simm.s32 $0x4C00  }
0x4d: {  	[tilespmem:s28], [sflag:$0x2] =	stream.indirect_vreg.gather [hbm4b:s1+s5], $0x80, v3, vm0, $0xb8;
	[tilespmem:$0x15400] =	vst v63  }
0x4e: {  	s29 =	simm.s32 $0x5400  }
0x4f: {  	[tilespmem:s29], [sflag:$0x2] =	stream.indirect_vreg.gather [hbm4b:s14+s5], $0x80, v3, vm0, $0xb8;
	[tilespmem:$0x15400] =	vst v63  }
0x50: {  	s31 =	simm.s32 $0x5C00;
	s22 =	simm.s32 $0x0  }
0x51: {  	[tilespmem:s31], [sflag:$0x2] =	stream.indirect_vreg.gather [hbm4b:s15+s5], $0x80, v3, vm0, $0xb8;
	[tilespmem:$0x15400] =	vst v63  }
.LBB2_2:
0x52: {  	s29 =	sshll.u32 s22, $0x4  }
0x53: {  	v3 =	vld [tilespmem:s29+$0x200];
	_ =	sdelay $0x4  }
0x54: {  	v4 =	vshrl.u32 v3, $0x3  }
0x55: {  	v4 =	vmul.u32 $0x30, v4  }
0x56: {  	v3 =	vand.u32 $0x7, v3  }
0x57: {  	v3 =	vor.u32 v3, v4  }
0x58: {  	v4 =	vperm.xlane v3, v0;
	_ =	sdelay $0x1  }
0x59: {  	v4 =	vadd.s32 v1, v4;
	_ =	sdelay $0x3  }
0x5a: {  	s24 =	simm.s32 $0x0;
	v3 =	vperm.xlane v3, v2  }
0x5b: {  	[tilespmem:s26], [sflag:$0x3] =	stream.indirect_vreg.gather [hbm4b:s1+s24], $0x80, v4, vm0, $0xb8;
	[tilespmem:$0x15400] =	vst v63  }
0x5c: {  	s0 =	simm.s32 $0x6C00;
	v3 =	vadd.s32 v1, v3  }
0x5d: {  	[tilespmem:s0], [sflag:$0x3] =	stream.indirect_vreg.gather [hbm4b:s14+s24], $0x80, v4, vm0, $0xb8;
	[tilespmem:$0x15400] =	vst v63  }
0x5e: {  	s6 =	simm.s32 $0x7400  }
0x5f: {  	[tilespmem:s6], [sflag:$0x3] =	stream.indirect_vreg.gather [hbm4b:s15+s24], $0x80, v4, vm0, $0xb8;
	[tilespmem:$0x15400] =	vst v63  }
0x60: {  	s7 =	simm.s32 $0x7C00  }
0x61: {  	[tilespmem:s7], [sflag:$0x3] =	stream.indirect_vreg.gather [hbm4b:s1+s24], $0x80, v3, vm0, $0xb8;
	[tilespmem:$0x15400] =	vst v63  }
0x62: {  	s8 =	simm.s32 $0x8400  }
0x63: {  	[tilespmem:s8], [sflag:$0x3] =	stream.indirect_vreg.gather [hbm4b:s14+s24], $0x80, v3, vm0, $0xb8;
	[tilespmem:$0x15400] =	vst v63  }
0x64: {  	s28 =	simm.s32 $0x8C00  }
0x65: {  	[tilespmem:s28], [sflag:$0x3] =	stream.indirect_vreg.gather [hbm4b:s15+s24], $0x80, v3, vm0, $0xb8;
	[tilespmem:$0x15400] =	vst v63  }
0x66: {  	_ =	swait.ge [sflag:s20], $0x3000  }
0x67: {  	[sflag:s20] =	ssyncset.done $0x0  }
0x68: {  	s31 =	simm.s32 $0x0;
	[sflag:s20] =	ssyncadd.s32 $0xFFFFD000  }
0x69: {  	s0 =	smul.u32 $0x1800, s31;
	_ =	swait.ge [sflag:s21], $0x3000  }
0x6a: {  	s4 =	sand.u32 $0x380, s24;
	[sflag:s21] =	ssyncset.done $0x0  }
0x6b: {  	s0 =	sor.u32 s4, s0;
	[sflag:s21] =	ssyncadd.s32 $0xFFFFD000  }
0x6c: {  	v5 =	vld [tilespmem:s0+$0xC400]  }
0x6d: {  	v24 =	vld [tilespmem:s0+$0xC410]  }
0x6e: {  	v25 =	vld [tilespmem:s0+$0xC420]  }
0x6f: {  	v26 =	vld [tilespmem:s0+$0xC430]  }
0x70: {  	v27 =	vld [tilespmem:s0+$0xC440]  }
0x71: {  	v28 =	vld [tilespmem:s0+$0xC450]  }
0x72: {  	v29 =	vld [tilespmem:s0+$0xC460]  }
0x73: {  	v30 =	vld [tilespmem:s0+$0xC470]  }
0x74: {  	v31 =	vld [tilespmem:s0+$0xC800]  }
0x75: {  	v32 =	vld [tilespmem:s0+$0xC810]  }
0x76: {  	v33 =	vld [tilespmem:s0+$0xC820]  }
0x77: {  	v34 =	vld [tilespmem:s0+$0xC830]  }
0x78: {  	v35 =	vld [tilespmem:s0+$0xC840]  }
0x79: {  	v36 =	vld [tilespmem:s0+$0xC850]  }
0x7a: {  	v37 =	vld [tilespmem:s0+$0xC860]  }
0x7b: {  	v38 =	vld [tilespmem:s0+$0xC870]  }
0x7c: {  	v39 =	vld [tilespmem:s0+$0xCC00]  }
0x7d: {  	v40 =	vld [tilespmem:s0+$0xCC10]  }
0x7e: {  	v41 =	vld [tilespmem:s0+$0xCC20]  }
0x7f: {  	v42 =	vld [tilespmem:s0+$0xCC30]  }
0x80: {  	v43 =	vld [tilespmem:s0+$0xCC40]  }
0x81: {  	v44 =	vld [tilespmem:s0+$0xCC50]  }
0x82: {  	v45 =	vld [tilespmem:s0+$0xCC60]  }
0x83: {  	v46 =	vld [tilespmem:s0+$0xCC70]  }
0x84: {  	v47 =	vld [tilespmem:s0+$0xD000]  }
0x85: {  	v23 =	vld [tilespmem:s0+$0xD010]  }
0x86: {  	v22 =	vld [tilespmem:s0+$0xD020]  }
0x87: {  	v21 =	vld [tilespmem:s0+$0xD030]  }
0x88: {  	v20 =	vld [tilespmem:s0+$0xD040]  }
0x89: {  	v19 =	vld [tilespmem:s0+$0xD050]  }
0x8a: {  	v18 =	vld [tilespmem:s0+$0xD060]  }
0x8b: {  	v17 =	vld [tilespmem:s0+$0xD070]  }
0x8c: {  	v16 =	vld [tilespmem:s0+$0xD400]  }
0x8d: {  	v15 =	vld [tilespmem:s0+$0xD410]  }
0x8e: {  	v14 =	vld [tilespmem:s0+$0xD420]  }
0x8f: {  	v13 =	vld [tilespmem:s0+$0xD430]  }
0x90: {  	v12 =	vld [tilespmem:s0+$0xD440]  }
0x91: {  	v11 =	vld [tilespmem:s0+$0xD450]  }
0x92: {  	v10 =	vld [tilespmem:s0+$0xD460]  }
0x93: {  	v9 =	vld [tilespmem:s0+$0xD470]  }
0x94: {  	v8 =	vld [tilespmem:s0+$0xD800]  }
0x95: {  	v7 =	vld [tilespmem:s0+$0xD810]  }
0x96: {  	v6 =	vld [tilespmem:s0+$0xD820]  }
0x97: {  	v4 =	vld [tilespmem:s0+$0xD830]  }
0x98: {  	v3 =	vld [tilespmem:s0+$0xD840]  }
0x99: {  	v48 =	vld [tilespmem:s0+$0x400]  }
0x9a: {  	v49 =	vld [tilespmem:s0+$0x410]  }
0x9b: {  	v50 =	vld [tilespmem:s0+$0x420]  }
0x9c: {  	v51 =	vld [tilespmem:s0+$0x430]  }
0x9d: {  	v52 =	vld [tilespmem:s0+$0x440]  }
0x9e: {  	v53 =	vld [tilespmem:s0+$0x450]  }
0x9f: {  	v54 =	vld [tilespmem:s0+$0x460];
	v48 =	vmul.f32 $2.771281240e+01, v48  }
0xa0: {  	v55 =	vld [tilespmem:s0+$0x470];
	v49 =	vmul.f32 $2.771281240e+01, v49  }
0xa1: {  	v59 =	vld [tilespmem:s0+$0x810];
	v50 =	vmul.f32 $2.771281240e+01, v50;
	v48 =	vadd.f32 v5, v48  }
0xa2: {  	v63 =	vmul.f32 $2.771281240e+01, v51;
	v51 =	vld [tilespmem:s0+$0x800];
	v24 =	vadd.f32 v24, v49  }
0xa3: {  	v56 =	vmul.f32 $2.771281240e+01, v52;
	v58 =	vmul.f32 $2.771281240e+01, v53;
	v53 =	vld [tilespmem:s0+$0x830];
	v25 =	vadd.f32 v25, v50;
	[tilespmem:s0+$0x400] =	vst v48  }
0xa4: {  	v61 =	vmul.f32 $2.771281240e+01, v54;
	v54 =	vld [tilespmem:s0+$0x840];
	v57 =	vadd.f32 v26, v63;
	[tilespmem:s0+$0x410] =	vst v24  }
0xa5: {  	v5 =	vld [tilespmem:s0+$0xD850];
	v60 =	vadd.f32 v27, v56;
	[tilespmem:s0+$0x420] =	vst v25  }
0xa6: {  	v62 =	vadd.f32 v28, v58;
	v63 =	vmul.f32 $2.771281240e+01, v55;
	v55 =	vmul.f32 $2.771281240e+01, v59;
	v59 =	vld [tilespmem:s0+$0x860];
	[tilespmem:s0+$0x430] =	vst v57  }
0xa7: {  	v50 =	vadd.f32 v29, v61;
	v61 =	vld [tilespmem:s0+$0x870];
	[tilespmem:s0+$0x440] =	vst v60  }
0xa8: {  	v56 =	vld [tilespmem:s0+$0xC00];
	[tilespmem:s0+$0x450] =	vst v62;
	v52 =	vadd.f32 v30, v63;
	v51 =	vmul.f32 $2.771281240e+01, v51  }
0xa9: {  	v48 =	vld [tilespmem:s0+$0x820];
	[tilespmem:s0+$0x460] =	vst v50;
	v29 =	vadd.f32 v32, v55;
	v26 =	vmul.f32 $2.771281240e+01, v53  }
0xaa: {  	v57 =	vld [tilespmem:s0+$0x850];
	v25 =	vmul.f32 $2.771281240e+01, v54;
	[tilespmem:s0+$0x470] =	vst v52;
	v27 =	vadd.f32 v31, v51  }
0xab: {  	v58 =	vld [tilespmem:s0+$0xC10];
	[tilespmem:s0+$0x810] =	vst v29;
	v26 =	vadd.f32 v34, v26;
	v31 =	vmul.f32 $2.771281240e+01, v59  }
0xac: {  	v60 =	vld [tilespmem:s0+$0xC20];
	v25 =	vadd.f32 v35, v25;
	v32 =	vmul.f32 $2.771281240e+01, v61;
	[tilespmem:s0+$0x800] =	vst v27  }
0xad: {  	v63 =	vld [tilespmem:s0+$0xC40];
	v24 =	vmul.f32 $2.771281240e+01, v56;
	[tilespmem:s0+$0x830] =	vst v26;
	v31 =	vadd.f32 v37, v31  }
0xae: {  	v55 =	vld [tilespmem:s0+$0x1040];
	v28 =	vmul.f32 $2.771281240e+01, v48;
	[tilespmem:s0+$0x840] =	vst v25;
	v32 =	vadd.f32 v38, v32  }
0xaf: {  	v50 =	vld [tilespmem:s0+$0xC70];
	v30 =	vmul.f32 $2.771281240e+01, v57;
	v24 =	vadd.f32 v39, v24;
	[tilespmem:s0+$0x860] =	vst v31  }
0xb0: {  	v52 =	vld [tilespmem:s0+$0x1010];
	v27 =	vmul.f32 $2.771281240e+01, v58;
	v28 =	vadd.f32 v33, v28;
	[tilespmem:s0+$0x870] =	vst v32  }
0xb1: {  	v51 =	vld [tilespmem:s0+$0x1000];
	v29 =	vmul.f32 $2.771281240e+01, v60;
	v30 =	vadd.f32 v36, v30;
	[tilespmem:s0+$0xC00] =	vst v24  }
0xb2: {  	v53 =	vld [tilespmem:s0+$0x1020];
	v26 =	vmul.f32 $2.771281240e+01, v63;
	v27 =	vadd.f32 v40, v27;
	[tilespmem:s0+$0x820] =	vst v28  }
0xb3: {  	v48 =	vld [tilespmem:s0+$0xC50];
	v61 =	vmul.f32 $2.771281240e+01, v55;
	v29 =	vadd.f32 v41, v29;
	[tilespmem:s0+$0x850] =	vst v30  }
0xb4: {  	v54 =	vld [tilespmem:s0+$0x1030];
	v26 =	vadd.f32 v43, v26;
	v31 =	vmul.f32 $2.771281240e+01, v50;
	[tilespmem:s0+$0xC10] =	vst v27  }
0xb5: {  	v56 =	vld [tilespmem:s0+$0x1050];
	v24 =	vmul.f32 $2.771281240e+01, v52;
	v20 =	vadd.f32 v20, v61;
	[tilespmem:s0+$0xC20] =	vst v29  }
0xb6: {  	v62 =	vld [tilespmem:s0+$0xC30];
	v32 =	vmul.f32 $2.771281240e+01, v51;
	[tilespmem:s0+$0xC40] =	vst v26;
	v31 =	vadd.f32 v46, v31  }
0xb7: {  	v57 =	vld [tilespmem:s0+$0x1060];
	v27 =	vmul.f32 $2.771281240e+01, v53;
	v23 =	vadd.f32 v23, v24;
	[tilespmem:s0+$0x1040] =	vst v20  }
0xb8: {  	v49 =	vld [tilespmem:s0+$0xC60];
	v25 =	vmul.f32 $2.771281240e+01, v48;
	v32 =	vadd.f32 v47, v32;
	[tilespmem:s0+$0xC70] =	vst v31  }
0xb9: {  	v59 =	vld [tilespmem:s0+$0x1400];
	v29 =	vmul.f32 $2.771281240e+01, v54;
	v22 =	vadd.f32 v22, v27;
	[tilespmem:s0+$0x1010] =	vst v23  }
0xba: {  	v58 =	vld [tilespmem:s0+$0x1070];
	v26 =	vmul.f32 $2.771281240e+01, v56;
	v25 =	vadd.f32 v44, v25;
	[tilespmem:s0+$0x1000] =	vst v32  }
0xbb: {  	v60 =	vld [tilespmem:s0+$0x1410];
	v28 =	vmul.f32 $2.771281240e+01, v62;
	v21 =	vadd.f32 v21, v29;
	[tilespmem:s0+$0x1020] =	vst v22  }
0xbc: {  	v23 =	vld [tilespmem:s0+$0x1420];
	v19 =	vadd.f32 v19, v26;
	[tilespmem:s0+$0xC50] =	vst v25;
	v25 =	vmul.f32 $2.771281240e+01, v57  }
0xbd: {  	v30 =	vmul.f32 $2.771281240e+01, v49;
	v28 =	vadd.f32 v42, v28;
	v22 =	vld [tilespmem:s0+$0x1430];
	[tilespmem:s0+$0x1030] =	vst v21  }
0xbe: {  	v21 =	vld [tilespmem:s0+$0x1440];
	[tilespmem:s0+$0x1050] =	vst v19;
	v19 =	vmul.f32 $2.771281240e+01, v59;
	v18 =	vadd.f32 v18, v25  }
0xbf: {  	v20 =	vld [tilespmem:s0+$0x1450];
	v62 =	vmul.f32 $2.771281240e+01, v58;
	v30 =	vadd.f32 v45, v30;
	[tilespmem:s0+$0xC30] =	vst v28  }
0xc0: {  	v63 =	vld [tilespmem:s0+$0x1460];
	v19 =	vadd.f32 v16, v19;
	[tilespmem:s0+$0x1060] =	vst v18;
	v18 =	vmul.f32 $2.771281240e+01, v60  }
0xc1: {  	v26 =	vadd.f32 v17, v62;
	v17 =	vld [tilespmem:s0+$0x1470];
	[tilespmem:s0+$0xC60] =	vst v30;
	v23 =	vmul.f32 $2.771281240e+01, v23  }
0xc2: {  	v16 =	vld [tilespmem:s0+$0x1800];
	[tilespmem:s0+$0x1400] =	vst v19;
	v19 =	vmul.f32 $2.771281240e+01, v22;
	v18 =	vadd.f32 v15, v18  }
0xc3: {  	[tilespmem:s0+$0x1070] =	vst v26;
	v22 =	vadd.f32 v14, v23;
	v21 =	vmul.f32 $2.771281240e+01, v21;
	v15 =	vld [tilespmem:s0+$0x1810]  }
0xc4: {  	v14 =	vld [tilespmem:s0+$0x1820];
	[tilespmem:s0+$0x1410] =	vst v18;
	v18 =	vadd.f32 v13, v19;
	v19 =	vmul.f32 $2.771281240e+01, v20  }
0xc5: {  	s4 =	simm.s32 $0x1;
	[tilespmem:s0+$0x1420] =	vst v22;
	v20 =	vadd.f32 v12, v21;
	v13 =	vmul.f32 $2.771281240e+01, v63;
	v12 =	vld [tilespmem:s0+$0x1830]  }
.LBB2_3:
0xc6: {  	p0 =	sne.s32 s4, $0xF;
	[tilespmem:s0+$0x1430] =	vst v18;
	v11 =	vadd.f32 v11, v19;
	v17 =	vmul.f32 $2.771281240e+01, v17;
	v18 =	vld [tilespmem:s0+$0x1840]  }
0xc7: {  	[tilespmem:s0+$0x1440] =	vst v20;
	v10 =	vadd.f32 v10, v13;
	v13 =	vmul.f32 $2.771281240e+01, v16;
	v16 =	vld [tilespmem:s0+$0x1850]  }
0xc8: {  	s7 =	sshrl.u32 s4, $0x3;
	[tilespmem:s0+$0x1450] =	vst v11;
	v9 =	vadd.f32 v9, v17;
	v11 =	vmul.f32 $2.771281240e+01, v15;
	v15 =	vld [tilespmem:s0+$0x1860]  }
0xc9: {  	s24 =	sadd.s32 $0x80, s24;
	s7 =	smul.u32 $0x1800, s7;
	[tilespmem:s0+$0x1460] =	vst v10;
	v8 =	vadd.f32 v8, v13;
	v10 =	vmul.f32 $2.771281240e+01, v14;
	v13 =	vld [tilespmem:s0+$0x1870]  }
0xca: {  	s28 =	sand.u32 $0x380, s24;
	[tilespmem:s0+$0x1470] =	vst v9;
	v7 =	vadd.f32 v7, v11;
	v9 =	vmul.f32 $2.771281240e+01, v12;
	v11 =	vld [tilespmem:s0+$0xD860]  }
0xcb: {  	s7 =	sor.u32 s28, s7;
	[tilespmem:s0+$0x1800] =	vst v8;
	v6 =	vadd.f32 v6, v10;
	v8 =	vmul.f32 $2.771281240e+01, v18;
	v10 =	vld [tilespmem:s0+$0xD870]  }
0xcc: {  	v41 =	vld [tilespmem:s7+$0xC400];
	[tilespmem:s0+$0x1810] =	vst v7;
	v4 =	vadd.f32 v4, v9;
	v7 =	vmul.f32 $2.771281240e+01, v16  }
0xcd: {  	v42 =	vld [tilespmem:s7+$0xC410];
	[tilespmem:s0+$0x1820] =	vst v6;
	v3 =	vadd.f32 v3, v8;
	v6 =	vmul.f32 $2.771281240e+01, v15  }
0xce: {  	v43 =	vld [tilespmem:s7+$0xC420];
	[tilespmem:s0+$0x1830] =	vst v4;
	v4 =	vadd.f32 v5, v7;
	v5 =	vmul.f32 $2.771281240e+01, v13  }
0xcf: {  	v44 =	vld [tilespmem:s7+$0xC430];
	[tilespmem:s0+$0x1840] =	vst v3;
	v3 =	vadd.f32 v11, v6  }
0xd0: {  	v45 =	vld [tilespmem:s7+$0xC440];
	[tilespmem:s0+$0x1850] =	vst v4;
	v4 =	vadd.f32 v10, v5  }
0xd1: {  	v46 =	vld [tilespmem:s7+$0xC450];
	[tilespmem:s0+$0x1860] =	vst v3  }
0xd2: {  	v47 =	vld [tilespmem:s7+$0xC460];
	[tilespmem:s0+$0x1870] =	vst v4;
	s0 =	smov.u32 s7  }
0xd3: {  	v48 =	vld [tilespmem:s0+$0xC470]  }
0xd4: {  	v40 =	vld [tilespmem:s0+$0xC800]  }
0xd5: {  	v39 =	vld [tilespmem:s0+$0xC810]  }
0xd6: {  	v38 =	vld [tilespmem:s0+$0xC820]  }
0xd7: {  	v37 =	vld [tilespmem:s0+$0xC830]  }
0xd8: {  	v36 =	vld [tilespmem:s0+$0xC840]  }
0xd9: {  	v35 =	vld [tilespmem:s0+$0xC850]  }
0xda: {  	v34 =	vld [tilespmem:s0+$0xC860]  }
0xdb: {  	v33 =	vld [tilespmem:s0+$0xC870]  }
0xdc: {  	v32 =	vld [tilespmem:s0+$0xCC00]  }
0xdd: {  	v31 =	vld [tilespmem:s0+$0xCC10]  }
0xde: {  	v30 =	vld [tilespmem:s0+$0xCC20]  }
0xdf: {  	v29 =	vld [tilespmem:s0+$0xCC30]  }
0xe0: {  	v28 =	vld [tilespmem:s0+$0xCC40]  }
0xe1: {  	v27 =	vld [tilespmem:s0+$0xCC50]  }
0xe2: {  	v26 =	vld [tilespmem:s0+$0xCC60]  }
0xe3: {  	v25 =	vld [tilespmem:s0+$0xCC70]  }
0xe4: {  	v24 =	vld [tilespmem:s0+$0xD000]  }
0xe5: {  	v23 =	vld [tilespmem:s0+$0xD010]  }
0xe6: {  	v22 =	vld [tilespmem:s0+$0xD020]  }
0xe7: {  	v21 =	vld [tilespmem:s0+$0xD030]  }
0xe8: {  	v20 =	vld [tilespmem:s0+$0xD040]  }
0xe9: {  	v19 =	vld [tilespmem:s0+$0xD050]  }
0xea: {  	v18 =	vld [tilespmem:s0+$0xD060]  }
0xeb: {  	v17 =	vld [tilespmem:s0+$0xD070]  }
0xec: {  	v16 =	vld [tilespmem:s0+$0xD400]  }
0xed: {  	v15 =	vld [tilespmem:s0+$0xD410]  }
0xee: {  	v14 =	vld [tilespmem:s0+$0xD420]  }
0xef: {  	v13 =	vld [tilespmem:s0+$0xD430]  }
0xf0: {  	v12 =	vld [tilespmem:s0+$0xD440]  }
0xf1: {  	v11 =	vld [tilespmem:s0+$0xD450]  }
0xf2: {  	v10 =	vld [tilespmem:s0+$0xD460]  }
0xf3: {  	v9 =	vld [tilespmem:s0+$0xD470]  }
0xf4: {  	v8 =	vld [tilespmem:s0+$0xD800]  }
0xf5: {  	v7 =	vld [tilespmem:s0+$0xD810]  }
0xf6: {  	v6 =	vld [tilespmem:s0+$0xD820]  }
0xf7: {  	v4 =	vld [tilespmem:s0+$0xD830]  }
0xf8: {  	v3 =	vld [tilespmem:s0+$0xD840]  }
0xf9: {  	v5 =	vld [tilespmem:s0+$0xD850]  }
0xfa: {  	v49 =	vld [tilespmem:s0+$0x400]  }
0xfb: {  	v50 =	vld [tilespmem:s0+$0x410]  }
0xfc: {  	v51 =	vld [tilespmem:s0+$0x420]  }
0xfd: {  	v52 =	vld [tilespmem:s0+$0x430]  }
0xfe: {  	v53 =	vld [tilespmem:s0+$0x440]  }
0xff: {  	v49 =	vmul.f32 $2.771281240e+01, v49;
	v54 =	vld [tilespmem:s0+$0x450]  }
0x100: {  	v50 =	vmul.f32 $2.771281240e+01, v50;
	v55 =	vld [tilespmem:s0+$0x460]  }
0x101: {  	v41 =	vadd.f32 v41, v49;
	v49 =	vmul.f32 $2.771281240e+01, v51;
	v51 =	vld [tilespmem:s0+$0x470]  }
0x102: {  	v42 =	vadd.f32 v42, v50;
	v50 =	vmul.f32 $2.771281240e+01, v52;
	v52 =	vld [tilespmem:s0+$0x800]  }
0x103: {  	[tilespmem:s0+$0x400] =	vst v41;
	v41 =	vadd.f32 v43, v49;
	v43 =	vmul.f32 $2.771281240e+01, v53;
	v49 =	vld [tilespmem:s0+$0x810]  }
0x104: {  	[tilespmem:s0+$0x410] =	vst v42;
	v42 =	vadd.f32 v44, v50;
	v44 =	vmul.f32 $2.771281240e+01, v54;
	v50 =	vld [tilespmem:s0+$0x820]  }
0x105: {  	[tilespmem:s0+$0x420] =	vst v41;
	v41 =	vadd.f32 v45, v43;
	v43 =	vmul.f32 $2.771281240e+01, v55;
	v45 =	vld [tilespmem:s0+$0x830]  }
0x106: {  	[tilespmem:s0+$0x430] =	vst v42;
	v42 =	vadd.f32 v46, v44;
	v44 =	vmul.f32 $2.771281240e+01, v51;
	v46 =	vld [tilespmem:s0+$0x840]  }
0x107: {  	[tilespmem:s0+$0x440] =	vst v41;
	v41 =	vadd.f32 v47, v43;
	v43 =	vmul.f32 $2.771281240e+01, v52;
	v47 =	vld [tilespmem:s0+$0x850]  }
0x108: {  	[tilespmem:s0+$0x450] =	vst v42;
	v42 =	vadd.f32 v48, v44;
	v44 =	vmul.f32 $2.771281240e+01, v49;
	v48 =	vld [tilespmem:s0+$0x860]  }
0x109: {  	[tilespmem:s0+$0x460] =	vst v41;
	v40 =	vadd.f32 v40, v43;
	v41 =	vmul.f32 $2.771281240e+01, v50;
	v43 =	vld [tilespmem:s0+$0x870]  }
0x10a: {  	[tilespmem:s0+$0x470] =	vst v42;
	v39 =	vadd.f32 v39, v44;
	v42 =	vmul.f32 $2.771281240e+01, v45;
	v44 =	vld [tilespmem:s0+$0xC00]  }
0x10b: {  	[tilespmem:s0+$0x800] =	vst v40;
	v38 =	vadd.f32 v38, v41;
	v40 =	vmul.f32 $2.771281240e+01, v46;
	v41 =	vld [tilespmem:s0+$0xC10]  }
0x10c: {  	[tilespmem:s0+$0x810] =	vst v39;
	v37 =	vadd.f32 v37, v42;
	v39 =	vmul.f32 $2.771281240e+01, v47;
	v42 =	vld [tilespmem:s0+$0xC20]  }
0x10d: {  	[tilespmem:s0+$0x820] =	vst v38;
	v36 =	vadd.f32 v36, v40;
	v38 =	vmul.f32 $2.771281240e+01, v48;
	v40 =	vld [tilespmem:s0+$0xC30]  }
0x10e: {  	[tilespmem:s0+$0x830] =	vst v37;
	v35 =	vadd.f32 v35, v39;
	v37 =	vmul.f32 $2.771281240e+01, v43;
	v39 =	vld [tilespmem:s0+$0xC40]  }
0x10f: {  	[tilespmem:s0+$0x840] =	vst v36;
	v34 =	vadd.f32 v34, v38;
	v36 =	vmul.f32 $2.771281240e+01, v44;
	v38 =	vld [tilespmem:s0+$0xC50]  }
0x110: {  	[tilespmem:s0+$0x850] =	vst v35;
	v33 =	vadd.f32 v33, v37;
	v35 =	vmul.f32 $2.771281240e+01, v41;
	v37 =	vld [tilespmem:s0+$0xC60]  }
0x111: {  	[tilespmem:s0+$0x860] =	vst v34;
	v32 =	vadd.f32 v32, v36;
	v34 =	vmul.f32 $2.771281240e+01, v42;
	v36 =	vld [tilespmem:s0+$0xC70]  }
0x112: {  	[tilespmem:s0+$0x870] =	vst v33;
	v31 =	vadd.f32 v31, v35;
	v33 =	vmul.f32 $2.771281240e+01, v40;
	v35 =	vld [tilespmem:s0+$0x1000]  }
0x113: {  	[tilespmem:s0+$0xC00] =	vst v32;
	v30 =	vadd.f32 v30, v34;
	v32 =	vmul.f32 $2.771281240e+01, v39;
	v34 =	vld [tilespmem:s0+$0x1010]  }
0x114: {  	[tilespmem:s0+$0xC10] =	vst v31;
	v29 =	vadd.f32 v29, v33;
	v31 =	vmul.f32 $2.771281240e+01, v38;
	v33 =	vld [tilespmem:s0+$0x1020]  }
0x115: {  	[tilespmem:s0+$0xC20] =	vst v30;
	v28 =	vadd.f32 v28, v32;
	v30 =	vmul.f32 $2.771281240e+01, v37;
	v32 =	vld [tilespmem:s0+$0x1030]  }
0x116: {  	[tilespmem:s0+$0xC30] =	vst v29;
	v27 =	vadd.f32 v27, v31;
	v29 =	vmul.f32 $2.771281240e+01, v36;
	v31 =	vld [tilespmem:s0+$0x1040]  }
0x117: {  	[tilespmem:s0+$0xC40] =	vst v28;
	v26 =	vadd.f32 v26, v30;
	v28 =	vmul.f32 $2.771281240e+01, v35;
	v30 =	vld [tilespmem:s0+$0x1050]  }
0x118: {  	[tilespmem:s0+$0xC50] =	vst v27;
	v25 =	vadd.f32 v25, v29;
	v27 =	vmul.f32 $2.771281240e+01, v34;
	v29 =	vld [tilespmem:s0+$0x1060]  }
0x119: {  	[tilespmem:s0+$0xC60] =	vst v26;
	v24 =	vadd.f32 v24, v28;
	v26 =	vmul.f32 $2.771281240e+01, v33;
	v28 =	vld [tilespmem:s0+$0x1070]  }
0x11a: {  	[tilespmem:s0+$0xC70] =	vst v25;
	v23 =	vadd.f32 v23, v27;
	v25 =	vmul.f32 $2.771281240e+01, v32;
	v27 =	vld [tilespmem:s0+$0x1400]  }
0x11b: {  	[tilespmem:s0+$0x1000] =	vst v24;
	v22 =	vadd.f32 v22, v26;
	v24 =	vmul.f32 $2.771281240e+01, v31;
	v26 =	vld [tilespmem:s0+$0x1410]  }
0x11c: {  	[tilespmem:s0+$0x1010] =	vst v23;
	v21 =	vadd.f32 v21, v25;
	v23 =	vmul.f32 $2.771281240e+01, v30;
	v25 =	vld [tilespmem:s0+$0x1420]  }
0x11d: {  	[tilespmem:s0+$0x1020] =	vst v22;
	v20 =	vadd.f32 v20, v24;
	v22 =	vmul.f32 $2.771281240e+01, v29;
	v24 =	vld [tilespmem:s0+$0x1430]  }
0x11e: {  	[tilespmem:s0+$0x1030] =	vst v21;
	v19 =	vadd.f32 v19, v23;
	v21 =	vmul.f32 $2.771281240e+01, v28;
	v23 =	vld [tilespmem:s0+$0x1440]  }
0x11f: {  	[tilespmem:s0+$0x1040] =	vst v20;
	v18 =	vadd.f32 v18, v22;
	v20 =	vmul.f32 $2.771281240e+01, v27;
	v22 =	vld [tilespmem:s0+$0x1450]  }
0x120: {  	[tilespmem:s0+$0x1050] =	vst v19;
	v19 =	vadd.f32 v17, v21;
	v21 =	vmul.f32 $2.771281240e+01, v26;
	v26 =	vld [tilespmem:s0+$0x1460]  }
.Ltmp0:
0x121: {  	[tilespmem:s0+$0x1060] =	vst v18;
	v18 =	vadd.f32 v16, v20;
	v20 =	vmul.f32 $2.771281240e+01, v25;
	v17 =	vld [tilespmem:s0+$0x1470];
	(pc) =	sbr.rel @p0 .LBB2_3-.Ltmp0, $4  }
0x122: {  	[tilespmem:s0+$0x1070] =	vst v19;
	v19 =	vadd.f32 v15, v21;
	v21 =	vmul.f32 $2.771281240e+01, v24;
	v16 =	vld [tilespmem:s0+$0x1800]  }
0x123: {  	[tilespmem:s0+$0x1400] =	vst v18;
	v20 =	vadd.f32 v14, v20;
	v23 =	vmul.f32 $2.771281240e+01, v23;
	v15 =	vld [tilespmem:s0+$0x1810]  }
0x124: {  	[tilespmem:s0+$0x1410] =	vst v19;
	v18 =	vadd.f32 v13, v21;
	v19 =	vmul.f32 $2.771281240e+01, v22;
	v14 =	vld [tilespmem:s0+$0x1820]  }
0x125: {  	s4 =	sadd.s32 $0x1, s4;
	[tilespmem:s0+$0x1420] =	vst v20;
	v20 =	vadd.f32 v12, v23;
	v13 =	vmul.f32 $2.771281240e+01, v26;
	v12 =	vld [tilespmem:s0+$0x1830]  }
0x126: {  	v11 =	vadd.f32 v11, v19;
	v17 =	vmul.f32 $2.771281240e+01, v17  }
0x127: {  	[tilespmem:s0+$0x1430] =	vst v18;
	v18 =	vld [tilespmem:s0+$0x1840];
	v10 =	vadd.f32 v10, v13  }
0x128: {  	v19 =	vld [tilespmem:s0+$0x1850];
	v13 =	vmul.f32 $2.771281240e+01, v16;
	[tilespmem:s0+$0x1450] =	vst v11;
	v9 =	vadd.f32 v9, v17  }
0x129: {  	v11 =	vld [tilespmem:s0+$0x1860];
	v15 =	vmul.f32 $2.771281240e+01, v15;
	[tilespmem:s0+$0x1460] =	vst v10  }
0x12a: {  	v10 =	vld [tilespmem:s0+$0x1870];
	v8 =	vadd.f32 v8, v13;
	[tilespmem:s0+$0x1470] =	vst v9;
	v9 =	vmul.f32 $2.771281240e+01, v14  }
0x12b: {  	[tilespmem:s0+$0x1440] =	vst v20;
	v13 =	vld [tilespmem:s0+$0xD860];
	v7 =	vadd.f32 v7, v15;
	v12 =	vmul.f32 $2.771281240e+01, v12  }
0x12c: {  	[tilespmem:s0+$0x1800] =	vst v8;
	v8 =	vmul.f32 $2.771281240e+01, v18;
	v6 =	vadd.f32 v6, v9;
	v9 =	vld [tilespmem:s0+$0xD870]  }
0x12d: {  	[tilespmem:s0+$0x1810] =	vst v7;
	v4 =	vadd.f32 v4, v12;
	v7 =	vmul.f32 $2.771281240e+01, v19  }
0x12e: {  	v3 =	vadd.f32 v3, v8;
	[tilespmem:s0+$0x1820] =	vst v6;
	v6 =	vmul.f32 $2.771281240e+01, v11  }
0x12f: {  	[tilespmem:s0+$0x1830] =	vst v4;
	v4 =	vadd.f32 v5, v7;
	v5 =	vmul.f32 $2.771281240e+01, v10  }
0x130: {  	[tilespmem:s0+$0x1840] =	vst v3;
	v3 =	vadd.f32 v13, v6  }
0x131: {  	[tilespmem:s0+$0x1850] =	vst v4;
	v4 =	vadd.f32 v9, v5  }
0x132: {  	p0 =	seq.s32 s22, $0x0;
	s4 =	rddreg [dreg:$0xc];
	[tilespmem:s0+$0x1860] =	vst v3  }
0x133: {  	s4 =	sadd.s32 @!p0 s29, s4;
	[tilespmem:s0+$0x1870] =	vst v4;
	s0 =	simm.s32 @!p0 $0x7  }
0x134: {  	s4 =	sshrl.u32 @!p0 s4, $0x3;
	_ =	swait.ge @!p0 [sflag:s0], $0x3000  }
0x135: {  	s4 =	smul.u32 @!p0 $0x300, s4;
	[sflag:s0] =	ssyncset.done @!p0 $0x0  }
0x136: {  	[sflag:s0] =	ssyncadd.s32 @!p0 $0xFFFFD000;
	s0 =	sshll.u32 @!p0 s30, $0x6  }
0x137: {  	s7 =	sshrl.u32 @!p0 s18, $0x3;
	s4 =	sadd.s32 @!p0 s3, s4;
	s0 =	sor.u32 @!p0 $0x1C09, s0  }
0x138: {  	[hbm:s4], [sflag:s0] =	dma.local @!p0 [spmem:s7], $0x600  }
0x139: {  	s0 =	simm.s32 @!p0 $0x8  }
0x13a: {  	_ =	swait.ge @!p0 [sflag:s0], $0x600  }
0x13b: {  	[sflag:s0] =	ssyncset.done @!p0 $0x0  }
0x13c: {  	s28 =	simm.s32 $0x400;
	[sflag:s0] =	ssyncadd.s32 @!p0 $0xFFFFFA00  }
0x13d: {  	[spmem:s16] =	stream.linear.scatter [tilespmem:s28], [sflag:$0x6], $0x3000, $0x38;
	[tilespmem:$0x15400] =	vst v63  }
0x13e: {  	v3 =	vld [tilespmem:s29+$0x300];
	_ =	sdelay $0x4  }
0x13f: {  	v4 =	vshrl.u32 v3, $0x3  }
0x140: {  	v4 =	vmul.u32 $0x30, v4  }
0x141: {  	v3 =	vand.u32 $0x7, v3  }
0x142: {  	v3 =	vor.u32 v3, v4  }
0x143: {  	v4 =	vperm.xlane v3, v0;
	_ =	sdelay $0x1  }
0x144: {  	v4 =	vadd.s32 v1, v4;
	_ =	sdelay $0x3  }
0x145: {  	s24 =	simm.s32 $0x0;
	v3 =	vperm.xlane v3, v2  }
0x146: {  	[tilespmem:s9], [sflag:$0x4] =	stream.indirect_vreg.gather [hbm4b:s1+s24], $0x80, v4, vm0, $0xb8;
	[tilespmem:$0x15400] =	vst v63  }
0x147: {  	s31 =	simm.s32 $0x9C00;
	v3 =	vadd.s32 v1, v3  }
0x148: {  	[tilespmem:s31], [sflag:$0x4] =	stream.indirect_vreg.gather [hbm4b:s14+s24], $0x80, v4, vm0, $0xb8;
	[tilespmem:$0x15400] =	vst v63  }
0x149: {  	s4 =	simm.s32 $0xA400  }
0x14a: {  	[tilespmem:s4], [sflag:$0x4] =	stream.indirect_vreg.gather [hbm4b:s15+s24], $0x80, v4, vm0, $0xb8;
	[tilespmem:$0x15400] =	vst v63  }
0x14b: {  	s6 =	simm.s32 $0xAC00  }
0x14c: {  	[tilespmem:s6], [sflag:$0x4] =	stream.indirect_vreg.gather [hbm4b:s1+s24], $0x80, v3, vm0, $0xb8;
	[tilespmem:$0x15400] =	vst v63  }
0x14d: {  	s7 =	simm.s32 $0xB400  }
0x14e: {  	[tilespmem:s7], [sflag:$0x4] =	stream.indirect_vreg.gather [hbm4b:s14+s24], $0x80, v3, vm0, $0xb8;
	[tilespmem:$0x15400] =	vst v63  }
0x14f: {  	s8 =	simm.s32 $0xBC00;
	s28 =	simm.s32 $0x0  }
0x150: {  	[tilespmem:s8], [sflag:$0x4] =	stream.indirect_vreg.gather [hbm4b:s15+s24], $0x80, v3, vm0, $0xb8;
	[tilespmem:$0x15400] =	vst v63  }
0x151: {  	s0 =	smul.u32 $0x1800, s28;
	_ =	swait.ge [sflag:s23], $0x3000  }
0x152: {  	s31 =	sand.u32 $0x380, s24;
	[sflag:s23] =	ssyncset.done $0x0  }
0x153: {  	s0 =	sor.u32 s31, s0;
	[sflag:s23] =	ssyncadd.s32 $0xFFFFD000  }
0x154: {  	v5 =	vld [tilespmem:s0+$0xC400]  }
0x155: {  	v24 =	vld [tilespmem:s0+$0xC410]  }
0x156: {  	v25 =	vld [tilespmem:s0+$0xC420]  }
0x157: {  	v26 =	vld [tilespmem:s0+$0xC430]  }
0x158: {  	v27 =	vld [tilespmem:s0+$0xC440]  }
0x159: {  	v28 =	vld [tilespmem:s0+$0xC450]  }
0x15a: {  	v29 =	vld [tilespmem:s0+$0xC460]  }
0x15b: {  	v30 =	vld [tilespmem:s0+$0xC470]  }
0x15c: {  	v31 =	vld [tilespmem:s0+$0xC800]  }
0x15d: {  	v32 =	vld [tilespmem:s0+$0xC810]  }
0x15e: {  	v33 =	vld [tilespmem:s0+$0xC820]  }
0x15f: {  	v34 =	vld [tilespmem:s0+$0xC830]  }
0x160: {  	v35 =	vld [tilespmem:s0+$0xC840]  }
0x161: {  	v36 =	vld [tilespmem:s0+$0xC850]  }
0x162: {  	v37 =	vld [tilespmem:s0+$0xC860]  }
0x163: {  	v38 =	vld [tilespmem:s0+$0xC870]  }
0x164: {  	v39 =	vld [tilespmem:s0+$0xCC00]  }
0x165: {  	v40 =	vld [tilespmem:s0+$0xCC10]  }
0x166: {  	v41 =	vld [tilespmem:s0+$0xCC20]  }
0x167: {  	v42 =	vld [tilespmem:s0+$0xCC30]  }
0x168: {  	v43 =	vld [tilespmem:s0+$0xCC40]  }
0x169: {  	v44 =	vld [tilespmem:s0+$0xCC50]  }
0x16a: {  	v45 =	vld [tilespmem:s0+$0xCC60]  }
0x16b: {  	v46 =	vld [tilespmem:s0+$0xCC70]  }
0x16c: {  	v47 =	vld [tilespmem:s0+$0xD000]  }
0x16d: {  	v23 =	vld [tilespmem:s0+$0xD010]  }
0x16e: {  	v22 =	vld [tilespmem:s0+$0xD020]  }
0x16f: {  	v21 =	vld [tilespmem:s0+$0xD030]  }
0x170: {  	v20 =	vld [tilespmem:s0+$0xD040]  }
0x171: {  	v19 =	vld [tilespmem:s0+$0xD050]  }
0x172: {  	v18 =	vld [tilespmem:s0+$0xD060]  }
0x173: {  	v17 =	vld [tilespmem:s0+$0xD070]  }
0x174: {  	v16 =	vld [tilespmem:s0+$0xD400]  }
0x175: {  	v15 =	vld [tilespmem:s0+$0xD410]  }
0x176: {  	v14 =	vld [tilespmem:s0+$0xD420]  }
0x177: {  	v13 =	vld [tilespmem:s0+$0xD430]  }
0x178: {  	v12 =	vld [tilespmem:s0+$0xD440]  }
0x179: {  	v11 =	vld [tilespmem:s0+$0xD450]  }
0x17a: {  	v10 =	vld [tilespmem:s0+$0xD460]  }
0x17b: {  	v9 =	vld [tilespmem:s0+$0xD470]  }
0x17c: {  	v8 =	vld [tilespmem:s0+$0xD800]  }
0x17d: {  	v7 =	vld [tilespmem:s0+$0xD810]  }
0x17e: {  	v6 =	vld [tilespmem:s0+$0xD820]  }
0x17f: {  	v4 =	vld [tilespmem:s0+$0xD830]  }
0x180: {  	v3 =	vld [tilespmem:s0+$0xD840]  }
0x181: {  	v48 =	vld [tilespmem:s0+$0x3400]  }
0x182: {  	v49 =	vld [tilespmem:s0+$0x3410]  }
0x183: {  	v50 =	vld [tilespmem:s0+$0x3420]  }
0x184: {  	v51 =	vld [tilespmem:s0+$0x3430]  }
0x185: {  	v52 =	vld [tilespmem:s0+$0x3440]  }
0x186: {  	v53 =	vld [tilespmem:s0+$0x3450]  }
0x187: {  	v54 =	vld [tilespmem:s0+$0x3460];
	v48 =	vmul.f32 $2.771281240e+01, v48  }
0x188: {  	v55 =	vld [tilespmem:s0+$0x3470];
	v49 =	vmul.f32 $2.771281240e+01, v49  }
0x189: {  	v59 =	vld [tilespmem:s0+$0x3810];
	v50 =	vmul.f32 $2.771281240e+01, v50;
	v48 =	vadd.f32 v5, v48  }
0x18a: {  	v63 =	vmul.f32 $2.771281240e+01, v51;
	v51 =	vld [tilespmem:s0+$0x3800];
	v24 =	vadd.f32 v24, v49  }
0x18b: {  	v56 =	vmul.f32 $2.771281240e+01, v52;
	v58 =	vmul.f32 $2.771281240e+01, v53;
	v53 =	vld [tilespmem:s0+$0x3830];
	v25 =	vadd.f32 v25, v50;
	[tilespmem:s0+$0x3400] =	vst v48  }
0x18c: {  	v61 =	vmul.f32 $2.771281240e+01, v54;
	v54 =	vld [tilespmem:s0+$0x3840];
	v57 =	vadd.f32 v26, v63;
	[tilespmem:s0+$0x3410] =	vst v24  }
0x18d: {  	v5 =	vld [tilespmem:s0+$0xD850];
	v60 =	vadd.f32 v27, v56;
	[tilespmem:s0+$0x3420] =	vst v25  }
0x18e: {  	v62 =	vadd.f32 v28, v58;
	v63 =	vmul.f32 $2.771281240e+01, v55;
	v55 =	vmul.f32 $2.771281240e+01, v59;
	v59 =	vld [tilespmem:s0+$0x3860];
	[tilespmem:s0+$0x3430] =	vst v57  }
0x18f: {  	v50 =	vadd.f32 v29, v61;
	v61 =	vld [tilespmem:s0+$0x3870];
	[tilespmem:s0+$0x3440] =	vst v60  }
0x190: {  	v56 =	vld [tilespmem:s0+$0x3C00];
	[tilespmem:s0+$0x3450] =	vst v62;
	v52 =	vadd.f32 v30, v63;
	v51 =	vmul.f32 $2.771281240e+01, v51  }
0x191: {  	v48 =	vld [tilespmem:s0+$0x3820];
	[tilespmem:s0+$0x3460] =	vst v50;
	v29 =	vadd.f32 v32, v55;
	v26 =	vmul.f32 $2.771281240e+01, v53  }
0x192: {  	v57 =	vld [tilespmem:s0+$0x3850];
	v25 =	vmul.f32 $2.771281240e+01, v54;
	[tilespmem:s0+$0x3470] =	vst v52;
	v27 =	vadd.f32 v31, v51  }
0x193: {  	v58 =	vld [tilespmem:s0+$0x3C10];
	[tilespmem:s0+$0x3810] =	vst v29;
	v26 =	vadd.f32 v34, v26;
	v31 =	vmul.f32 $2.771281240e+01, v59  }
0x194: {  	v60 =	vld [tilespmem:s0+$0x3C20];
	v25 =	vadd.f32 v35, v25;
	v32 =	vmul.f32 $2.771281240e+01, v61;
	[tilespmem:s0+$0x3800] =	vst v27  }
0x195: {  	v63 =	vld [tilespmem:s0+$0x3C40];
	v24 =	vmul.f32 $2.771281240e+01, v56;
	[tilespmem:s0+$0x3830] =	vst v26;
	v31 =	vadd.f32 v37, v31  }
0x196: {  	v55 =	vld [tilespmem:s0+$0x4040];
	v28 =	vmul.f32 $2.771281240e+01, v48;
	[tilespmem:s0+$0x3840] =	vst v25;
	v32 =	vadd.f32 v38, v32  }
0x197: {  	v50 =	vld [tilespmem:s0+$0x3C70];
	v30 =	vmul.f32 $2.771281240e+01, v57;
	v24 =	vadd.f32 v39, v24;
	[tilespmem:s0+$0x3860] =	vst v31  }
0x198: {  	v52 =	vld [tilespmem:s0+$0x4010];
	v27 =	vmul.f32 $2.771281240e+01, v58;
	v28 =	vadd.f32 v33, v28;
	[tilespmem:s0+$0x3870] =	vst v32  }
0x199: {  	v51 =	vld [tilespmem:s0+$0x4000];
	v29 =	vmul.f32 $2.771281240e+01, v60;
	v30 =	vadd.f32 v36, v30;
	[tilespmem:s0+$0x3C00] =	vst v24  }
0x19a: {  	v53 =	vld [tilespmem:s0+$0x4020];
	v26 =	vmul.f32 $2.771281240e+01, v63;
	v27 =	vadd.f32 v40, v27;
	[tilespmem:s0+$0x3820] =	vst v28  }
0x19b: {  	v48 =	vld [tilespmem:s0+$0x3C50];
	v61 =	vmul.f32 $2.771281240e+01, v55;
	v29 =	vadd.f32 v41, v29;
	[tilespmem:s0+$0x3850] =	vst v30  }
0x19c: {  	v54 =	vld [tilespmem:s0+$0x4030];
	v26 =	vadd.f32 v43, v26;
	v31 =	vmul.f32 $2.771281240e+01, v50;
	[tilespmem:s0+$0x3C10] =	vst v27  }
0x19d: {  	v56 =	vld [tilespmem:s0+$0x4050];
	v24 =	vmul.f32 $2.771281240e+01, v52;
	v20 =	vadd.f32 v20, v61;
	[tilespmem:s0+$0x3C20] =	vst v29  }
0x19e: {  	v62 =	vld [tilespmem:s0+$0x3C30];
	v32 =	vmul.f32 $2.771281240e+01, v51;
	[tilespmem:s0+$0x3C40] =	vst v26;
	v31 =	vadd.f32 v46, v31  }
0x19f: {  	v57 =	vld [tilespmem:s0+$0x4060];
	v27 =	vmul.f32 $2.771281240e+01, v53;
	v23 =	vadd.f32 v23, v24;
	[tilespmem:s0+$0x4040] =	vst v20  }
0x1a0: {  	v49 =	vld [tilespmem:s0+$0x3C60];
	v25 =	vmul.f32 $2.771281240e+01, v48;
	v32 =	vadd.f32 v47, v32;
	[tilespmem:s0+$0x3C70] =	vst v31  }
0x1a1: {  	v59 =	vld [tilespmem:s0+$0x4400];
	v29 =	vmul.f32 $2.771281240e+01, v54;
	v22 =	vadd.f32 v22, v27;
	[tilespmem:s0+$0x4010] =	vst v23  }
0x1a2: {  	v58 =	vld [tilespmem:s0+$0x4070];
	v26 =	vmul.f32 $2.771281240e+01, v56;
	v25 =	vadd.f32 v44, v25;
	[tilespmem:s0+$0x4000] =	vst v32  }
0x1a3: {  	v60 =	vld [tilespmem:s0+$0x4410];
	v28 =	vmul.f32 $2.771281240e+01, v62;
	v21 =	vadd.f32 v21, v29;
	[tilespmem:s0+$0x4020] =	vst v22  }
0x1a4: {  	v23 =	vld [tilespmem:s0+$0x4420];
	v19 =	vadd.f32 v19, v26;
	[tilespmem:s0+$0x3C50] =	vst v25;
	v25 =	vmul.f32 $2.771281240e+01, v57  }
0x1a5: {  	v30 =	vmul.f32 $2.771281240e+01, v49;
	v28 =	vadd.f32 v42, v28;
	v22 =	vld [tilespmem:s0+$0x4430];
	[tilespmem:s0+$0x4030] =	vst v21  }
0x1a6: {  	v21 =	vld [tilespmem:s0+$0x4440];
	[tilespmem:s0+$0x4050] =	vst v19;
	v19 =	vmul.f32 $2.771281240e+01, v59;
	v18 =	vadd.f32 v18, v25  }
0x1a7: {  	v20 =	vld [tilespmem:s0+$0x4450];
	v62 =	vmul.f32 $2.771281240e+01, v58;
	v30 =	vadd.f32 v45, v30;
	[tilespmem:s0+$0x3C30] =	vst v28  }
0x1a8: {  	v63 =	vld [tilespmem:s0+$0x4460];
	v19 =	vadd.f32 v16, v19;
	[tilespmem:s0+$0x4060] =	vst v18;
	v18 =	vmul.f32 $2.771281240e+01, v60  }
0x1a9: {  	v26 =	vadd.f32 v17, v62;
	v17 =	vld [tilespmem:s0+$0x4470];
	[tilespmem:s0+$0x3C60] =	vst v30;
	v23 =	vmul.f32 $2.771281240e+01, v23  }
0x1aa: {  	v16 =	vld [tilespmem:s0+$0x4800];
	[tilespmem:s0+$0x4400] =	vst v19;
	v19 =	vmul.f32 $2.771281240e+01, v22;
	v18 =	vadd.f32 v15, v18  }
0x1ab: {  	[tilespmem:s0+$0x4070] =	vst v26;
	v22 =	vadd.f32 v14, v23;
	v21 =	vmul.f32 $2.771281240e+01, v21;
	v15 =	vld [tilespmem:s0+$0x4810]  }
0x1ac: {  	v14 =	vld [tilespmem:s0+$0x4820];
	[tilespmem:s0+$0x4410] =	vst v18;
	v18 =	vadd.f32 v13, v19;
	v19 =	vmul.f32 $2.771281240e+01, v20  }
0x1ad: {  	s4 =	simm.s32 $0x1;
	[tilespmem:s0+$0x4420] =	vst v22;
	v20 =	vadd.f32 v12, v21;
	v13 =	vmul.f32 $2.771281240e+01, v63;
	v12 =	vld [tilespmem:s0+$0x4830]  }
.LBB2_5:
0x1ae: {  	p0 =	sne.s32 s4, $0xF;
	[tilespmem:s0+$0x4430] =	vst v18;
	v11 =	vadd.f32 v11, v19;
	v17 =	vmul.f32 $2.771281240e+01, v17;
	v18 =	vld [tilespmem:s0+$0x4840]  }
0x1af: {  	[tilespmem:s0+$0x4440] =	vst v20;
	v10 =	vadd.f32 v10, v13;
	v13 =	vmul.f32 $2.771281240e+01, v16;
	v16 =	vld [tilespmem:s0+$0x4850]  }
0x1b0: {  	s7 =	sshrl.u32 s4, $0x3;
	[tilespmem:s0+$0x4450] =	vst v11;
	v9 =	vadd.f32 v9, v17;
	v11 =	vmul.f32 $2.771281240e+01, v15;
	v15 =	vld [tilespmem:s0+$0x4860]  }
0x1b1: {  	s24 =	sadd.s32 $0x80, s24;
	s7 =	smul.u32 $0x1800, s7;
	[tilespmem:s0+$0x4460] =	vst v10;
	v8 =	vadd.f32 v8, v13;
	v10 =	vmul.f32 $2.771281240e+01, v14;
	v13 =	vld [tilespmem:s0+$0x4870]  }
0x1b2: {  	s28 =	sand.u32 $0x380, s24;
	[tilespmem:s0+$0x4470] =	vst v9;
	v7 =	vadd.f32 v7, v11;
	v9 =	vmul.f32 $2.771281240e+01, v12;
	v11 =	vld [tilespmem:s0+$0xD860]  }
0x1b3: {  	s7 =	sor.u32 s28, s7;
	[tilespmem:s0+$0x4800] =	vst v8;
	v6 =	vadd.f32 v6, v10;
	v8 =	vmul.f32 $2.771281240e+01, v18;
	v10 =	vld [tilespmem:s0+$0xD870]  }
0x1b4: {  	v41 =	vld [tilespmem:s7+$0xC400];
	[tilespmem:s0+$0x4810] =	vst v7;
	v4 =	vadd.f32 v4, v9;
	v7 =	vmul.f32 $2.771281240e+01, v16  }
0x1b5: {  	v42 =	vld [tilespmem:s7+$0xC410];
	[tilespmem:s0+$0x4820] =	vst v6;
	v3 =	vadd.f32 v3, v8;
	v6 =	vmul.f32 $2.771281240e+01, v15  }
0x1b6: {  	v43 =	vld [tilespmem:s7+$0xC420];
	[tilespmem:s0+$0x4830] =	vst v4;
	v4 =	vadd.f32 v5, v7;
	v5 =	vmul.f32 $2.771281240e+01, v13  }
0x1b7: {  	v44 =	vld [tilespmem:s7+$0xC430];
	[tilespmem:s0+$0x4840] =	vst v3;
	v3 =	vadd.f32 v11, v6  }
0x1b8: {  	v45 =	vld [tilespmem:s7+$0xC440];
	[tilespmem:s0+$0x4850] =	vst v4;
	v4 =	vadd.f32 v10, v5  }
0x1b9: {  	v46 =	vld [tilespmem:s7+$0xC450];
	[tilespmem:s0+$0x4860] =	vst v3  }
0x1ba: {  	v47 =	vld [tilespmem:s7+$0xC460];
	[tilespmem:s0+$0x4870] =	vst v4;
	s0 =	smov.u32 s7  }
0x1bb: {  	v48 =	vld [tilespmem:s0+$0xC470]  }
0x1bc: {  	v40 =	vld [tilespmem:s0+$0xC800]  }
0x1bd: {  	v39 =	vld [tilespmem:s0+$0xC810]  }
0x1be: {  	v38 =	vld [tilespmem:s0+$0xC820]  }
0x1bf: {  	v37 =	vld [tilespmem:s0+$0xC830]  }
0x1c0: {  	v36 =	vld [tilespmem:s0+$0xC840]  }
0x1c1: {  	v35 =	vld [tilespmem:s0+$0xC850]  }
0x1c2: {  	v34 =	vld [tilespmem:s0+$0xC860]  }
0x1c3: {  	v33 =	vld [tilespmem:s0+$0xC870]  }
0x1c4: {  	v32 =	vld [tilespmem:s0+$0xCC00]  }
0x1c5: {  	v31 =	vld [tilespmem:s0+$0xCC10]  }
0x1c6: {  	v30 =	vld [tilespmem:s0+$0xCC20]  }
0x1c7: {  	v29 =	vld [tilespmem:s0+$0xCC30]  }
0x1c8: {  	v28 =	vld [tilespmem:s0+$0xCC40]  }
0x1c9: {  	v27 =	vld [tilespmem:s0+$0xCC50]  }
0x1ca: {  	v26 =	vld [tilespmem:s0+$0xCC60]  }
0x1cb: {  	v25 =	vld [tilespmem:s0+$0xCC70]  }
0x1cc: {  	v24 =	vld [tilespmem:s0+$0xD000]  }
0x1cd: {  	v23 =	vld [tilespmem:s0+$0xD010]  }
0x1ce: {  	v22 =	vld [tilespmem:s0+$0xD020]  }
0x1cf: {  	v21 =	vld [tilespmem:s0+$0xD030]  }
0x1d0: {  	v20 =	vld [tilespmem:s0+$0xD040]  }
0x1d1: {  	v19 =	vld [tilespmem:s0+$0xD050]  }
0x1d2: {  	v18 =	vld [tilespmem:s0+$0xD060]  }
0x1d3: {  	v17 =	vld [tilespmem:s0+$0xD070]  }
0x1d4: {  	v16 =	vld [tilespmem:s0+$0xD400]  }
0x1d5: {  	v15 =	vld [tilespmem:s0+$0xD410]  }
0x1d6: {  	v14 =	vld [tilespmem:s0+$0xD420]  }
0x1d7: {  	v13 =	vld [tilespmem:s0+$0xD430]  }
0x1d8: {  	v12 =	vld [tilespmem:s0+$0xD440]  }
0x1d9: {  	v11 =	vld [tilespmem:s0+$0xD450]  }
0x1da: {  	v10 =	vld [tilespmem:s0+$0xD460]  }
0x1db: {  	v9 =	vld [tilespmem:s0+$0xD470]  }
0x1dc: {  	v8 =	vld [tilespmem:s0+$0xD800]  }
0x1dd: {  	v7 =	vld [tilespmem:s0+$0xD810]  }
0x1de: {  	v6 =	vld [tilespmem:s0+$0xD820]  }
0x1df: {  	v4 =	vld [tilespmem:s0+$0xD830]  }
0x1e0: {  	v3 =	vld [tilespmem:s0+$0xD840]  }
0x1e1: {  	v5 =	vld [tilespmem:s0+$0xD850]  }
0x1e2: {  	v49 =	vld [tilespmem:s0+$0x3400]  }
0x1e3: {  	v50 =	vld [tilespmem:s0+$0x3410]  }
0x1e4: {  	v51 =	vld [tilespmem:s0+$0x3420]  }
0x1e5: {  	v52 =	vld [tilespmem:s0+$0x3430]  }
0x1e6: {  	v53 =	vld [tilespmem:s0+$0x3440]  }
0x1e7: {  	v49 =	vmul.f32 $2.771281240e+01, v49;
	v54 =	vld [tilespmem:s0+$0x3450]  }
0x1e8: {  	v50 =	vmul.f32 $2.771281240e+01, v50;
	v55 =	vld [tilespmem:s0+$0x3460]  }
0x1e9: {  	v41 =	vadd.f32 v41, v49;
	v49 =	vmul.f32 $2.771281240e+01, v51;
	v51 =	vld [tilespmem:s0+$0x3470]  }
0x1ea: {  	v42 =	vadd.f32 v42, v50;
	v50 =	vmul.f32 $2.771281240e+01, v52;
	v52 =	vld [tilespmem:s0+$0x3800]  }
0x1eb: {  	[tilespmem:s0+$0x3400] =	vst v41;
	v41 =	vadd.f32 v43, v49;
	v43 =	vmul.f32 $2.771281240e+01, v53;
	v49 =	vld [tilespmem:s0+$0x3810]  }
0x1ec: {  	[tilespmem:s0+$0x3410] =	vst v42;
	v42 =	vadd.f32 v44, v50;
	v44 =	vmul.f32 $2.771281240e+01, v54;
	v50 =	vld [tilespmem:s0+$0x3820]  }
0x1ed: {  	[tilespmem:s0+$0x3420] =	vst v41;
	v41 =	vadd.f32 v45, v43;
	v43 =	vmul.f32 $2.771281240e+01, v55;
	v45 =	vld [tilespmem:s0+$0x3830]  }
0x1ee: {  	[tilespmem:s0+$0x3430] =	vst v42;
	v42 =	vadd.f32 v46, v44;
	v44 =	vmul.f32 $2.771281240e+01, v51;
	v46 =	vld [tilespmem:s0+$0x3840]  }
0x1ef: {  	[tilespmem:s0+$0x3440] =	vst v41;
	v41 =	vadd.f32 v47, v43;
	v43 =	vmul.f32 $2.771281240e+01, v52;
	v47 =	vld [tilespmem:s0+$0x3850]  }
0x1f0: {  	[tilespmem:s0+$0x3450] =	vst v42;
	v42 =	vadd.f32 v48, v44;
	v44 =	vmul.f32 $2.771281240e+01, v49;
	v48 =	vld [tilespmem:s0+$0x3860]  }
0x1f1: {  	[tilespmem:s0+$0x3460] =	vst v41;
	v40 =	vadd.f32 v40, v43;
	v41 =	vmul.f32 $2.771281240e+01, v50;
	v43 =	vld [tilespmem:s0+$0x3870]  }
0x1f2: {  	[tilespmem:s0+$0x3470] =	vst v42;
	v39 =	vadd.f32 v39, v44;
	v42 =	vmul.f32 $2.771281240e+01, v45;
	v44 =	vld [tilespmem:s0+$0x3C00]  }
0x1f3: {  	[tilespmem:s0+$0x3800] =	vst v40;
	v38 =	vadd.f32 v38, v41;
	v40 =	vmul.f32 $2.771281240e+01, v46;
	v41 =	vld [tilespmem:s0+$0x3C10]  }
0x1f4: {  	[tilespmem:s0+$0x3810] =	vst v39;
	v37 =	vadd.f32 v37, v42;
	v39 =	vmul.f32 $2.771281240e+01, v47;
	v42 =	vld [tilespmem:s0+$0x3C20]  }
0x1f5: {  	[tilespmem:s0+$0x3820] =	vst v38;
	v36 =	vadd.f32 v36, v40;
	v38 =	vmul.f32 $2.771281240e+01, v48;
	v40 =	vld [tilespmem:s0+$0x3C30]  }
0x1f6: {  	[tilespmem:s0+$0x3830] =	vst v37;
	v35 =	vadd.f32 v35, v39;
	v37 =	vmul.f32 $2.771281240e+01, v43;
	v39 =	vld [tilespmem:s0+$0x3C40]  }
0x1f7: {  	[tilespmem:s0+$0x3840] =	vst v36;
	v34 =	vadd.f32 v34, v38;
	v36 =	vmul.f32 $2.771281240e+01, v44;
	v38 =	vld [tilespmem:s0+$0x3C50]  }
0x1f8: {  	[tilespmem:s0+$0x3850] =	vst v35;
	v33 =	vadd.f32 v33, v37;
	v35 =	vmul.f32 $2.771281240e+01, v41;
	v37 =	vld [tilespmem:s0+$0x3C60]  }
0x1f9: {  	[tilespmem:s0+$0x3860] =	vst v34;
	v32 =	vadd.f32 v32, v36;
	v34 =	vmul.f32 $2.771281240e+01, v42;
	v36 =	vld [tilespmem:s0+$0x3C70]  }
0x1fa: {  	[tilespmem:s0+$0x3870] =	vst v33;
	v31 =	vadd.f32 v31, v35;
	v33 =	vmul.f32 $2.771281240e+01, v40;
	v35 =	vld [tilespmem:s0+$0x4000]  }
0x1fb: {  	[tilespmem:s0+$0x3C00] =	vst v32;
	v30 =	vadd.f32 v30, v34;
	v32 =	vmul.f32 $2.771281240e+01, v39;
	v34 =	vld [tilespmem:s0+$0x4010]  }
0x1fc: {  	[tilespmem:s0+$0x3C10] =	vst v31;
	v29 =	vadd.f32 v29, v33;
	v31 =	vmul.f32 $2.771281240e+01, v38;
	v33 =	vld [tilespmem:s0+$0x4020]  }
0x1fd: {  	[tilespmem:s0+$0x3C20] =	vst v30;
	v28 =	vadd.f32 v28, v32;
	v30 =	vmul.f32 $2.771281240e+01, v37;
	v32 =	vld [tilespmem:s0+$0x4030]  }
0x1fe: {  	[tilespmem:s0+$0x3C30] =	vst v29;
	v27 =	vadd.f32 v27, v31;
	v29 =	vmul.f32 $2.771281240e+01, v36;
	v31 =	vld [tilespmem:s0+$0x4040]  }
0x1ff: {  	[tilespmem:s0+$0x3C40] =	vst v28;
	v26 =	vadd.f32 v26, v30;
	v28 =	vmul.f32 $2.771281240e+01, v35;
	v30 =	vld [tilespmem:s0+$0x4050]  }
0x200: {  	[tilespmem:s0+$0x3C50] =	vst v27;
	v25 =	vadd.f32 v25, v29;
	v27 =	vmul.f32 $2.771281240e+01, v34;
	v29 =	vld [tilespmem:s0+$0x4060]  }
0x201: {  	[tilespmem:s0+$0x3C60] =	vst v26;
	v24 =	vadd.f32 v24, v28;
	v26 =	vmul.f32 $2.771281240e+01, v33;
	v28 =	vld [tilespmem:s0+$0x4070]  }
0x202: {  	[tilespmem:s0+$0x3C70] =	vst v25;
	v23 =	vadd.f32 v23, v27;
	v25 =	vmul.f32 $2.771281240e+01, v32;
	v27 =	vld [tilespmem:s0+$0x4400]  }
0x203: {  	[tilespmem:s0+$0x4000] =	vst v24;
	v22 =	vadd.f32 v22, v26;
	v24 =	vmul.f32 $2.771281240e+01, v31;
	v26 =	vld [tilespmem:s0+$0x4410]  }
0x204: {  	[tilespmem:s0+$0x4010] =	vst v23;
	v21 =	vadd.f32 v21, v25;
	v23 =	vmul.f32 $2.771281240e+01, v30;
	v25 =	vld [tilespmem:s0+$0x4420]  }
0x205: {  	[tilespmem:s0+$0x4020] =	vst v22;
	v20 =	vadd.f32 v20, v24;
	v22 =	vmul.f32 $2.771281240e+01, v29;
	v24 =	vld [tilespmem:s0+$0x4430]  }
0x206: {  	[tilespmem:s0+$0x4030] =	vst v21;
	v19 =	vadd.f32 v19, v23;
	v21 =	vmul.f32 $2.771281240e+01, v28;
	v23 =	vld [tilespmem:s0+$0x4440]  }
0x207: {  	[tilespmem:s0+$0x4040] =	vst v20;
	v18 =	vadd.f32 v18, v22;
	v20 =	vmul.f32 $2.771281240e+01, v27;
	v22 =	vld [tilespmem:s0+$0x4450]  }
0x208: {  	[tilespmem:s0+$0x4050] =	vst v19;
	v19 =	vadd.f32 v17, v21;
	v21 =	vmul.f32 $2.771281240e+01, v26;
	v26 =	vld [tilespmem:s0+$0x4460]  }
.Ltmp1:
0x209: {  	[tilespmem:s0+$0x4060] =	vst v18;
	v18 =	vadd.f32 v16, v20;
	v20 =	vmul.f32 $2.771281240e+01, v25;
	v17 =	vld [tilespmem:s0+$0x4470];
	(pc) =	sbr.rel @p0 .LBB2_5-.Ltmp1, $4  }
0x20a: {  	[tilespmem:s0+$0x4070] =	vst v19;
	v19 =	vadd.f32 v15, v21;
	v21 =	vmul.f32 $2.771281240e+01, v24;
	v16 =	vld [tilespmem:s0+$0x4800]  }
0x20b: {  	[tilespmem:s0+$0x4400] =	vst v18;
	v20 =	vadd.f32 v14, v20;
	v23 =	vmul.f32 $2.771281240e+01, v23;
	v15 =	vld [tilespmem:s0+$0x4810]  }
0x20c: {  	[tilespmem:s0+$0x4410] =	vst v19;
	v18 =	vadd.f32 v13, v21;
	v19 =	vmul.f32 $2.771281240e+01, v22;
	v14 =	vld [tilespmem:s0+$0x4820]  }
0x20d: {  	s4 =	sadd.s32 $0x1, s4;
	[tilespmem:s0+$0x4420] =	vst v20;
	v20 =	vadd.f32 v12, v23;
	v13 =	vmul.f32 $2.771281240e+01, v26;
	v12 =	vld [tilespmem:s0+$0x4830]  }
0x20e: {  	[tilespmem:s0+$0x4430] =	vst v18;
	v50 =	vld [tilespmem:s0+$0x4840];
	v11 =	vadd.f32 v11, v19;
	v17 =	vmul.f32 $2.771281240e+01, v17  }
0x20f: {  	v51 =	vld [tilespmem:s0+$0x4850];
	[tilespmem:s0+$0x4440] =	vst v20;
	v10 =	vadd.f32 v10, v13;
	v53 =	vmul.f32 $2.771281240e+01, v16  }
0x210: {  	v54 =	vld [tilespmem:s0+$0x4870];
	[tilespmem:s0+$0x4450] =	vst v11;
	v9 =	vadd.f32 v9, v17;
	v15 =	vmul.f32 $2.771281240e+01, v15  }
0x211: {  	v52 =	vld [tilespmem:s0+$0x4860];
	[tilespmem:s0+$0x4460] =	vst v10;
	v8 =	vadd.f32 v8, v53;
	v55 =	vmul.f32 $2.771281240e+01, v14  }
0x212: {  	v58 =	vld [tilespmem:s0+$0xD870];
	[tilespmem:s0+$0x4470] =	vst v9;
	v7 =	vadd.f32 v7, v15;
	v12 =	vmul.f32 $2.771281240e+01, v12  }
0x213: {  	v56 =	vld [tilespmem:s0+$0xD860];
	[tilespmem:s0+$0x4800] =	vst v8;
	v6 =	vadd.f32 v6, v55;
	v57 =	vmul.f32 $2.771281240e+01, v50  }
0x214: {  	v59 =	vmul.f32 $2.771281240e+01, v51;
	[tilespmem:s0+$0x4810] =	vst v7;
	v4 =	vadd.f32 v4, v12  }
0x215: {  	v62 =	vmul.f32 $2.771281240e+01, v54;
	[tilespmem:s0+$0x4820] =	vst v6;
	v3 =	vadd.f32 v3, v57  }
0x216: {  	v60 =	vmul.f32 $2.771281240e+01, v52;
	v61 =	vadd.f32 v5, v59;
	[tilespmem:s0+$0x4830] =	vst v4  }
0x217: {  	v63 =	vadd.f32 v58, v62;
	[tilespmem:s0+$0x4840] =	vst v3  }
0x218: {  	v3 =	vadd.f32 v56, v60;
	[tilespmem:s0+$0x4850] =	vst v61  }
0x219: {  	s28 =	sor.u32 s17, s29;
	p0 =	sne.s32 s22, $0x0;
	[tilespmem:s0+$0x4870] =	vst v63  }
.Ltmp2:
0x21a: {  	[tilespmem:s0+$0x4860] =	vst v3;
	s0 =	sshrl.u32 s28, $0x3;
	(pc) =	sbr.rel @!p0 .LBB2_7-.Ltmp2, $4  }
0x21b: {  	_ =	swait.ge [sflag:s2], $0x3000;
	s4 =	smul.u32 $0x300, s0  }
0x21c: {  	s31 =	sshrl.u32 s16, $0x3;
	s0 =	sshll.u32 s30, $0x6;
	[sflag:s2] =	ssyncset.done $0x0  }
0x21d: {  	s30 =	sor.u32 $0x1C08, s0;
	[sflag:s2] =	ssyncadd.s32 $0xFFFFD000;
	s4 =	sadd.s32 s3, s4  }
0x21e: {  	[hbm:s4], [sflag:s30] =	dma.local [spmem:s31], $0x600  }
0x21f: {  	p1 =	seq.s32 s22, $0xF  }
.Ltmp3:
0x220: {  	_ = 	snop;
	(pc) =	sbr.rel @p1 .LBB2_10-.Ltmp3, $4  }
.Ltmp4:
0x221: {  	_ =	swait.ge [sflag:s13], $0x600;
	(pc) =	sbr.rel @!p1 .LBB2_9-.Ltmp4, $4  }
0x222: {  	[sflag:s13] =	ssyncset.done $0x0  }
0x223: {  	s4 =	simm.s32 $0x3400;
	p0 =	por $0x1, $0x1;
	[sflag:s13] =	ssyncadd.s32 $0xFFFFFA00  }
0x224: {  	[spmem:s18] =	stream.linear.scatter [tilespmem:s4], [sflag:$0x7], $0x3000, $0x38;
	[tilespmem:$0x15400] =	vst v63  }
0x225: {  	_ = 	snop  }
.LBB2_7:
0x226: {  	s4 =	simm.s32 $0x3400  }
0x227: {  	[spmem:s18] =	stream.linear.scatter [tilespmem:s4], [sflag:$0x7], $0x3000, $0x38;
	[tilespmem:$0x15400] =	vst v63  }
.LBB2_9:
0x228: {  	s4 =	sand.u32 $0x3FFFFFF0, s29  }
0x229: {  	v3 =	vld [tilespmem:s4+$0x10];
	_ =	sdelay $0x4  }
0x22a: {  	v4 =	vshrl.u32 v3, $0x3  }
0x22b: {  	v4 =	vmul.u32 $0x30, v4  }
0x22c: {  	v3 =	vand.u32 $0x7, v3  }
0x22d: {  	v3 =	vor.u32 v3, v4  }
0x22e: {  	v4 =	vperm.xlane v3, v0;
	_ =	sdelay $0x1  }
0x22f: {  	v4 =	vadd.s32 v1, v4;
	_ =	sdelay $0x3  }
0x230: {  	s28 =	simm.s32 $0x400;
	v3 =	vperm.xlane v3, v2  }
0x231: {  	[tilespmem:s28], [sflag:$0x1] =	stream.indirect_vreg.gather [hbm4b:s1+s5], $0x80, v4, vm0, $0xb8;
	[tilespmem:$0x15400] =	vst v63  }
0x232: {  	s6 =	simm.s32 $0xC00;
	v3 =	vadd.s32 v1, v3  }
0x233: {  	[tilespmem:s6], [sflag:$0x1] =	stream.indirect_vreg.gather [hbm4b:s14+s5], $0x80, v4, vm0, $0xb8;
	[tilespmem:$0x15400] =	vst v63  }
0x234: {  	s7 =	simm.s32 $0x1400  }
0x235: {  	[tilespmem:s7], [sflag:$0x1] =	stream.indirect_vreg.gather [hbm4b:s15+s5], $0x80, v4, vm0, $0xb8;
	[tilespmem:$0x15400] =	vst v63  }
0x236: {  	s8 =	simm.s32 $0x1C00  }
0x237: {  	[tilespmem:s8], [sflag:$0x1] =	stream.indirect_vreg.gather [hbm4b:s1+s5], $0x80, v3, vm0, $0xb8;
	[tilespmem:$0x15400] =	vst v63  }
0x238: {  	s24 =	simm.s32 $0x2400  }
0x239: {  	[tilespmem:s24], [sflag:$0x1] =	stream.indirect_vreg.gather [hbm4b:s14+s5], $0x80, v3, vm0, $0xb8;
	[tilespmem:$0x15400] =	vst v63  }
0x23a: {  	p0 =	por $0x0, $0x0;
	s28 =	simm.s32 $0x2C00  }
0x23b: {  	[tilespmem:s28], [sflag:$0x1] =	stream.indirect_vreg.gather [hbm4b:s15+s5], $0x80, v3, vm0, $0xb8;
	[tilespmem:$0x15400] =	vst v63  }
.LBB2_10:
0x23c: {  	s4 =	simm.s32 $0x0  }
0x23d: {  	_ =	swait.ge [sflag:s25], $0x3000;
	s28 =	simm.s32 $0x0;
	s4 =	smul.u32 $0x1800, s4  }
0x23e: {  	[sflag:s25] =	ssyncset.done $0x0;
	s7 =	sand.u32 $0x380, s28  }
0x23f: {  	[sflag:s25] =	ssyncadd.s32 $0xFFFFD000;
	s24 =	sor.u32 s7, s4  }
0x240: {  	v5 =	vld [tilespmem:s24+$0xC400]  }
0x241: {  	v24 =	vld [tilespmem:s24+$0xC410]  }
0x242: {  	v25 =	vld [tilespmem:s24+$0xC420]  }
0x243: {  	v26 =	vld [tilespmem:s24+$0xC430]  }
0x244: {  	v27 =	vld [tilespmem:s24+$0xC440]  }
0x245: {  	v28 =	vld [tilespmem:s24+$0xC450]  }
0x246: {  	v29 =	vld [tilespmem:s24+$0xC460]  }
0x247: {  	v30 =	vld [tilespmem:s24+$0xC470]  }
0x248: {  	v31 =	vld [tilespmem:s24+$0xC800]  }
0x249: {  	v32 =	vld [tilespmem:s24+$0xC810]  }
0x24a: {  	v33 =	vld [tilespmem:s24+$0xC820]  }
0x24b: {  	v34 =	vld [tilespmem:s24+$0xC830]  }
0x24c: {  	v35 =	vld [tilespmem:s24+$0xC840]  }
0x24d: {  	v36 =	vld [tilespmem:s24+$0xC850]  }
0x24e: {  	v37 =	vld [tilespmem:s24+$0xC860]  }
0x24f: {  	v38 =	vld [tilespmem:s24+$0xC870]  }
0x250: {  	v39 =	vld [tilespmem:s24+$0xCC00]  }
0x251: {  	v40 =	vld [tilespmem:s24+$0xCC10]  }
0x252: {  	v41 =	vld [tilespmem:s24+$0xCC20]  }
0x253: {  	v42 =	vld [tilespmem:s24+$0xCC30]  }
0x254: {  	v43 =	vld [tilespmem:s24+$0xCC40]  }
0x255: {  	v44 =	vld [tilespmem:s24+$0xCC50]  }
0x256: {  	v45 =	vld [tilespmem:s24+$0xCC60]  }
0x257: {  	v46 =	vld [tilespmem:s24+$0xCC70]  }
0x258: {  	v47 =	vld [tilespmem:s24+$0xD000]  }
0x259: {  	v23 =	vld [tilespmem:s24+$0xD010]  }
0x25a: {  	v22 =	vld [tilespmem:s24+$0xD020]  }
0x25b: {  	v21 =	vld [tilespmem:s24+$0xD030]  }
0x25c: {  	v20 =	vld [tilespmem:s24+$0xD040]  }
0x25d: {  	v19 =	vld [tilespmem:s24+$0xD050]  }
0x25e: {  	v18 =	vld [tilespmem:s24+$0xD060]  }
0x25f: {  	v17 =	vld [tilespmem:s24+$0xD070]  }
0x260: {  	v16 =	vld [tilespmem:s24+$0xD400]  }
0x261: {  	v15 =	vld [tilespmem:s24+$0xD410]  }
0x262: {  	v14 =	vld [tilespmem:s24+$0xD420]  }
0x263: {  	v13 =	vld [tilespmem:s24+$0xD430]  }
0x264: {  	v12 =	vld [tilespmem:s24+$0xD440]  }
0x265: {  	v11 =	vld [tilespmem:s24+$0xD450]  }
0x266: {  	v10 =	vld [tilespmem:s24+$0xD460]  }
0x267: {  	v9 =	vld [tilespmem:s24+$0xD470]  }
0x268: {  	v8 =	vld [tilespmem:s24+$0xD800]  }
0x269: {  	v7 =	vld [tilespmem:s24+$0xD810]  }
0x26a: {  	v6 =	vld [tilespmem:s24+$0xD820]  }
0x26b: {  	v4 =	vld [tilespmem:s24+$0xD830]  }
0x26c: {  	v3 =	vld [tilespmem:s24+$0xD840]  }
0x26d: {  	v48 =	vld [tilespmem:s24+$0x6400]  }
0x26e: {  	v49 =	vld [tilespmem:s24+$0x6410]  }
0x26f: {  	v50 =	vld [tilespmem:s24+$0x6420]  }
0x270: {  	v51 =	vld [tilespmem:s24+$0x6430]  }
0x271: {  	v52 =	vld [tilespmem:s24+$0x6440]  }
0x272: {  	v53 =	vld [tilespmem:s24+$0x6450]  }
0x273: {  	v54 =	vld [tilespmem:s24+$0x6460];
	v48 =	vmul.f32 $2.771281240e+01, v48  }
0x274: {  	v55 =	vld [tilespmem:s24+$0x6470];
	v49 =	vmul.f32 $2.771281240e+01, v49  }
0x275: {  	v59 =	vld [tilespmem:s24+$0x6810];
	v50 =	vmul.f32 $2.771281240e+01, v50;
	v48 =	vadd.f32 v5, v48  }
0x276: {  	v63 =	vmul.f32 $2.771281240e+01, v51;
	v51 =	vld [tilespmem:s24+$0x6800];
	v24 =	vadd.f32 v24, v49  }
0x277: {  	v56 =	vmul.f32 $2.771281240e+01, v52;
	v58 =	vmul.f32 $2.771281240e+01, v53;
	v53 =	vld [tilespmem:s24+$0x6830];
	v25 =	vadd.f32 v25, v50;
	[tilespmem:s24+$0x6400] =	vst v48  }
0x278: {  	v61 =	vmul.f32 $2.771281240e+01, v54;
	v54 =	vld [tilespmem:s24+$0x6840];
	v57 =	vadd.f32 v26, v63;
	[tilespmem:s24+$0x6410] =	vst v24  }
0x279: {  	v5 =	vld [tilespmem:s24+$0xD850];
	v60 =	vadd.f32 v27, v56;
	[tilespmem:s24+$0x6420] =	vst v25  }
0x27a: {  	v62 =	vadd.f32 v28, v58;
	v63 =	vmul.f32 $2.771281240e+01, v55;
	v55 =	vmul.f32 $2.771281240e+01, v59;
	v59 =	vld [tilespmem:s24+$0x6860];
	[tilespmem:s24+$0x6430] =	vst v57  }
0x27b: {  	v50 =	vadd.f32 v29, v61;
	v61 =	vld [tilespmem:s24+$0x6870];
	[tilespmem:s24+$0x6440] =	vst v60  }
0x27c: {  	v56 =	vld [tilespmem:s24+$0x6C00];
	[tilespmem:s24+$0x6450] =	vst v62;
	v52 =	vadd.f32 v30, v63;
	v51 =	vmul.f32 $2.771281240e+01, v51  }
0x27d: {  	v48 =	vld [tilespmem:s24+$0x6820];
	[tilespmem:s24+$0x6460] =	vst v50;
	v29 =	vadd.f32 v32, v55;
	v26 =	vmul.f32 $2.771281240e+01, v53  }
0x27e: {  	v57 =	vld [tilespmem:s24+$0x6850];
	v25 =	vmul.f32 $2.771281240e+01, v54;
	[tilespmem:s24+$0x6470] =	vst v52;
	v27 =	vadd.f32 v31, v51  }
0x27f: {  	v58 =	vld [tilespmem:s24+$0x6C10];
	[tilespmem:s24+$0x6810] =	vst v29;
	v26 =	vadd.f32 v34, v26;
	v31 =	vmul.f32 $2.771281240e+01, v59  }
0x280: {  	v60 =	vld [tilespmem:s24+$0x6C20];
	v25 =	vadd.f32 v35, v25;
	v32 =	vmul.f32 $2.771281240e+01, v61;
	[tilespmem:s24+$0x6800] =	vst v27  }
0x281: {  	v63 =	vld [tilespmem:s24+$0x6C40];
	v24 =	vmul.f32 $2.771281240e+01, v56;
	[tilespmem:s24+$0x6830] =	vst v26;
	v31 =	vadd.f32 v37, v31  }
0x282: {  	v55 =	vld [tilespmem:s24+$0x7040];
	v28 =	vmul.f32 $2.771281240e+01, v48;
	[tilespmem:s24+$0x6840] =	vst v25;
	v32 =	vadd.f32 v38, v32  }
0x283: {  	v50 =	vld [tilespmem:s24+$0x6C70];
	v30 =	vmul.f32 $2.771281240e+01, v57;
	v24 =	vadd.f32 v39, v24;
	[tilespmem:s24+$0x6860] =	vst v31  }
0x284: {  	v52 =	vld [tilespmem:s24+$0x7010];
	v27 =	vmul.f32 $2.771281240e+01, v58;
	v28 =	vadd.f32 v33, v28;
	[tilespmem:s24+$0x6870] =	vst v32  }
0x285: {  	v51 =	vld [tilespmem:s24+$0x7000];
	v29 =	vmul.f32 $2.771281240e+01, v60;
	v30 =	vadd.f32 v36, v30;
	[tilespmem:s24+$0x6C00] =	vst v24  }
0x286: {  	v53 =	vld [tilespmem:s24+$0x7020];
	v26 =	vmul.f32 $2.771281240e+01, v63;
	v27 =	vadd.f32 v40, v27;
	[tilespmem:s24+$0x6820] =	vst v28  }
0x287: {  	v48 =	vld [tilespmem:s24+$0x6C50];
	v61 =	vmul.f32 $2.771281240e+01, v55;
	v29 =	vadd.f32 v41, v29;
	[tilespmem:s24+$0x6850] =	vst v30  }
0x288: {  	v54 =	vld [tilespmem:s24+$0x7030];
	v26 =	vadd.f32 v43, v26;
	v31 =	vmul.f32 $2.771281240e+01, v50;
	[tilespmem:s24+$0x6C10] =	vst v27  }
0x289: {  	v56 =	vld [tilespmem:s24+$0x7050];
	v24 =	vmul.f32 $2.771281240e+01, v52;
	v20 =	vadd.f32 v20, v61;
	[tilespmem:s24+$0x6C20] =	vst v29  }
0x28a: {  	v62 =	vld [tilespmem:s24+$0x6C30];
	v32 =	vmul.f32 $2.771281240e+01, v51;
	[tilespmem:s24+$0x6C40] =	vst v26;
	v31 =	vadd.f32 v46, v31  }
0x28b: {  	v57 =	vld [tilespmem:s24+$0x7060];
	v27 =	vmul.f32 $2.771281240e+01, v53;
	v23 =	vadd.f32 v23, v24;
	[tilespmem:s24+$0x7040] =	vst v20  }
0x28c: {  	v49 =	vld [tilespmem:s24+$0x6C60];
	v25 =	vmul.f32 $2.771281240e+01, v48;
	v32 =	vadd.f32 v47, v32;
	[tilespmem:s24+$0x6C70] =	vst v31  }
0x28d: {  	v59 =	vld [tilespmem:s24+$0x7400];
	v29 =	vmul.f32 $2.771281240e+01, v54;
	v22 =	vadd.f32 v22, v27;
	[tilespmem:s24+$0x7010] =	vst v23  }
0x28e: {  	v58 =	vld [tilespmem:s24+$0x7070];
	v26 =	vmul.f32 $2.771281240e+01, v56;
	v25 =	vadd.f32 v44, v25;
	[tilespmem:s24+$0x7000] =	vst v32  }
0x28f: {  	v60 =	vld [tilespmem:s24+$0x7410];
	v28 =	vmul.f32 $2.771281240e+01, v62;
	v21 =	vadd.f32 v21, v29;
	[tilespmem:s24+$0x7020] =	vst v22  }
0x290: {  	v23 =	vld [tilespmem:s24+$0x7420];
	v19 =	vadd.f32 v19, v26;
	[tilespmem:s24+$0x6C50] =	vst v25;
	v25 =	vmul.f32 $2.771281240e+01, v57  }
0x291: {  	v30 =	vmul.f32 $2.771281240e+01, v49;
	v28 =	vadd.f32 v42, v28;
	v22 =	vld [tilespmem:s24+$0x7430];
	[tilespmem:s24+$0x7030] =	vst v21  }
0x292: {  	v21 =	vld [tilespmem:s24+$0x7440];
	[tilespmem:s24+$0x7050] =	vst v19;
	v19 =	vmul.f32 $2.771281240e+01, v59;
	v18 =	vadd.f32 v18, v25  }
0x293: {  	v20 =	vld [tilespmem:s24+$0x7450];
	v62 =	vmul.f32 $2.771281240e+01, v58;
	v30 =	vadd.f32 v45, v30;
	[tilespmem:s24+$0x6C30] =	vst v28  }
0x294: {  	v63 =	vld [tilespmem:s24+$0x7460];
	v19 =	vadd.f32 v16, v19;
	[tilespmem:s24+$0x7060] =	vst v18;
	v18 =	vmul.f32 $2.771281240e+01, v60  }
0x295: {  	v26 =	vadd.f32 v17, v62;
	v17 =	vld [tilespmem:s24+$0x7470];
	[tilespmem:s24+$0x6C60] =	vst v30;
	v23 =	vmul.f32 $2.771281240e+01, v23  }
0x296: {  	v16 =	vld [tilespmem:s24+$0x7800];
	[tilespmem:s24+$0x7400] =	vst v19;
	v19 =	vmul.f32 $2.771281240e+01, v22;
	v18 =	vadd.f32 v15, v18  }
0x297: {  	[tilespmem:s24+$0x7070] =	vst v26;
	v22 =	vadd.f32 v14, v23;
	v21 =	vmul.f32 $2.771281240e+01, v21;
	v15 =	vld [tilespmem:s24+$0x7810]  }
0x298: {  	v14 =	vld [tilespmem:s24+$0x7820];
	[tilespmem:s24+$0x7410] =	vst v18;
	v18 =	vadd.f32 v13, v19;
	v19 =	vmul.f32 $2.771281240e+01, v20  }
0x299: {  	s4 =	simm.s32 $0x1;
	[tilespmem:s24+$0x7420] =	vst v22;
	v20 =	vadd.f32 v12, v21;
	v13 =	vmul.f32 $2.771281240e+01, v63;
	v12 =	vld [tilespmem:s24+$0x7830]  }
.LBB2_11:
0x29a: {  	p1 =	sne.s32 s4, $0xF;
	[tilespmem:s24+$0x7430] =	vst v18;
	v11 =	vadd.f32 v11, v19;
	v17 =	vmul.f32 $2.771281240e+01, v17;
	v18 =	vld [tilespmem:s24+$0x7840]  }
0x29b: {  	[tilespmem:s24+$0x7440] =	vst v20;
	v10 =	vadd.f32 v10, v13;
	v13 =	vmul.f32 $2.771281240e+01, v16;
	v16 =	vld [tilespmem:s24+$0x7850]  }
0x29c: {  	s7 =	sshrl.u32 s4, $0x3;
	[tilespmem:s24+$0x7450] =	vst v11;
	v9 =	vadd.f32 v9, v17;
	v11 =	vmul.f32 $2.771281240e+01, v15;
	v15 =	vld [tilespmem:s24+$0x7860]  }
0x29d: {  	s28 =	sadd.s32 $0x80, s28;
	s7 =	smul.u32 $0x1800, s7;
	[tilespmem:s24+$0x7460] =	vst v10;
	v8 =	vadd.f32 v8, v13;
	v10 =	vmul.f32 $2.771281240e+01, v14;
	v13 =	vld [tilespmem:s24+$0x7870]  }
0x29e: {  	s8 =	sand.u32 $0x380, s28;
	[tilespmem:s24+$0x7470] =	vst v9;
	v7 =	vadd.f32 v7, v11;
	v9 =	vmul.f32 $2.771281240e+01, v12;
	v11 =	vld [tilespmem:s24+$0xD860]  }
0x29f: {  	s7 =	sor.u32 s8, s7;
	[tilespmem:s24+$0x7800] =	vst v8;
	v6 =	vadd.f32 v6, v10;
	v8 =	vmul.f32 $2.771281240e+01, v18;
	v10 =	vld [tilespmem:s24+$0xD870]  }
0x2a0: {  	v41 =	vld [tilespmem:s7+$0xC400];
	[tilespmem:s24+$0x7810] =	vst v7;
	v4 =	vadd.f32 v4, v9;
	v7 =	vmul.f32 $2.771281240e+01, v16  }
0x2a1: {  	v42 =	vld [tilespmem:s7+$0xC410];
	[tilespmem:s24+$0x7820] =	vst v6;
	v3 =	vadd.f32 v3, v8;
	v6 =	vmul.f32 $2.771281240e+01, v15  }
0x2a2: {  	v43 =	vld [tilespmem:s7+$0xC420];
	[tilespmem:s24+$0x7830] =	vst v4;
	v4 =	vadd.f32 v5, v7;
	v5 =	vmul.f32 $2.771281240e+01, v13  }
0x2a3: {  	v44 =	vld [tilespmem:s7+$0xC430];
	[tilespmem:s24+$0x7840] =	vst v3;
	v3 =	vadd.f32 v11, v6  }
0x2a4: {  	v45 =	vld [tilespmem:s7+$0xC440];
	[tilespmem:s24+$0x7850] =	vst v4;
	v4 =	vadd.f32 v10, v5  }
0x2a5: {  	v46 =	vld [tilespmem:s7+$0xC450];
	[tilespmem:s24+$0x7860] =	vst v3  }
0x2a6: {  	v47 =	vld [tilespmem:s7+$0xC460];
	[tilespmem:s24+$0x7870] =	vst v4;
	s24 =	smov.u32 s7  }
0x2a7: {  	v48 =	vld [tilespmem:s24+$0xC470]  }
0x2a8: {  	v40 =	vld [tilespmem:s24+$0xC800]  }
0x2a9: {  	v39 =	vld [tilespmem:s24+$0xC810]  }
0x2aa: {  	v38 =	vld [tilespmem:s24+$0xC820]  }
0x2ab: {  	v37 =	vld [tilespmem:s24+$0xC830]  }
0x2ac: {  	v36 =	vld [tilespmem:s24+$0xC840]  }
0x2ad: {  	v35 =	vld [tilespmem:s24+$0xC850]  }
0x2ae: {  	v34 =	vld [tilespmem:s24+$0xC860]  }
0x2af: {  	v33 =	vld [tilespmem:s24+$0xC870]  }
0x2b0: {  	v32 =	vld [tilespmem:s24+$0xCC00]  }
0x2b1: {  	v31 =	vld [tilespmem:s24+$0xCC10]  }
0x2b2: {  	v30 =	vld [tilespmem:s24+$0xCC20]  }
0x2b3: {  	v29 =	vld [tilespmem:s24+$0xCC30]  }
0x2b4: {  	v28 =	vld [tilespmem:s24+$0xCC40]  }
0x2b5: {  	v27 =	vld [tilespmem:s24+$0xCC50]  }
0x2b6: {  	v26 =	vld [tilespmem:s24+$0xCC60]  }
0x2b7: {  	v25 =	vld [tilespmem:s24+$0xCC70]  }
0x2b8: {  	v24 =	vld [tilespmem:s24+$0xD000]  }
0x2b9: {  	v23 =	vld [tilespmem:s24+$0xD010]  }
0x2ba: {  	v22 =	vld [tilespmem:s24+$0xD020]  }
0x2bb: {  	v21 =	vld [tilespmem:s24+$0xD030]  }
0x2bc: {  	v20 =	vld [tilespmem:s24+$0xD040]  }
0x2bd: {  	v19 =	vld [tilespmem:s24+$0xD050]  }
0x2be: {  	v18 =	vld [tilespmem:s24+$0xD060]  }
0x2bf: {  	v17 =	vld [tilespmem:s24+$0xD070]  }
0x2c0: {  	v16 =	vld [tilespmem:s24+$0xD400]  }
0x2c1: {  	v15 =	vld [tilespmem:s24+$0xD410]  }
0x2c2: {  	v14 =	vld [tilespmem:s24+$0xD420]  }
0x2c3: {  	v13 =	vld [tilespmem:s24+$0xD430]  }
0x2c4: {  	v12 =	vld [tilespmem:s24+$0xD440]  }
0x2c5: {  	v11 =	vld [tilespmem:s24+$0xD450]  }
0x2c6: {  	v10 =	vld [tilespmem:s24+$0xD460]  }
0x2c7: {  	v9 =	vld [tilespmem:s24+$0xD470]  }
0x2c8: {  	v8 =	vld [tilespmem:s24+$0xD800]  }
0x2c9: {  	v7 =	vld [tilespmem:s24+$0xD810]  }
0x2ca: {  	v6 =	vld [tilespmem:s24+$0xD820]  }
0x2cb: {  	v4 =	vld [tilespmem:s24+$0xD830]  }
0x2cc: {  	v3 =	vld [tilespmem:s24+$0xD840]  }
0x2cd: {  	v5 =	vld [tilespmem:s24+$0xD850]  }
0x2ce: {  	v49 =	vld [tilespmem:s24+$0x6400]  }
0x2cf: {  	v50 =	vld [tilespmem:s24+$0x6410]  }
0x2d0: {  	v51 =	vld [tilespmem:s24+$0x6420]  }
0x2d1: {  	v52 =	vld [tilespmem:s24+$0x6430]  }
0x2d2: {  	v53 =	vld [tilespmem:s24+$0x6440]  }
0x2d3: {  	v49 =	vmul.f32 $2.771281240e+01, v49;
	v54 =	vld [tilespmem:s24+$0x6450]  }
0x2d4: {  	v50 =	vmul.f32 $2.771281240e+01, v50;
	v55 =	vld [tilespmem:s24+$0x6460]  }
0x2d5: {  	v41 =	vadd.f32 v41, v49;
	v49 =	vmul.f32 $2.771281240e+01, v51;
	v51 =	vld [tilespmem:s24+$0x6470]  }
0x2d6: {  	v42 =	vadd.f32 v42, v50;
	v50 =	vmul.f32 $2.771281240e+01, v52;
	v52 =	vld [tilespmem:s24+$0x6800]  }
0x2d7: {  	[tilespmem:s24+$0x6400] =	vst v41;
	v41 =	vadd.f32 v43, v49;
	v43 =	vmul.f32 $2.771281240e+01, v53;
	v49 =	vld [tilespmem:s24+$0x6810]  }
0x2d8: {  	[tilespmem:s24+$0x6410] =	vst v42;
	v42 =	vadd.f32 v44, v50;
	v44 =	vmul.f32 $2.771281240e+01, v54;
	v50 =	vld [tilespmem:s24+$0x6820]  }
0x2d9: {  	[tilespmem:s24+$0x6420] =	vst v41;
	v41 =	vadd.f32 v45, v43;
	v43 =	vmul.f32 $2.771281240e+01, v55;
	v45 =	vld [tilespmem:s24+$0x6830]  }
0x2da: {  	[tilespmem:s24+$0x6430] =	vst v42;
	v42 =	vadd.f32 v46, v44;
	v44 =	vmul.f32 $2.771281240e+01, v51;
	v46 =	vld [tilespmem:s24+$0x6840]  }
0x2db: {  	[tilespmem:s24+$0x6440] =	vst v41;
	v41 =	vadd.f32 v47, v43;
	v43 =	vmul.f32 $2.771281240e+01, v52;
	v47 =	vld [tilespmem:s24+$0x6850]  }
0x2dc: {  	[tilespmem:s24+$0x6450] =	vst v42;
	v42 =	vadd.f32 v48, v44;
	v44 =	vmul.f32 $2.771281240e+01, v49;
	v48 =	vld [tilespmem:s24+$0x6860]  }
0x2dd: {  	[tilespmem:s24+$0x6460] =	vst v41;
	v40 =	vadd.f32 v40, v43;
	v41 =	vmul.f32 $2.771281240e+01, v50;
	v43 =	vld [tilespmem:s24+$0x6870]  }
0x2de: {  	[tilespmem:s24+$0x6470] =	vst v42;
	v39 =	vadd.f32 v39, v44;
	v42 =	vmul.f32 $2.771281240e+01, v45;
	v44 =	vld [tilespmem:s24+$0x6C00]  }
0x2df: {  	[tilespmem:s24+$0x6800] =	vst v40;
	v38 =	vadd.f32 v38, v41;
	v40 =	vmul.f32 $2.771281240e+01, v46;
	v41 =	vld [tilespmem:s24+$0x6C10]  }
0x2e0: {  	[tilespmem:s24+$0x6810] =	vst v39;
	v37 =	vadd.f32 v37, v42;
	v39 =	vmul.f32 $2.771281240e+01, v47;
	v42 =	vld [tilespmem:s24+$0x6C20]  }
0x2e1: {  	[tilespmem:s24+$0x6820] =	vst v38;
	v36 =	vadd.f32 v36, v40;
	v38 =	vmul.f32 $2.771281240e+01, v48;
	v40 =	vld [tilespmem:s24+$0x6C30]  }
0x2e2: {  	[tilespmem:s24+$0x6830] =	vst v37;
	v35 =	vadd.f32 v35, v39;
	v37 =	vmul.f32 $2.771281240e+01, v43;
	v39 =	vld [tilespmem:s24+$0x6C40]  }
0x2e3: {  	[tilespmem:s24+$0x6840] =	vst v36;
	v34 =	vadd.f32 v34, v38;
	v36 =	vmul.f32 $2.771281240e+01, v44;
	v38 =	vld [tilespmem:s24+$0x6C50]  }
0x2e4: {  	[tilespmem:s24+$0x6850] =	vst v35;
	v33 =	vadd.f32 v33, v37;
	v35 =	vmul.f32 $2.771281240e+01, v41;
	v37 =	vld [tilespmem:s24+$0x6C60]  }
0x2e5: {  	[tilespmem:s24+$0x6860] =	vst v34;
	v32 =	vadd.f32 v32, v36;
	v34 =	vmul.f32 $2.771281240e+01, v42;
	v36 =	vld [tilespmem:s24+$0x6C70]  }
0x2e6: {  	[tilespmem:s24+$0x6870] =	vst v33;
	v31 =	vadd.f32 v31, v35;
	v33 =	vmul.f32 $2.771281240e+01, v40;
	v35 =	vld [tilespmem:s24+$0x7000]  }
0x2e7: {  	[tilespmem:s24+$0x6C00] =	vst v32;
	v30 =	vadd.f32 v30, v34;
	v32 =	vmul.f32 $2.771281240e+01, v39;
	v34 =	vld [tilespmem:s24+$0x7010]  }
0x2e8: {  	[tilespmem:s24+$0x6C10] =	vst v31;
	v29 =	vadd.f32 v29, v33;
	v31 =	vmul.f32 $2.771281240e+01, v38;
	v33 =	vld [tilespmem:s24+$0x7020]  }
0x2e9: {  	[tilespmem:s24+$0x6C20] =	vst v30;
	v28 =	vadd.f32 v28, v32;
	v30 =	vmul.f32 $2.771281240e+01, v37;
	v32 =	vld [tilespmem:s24+$0x7030]  }
0x2ea: {  	[tilespmem:s24+$0x6C30] =	vst v29;
	v27 =	vadd.f32 v27, v31;
	v29 =	vmul.f32 $2.771281240e+01, v36;
	v31 =	vld [tilespmem:s24+$0x7040]  }
0x2eb: {  	[tilespmem:s24+$0x6C40] =	vst v28;
	v26 =	vadd.f32 v26, v30;
	v28 =	vmul.f32 $2.771281240e+01, v35;
	v30 =	vld [tilespmem:s24+$0x7050]  }
0x2ec: {  	[tilespmem:s24+$0x6C50] =	vst v27;
	v25 =	vadd.f32 v25, v29;
	v27 =	vmul.f32 $2.771281240e+01, v34;
	v29 =	vld [tilespmem:s24+$0x7060]  }
0x2ed: {  	[tilespmem:s24+$0x6C60] =	vst v26;
	v24 =	vadd.f32 v24, v28;
	v26 =	vmul.f32 $2.771281240e+01, v33;
	v28 =	vld [tilespmem:s24+$0x7070]  }
0x2ee: {  	[tilespmem:s24+$0x6C70] =	vst v25;
	v23 =	vadd.f32 v23, v27;
	v25 =	vmul.f32 $2.771281240e+01, v32;
	v27 =	vld [tilespmem:s24+$0x7400]  }
0x2ef: {  	[tilespmem:s24+$0x7000] =	vst v24;
	v22 =	vadd.f32 v22, v26;
	v24 =	vmul.f32 $2.771281240e+01, v31;
	v26 =	vld [tilespmem:s24+$0x7410]  }
0x2f0: {  	[tilespmem:s24+$0x7010] =	vst v23;
	v21 =	vadd.f32 v21, v25;
	v23 =	vmul.f32 $2.771281240e+01, v30;
	v25 =	vld [tilespmem:s24+$0x7420]  }
0x2f1: {  	[tilespmem:s24+$0x7020] =	vst v22;
	v20 =	vadd.f32 v20, v24;
	v22 =	vmul.f32 $2.771281240e+01, v29;
	v24 =	vld [tilespmem:s24+$0x7430]  }
0x2f2: {  	[tilespmem:s24+$0x7030] =	vst v21;
	v19 =	vadd.f32 v19, v23;
	v21 =	vmul.f32 $2.771281240e+01, v28;
	v23 =	vld [tilespmem:s24+$0x7440]  }
0x2f3: {  	[tilespmem:s24+$0x7040] =	vst v20;
	v18 =	vadd.f32 v18, v22;
	v20 =	vmul.f32 $2.771281240e+01, v27;
	v22 =	vld [tilespmem:s24+$0x7450]  }
0x2f4: {  	[tilespmem:s24+$0x7050] =	vst v19;
	v19 =	vadd.f32 v17, v21;
	v21 =	vmul.f32 $2.771281240e+01, v26;
	v26 =	vld [tilespmem:s24+$0x7460]  }
.Ltmp5:
0x2f5: {  	[tilespmem:s24+$0x7060] =	vst v18;
	v18 =	vadd.f32 v16, v20;
	v20 =	vmul.f32 $2.771281240e+01, v25;
	v17 =	vld [tilespmem:s24+$0x7470];
	(pc) =	sbr.rel @p1 .LBB2_11-.Ltmp5, $4  }
0x2f6: {  	[tilespmem:s24+$0x7070] =	vst v19;
	v19 =	vadd.f32 v15, v21;
	v21 =	vmul.f32 $2.771281240e+01, v24;
	v16 =	vld [tilespmem:s24+$0x7800]  }
0x2f7: {  	[tilespmem:s24+$0x7400] =	vst v18;
	v20 =	vadd.f32 v14, v20;
	v23 =	vmul.f32 $2.771281240e+01, v23;
	v15 =	vld [tilespmem:s24+$0x7810]  }
0x2f8: {  	[tilespmem:s24+$0x7410] =	vst v19;
	v18 =	vadd.f32 v13, v21;
	v19 =	vmul.f32 $2.771281240e+01, v22;
	v14 =	vld [tilespmem:s24+$0x7820]  }
0x2f9: {  	s4 =	sadd.s32 $0x1, s4;
	[tilespmem:s24+$0x7420] =	vst v20;
	v20 =	vadd.f32 v12, v23;
	v13 =	vmul.f32 $2.771281240e+01, v26;
	v12 =	vld [tilespmem:s24+$0x7830]  }
0x2fa: {  	v11 =	vadd.f32 v11, v19;
	v17 =	vmul.f32 $2.771281240e+01, v17  }
0x2fb: {  	[tilespmem:s24+$0x7430] =	vst v18;
	v18 =	vld [tilespmem:s24+$0x7840];
	v10 =	vadd.f32 v10, v13  }
0x2fc: {  	v19 =	vld [tilespmem:s24+$0x7850];
	v13 =	vmul.f32 $2.771281240e+01, v16;
	[tilespmem:s24+$0x7450] =	vst v11;
	v9 =	vadd.f32 v9, v17  }
0x2fd: {  	v11 =	vld [tilespmem:s24+$0x7860];
	v15 =	vmul.f32 $2.771281240e+01, v15;
	[tilespmem:s24+$0x7460] =	vst v10  }
0x2fe: {  	v10 =	vld [tilespmem:s24+$0x7870];
	v8 =	vadd.f32 v8, v13;
	[tilespmem:s24+$0x7470] =	vst v9;
	v9 =	vmul.f32 $2.771281240e+01, v14  }
0x2ff: {  	[tilespmem:s24+$0x7440] =	vst v20;
	v13 =	vld [tilespmem:s24+$0xD860];
	v7 =	vadd.f32 v7, v15;
	v12 =	vmul.f32 $2.771281240e+01, v12  }
0x300: {  	[tilespmem:s24+$0x7800] =	vst v8;
	v8 =	vmul.f32 $2.771281240e+01, v18;
	v6 =	vadd.f32 v6, v9;
	v9 =	vld [tilespmem:s24+$0xD870]  }
0x301: {  	[tilespmem:s24+$0x7810] =	vst v7;
	v4 =	vadd.f32 v4, v12;
	v7 =	vmul.f32 $2.771281240e+01, v19  }
0x302: {  	v3 =	vadd.f32 v3, v8;
	[tilespmem:s24+$0x7820] =	vst v6;
	v6 =	vmul.f32 $2.771281240e+01, v11  }
0x303: {  	[tilespmem:s24+$0x7830] =	vst v4;
	v4 =	vadd.f32 v5, v7;
	v5 =	vmul.f32 $2.771281240e+01, v10  }
0x304: {  	[tilespmem:s24+$0x7840] =	vst v3;
	v3 =	vadd.f32 v13, v6  }
0x305: {  	s4 =	rddreg [dreg:$0x6];
	[tilespmem:s24+$0x7850] =	vst v4;
	v4 =	vadd.f32 v9, v5  }
0x306: {  	s4 =	sor.u32 s4, s29;
	[tilespmem:s24+$0x7860] =	vst v3  }
0x307: {  	s4 =	sshrl.u32 s4, $0x3;
	[tilespmem:s24+$0x7870] =	vst v4  }
0x308: {  	s4 =	smul.u32 $0x300, s4;
	_ =	swait.ge [sflag:s10], $0x3000  }
0x309: {  	s0 =	sor.u32 $0x1C09, s0;
	[sflag:s10] =	ssyncset.done $0x0  }
0x30a: {  	s4 =	sadd.s32 s3, s4;
	s24 =	sshrl.u32 s18, $0x3;
	[sflag:s10] =	ssyncadd.s32 $0xFFFFD000  }
0x30b: {  	[hbm:s4], [sflag:s0] =	dma.local [spmem:s24], $0x600  }
0x30c: {  	_ =	swait.ge [sflag:s11], $0x600  }
0x30d: {  	s4 =	sshll.u32 @!p0 s22, $0x4;
	[sflag:s11] =	ssyncset.done $0x0  }
0x30e: {  	s4 =	sand.u32 @!p0 $0x3FFFFFF0, s4;
	[sflag:s11] =	ssyncadd.s32 $0xFFFFFA00  }
0x30f: {  	[spmem:s16] =	stream.linear.scatter [tilespmem:s26], [sflag:$0x6], $0x3000, $0x38;
	[tilespmem:$0x15400] =	vst v63  }
0x310: {  	v3 =	vld @!p0 [tilespmem:s4+$0x110];
	_ =	sdelay $0x4  }
0x311: {  	v4 =	vshrl.u32 @!p0 v3, $0x3  }
0x312: {  	v4 =	vmul.u32 @!p0 $0x30, v4  }
0x313: {  	v5 =	vlaneseq.u32 @!p0;
	v3 =	vand.u32 @!p0 $0x7, v3  }
0x314: {  	v6 =	vshrl.u32 @!p0 v5, $0x3;
	v3 =	vor.u32 @!p0 v3, v4;
	v4 =	vand.u32 @!p0 $0x7, v5  }
0x315: {  	v6 =	vmul.u32 @!p0 $0x8, v6;
	v4 =	vperm.xlane @!p0 v3, v4;
	_ =	sdelay $0x1  }
0x316: {  	v4 =	vadd.s32 @!p0 v6, v4;
	_ =	sdelay $0x2  }
0x317: {  	v5 =	vor.u32 @!p0 $0x8, v5  }
0x318: {  	vm1 =	vmmov @!p0 $0xffff;
	s7 =	simm.s32 @!p0 $0x3400;
	s4 =	simm.s32 @!p0 $0x0;
	v3 =	vperm.xlane @!p0 v3, v5  }
0x319: {  	[tilespmem:s7], [sflag:$0x2] =	stream.indirect_vreg.gather @!p0 [hbm4b:s1+s4], $0x80, v4, vm1, $0xb8;
	[tilespmem:$0x15400] =	vst v63  }
0x31a: {  	v3 =	vadd.s32 @!p0 v6, v3;
	s7 =	simm.s32 @!p0 $0x3C00  }
0x31b: {  	[tilespmem:s7], [sflag:$0x2] =	stream.indirect_vreg.gather @!p0 [hbm4b:s14+s4], $0x80, v4, vm1, $0xb8;
	[tilespmem:$0x15400] =	vst v63  }
0x31c: {  	s7 =	simm.s32 @!p0 $0x4400  }
0x31d: {  	[tilespmem:s7], [sflag:$0x2] =	stream.indirect_vreg.gather @!p0 [hbm4b:s15+s4], $0x80, v4, vm1, $0xb8;
	[tilespmem:$0x15400] =	vst v63  }
0x31e: {  	s7 =	simm.s32 @!p0 $0x4C00  }
0x31f: {  	[tilespmem:s7], [sflag:$0x2] =	stream.indirect_vreg.gather @!p0 [hbm4b:s1+s4], $0x80, v3, vm1, $0xb8;
	[tilespmem:$0x15400] =	vst v63  }
0x320: {  	s7 =	simm.s32 @!p0 $0x5400  }
0x321: {  	[tilespmem:s7], [sflag:$0x2] =	stream.indirect_vreg.gather @!p0 [hbm4b:s14+s4], $0x80, v3, vm1, $0xb8;
	[tilespmem:$0x15400] =	vst v63  }
0x322: {  	s8 =	simm.s32 $0x0;
	s7 =	simm.s32 @!p0 $0x5C00  }
0x323: {  	[tilespmem:s7], [sflag:$0x2] =	stream.indirect_vreg.gather @!p0 [hbm4b:s15+s4], $0x80, v3, vm1, $0xb8;
	[tilespmem:$0x15400] =	vst v63  }
0x324: {  	s4 =	simm.s32 $0x0;
	s7 =	smul.u32 $0x1800, s8;
	_ =	swait.ge [sflag:s12], $0x3000  }
0x325: {  	s8 =	sand.u32 $0x380, s4;
	[sflag:s12] =	ssyncset.done $0x0  }
0x326: {  	s28 =	sor.u32 s8, s7;
	[sflag:s12] =	ssyncadd.s32 $0xFFFFD000  }
0x327: {  	v5 =	vld [tilespmem:s28+$0xC400]  }
0x328: {  	v24 =	vld [tilespmem:s28+$0xC410]  }
0x329: {  	v25 =	vld [tilespmem:s28+$0xC420]  }
0x32a: {  	v26 =	vld [tilespmem:s28+$0xC430]  }
0x32b: {  	v27 =	vld [tilespmem:s28+$0xC440]  }
0x32c: {  	v28 =	vld [tilespmem:s28+$0xC450]  }
0x32d: {  	v29 =	vld [tilespmem:s28+$0xC460]  }
0x32e: {  	v30 =	vld [tilespmem:s28+$0xC470]  }
0x32f: {  	v31 =	vld [tilespmem:s28+$0xC800]  }
0x330: {  	v32 =	vld [tilespmem:s28+$0xC810]  }
0x331: {  	v33 =	vld [tilespmem:s28+$0xC820]  }
0x332: {  	v34 =	vld [tilespmem:s28+$0xC830]  }
0x333: {  	v35 =	vld [tilespmem:s28+$0xC840]  }
0x334: {  	v36 =	vld [tilespmem:s28+$0xC850]  }
0x335: {  	v37 =	vld [tilespmem:s28+$0xC860]  }
0x336: {  	v38 =	vld [tilespmem:s28+$0xC870]  }
0x337: {  	v39 =	vld [tilespmem:s28+$0xCC00]  }
0x338: {  	v40 =	vld [tilespmem:s28+$0xCC10]  }
0x339: {  	v41 =	vld [tilespmem:s28+$0xCC20]  }
0x33a: {  	v42 =	vld [tilespmem:s28+$0xCC30]  }
0x33b: {  	v43 =	vld [tilespmem:s28+$0xCC40]  }
0x33c: {  	v44 =	vld [tilespmem:s28+$0xCC50]  }
0x33d: {  	v45 =	vld [tilespmem:s28+$0xCC60]  }
0x33e: {  	v46 =	vld [tilespmem:s28+$0xCC70]  }
0x33f: {  	v47 =	vld [tilespmem:s28+$0xD000]  }
0x340: {  	v23 =	vld [tilespmem:s28+$0xD010]  }
0x341: {  	v22 =	vld [tilespmem:s28+$0xD020]  }
0x342: {  	v21 =	vld [tilespmem:s28+$0xD030]  }
0x343: {  	v20 =	vld [tilespmem:s28+$0xD040]  }
0x344: {  	v19 =	vld [tilespmem:s28+$0xD050]  }
0x345: {  	v18 =	vld [tilespmem:s28+$0xD060]  }
0x346: {  	v17 =	vld [tilespmem:s28+$0xD070]  }
0x347: {  	v16 =	vld [tilespmem:s28+$0xD400]  }
0x348: {  	v15 =	vld [tilespmem:s28+$0xD410]  }
0x349: {  	v14 =	vld [tilespmem:s28+$0xD420]  }
0x34a: {  	v13 =	vld [tilespmem:s28+$0xD430]  }
0x34b: {  	v12 =	vld [tilespmem:s28+$0xD440]  }
0x34c: {  	v11 =	vld [tilespmem:s28+$0xD450]  }
0x34d: {  	v10 =	vld [tilespmem:s28+$0xD460]  }
0x34e: {  	v9 =	vld [tilespmem:s28+$0xD470]  }
0x34f: {  	v8 =	vld [tilespmem:s28+$0xD800]  }
0x350: {  	v7 =	vld [tilespmem:s28+$0xD810]  }
0x351: {  	v6 =	vld [tilespmem:s28+$0xD820]  }
0x352: {  	v4 =	vld [tilespmem:s28+$0xD830]  }
0x353: {  	v3 =	vld [tilespmem:s28+$0xD840]  }
0x354: {  	v48 =	vld [tilespmem:s28+$0x9400]  }
0x355: {  	v49 =	vld [tilespmem:s28+$0x9410]  }
0x356: {  	v50 =	vld [tilespmem:s28+$0x9420]  }
0x357: {  	v51 =	vld [tilespmem:s28+$0x9430]  }
0x358: {  	v52 =	vld [tilespmem:s28+$0x9440]  }
0x359: {  	v53 =	vld [tilespmem:s28+$0x9450]  }
0x35a: {  	v54 =	vld [tilespmem:s28+$0x9460];
	v48 =	vmul.f32 $2.771281240e+01, v48  }
0x35b: {  	v55 =	vld [tilespmem:s28+$0x9470];
	v49 =	vmul.f32 $2.771281240e+01, v49  }
0x35c: {  	v59 =	vld [tilespmem:s28+$0x9810];
	v50 =	vmul.f32 $2.771281240e+01, v50;
	v48 =	vadd.f32 v5, v48  }
0x35d: {  	v63 =	vmul.f32 $2.771281240e+01, v51;
	v51 =	vld [tilespmem:s28+$0x9800];
	v24 =	vadd.f32 v24, v49  }
0x35e: {  	v56 =	vmul.f32 $2.771281240e+01, v52;
	v58 =	vmul.f32 $2.771281240e+01, v53;
	v53 =	vld [tilespmem:s28+$0x9830];
	v25 =	vadd.f32 v25, v50;
	[tilespmem:s28+$0x9400] =	vst v48  }
0x35f: {  	v61 =	vmul.f32 $2.771281240e+01, v54;
	v54 =	vld [tilespmem:s28+$0x9840];
	v57 =	vadd.f32 v26, v63;
	[tilespmem:s28+$0x9410] =	vst v24  }
0x360: {  	v5 =	vld [tilespmem:s28+$0xD850];
	v60 =	vadd.f32 v27, v56;
	[tilespmem:s28+$0x9420] =	vst v25  }
0x361: {  	v62 =	vadd.f32 v28, v58;
	v63 =	vmul.f32 $2.771281240e+01, v55;
	v55 =	vmul.f32 $2.771281240e+01, v59;
	v59 =	vld [tilespmem:s28+$0x9860];
	[tilespmem:s28+$0x9430] =	vst v57  }
0x362: {  	v50 =	vadd.f32 v29, v61;
	v61 =	vld [tilespmem:s28+$0x9870];
	[tilespmem:s28+$0x9440] =	vst v60  }
0x363: {  	v56 =	vld [tilespmem:s28+$0x9C00];
	[tilespmem:s28+$0x9450] =	vst v62;
	v52 =	vadd.f32 v30, v63;
	v51 =	vmul.f32 $2.771281240e+01, v51  }
0x364: {  	v48 =	vld [tilespmem:s28+$0x9820];
	[tilespmem:s28+$0x9460] =	vst v50;
	v29 =	vadd.f32 v32, v55;
	v26 =	vmul.f32 $2.771281240e+01, v53  }
0x365: {  	v57 =	vld [tilespmem:s28+$0x9850];
	v25 =	vmul.f32 $2.771281240e+01, v54;
	[tilespmem:s28+$0x9470] =	vst v52;
	v27 =	vadd.f32 v31, v51  }
0x366: {  	v58 =	vld [tilespmem:s28+$0x9C10];
	[tilespmem:s28+$0x9810] =	vst v29;
	v26 =	vadd.f32 v34, v26;
	v31 =	vmul.f32 $2.771281240e+01, v59  }
0x367: {  	v60 =	vld [tilespmem:s28+$0x9C20];
	v25 =	vadd.f32 v35, v25;
	v32 =	vmul.f32 $2.771281240e+01, v61;
	[tilespmem:s28+$0x9800] =	vst v27  }
0x368: {  	v63 =	vld [tilespmem:s28+$0x9C40];
	v24 =	vmul.f32 $2.771281240e+01, v56;
	[tilespmem:s28+$0x9830] =	vst v26;
	v31 =	vadd.f32 v37, v31  }
0x369: {  	v55 =	vld [tilespmem:s28+$0xA040];
	v28 =	vmul.f32 $2.771281240e+01, v48;
	[tilespmem:s28+$0x9840] =	vst v25;
	v32 =	vadd.f32 v38, v32  }
0x36a: {  	v50 =	vld [tilespmem:s28+$0x9C70];
	v30 =	vmul.f32 $2.771281240e+01, v57;
	v24 =	vadd.f32 v39, v24;
	[tilespmem:s28+$0x9860] =	vst v31  }
0x36b: {  	v52 =	vld [tilespmem:s28+$0xA010];
	v27 =	vmul.f32 $2.771281240e+01, v58;
	v28 =	vadd.f32 v33, v28;
	[tilespmem:s28+$0x9870] =	vst v32  }
0x36c: {  	v51 =	vld [tilespmem:s28+$0xA000];
	v29 =	vmul.f32 $2.771281240e+01, v60;
	v30 =	vadd.f32 v36, v30;
	[tilespmem:s28+$0x9C00] =	vst v24  }
0x36d: {  	v53 =	vld [tilespmem:s28+$0xA020];
	v26 =	vmul.f32 $2.771281240e+01, v63;
	v27 =	vadd.f32 v40, v27;
	[tilespmem:s28+$0x9820] =	vst v28  }
0x36e: {  	v48 =	vld [tilespmem:s28+$0x9C50];
	v61 =	vmul.f32 $2.771281240e+01, v55;
	v29 =	vadd.f32 v41, v29;
	[tilespmem:s28+$0x9850] =	vst v30  }
0x36f: {  	v54 =	vld [tilespmem:s28+$0xA030];
	v26 =	vadd.f32 v43, v26;
	v31 =	vmul.f32 $2.771281240e+01, v50;
	[tilespmem:s28+$0x9C10] =	vst v27  }
0x370: {  	v56 =	vld [tilespmem:s28+$0xA050];
	v24 =	vmul.f32 $2.771281240e+01, v52;
	v20 =	vadd.f32 v20, v61;
	[tilespmem:s28+$0x9C20] =	vst v29  }
0x371: {  	v62 =	vld [tilespmem:s28+$0x9C30];
	v32 =	vmul.f32 $2.771281240e+01, v51;
	[tilespmem:s28+$0x9C40] =	vst v26;
	v31 =	vadd.f32 v46, v31  }
0x372: {  	v57 =	vld [tilespmem:s28+$0xA060];
	v27 =	vmul.f32 $2.771281240e+01, v53;
	v23 =	vadd.f32 v23, v24;
	[tilespmem:s28+$0xA040] =	vst v20  }
0x373: {  	v49 =	vld [tilespmem:s28+$0x9C60];
	v25 =	vmul.f32 $2.771281240e+01, v48;
	v32 =	vadd.f32 v47, v32;
	[tilespmem:s28+$0x9C70] =	vst v31  }
0x374: {  	v59 =	vld [tilespmem:s28+$0xA400];
	v29 =	vmul.f32 $2.771281240e+01, v54;
	v22 =	vadd.f32 v22, v27;
	[tilespmem:s28+$0xA010] =	vst v23  }
0x375: {  	v58 =	vld [tilespmem:s28+$0xA070];
	v26 =	vmul.f32 $2.771281240e+01, v56;
	v25 =	vadd.f32 v44, v25;
	[tilespmem:s28+$0xA000] =	vst v32  }
0x376: {  	v60 =	vld [tilespmem:s28+$0xA410];
	v28 =	vmul.f32 $2.771281240e+01, v62;
	v21 =	vadd.f32 v21, v29;
	[tilespmem:s28+$0xA020] =	vst v22  }
0x377: {  	v23 =	vld [tilespmem:s28+$0xA420];
	v19 =	vadd.f32 v19, v26;
	[tilespmem:s28+$0x9C50] =	vst v25;
	v25 =	vmul.f32 $2.771281240e+01, v57  }
0x378: {  	v30 =	vmul.f32 $2.771281240e+01, v49;
	v28 =	vadd.f32 v42, v28;
	v22 =	vld [tilespmem:s28+$0xA430];
	[tilespmem:s28+$0xA030] =	vst v21  }
0x379: {  	v21 =	vld [tilespmem:s28+$0xA440];
	[tilespmem:s28+$0xA050] =	vst v19;
	v19 =	vmul.f32 $2.771281240e+01, v59;
	v18 =	vadd.f32 v18, v25  }
0x37a: {  	v20 =	vld [tilespmem:s28+$0xA450];
	v62 =	vmul.f32 $2.771281240e+01, v58;
	v30 =	vadd.f32 v45, v30;
	[tilespmem:s28+$0x9C30] =	vst v28  }
0x37b: {  	v63 =	vld [tilespmem:s28+$0xA460];
	v19 =	vadd.f32 v16, v19;
	[tilespmem:s28+$0xA060] =	vst v18;
	v18 =	vmul.f32 $2.771281240e+01, v60  }
0x37c: {  	v26 =	vadd.f32 v17, v62;
	v17 =	vld [tilespmem:s28+$0xA470];
	[tilespmem:s28+$0x9C60] =	vst v30;
	v23 =	vmul.f32 $2.771281240e+01, v23  }
0x37d: {  	v16 =	vld [tilespmem:s28+$0xA800];
	[tilespmem:s28+$0xA400] =	vst v19;
	v19 =	vmul.f32 $2.771281240e+01, v22;
	v18 =	vadd.f32 v15, v18  }
0x37e: {  	[tilespmem:s28+$0xA070] =	vst v26;
	v22 =	vadd.f32 v14, v23;
	v21 =	vmul.f32 $2.771281240e+01, v21;
	v15 =	vld [tilespmem:s28+$0xA810]  }
0x37f: {  	v14 =	vld [tilespmem:s28+$0xA820];
	[tilespmem:s28+$0xA410] =	vst v18;
	v18 =	vadd.f32 v13, v19;
	v19 =	vmul.f32 $2.771281240e+01, v20  }
0x380: {  	s7 =	simm.s32 $0x1;
	[tilespmem:s28+$0xA420] =	vst v22;
	v20 =	vadd.f32 v12, v21;
	v13 =	vmul.f32 $2.771281240e+01, v63;
	v12 =	vld [tilespmem:s28+$0xA830]  }
.LBB2_13:
0x381: {  	p1 =	sne.s32 s7, $0xF;
	[tilespmem:s28+$0xA430] =	vst v18;
	v11 =	vadd.f32 v11, v19;
	v17 =	vmul.f32 $2.771281240e+01, v17;
	v18 =	vld [tilespmem:s28+$0xA840]  }
0x382: {  	[tilespmem:s28+$0xA440] =	vst v20;
	v10 =	vadd.f32 v10, v13;
	v13 =	vmul.f32 $2.771281240e+01, v16;
	v16 =	vld [tilespmem:s28+$0xA850]  }
0x383: {  	s8 =	sshrl.u32 s7, $0x3;
	[tilespmem:s28+$0xA450] =	vst v11;
	v9 =	vadd.f32 v9, v17;
	v11 =	vmul.f32 $2.771281240e+01, v15;
	v15 =	vld [tilespmem:s28+$0xA860]  }
0x384: {  	s4 =	sadd.s32 $0x80, s4;
	s8 =	smul.u32 $0x1800, s8;
	[tilespmem:s28+$0xA460] =	vst v10;
	v8 =	vadd.f32 v8, v13;
	v10 =	vmul.f32 $2.771281240e+01, v14;
	v13 =	vld [tilespmem:s28+$0xA870]  }
0x385: {  	s6 =	sand.u32 $0x380, s4;
	[tilespmem:s28+$0xA470] =	vst v9;
	v7 =	vadd.f32 v7, v11;
	v9 =	vmul.f32 $2.771281240e+01, v12;
	v11 =	vld [tilespmem:s28+$0xD860]  }
0x386: {  	s6 =	sor.u32 s6, s8;
	[tilespmem:s28+$0xA800] =	vst v8;
	v6 =	vadd.f32 v6, v10;
	v8 =	vmul.f32 $2.771281240e+01, v18;
	v10 =	vld [tilespmem:s28+$0xD870]  }
0x387: {  	v41 =	vld [tilespmem:s6+$0xC400];
	[tilespmem:s28+$0xA810] =	vst v7;
	v4 =	vadd.f32 v4, v9;
	v7 =	vmul.f32 $2.771281240e+01, v16  }
0x388: {  	v42 =	vld [tilespmem:s6+$0xC410];
	[tilespmem:s28+$0xA820] =	vst v6;
	v3 =	vadd.f32 v3, v8;
	v6 =	vmul.f32 $2.771281240e+01, v15  }
0x389: {  	v43 =	vld [tilespmem:s6+$0xC420];
	[tilespmem:s28+$0xA830] =	vst v4;
	v4 =	vadd.f32 v5, v7;
	v5 =	vmul.f32 $2.771281240e+01, v13  }
0x38a: {  	v44 =	vld [tilespmem:s6+$0xC430];
	[tilespmem:s28+$0xA840] =	vst v3;
	v3 =	vadd.f32 v11, v6  }
0x38b: {  	v45 =	vld [tilespmem:s6+$0xC440];
	[tilespmem:s28+$0xA850] =	vst v4;
	v4 =	vadd.f32 v10, v5  }
0x38c: {  	v46 =	vld [tilespmem:s6+$0xC450];
	[tilespmem:s28+$0xA860] =	vst v3  }
0x38d: {  	v47 =	vld [tilespmem:s6+$0xC460];
	[tilespmem:s28+$0xA870] =	vst v4;
	s28 =	smov.u32 s6  }
0x38e: {  	v48 =	vld [tilespmem:s28+$0xC470]  }
0x38f: {  	v40 =	vld [tilespmem:s28+$0xC800]  }
0x390: {  	v39 =	vld [tilespmem:s28+$0xC810]  }
0x391: {  	v38 =	vld [tilespmem:s28+$0xC820]  }
0x392: {  	v37 =	vld [tilespmem:s28+$0xC830]  }
0x393: {  	v36 =	vld [tilespmem:s28+$0xC840]  }
0x394: {  	v35 =	vld [tilespmem:s28+$0xC850]  }
0x395: {  	v34 =	vld [tilespmem:s28+$0xC860]  }
0x396: {  	v33 =	vld [tilespmem:s28+$0xC870]  }
0x397: {  	v32 =	vld [tilespmem:s28+$0xCC00]  }
0x398: {  	v31 =	vld [tilespmem:s28+$0xCC10]  }
0x399: {  	v30 =	vld [tilespmem:s28+$0xCC20]  }
0x39a: {  	v29 =	vld [tilespmem:s28+$0xCC30]  }
0x39b: {  	v28 =	vld [tilespmem:s28+$0xCC40]  }
0x39c: {  	v27 =	vld [tilespmem:s28+$0xCC50]  }
0x39d: {  	v26 =	vld [tilespmem:s28+$0xCC60]  }
0x39e: {  	v25 =	vld [tilespmem:s28+$0xCC70]  }
0x39f: {  	v24 =	vld [tilespmem:s28+$0xD000]  }
0x3a0: {  	v23 =	vld [tilespmem:s28+$0xD010]  }
0x3a1: {  	v22 =	vld [tilespmem:s28+$0xD020]  }
0x3a2: {  	v21 =	vld [tilespmem:s28+$0xD030]  }
0x3a3: {  	v20 =	vld [tilespmem:s28+$0xD040]  }
0x3a4: {  	v19 =	vld [tilespmem:s28+$0xD050]  }
0x3a5: {  	v18 =	vld [tilespmem:s28+$0xD060]  }
0x3a6: {  	v17 =	vld [tilespmem:s28+$0xD070]  }
0x3a7: {  	v16 =	vld [tilespmem:s28+$0xD400]  }
0x3a8: {  	v15 =	vld [tilespmem:s28+$0xD410]  }
0x3a9: {  	v14 =	vld [tilespmem:s28+$0xD420]  }
0x3aa: {  	v13 =	vld [tilespmem:s28+$0xD430]  }
0x3ab: {  	v12 =	vld [tilespmem:s28+$0xD440]  }
0x3ac: {  	v11 =	vld [tilespmem:s28+$0xD450]  }
0x3ad: {  	v10 =	vld [tilespmem:s28+$0xD460]  }
0x3ae: {  	v9 =	vld [tilespmem:s28+$0xD470]  }
0x3af: {  	v8 =	vld [tilespmem:s28+$0xD800]  }
0x3b0: {  	v7 =	vld [tilespmem:s28+$0xD810]  }
0x3b1: {  	v6 =	vld [tilespmem:s28+$0xD820]  }
0x3b2: {  	v4 =	vld [tilespmem:s28+$0xD830]  }
0x3b3: {  	v3 =	vld [tilespmem:s28+$0xD840]  }
0x3b4: {  	v5 =	vld [tilespmem:s28+$0xD850]  }
0x3b5: {  	v49 =	vld [tilespmem:s28+$0x9400]  }
0x3b6: {  	v50 =	vld [tilespmem:s28+$0x9410]  }
0x3b7: {  	v51 =	vld [tilespmem:s28+$0x9420]  }
0x3b8: {  	v52 =	vld [tilespmem:s28+$0x9430]  }
0x3b9: {  	v53 =	vld [tilespmem:s28+$0x9440]  }
0x3ba: {  	v49 =	vmul.f32 $2.771281240e+01, v49;
	v54 =	vld [tilespmem:s28+$0x9450]  }
0x3bb: {  	v50 =	vmul.f32 $2.771281240e+01, v50;
	v55 =	vld [tilespmem:s28+$0x9460]  }
0x3bc: {  	v41 =	vadd.f32 v41, v49;
	v49 =	vmul.f32 $2.771281240e+01, v51;
	v51 =	vld [tilespmem:s28+$0x9470]  }
0x3bd: {  	v42 =	vadd.f32 v42, v50;
	v50 =	vmul.f32 $2.771281240e+01, v52;
	v52 =	vld [tilespmem:s28+$0x9800]  }
0x3be: {  	[tilespmem:s28+$0x9400] =	vst v41;
	v41 =	vadd.f32 v43, v49;
	v43 =	vmul.f32 $2.771281240e+01, v53;
	v49 =	vld [tilespmem:s28+$0x9810]  }
0x3bf: {  	[tilespmem:s28+$0x9410] =	vst v42;
	v42 =	vadd.f32 v44, v50;
	v44 =	vmul.f32 $2.771281240e+01, v54;
	v50 =	vld [tilespmem:s28+$0x9820]  }
0x3c0: {  	[tilespmem:s28+$0x9420] =	vst v41;
	v41 =	vadd.f32 v45, v43;
	v43 =	vmul.f32 $2.771281240e+01, v55;
	v45 =	vld [tilespmem:s28+$0x9830]  }
0x3c1: {  	[tilespmem:s28+$0x9430] =	vst v42;
	v42 =	vadd.f32 v46, v44;
	v44 =	vmul.f32 $2.771281240e+01, v51;
	v46 =	vld [tilespmem:s28+$0x9840]  }
0x3c2: {  	[tilespmem:s28+$0x9440] =	vst v41;
	v41 =	vadd.f32 v47, v43;
	v43 =	vmul.f32 $2.771281240e+01, v52;
	v47 =	vld [tilespmem:s28+$0x9850]  }
0x3c3: {  	[tilespmem:s28+$0x9450] =	vst v42;
	v42 =	vadd.f32 v48, v44;
	v44 =	vmul.f32 $2.771281240e+01, v49;
	v48 =	vld [tilespmem:s28+$0x9860]  }
0x3c4: {  	[tilespmem:s28+$0x9460] =	vst v41;
	v40 =	vadd.f32 v40, v43;
	v41 =	vmul.f32 $2.771281240e+01, v50;
	v43 =	vld [tilespmem:s28+$0x9870]  }
0x3c5: {  	[tilespmem:s28+$0x9470] =	vst v42;
	v39 =	vadd.f32 v39, v44;
	v42 =	vmul.f32 $2.771281240e+01, v45;
	v44 =	vld [tilespmem:s28+$0x9C00]  }
0x3c6: {  	[tilespmem:s28+$0x9800] =	vst v40;
	v38 =	vadd.f32 v38, v41;
	v40 =	vmul.f32 $2.771281240e+01, v46;
	v41 =	vld [tilespmem:s28+$0x9C10]  }
0x3c7: {  	[tilespmem:s28+$0x9810] =	vst v39;
	v37 =	vadd.f32 v37, v42;
	v39 =	vmul.f32 $2.771281240e+01, v47;
	v42 =	vld [tilespmem:s28+$0x9C20]  }
0x3c8: {  	[tilespmem:s28+$0x9820] =	vst v38;
	v36 =	vadd.f32 v36, v40;
	v38 =	vmul.f32 $2.771281240e+01, v48;
	v40 =	vld [tilespmem:s28+$0x9C30]  }
0x3c9: {  	[tilespmem:s28+$0x9830] =	vst v37;
	v35 =	vadd.f32 v35, v39;
	v37 =	vmul.f32 $2.771281240e+01, v43;
	v39 =	vld [tilespmem:s28+$0x9C40]  }
0x3ca: {  	[tilespmem:s28+$0x9840] =	vst v36;
	v34 =	vadd.f32 v34, v38;
	v36 =	vmul.f32 $2.771281240e+01, v44;
	v38 =	vld [tilespmem:s28+$0x9C50]  }
0x3cb: {  	[tilespmem:s28+$0x9850] =	vst v35;
	v33 =	vadd.f32 v33, v37;
	v35 =	vmul.f32 $2.771281240e+01, v41;
	v37 =	vld [tilespmem:s28+$0x9C60]  }
0x3cc: {  	[tilespmem:s28+$0x9860] =	vst v34;
	v32 =	vadd.f32 v32, v36;
	v34 =	vmul.f32 $2.771281240e+01, v42;
	v36 =	vld [tilespmem:s28+$0x9C70]  }
0x3cd: {  	[tilespmem:s28+$0x9870] =	vst v33;
	v31 =	vadd.f32 v31, v35;
	v33 =	vmul.f32 $2.771281240e+01, v40;
	v35 =	vld [tilespmem:s28+$0xA000]  }
0x3ce: {  	[tilespmem:s28+$0x9C00] =	vst v32;
	v30 =	vadd.f32 v30, v34;
	v32 =	vmul.f32 $2.771281240e+01, v39;
	v34 =	vld [tilespmem:s28+$0xA010]  }
0x3cf: {  	[tilespmem:s28+$0x9C10] =	vst v31;
	v29 =	vadd.f32 v29, v33;
	v31 =	vmul.f32 $2.771281240e+01, v38;
	v33 =	vld [tilespmem:s28+$0xA020]  }
0x3d0: {  	[tilespmem:s28+$0x9C20] =	vst v30;
	v28 =	vadd.f32 v28, v32;
	v30 =	vmul.f32 $2.771281240e+01, v37;
	v32 =	vld [tilespmem:s28+$0xA030]  }
0x3d1: {  	[tilespmem:s28+$0x9C30] =	vst v29;
	v27 =	vadd.f32 v27, v31;
	v29 =	vmul.f32 $2.771281240e+01, v36;
	v31 =	vld [tilespmem:s28+$0xA040]  }
0x3d2: {  	[tilespmem:s28+$0x9C40] =	vst v28;
	v26 =	vadd.f32 v26, v30;
	v28 =	vmul.f32 $2.771281240e+01, v35;
	v30 =	vld [tilespmem:s28+$0xA050]  }
0x3d3: {  	[tilespmem:s28+$0x9C50] =	vst v27;
	v25 =	vadd.f32 v25, v29;
	v27 =	vmul.f32 $2.771281240e+01, v34;
	v29 =	vld [tilespmem:s28+$0xA060]  }
0x3d4: {  	[tilespmem:s28+$0x9C60] =	vst v26;
	v24 =	vadd.f32 v24, v28;
	v26 =	vmul.f32 $2.771281240e+01, v33;
	v28 =	vld [tilespmem:s28+$0xA070]  }
0x3d5: {  	[tilespmem:s28+$0x9C70] =	vst v25;
	v23 =	vadd.f32 v23, v27;
	v25 =	vmul.f32 $2.771281240e+01, v32;
	v27 =	vld [tilespmem:s28+$0xA400]  }
0x3d6: {  	[tilespmem:s28+$0xA000] =	vst v24;
	v22 =	vadd.f32 v22, v26;
	v24 =	vmul.f32 $2.771281240e+01, v31;
	v26 =	vld [tilespmem:s28+$0xA410]  }
0x3d7: {  	[tilespmem:s28+$0xA010] =	vst v23;
	v21 =	vadd.f32 v21, v25;
	v23 =	vmul.f32 $2.771281240e+01, v30;
	v25 =	vld [tilespmem:s28+$0xA420]  }
0x3d8: {  	[tilespmem:s28+$0xA020] =	vst v22;
	v20 =	vadd.f32 v20, v24;
	v22 =	vmul.f32 $2.771281240e+01, v29;
	v24 =	vld [tilespmem:s28+$0xA430]  }
0x3d9: {  	[tilespmem:s28+$0xA030] =	vst v21;
	v19 =	vadd.f32 v19, v23;
	v21 =	vmul.f32 $2.771281240e+01, v28;
	v23 =	vld [tilespmem:s28+$0xA440]  }
0x3da: {  	[tilespmem:s28+$0xA040] =	vst v20;
	v18 =	vadd.f32 v18, v22;
	v20 =	vmul.f32 $2.771281240e+01, v27;
	v22 =	vld [tilespmem:s28+$0xA450]  }
0x3db: {  	[tilespmem:s28+$0xA050] =	vst v19;
	v19 =	vadd.f32 v17, v21;
	v21 =	vmul.f32 $2.771281240e+01, v26;
	v26 =	vld [tilespmem:s28+$0xA460]  }
.Ltmp6:
0x3dc: {  	[tilespmem:s28+$0xA060] =	vst v18;
	v18 =	vadd.f32 v16, v20;
	v20 =	vmul.f32 $2.771281240e+01, v25;
	v17 =	vld [tilespmem:s28+$0xA470];
	(pc) =	sbr.rel @p1 .LBB2_13-.Ltmp6, $4  }
0x3dd: {  	[tilespmem:s28+$0xA070] =	vst v19;
	v19 =	vadd.f32 v15, v21;
	v21 =	vmul.f32 $2.771281240e+01, v24;
	v16 =	vld [tilespmem:s28+$0xA800]  }
0x3de: {  	[tilespmem:s28+$0xA400] =	vst v18;
	v20 =	vadd.f32 v14, v20;
	v23 =	vmul.f32 $2.771281240e+01, v23;
	v15 =	vld [tilespmem:s28+$0xA810]  }
0x3df: {  	[tilespmem:s28+$0xA410] =	vst v19;
	v18 =	vadd.f32 v13, v21;
	v19 =	vmul.f32 $2.771281240e+01, v22;
	v14 =	vld [tilespmem:s28+$0xA820]  }
0x3e0: {  	s7 =	sadd.s32 $0x1, s7;
	[tilespmem:s28+$0xA420] =	vst v20;
	v20 =	vadd.f32 v12, v23;
	v13 =	vmul.f32 $2.771281240e+01, v26;
	v12 =	vld [tilespmem:s28+$0xA830]  }
0x3e1: {  	[tilespmem:s28+$0xA430] =	vst v18;
	v50 =	vld [tilespmem:s28+$0xA840];
	v11 =	vadd.f32 v11, v19;
	v17 =	vmul.f32 $2.771281240e+01, v17  }
0x3e2: {  	v51 =	vld [tilespmem:s28+$0xA850];
	[tilespmem:s28+$0xA440] =	vst v20;
	v10 =	vadd.f32 v10, v13;
	v53 =	vmul.f32 $2.771281240e+01, v16  }
0x3e3: {  	v54 =	vld [tilespmem:s28+$0xA870];
	[tilespmem:s28+$0xA450] =	vst v11;
	v9 =	vadd.f32 v9, v17;
	v15 =	vmul.f32 $2.771281240e+01, v15  }
0x3e4: {  	v52 =	vld [tilespmem:s28+$0xA860];
	[tilespmem:s28+$0xA460] =	vst v10;
	v8 =	vadd.f32 v8, v53;
	v55 =	vmul.f32 $2.771281240e+01, v14  }
0x3e5: {  	v58 =	vld [tilespmem:s28+$0xD870];
	[tilespmem:s28+$0xA470] =	vst v9;
	v7 =	vadd.f32 v7, v15;
	v12 =	vmul.f32 $2.771281240e+01, v12  }
0x3e6: {  	v56 =	vld [tilespmem:s28+$0xD860];
	[tilespmem:s28+$0xA800] =	vst v8;
	v6 =	vadd.f32 v6, v55;
	v57 =	vmul.f32 $2.771281240e+01, v50  }
0x3e7: {  	v59 =	vmul.f32 $2.771281240e+01, v51;
	[tilespmem:s28+$0xA810] =	vst v7;
	v4 =	vadd.f32 v4, v12  }
0x3e8: {  	v62 =	vmul.f32 $2.771281240e+01, v54;
	[tilespmem:s28+$0xA820] =	vst v6;
	v3 =	vadd.f32 v3, v57  }
0x3e9: {  	v60 =	vmul.f32 $2.771281240e+01, v52;
	v61 =	vadd.f32 v5, v59;
	[tilespmem:s28+$0xA830] =	vst v4  }
0x3ea: {  	v63 =	vadd.f32 v58, v62;
	[tilespmem:s28+$0xA840] =	vst v3  }
0x3eb: {  	v3 =	vadd.f32 v56, v60;
	[tilespmem:s28+$0xA850] =	vst v61  }
0x3ec: {  	s4 =	sor.u32 s19, s29;
	[tilespmem:s28+$0xA870] =	vst v63  }
0x3ed: {  	s4 =	sshrl.u32 s4, $0x3;
	[tilespmem:s28+$0xA860] =	vst v3  }
0x3ee: {  	s4 =	smul.u32 $0x300, s4;
	_ =	swait.ge [sflag:s2], $0x3000  }
0x3ef: {  	[sflag:s2] =	ssyncset.done $0x0  }
0x3f0: {  	s4 =	sadd.s32 s3, s4;
	[sflag:s2] =	ssyncadd.s32 $0xFFFFD000  }
0x3f1: {  	[hbm:s4], [sflag:s30] =	dma.local [spmem:s31], $0x600  }
0x3f2: {  	_ =	swait.ge [sflag:s13], $0x600  }
0x3f3: {  	s4 =	rddreg [dreg:$0xd]  }
0x3f4: {  	[sflag:s13] =	ssyncset.done $0x0;
	s4 =	sadd.s32 @!p0 s29, s4  }
0x3f5: {  	[sflag:s13] =	ssyncadd.s32 $0xFFFFFA00;
	s4 =	sshrl.u32 @!p0 s4, $0x3  }
0x3f6: {  	[spmem:s18] =	stream.linear.scatter [tilespmem:s9], [sflag:$0x7], $0x3000, $0x38;
	[tilespmem:$0x15400] =	vst v63  }
0x3f7: {  	s4 =	smul.u32 @!p0 $0x300, s4  }
0x3f8: {  	s7 =	simm.s32 @!p0 $0xC400;
	s6 =	rddreg [dreg:$0x2]  }
0x3f9: {  	s22 =	sadd.s32 $0x1, s22;
	s4 =	sadd.s32 @!p0 s6, s4;
	s6 =	simm.s32 @!p0 $0x0  }
0x3fa: {  	[tilespmem:s7], [sflag:$0x5] =	stream.linear.gather @!p0 [hbm4b:s4+s6], $0x3000, $0x38;
	[tilespmem:$0x15400] =	vst v63  }
0x3fb: {  	p0 =	sne.s32 s22, $0x10  }
.Ltmp7:
0x3fc: {  	_ = 	snop;
	(pc) =	sbr.rel @p0 .LBB2_2-.Ltmp7, $2  }
0x3fd: {  	_ =	sdelay $0x2  }
0x3fe: {  	s30 =	stileid.u32  }
0x3ff: {  	_ =	swait.ge [sflag:s10], $0x3000  }
0x400: {  	[sflag:s10] =	ssyncset.done $0x0  }
0x401: {  	[sflag:s10] =	ssyncadd.s32 $0xFFFFD000  }
0x402: {  	_ =	swait.ge [sflag:s11], $0x600  }
0x403: {  	[sflag:s11] =	ssyncset.done $0x0  }
0x404: {  	s4 =	rddreg [dreg:$0xe];
	[sflag:s11] =	ssyncadd.s32 $0xFFFFFA00  }
0x405: {  	[hbm:s4], [sflag:s0] =	dma.local [spmem:s24], $0x600  }
0x406: {  	_ =	swait.ge [sflag:s13], $0x600  }
0x407: {  	s29 =	rddreg [dreg:$0x10]  }
0x408: {  	s31 =	rddreg [dreg:$0xf];
	s4 =	sadd.s32 $0x1, s29  }
0x409: {  	p0 =	sne.s32 s4, s31  }
.Ltmp8:
0x40a: {  	_ = 	snop;
	(pc) =	sbr.rel @p0 .LBB2_1-.Ltmp8, $3  }
0x40b: {  	_ =	sdelay $0x1  }
0x40c: {  	[sflag:s13] =	ssyncset.done $0x0  }
0x40d: {  	[sflag:s13] =	ssyncadd.s32 $0xFFFFFA00  }
0x40e: {  	_ =	sfence.sel $0x180000  }
0x40f: {  	[bflag:$0x0] =	sbarrier.arrive $0xFFFF  }
0x410: {  	_ =	strace $0x90000047  }
0x411: {  	[bflag:$0x2] =	sbarrier.arrive $0xFFFF  }
0x412: {  	p0 =	sne.s32 s30, $0x0;
	s0 =	rddreg [dreg:$0x5]  }
0x413: {  	s0 =	sadd.s32 @!p0 $0x100000, s0  }
0x414: {  	[sflag:s0] =	ssyncadd.tile.s32 @!p0 $0x1;
	_ =	shalt  }
.Lfunc_end2:
_tile_overlayer_lowered:
.L_overlay_start_2:
0x415: {  	(tag) =	ssettag $0x2  }
0x416: {  	s0 =	rddreg [dreg:$0x0];
	s2 =	stileid.u32  }
0x417: {  	s1 =	rddreg [dreg:$0x1];
	p0 =	sne.s32 s2, $0x0  }
0x418: {  	s3 =	rddreg [dreg:$0x2];
	[bflag:$0x3] =	sbarrier.arrive $0xFFFF;
	s2 =	simm.s32 @!p0 $0x1C0A  }
0x419: {  	[timem:s3], [sflag:s2] =	dma.local @!p0 [hbm:s0], s1  }
0x41a: {  	s0 =	simm.s32 @!p0 $0xA  }
0x41b: {  	_ =	swait.ge @!p0 [sflag:s0], s1  }
0x41c: {  	s1 =	ssub.s32 @!p0 $0x0, s1;
	[sflag:s0] =	ssyncset.done @!p0 $0x0  }
0x41d: {  	[sflag:s0] =	ssyncadd.s32 @!p0 s1  }
0x41e: {  	[bflag:$0x3] =	sbarrier.arrive $0xFFFF  }
0x41f: {  	_ =	shalt  }

</sc_bundles>
